<compile_context>
chip_gen: v7x
topology: tpu7x:2x2x1
jax: 0.10.2.dev20260603
libtpu: 0.0.44.dev20260713+nightly
codegen_flags: <defaults>
</compile_context>

<pallas_src>
import jax
import jax.numpy as jnp
from jax import lax
from jax.experimental import pallas as pl
from jax.experimental.pallas import tpu as pltpu
from jax.experimental.pallas import tpu_sc as plsc

_D = 768
_NC = 2
_NS = 16
_NW = _NC * _NS
_CHUNK = 50
_CA = 48
_NT = 2
_NCHUNK = 128
_NBUF = 2
_SBS = 8
_NSB = _NCHUNK // _SBS
_TROWS = _SBS * _NT


def _emb_body(idxa_hbm, idxb_hbm, table_hbm, out_hbm,
              idxa_v, idxb_v, rows0, rows1, tb0, tb1,
              gsem0, gsem1, osem0, osem1,
              tgsem0, tgsem1, usem0, usem1):
    wid = lax.axis_index("s") * _NC + lax.axis_index("c")
    base = wid * _NCHUNK
    pltpu.sync_copy(idxa_hbm.at[wid], idxa_v)
    pltpu.sync_copy(idxb_hbm.at[wid], idxb_v)

    rows = (rows0, rows1)
    tbuf = (tb0, tb1)
    gsem = (gsem0, gsem1)
    osem = (osem0, osem1)
    tgsem = (tgsem0, tgsem1)
    usem = (usem0, usem1)

    def start_head(g, b):
        pltpu.make_async_copy(
            table_hbm.at[idxa_v.at[g]], rows[b], gsem[b]).start()

    def wait_head(b):
        pltpu.make_async_copy(
            table_hbm.at[idxa_v.at[0]], rows[b], gsem[b]).wait()

    def start_out(g, b):
        pltpu.make_async_copy(rows[b], out_hbm.at[base + g, pl.ds(0, _CA)],
                              osem[b]).start()

    def wait_out(b):
        pltpu.make_async_copy(rows[b], out_hbm.at[base, pl.ds(0, _CA)],
                              osem[b]).wait()

    def start_tails(sb, t):
        pltpu.make_async_copy(
            table_hbm.at[idxb_v.at[sb]], tbuf[t], tgsem[t]).start()

    def wait_tails(t):
        pltpu.make_async_copy(
            table_hbm.at[idxb_v.at[0]], tbuf[t], tgsem[t]).wait()

    def drain_tail_writes(t):
        for _ in range(_TROWS):
            pltpu.make_async_copy(tbuf[t].at[0], out_hbm.at[base, _CA],
                                  usem[t]).wait()

    start_head(0, 0)
    start_head(1, 1)
    start_tails(0, 0)
    start_tails(1, 1)

    def outer(i, carry):
        for t in range(2):
            sb = 2 * i + t
            wait_tails(t)
            for k in range(_SBS):
                g = sb * _SBS + k
                b = k % _NBUF
                bprev = (b - 1) % _NBUF
                gprev = g - 1

                @pl.when(gprev >= 0)
                def _():
                    wait_out(bprev)

                @pl.when((gprev >= 0) & (gprev + _NBUF < _NCHUNK))
                def _():
                    start_head(gprev + _NBUF, bprev)

                wait_head(b)
                start_out(g, b)
                for r in range(_NT):
                    pltpu.make_async_copy(tbuf[t].at[_NT * k + r],
                                          out_hbm.at[base + g, _CA + r],
                                          usem[t]).start()
            drain_tail_writes(t)

            @pl.when(sb + 2 < _NSB)
            def _():
                start_tails(sb + 2, t)
        return carry

    lax.fori_loop(0, _NSB // 2, outer, 0, unroll=False)
    wait_out(1)


@jax.jit
def _emb_call(idxa, idxb, weight):
    mesh = plsc.VectorSubcoreMesh(core_axis_name="c", subcore_axis_name="s")
    return pl.kernel(
        _emb_body,
        out_type=jax.ShapeDtypeStruct((_NW * _NCHUNK, _CHUNK, _D),
                                      jnp.float32),
        mesh=mesh,
        scratch_types=(
            [pltpu.VMEM((_NCHUNK, _CA), jnp.int32),
             pltpu.VMEM((_NSB, _TROWS), jnp.int32)]
            + [pltpu.VMEM((_CA, _D), jnp.float32)] * _NBUF
            + [pltpu.VMEM((_TROWS, _D), jnp.float32)] * 2
            + [pltpu.SemaphoreType.DMA] * 8
        ),
    )(idxa, idxb, weight)


def kernel(input_ids, weight):
    idx = input_ids.reshape(_NW, _NCHUNK, _CHUNK).astype(jnp.int32)
    idxa = idx[:, :, :_CA]
    idxb = idx[:, :, _CA:].reshape(_NW, _NSB, _TROWS)
    return _emb_call(idxa, idxb, weight)

# --- scband reference (transcript-rebuilt; emitter-appended) ---
"""Pipeline reference for scband-soft-prompt-embedding-16097537425429 (READ-ONLY COPY).

The authoritative reference and input builder live on the scoring server;
editing this copy changes nothing except your own understanding.
"""

import jax, jax.numpy as jnp
import numpy as np

NUM_PROMPTS = 1000
EMBED_DIM = 768

def setup_inputs(seed: int = 0) -> dict:
    key = jax.random.key(seed)
    k1, k2 = jax.random.split(key)
    input_ids = jax.random.randint(k1, (4096, 50), 0, NUM_PROMPTS, dtype=jnp.int64 if jax.config.jax_enable_x64 else jnp.int32)
    # nn.Embedding default init: N(0, 1)
    weight = jax.random.normal(k2, (NUM_PROMPTS, EMBED_DIM), dtype=jnp.float32)
    return {"input_ids": input_ids, "weight": weight}

def reference(input_ids, weight):
    # Faithful to nn.Embedding forward: gather rows of the table by index.
    return jnp.take(weight, input_ids, axis=0)

if __name__ == "__main__":
    import jax
    _d = setup_inputs()
    print(jax.jit(kernel)(*tuple(_d.values())))

</pallas_src>

<mosaic_0001>
#map = affine_map<(d0, d1) -> (0, 0, 0)>
#map1 = affine_map<(d0, d1) -> (0, 0)>
module attributes {stable_mosaic.version = 14 : i64} {
  func.func @_emb_body(%arg0: i32, %arg1: i32, %arg2: memref<32x128x48xi32, #tpu.memory_space<hbm>>, %arg3: memref<32x16x16xi32, #tpu.memory_space<hbm>>, %arg4: memref<1000x768xf32, #tpu.memory_space<hbm>>, %arg5: memref<4096x50x768xf32, #tpu.memory_space<hbm>>, %arg6: memref<128x48xi32, #tpu.memory_space<vmem>>, %arg7: memref<16x16xi32, #tpu.memory_space<vmem>>, %arg8: memref<48x768xf32, #tpu.memory_space<vmem>>, %arg9: memref<48x768xf32, #tpu.memory_space<vmem>>, %arg10: memref<16x768xf32, #tpu.memory_space<vmem>>, %arg11: memref<16x768xf32, #tpu.memory_space<vmem>>, %arg12: memref<!tpu.dma_semaphore, #tpu.memory_space<semaphore_mem>>, %arg13: memref<!tpu.dma_semaphore, #tpu.memory_space<semaphore_mem>>, %arg14: memref<!tpu.dma_semaphore, #tpu.memory_space<semaphore_mem>>, %arg15: memref<!tpu.dma_semaphore, #tpu.memory_space<semaphore_mem>>, %arg16: memref<!tpu.dma_semaphore, #tpu.memory_space<semaphore_mem>>, %arg17: memref<!tpu.dma_semaphore, #tpu.memory_space<semaphore_mem>>, %arg18: memref<!tpu.dma_semaphore, #tpu.memory_space<semaphore_mem>>, %arg19: memref<!tpu.dma_semaphore, #tpu.memory_space<semaphore_mem>>) attributes {dimension_semantics = [#tpu.dimension_semantics<core_parallel>, #tpu.dimension_semantics<subcore_parallel>], iteration_bounds = array<i64: 2, 16>, scalar_prefetch = 0 : i64, scratch_operands = 14 : i64, tpu.core_type = #tpu.core_type<sc_vector_subcore>, window_params = [{transform_indices = #map}, {transform_indices = #map}, {transform_indices = #map1}, {transform_indices = #map}]} {
    %mul3A = arith.constant 2 : i32
    %mul3A_0 = arith.muli %arg1, %mul3A : i32
    %add3A = arith.addi %mul3A_0, %arg0 : i32
    %mul3A_1 = arith.constant 128 : i32
    %mul3A_2 = arith.muli %add3A, %mul3A_1 : i32
    "tpu.region"() ({
      %run_scoped3A = tpu.sem_alloc : memref<!tpu.dma_semaphore, #tpu.memory_space<semaphore_mem>>
      %dma_start3A_42 = arith.constant 0 : i32
      %dma_start3A_43 = arith.constant 0 : i32
      %dma_start3A_44 = tpu.memref_slice %arg2[%add3A, %dma_start3A_42, %dma_start3A_43] : memref<32x128x48xi32, #tpu.memory_space<hbm>> -> memref<1x128x48xi32, #tpu.memory_space<hbm>>
      %dma_start3A_45 = tpu.memref_squeeze %dma_start3A_44 : memref<1x128x48xi32, #tpu.memory_space<hbm>> -> memref<128x48xi32, #tpu.memory_space<hbm>>
      %dma_start3A_46 = arith.constant 0 : i32
      %dma_start3A_47 = arith.constant 0 : i32
      %dma_start3A_48 = tpu.memref_slice %arg2[%add3A, %dma_start3A_46, %dma_start3A_47] : memref<32x128x48xi32, #tpu.memory_space<hbm>> -> memref<1x128x48xi32, #tpu.memory_space<hbm>>
      %dma_start3A_49 = tpu.memref_squeeze %dma_start3A_48 : memref<1x128x48xi32, #tpu.memory_space<hbm>> -> memref<128x48xi32, #tpu.memory_space<hbm>>
      tpu.enqueue_dma source(%dma_start3A_49 : memref<128x48xi32, #tpu.memory_space<hbm>>) target(%arg6 : memref<128x48xi32, #tpu.memory_space<vmem>>) target_semaphore(%run_scoped3A : memref<!tpu.dma_semaphore, #tpu.memory_space<semaphore_mem>>)
      %dma_wait3A_50 = arith.constant 0 : i32
      %dma_wait3A_51 = arith.constant 0 : i32
      %dma_wait3A_52 = tpu.memref_slice %arg2[%add3A, %dma_wait3A_50, %dma_wait3A_51] : memref<32x128x48xi32, #tpu.memory_space<hbm>> -> memref<1x128x48xi32, #tpu.memory_space<hbm>>
      %dma_wait3A_53 = tpu.memref_squeeze %dma_wait3A_52 : memref<1x128x48xi32, #tpu.memory_space<hbm>> -> memref<128x48xi32, #tpu.memory_space<hbm>>
      %dma_wait3A_54 = arith.constant 0 : i32
      %dma_wait3A_55 = arith.constant 0 : i32
      %dma_wait3A_56 = tpu.memref_slice %arg2[%add3A, %dma_wait3A_54, %dma_wait3A_55] : memref<32x128x48xi32, #tpu.memory_space<hbm>> -> memref<1x128x48xi32, #tpu.memory_space<hbm>>
      %dma_wait3A_57 = tpu.memref_squeeze %dma_wait3A_56 : memref<1x128x48xi32, #tpu.memory_space<hbm>> -> memref<128x48xi32, #tpu.memory_space<hbm>>
      tpu.wait_dma2 semaphore(%run_scoped3A : memref<!tpu.dma_semaphore, #tpu.memory_space<semaphore_mem>>) src(%dma_wait3A_57 : memref<128x48xi32, #tpu.memory_space<hbm>>) dst(%arg6 : memref<128x48xi32, #tpu.memory_space<vmem>>)
      tpu.yield
    }) : () -> ()
    "tpu.region"() ({
      %run_scoped3A = tpu.sem_alloc : memref<!tpu.dma_semaphore, #tpu.memory_space<semaphore_mem>>
      %dma_start3A_42 = arith.constant 0 : i32
      %dma_start3A_43 = arith.constant 0 : i32
      %dma_start3A_44 = tpu.memref_slice %arg3[%add3A, %dma_start3A_42, %dma_start3A_43] : memref<32x16x16xi32, #tpu.memory_space<hbm>> -> memref<1x16x16xi32, #tpu.memory_space<hbm>>
      %dma_start3A_45 = tpu.memref_squeeze %dma_start3A_44 : memref<1x16x16xi32, #tpu.memory_space<hbm>> -> memref<16x16xi32, #tpu.memory_space<hbm>>
      %dma_start3A_46 = arith.constant 0 : i32
      %dma_start3A_47 = arith.constant 0 : i32
      %dma_start3A_48 = tpu.memref_slice %arg3[%add3A, %dma_start3A_46, %dma_start3A_47] : memref<32x16x16xi32, #tpu.memory_space<hbm>> -> memref<1x16x16xi32, #tpu.memory_space<hbm>>
      %dma_start3A_49 = tpu.memref_squeeze %dma_start3A_48 : memref<1x16x16xi32, #tpu.memory_space<hbm>> -> memref<16x16xi32, #tpu.memory_space<hbm>>
      tpu.enqueue_dma source(%dma_start3A_49 : memref<16x16xi32, #tpu.memory_space<hbm>>) target(%arg7 : memref<16x16xi32, #tpu.memory_space<vmem>>) target_semaphore(%run_scoped3A : memref<!tpu.dma_semaphore, #tpu.memory_space<semaphore_mem>>)
      %dma_wait3A_50 = arith.constant 0 : i32
      %dma_wait3A_51 = arith.constant 0 : i32
      %dma_wait3A_52 = tpu.memref_slice %arg3[%add3A, %dma_wait3A_50, %dma_wait3A_51] : memref<32x16x16xi32, #tpu.memory_space<hbm>> -> memref<1x16x16xi32, #tpu.memory_space<hbm>>
      %dma_wait3A_53 = tpu.memref_squeeze %dma_wait3A_52 : memref<1x16x16xi32, #tpu.memory_space<hbm>> -> memref<16x16xi32, #tpu.memory_space<hbm>>
      %dma_wait3A_54 = arith.constant 0 : i32
      %dma_wait3A_55 = arith.constant 0 : i32
      %dma_wait3A_56 = tpu.memref_slice %arg3[%add3A, %dma_wait3A_54, %dma_wait3A_55] : memref<32x16x16xi32, #tpu.memory_space<hbm>> -> memref<1x16x16xi32, #tpu.memory_space<hbm>>
      %dma_wait3A_57 = tpu.memref_squeeze %dma_wait3A_56 : memref<1x16x16xi32, #tpu.memory_space<hbm>> -> memref<16x16xi32, #tpu.memory_space<hbm>>
      tpu.wait_dma2 semaphore(%run_scoped3A : memref<!tpu.dma_semaphore, #tpu.memory_space<semaphore_mem>>) src(%dma_wait3A_57 : memref<16x16xi32, #tpu.memory_space<hbm>>) dst(%arg7 : memref<16x16xi32, #tpu.memory_space<vmem>>)
      tpu.yield
    }) : () -> ()
    %dma_start3A = arith.constant 0 : i32
    %dma_start3A_3 = arith.constant 0 : i32
    %dma_start3A_4 = tpu.memref_slice %arg6[%dma_start3A, %dma_start3A_3] : memref<128x48xi32, #tpu.memory_space<vmem>> -> memref<1x48xi32, #tpu.memory_space<vmem>>
    %dma_start3A_5 = tpu.memref_squeeze %dma_start3A_4 : memref<1x48xi32, #tpu.memory_space<vmem>> -> memref<48xi32, #tpu.memory_space<vmem>>
    %dma_start3A_6 = arith.constant 0 : i32
    %dma_start3A_7 = arith.constant 0 : i32
    %dma_start3A_8 = tpu.memref_slice %arg4[%dma_start3A_6, %dma_start3A_7] : memref<1000x768xf32, #tpu.memory_space<hbm>> -> memref<1000x768xf32, #tpu.memory_space<hbm>>
    tpu.enqueue_indirect_dma source(%dma_start3A_8 : memref<1000x768xf32, #tpu.memory_space<hbm>>) target(%arg8 : memref<48x768xf32, #tpu.memory_space<vmem>>) offsets(%dma_start3A_5 : memref<48xi32, #tpu.memory_space<vmem>>) semaphore(%arg12 : memref<!tpu.dma_semaphore, #tpu.memory_space<semaphore_mem>>)
    %dma_start3A_9 = arith.constant 1 : i32
    %dma_start3A_10 = arith.constant 0 : i32
    %dma_start3A_11 = tpu.memref_slice %arg6[%dma_start3A_9, %dma_start3A_10] : memref<128x48xi32, #tpu.memory_space<vmem>> -> memref<1x48xi32, #tpu.memory_space<vmem>>
    %dma_start3A_12 = tpu.memref_squeeze %dma_start3A_11 : memref<1x48xi32, #tpu.memory_space<vmem>> -> memref<48xi32, #tpu.memory_space<vmem>>
    %dma_start3A_13 = arith.constant 0 : i32
    %dma_start3A_14 = arith.constant 0 : i32
    %dma_start3A_15 = tpu.memref_slice %arg4[%dma_start3A_13, %dma_start3A_14] : memref<1000x768xf32, #tpu.memory_space<hbm>> -> memref<1000x768xf32, #tpu.memory_space<hbm>>
    tpu.enqueue_indirect_dma source(%dma_start3A_15 : memref<1000x768xf32, #tpu.memory_space<hbm>>) target(%arg9 : memref<48x768xf32, #tpu.memory_space<vmem>>) offsets(%dma_start3A_12 : memref<48xi32, #tpu.memory_space<vmem>>) semaphore(%arg13 : memref<!tpu.dma_semaphore, #tpu.memory_space<semaphore_mem>>)
    %dma_start3A_16 = arith.constant 0 : i32
    %dma_start3A_17 = arith.constant 0 : i32
    %dma_start3A_18 = tpu.memref_slice %arg7[%dma_start3A_16, %dma_start3A_17] : memref<16x16xi32, #tpu.memory_space<vmem>> -> memref<1x16xi32, #tpu.memory_space<vmem>>
    %dma_start3A_19 = tpu.memref_squeeze %dma_start3A_18 : memref<1x16xi32, #tpu.memory_space<vmem>> -> memref<16xi32, #tpu.memory_space<vmem>>
    %dma_start3A_20 = arith.constant 0 : i32
    %dma_start3A_21 = arith.constant 0 : i32
    %dma_start3A_22 = tpu.memref_slice %arg4[%dma_start3A_20, %dma_start3A_21] : memref<1000x768xf32, #tpu.memory_space<hbm>> -> memref<1000x768xf32, #tpu.memory_space<hbm>>
    tpu.enqueue_indirect_dma source(%dma_start3A_22 : memref<1000x768xf32, #tpu.memory_space<hbm>>) target(%arg10 : memref<16x768xf32, #tpu.memory_space<vmem>>) offsets(%dma_start3A_19 : memref<16xi32, #tpu.memory_space<vmem>>) semaphore(%arg16 : memref<!tpu.dma_semaphore, #tpu.memory_space<semaphore_mem>>)
    %dma_start3A_23 = arith.constant 1 : i32
    %dma_start3A_24 = arith.constant 0 : i32
    %dma_start3A_25 = tpu.memref_slice %arg7[%dma_start3A_23, %dma_start3A_24] : memref<16x16xi32, #tpu.memory_space<vmem>> -> memref<1x16xi32, #tpu.memory_space<vmem>>
    %dma_start3A_26 = tpu.memref_squeeze %dma_start3A_25 : memref<1x16xi32, #tpu.memory_space<vmem>> -> memref<16xi32, #tpu.memory_space<vmem>>
    %dma_start3A_27 = arith.constant 0 : i32
    %dma_start3A_28 = arith.constant 0 : i32
    %dma_start3A_29 = tpu.memref_slice %arg4[%dma_start3A_27, %dma_start3A_28] : memref<1000x768xf32, #tpu.memory_space<hbm>> -> memref<1000x768xf32, #tpu.memory_space<hbm>>
    tpu.enqueue_indirect_dma source(%dma_start3A_29 : memref<1000x768xf32, #tpu.memory_space<hbm>>) target(%arg11 : memref<16x768xf32, #tpu.memory_space<vmem>>) offsets(%dma_start3A_26 : memref<16xi32, #tpu.memory_space<vmem>>) semaphore(%arg17 : memref<!tpu.dma_semaphore, #tpu.memory_space<semaphore_mem>>)
    %scan3A = arith.constant 0 : i32
    %scan3A_30 = arith.constant 0 : i32
    %scan3A_31 = arith.constant 8 : i32
    %scan3A_32 = arith.addi %scan3A_30, %scan3A_31 : i32
    %scan3A_33 = arith.constant 1 : i32
    scf.for %scan3A_42 = %scan3A_30 to %scan3A_32 step %scan3A_33  : i32 {
      %mul3A_43 = arith.constant 2 : i32
      %mul3A_44 = arith.muli %mul3A_43, %scan3A_42 : i32
      %add3A_45 = arith.constant 0 : i32
      %add3A_46 = arith.addi %mul3A_44, %add3A_45 : i32
      %dma_wait3A_47 = arith.constant 0 : i32
      %dma_wait3A_48 = arith.constant 0 : i32
      %dma_wait3A_49 = tpu.memref_slice %arg7[%dma_wait3A_47, %dma_wait3A_48] : memref<16x16xi32, #tpu.memory_space<vmem>> -> memref<1x16xi32, #tpu.memory_space<vmem>>
      %dma_wait3A_50 = tpu.memref_squeeze %dma_wait3A_49 : memref<1x16xi32, #tpu.memory_space<vmem>> -> memref<16xi32, #tpu.memory_space<vmem>>
      %dma_wait3A_51 = arith.constant 0 : i32
      %dma_wait3A_52 = arith.constant 0 : i32
      %dma_wait3A_53 = tpu.memref_slice %arg4[%dma_wait3A_51, %dma_wait3A_52] : memref<1000x768xf32, #tpu.memory_space<hbm>> -> memref<1000x768xf32, #tpu.memory_space<hbm>>
      tpu.wait_indirect_dma semaphore(%arg16 : memref<!tpu.dma_semaphore, #tpu.memory_space<semaphore_mem>>) src(%dma_wait3A_53 : memref<1000x768xf32, #tpu.memory_space<hbm>>) dst(%arg10 : memref<16x768xf32, #tpu.memory_space<vmem>>)
      %mul3A_54 = arith.constant 8 : i32
      %mul3A_55 = arith.muli %add3A_46, %mul3A_54 : i32
      %add3A_56 = arith.constant 0 : i32
      %add3A_57 = arith.addi %mul3A_55, %add3A_56 : i32
      %sub3A = arith.constant 1 : i32
      %sub3A_58 = arith.subi %add3A_57, %sub3A : i32
      %ge3A = arith.constant 0 : i32
      %ge3A_59 = arith.cmpi sge, %sub3A_58, %ge3A : i32
      %convert_element_type3A = arith.extui %ge3A_59 : i1 to i32
      %cond3A = arith.constant 0 : i32
      %cond3A_60 = arith.cmpi ne, %convert_element_type3A, %cond3A : i32
      scf.if %cond3A_60 {
        %dma_wait3A_1593 = arith.constant 0 : i32
        %dma_wait3A_1594 = arith.constant 0 : i32
        %dma_wait3A_1595 = tpu.memref_slice %arg5[%mul3A_2, %dma_wait3A_1593, %dma_wait3A_1594] : memref<4096x50x768xf32, #tpu.memory_space<hbm>> -> memref<1x48x768xf32, #tpu.memory_space<hbm>>
        %dma_wait3A_1596 = tpu.memref_squeeze %dma_wait3A_1595 : memref<1x48x768xf32, #tpu.memory_space<hbm>> -> memref<48x768xf32, #tpu.memory_space<hbm>>
        %dma_wait3A_1597 = arith.constant 0 : i32
        %dma_wait3A_1598 = arith.constant 0 : i32
        %dma_wait3A_1599 = tpu.memref_slice %arg5[%mul3A_2, %dma_wait3A_1597, %dma_wait3A_1598] : memref<4096x50x768xf32, #tpu.memory_space<hbm>> -> memref<1x48x768xf32, #tpu.memory_space<hbm>>
        %dma_wait3A_1600 = tpu.memref_squeeze %dma_wait3A_1599 : memref<1x48x768xf32, #tpu.memory_space<hbm>> -> memref<48x768xf32, #tpu.memory_space<hbm>>
        tpu.wait_dma2 semaphore(%arg15 : memref<!tpu.dma_semaphore, #tpu.memory_space<semaphore_mem>>) src(%arg9 : memref<48x768xf32, #tpu.memory_space<vmem>>) dst(%dma_wait3A_1600 : memref<48x768xf32, #tpu.memory_space<hbm>>)
      } else {
      }
      %ge3A_61 = arith.constant 0 : i32
      %ge3A_62 = arith.cmpi sge, %sub3A_58, %ge3A_61 : i32
      %add3A_63 = arith.constant 2 : i32
      %add3A_64 = arith.addi %sub3A_58, %add3A_63 : i32
      %lt3A = arith.constant 128 : i32
      %lt3A_65 = arith.cmpi slt, %add3A_64, %lt3A : i32
      %and3A = arith.andi %ge3A_62, %lt3A_65 : i1
      %convert_element_type3A_66 = arith.extui %and3A : i1 to i32
      %cond3A_67 = arith.constant 0 : i32
      %cond3A_68 = arith.cmpi ne, %convert_element_type3A_66, %cond3A_67 : i32
      scf.if %cond3A_68 {
        %add3A_1593 = arith.constant 2 : i32
        %add3A_1594 = arith.addi %sub3A_58, %add3A_1593 : i32
        %dma_start3A_1595 = arith.constant 0 : i32
        %dma_start3A_1596 = tpu.memref_slice %arg6[%add3A_1594, %dma_start3A_1595] : memref<128x48xi32, #tpu.memory_space<vmem>> -> memref<1x48xi32, #tpu.memory_space<vmem>>
        %dma_start3A_1597 = tpu.memref_squeeze %dma_start3A_1596 : memref<1x48xi32, #tpu.memory_space<vmem>> -> memref<48xi32, #tpu.memory_space<vmem>>
        %dma_start3A_1598 = arith.constant 0 : i32
        %dma_start3A_1599 = arith.constant 0 : i32
        %dma_start3A_1600 = tpu.memref_slice %arg4[%dma_start3A_1598, %dma_start3A_1599] : memref<1000x768xf32, #tpu.memory_space<hbm>> -> memref<1000x768xf32, #tpu.memory_space<hbm>>
        tpu.enqueue_indirect_dma source(%dma_start3A_1600 : memref<1000x768xf32, #tpu.memory_space<hbm>>) target(%arg9 : memref<48x768xf32, #tpu.memory_space<vmem>>) offsets(%dma_start3A_1597 : memref<48xi32, #tpu.memory_space<vmem>>) semaphore(%arg13 : memref<!tpu.dma_semaphore, #tpu.memory_space<semaphore_mem>>)
      } else {
      }
      %dma_wait3A_69 = arith.constant 0 : i32
      %dma_wait3A_70 = arith.constant 0 : i32
      %dma_wait3A_71 = tpu.memref_slice %arg6[%dma_wait3A_69, %dma_wait3A_70] : memref<128x48xi32, #tpu.memory_space<vmem>> -> memref<1x48xi32, #tpu.memory_space<vmem>>
      %dma_wait3A_72 = tpu.memref_squeeze %dma_wait3A_71 : memref<1x48xi32, #tpu.memory_space<vmem>> -> memref<48xi32, #tpu.memory_space<vmem>>
      %dma_wait3A_73 = arith.constant 0 : i32
      %dma_wait3A_74 = arith.constant 0 : i32
      %dma_wait3A_75 = tpu.memref_slice %arg4[%dma_wait3A_73, %dma_wait3A_74] : memref<1000x768xf32, #tpu.memory_space<hbm>> -> memref<1000x768xf32, #tpu.memory_space<hbm>>
      tpu.wait_indirect_dma semaphore(%arg12 : memref<!tpu.dma_semaphore, #tpu.memory_space<semaphore_mem>>) src(%dma_wait3A_75 : memref<1000x768xf32, #tpu.memory_space<hbm>>) dst(%arg8 : memref<48x768xf32, #tpu.memory_space<vmem>>)
      %add3A_76 = arith.addi %mul3A_2, %add3A_57 : i32
      %dma_start3A_77 = arith.constant 0 : i32
      %dma_start3A_78 = arith.constant 0 : i32
      %dma_start3A_79 = tpu.memref_slice %arg5[%add3A_76, %dma_start3A_77, %dma_start3A_78] : memref<4096x50x768xf32, #tpu.memory_space<hbm>> -> memref<1x48x768xf32, #tpu.memory_space<hbm>>
      %dma_start3A_80 = tpu.memref_squeeze %dma_start3A_79 : memref<1x48x768xf32, #tpu.memory_space<hbm>> -> memref<48x768xf32, #tpu.memory_space<hbm>>
      %dma_start3A_81 = arith.constant 0 : i32
      %dma_start3A_82 = arith.constant 0 : i32
      %dma_start3A_83 = tpu.memref_slice %arg5[%add3A_76, %dma_start3A_81, %dma_start3A_82] : memref<4096x50x768xf32, #tpu.memory_space<hbm>> -> memref<1x48x768xf32, #tpu.memory_space<hbm>>
      %dma_start3A_84 = tpu.memref_squeeze %dma_start3A_83 : memref<1x48x768xf32, #tpu.memory_space<hbm>> -> memref<48x768xf32, #tpu.memory_space<hbm>>
      tpu.enqueue_dma source(%arg8 : memref<48x768xf32, #tpu.memory_space<vmem>>) target(%dma_start3A_84 : memref<48x768xf32, #tpu.memory_space<hbm>>) target_semaphore(%arg14 : memref<!tpu.dma_semaphore, #tpu.memory_space<semaphore_mem>>)
      %add3A_85 = arith.addi %mul3A_2, %add3A_57 : i32
      %dma_start3A_86 = arith.constant 0 : i32
      %dma_start3A_87 = arith.constant 48 : i32
      %dma_start3A_88 = arith.constant 0 : i32
      %dma_start3A_89 = tpu.memref_slice %arg10[%dma_start3A_86, %dma_start3A_88] : memref<16x768xf32, #tpu.memory_space<vmem>> -> memref<1x768xf32, #tpu.memory_space<vmem>>
      %dma_start3A_90 = tpu.memref_squeeze %dma_start3A_89 : memref<1x768xf32, #tpu.memory_space<vmem>> -> memref<768xf32, #tpu.memory_space<vmem>>
      %dma_start3A_91 = arith.constant 0 : i32
      %dma_start3A_92 = tpu.memref_slice %arg5[%add3A_85, %dma_start3A_87, %dma_start3A_91] : memref<4096x50x768xf32, #tpu.memory_space<hbm>> -> memref<1x1x768xf32, #tpu.memory_space<hbm>>
      %dma_start3A_93 = tpu.memref_squeeze %dma_start3A_92 : memref<1x1x768xf32, #tpu.memory_space<hbm>> -> memref<768xf32, #tpu.memory_space<hbm>>
      %dma_start3A_94 = arith.constant 0 : i32
      %dma_start3A_95 = tpu.memref_slice %arg5[%add3A_85, %dma_start3A_87, %dma_start3A_94] : memref<4096x50x768xf32, #tpu.memory_space<hbm>> -> memref<1x1x768xf32, #tpu.memory_space<hbm>>
      %dma_start3A_96 = tpu.memref_squeeze %dma_start3A_95 : memref<1x1x768xf32, #tpu.memory_space<hbm>> -> memref<768xf32, #tpu.memory_space<hbm>>
      %dma_start3A_97 = arith.constant 0 : i32
      %dma_start3A_98 = tpu.memref_slice %arg10[%dma_start3A_86, %dma_start3A_97] : memref<16x768xf32, #tpu.memory_space<vmem>> -> memref<1x768xf32, #tpu.memory_space<vmem>>
      %dma_start3A_99 = tpu.memref_squeeze %dma_start3A_98 : memref<1x768xf32, #tpu.memory_space<vmem>> -> memref<768xf32, #tpu.memory_space<vmem>>
      tpu.enqueue_dma source(%dma_start3A_99 : memref<768xf32, #tpu.memory_space<vmem>>) target(%dma_start3A_96 : memref<768xf32, #tpu.memory_space<hbm>>) target_semaphore(%arg18 : memref<!tpu.dma_semaphore, #tpu.memory_space<semaphore_mem>>)
      %add3A_100 = arith.addi %mul3A_2, %add3A_57 : i32
      %dma_start3A_101 = arith.constant 1 : i32
      %dma_start3A_102 = arith.constant 49 : i32
      %dma_start3A_103 = arith.constant 0 : i32
      %dma_start3A_104 = tpu.memref_slice %arg10[%dma_start3A_101, %dma_start3A_103] : memref<16x768xf32, #tpu.memory_space<vmem>> -> memref<1x768xf32, #tpu.memory_space<vmem>>
      %dma_start3A_105 = tpu.memref_squeeze %dma_start3A_104 : memref<1x768xf32, #tpu.memory_space<vmem>> -> memref<768xf32, #tpu.memory_space<vmem>>
      %dma_start3A_106 = arith.constant 0 : i32
      %dma_start3A_107 = tpu.memref_slice %arg5[%add3A_100, %dma_start3A_102, %dma_start3A_106] : memref<4096x50x768xf32, #tpu.memory_space<hbm>> -> memref<1x1x768xf32, #tpu.memory_space<hbm>>
      %dma_start3A_108 = tpu.memref_squeeze %dma_start3A_107 : memref<1x1x768xf32, #tpu.memory_space<hbm>> -> memref<768xf32, #tpu.memory_space<hbm>>
      %dma_start3A_109 = arith.constant 0 : i32
      %dma_start3A_110 = tpu.memref_slice %arg5[%add3A_100, %dma_start3A_102, %dma_start3A_109] : memref<4096x50x768xf32, #tpu.memory_space<hbm>> -> memref<1x1x768xf32, #tpu.memory_space<hbm>>
      %dma_start3A_111 = tpu.memref_squeeze %dma_start3A_110 : memref<1x1x768xf32, #tpu.memory_space<hbm>> -> memref<768xf32, #tpu.memory_space<hbm>>
      %dma_start3A_112 = arith.constant 0 : i32
      %dma_start3A_113 = tpu.memref_slice %arg10[%dma_start3A_101, %dma_start3A_112] : memref<16x768xf32, #tpu.memory_space<vmem>> -> memref<1x768xf32, #tpu.memory_space<vmem>>
      %dma_start3A_114 = tpu.memref_squeeze %dma_start3A_113 : memref<1x768xf32, #tpu.memory_space<vmem>> -> memref<768xf32, #tpu.memory_space<vmem>>
      tpu.enqueue_dma source(%dma_start3A_114 : memref<768xf32, #tpu.memory_space<vmem>>) target(%dma_start3A_111 : memref<768xf32, #tpu.memory_space<hbm>>) target_semaphore(%arg18 : memref<!tpu.dma_semaphore, #tpu.memory_space<semaphore_mem>>)
      %mul3A_115 = arith.constant 8 : i32
      %mul3A_116 = arith.muli %add3A_46, %mul3A_115 : i32
      %add3A_117 = arith.constant 1 : i32
      %add3A_118 = arith.addi %mul3A_116, %add3A_117 : i32
      %sub3A_119 = arith.constant 1 : i32
      %sub3A_120 = arith.subi %add3A_118, %sub3A_119 : i32
      %ge3A_121 = arith.constant 0 : i32
      %ge3A_122 = arith.cmpi sge, %sub3A_120, %ge3A_121 : i32
      %convert_element_type3A_123 = arith.extui %ge3A_122 : i1 to i32
      %cond3A_124 = arith.constant 0 : i32
      %cond3A_125 = arith.cmpi ne, %convert_element_type3A_123, %cond3A_124 : i32
      scf.if %cond3A_125 {
        %dma_wait3A_1593 = arith.constant 0 : i32
        %dma_wait3A_1594 = arith.constant 0 : i32
        %dma_wait3A_1595 = tpu.memref_slice %arg5[%mul3A_2, %dma_wait3A_1593, %dma_wait3A_1594] : memref<4096x50x768xf32, #tpu.memory_space<hbm>> -> memref<1x48x768xf32, #tpu.memory_space<hbm>>
        %dma_wait3A_1596 = tpu.memref_squeeze %dma_wait3A_1595 : memref<1x48x768xf32, #tpu.memory_space<hbm>> -> memref<48x768xf32, #tpu.memory_space<hbm>>
        %dma_wait3A_1597 = arith.constant 0 : i32
        %dma_wait3A_1598 = arith.constant 0 : i32
        %dma_wait3A_1599 = tpu.memref_slice %arg5[%mul3A_2, %dma_wait3A_1597, %dma_wait3A_1598] : memref<4096x50x768xf32, #tpu.memory_space<hbm>> -> memref<1x48x768xf32, #tpu.memory_space<hbm>>
        %dma_wait3A_1600 = tpu.memref_squeeze %dma_wait3A_1599 : memref<1x48x768xf32, #tpu.memory_space<hbm>> -> memref<48x768xf32, #tpu.memory_space<hbm>>
        tpu.wait_dma2 semaphore(%arg14 : memref<!tpu.dma_semaphore, #tpu.memory_space<semaphore_mem>>) src(%arg8 : memref<48x768xf32, #tpu.memory_space<vmem>>) dst(%dma_wait3A_1600 : memref<48x768xf32, #tpu.memory_space<hbm>>)
      } else {
      }
      %ge3A_126 = arith.constant 0 : i32
      %ge3A_127 = arith.cmpi sge, %sub3A_120, %ge3A_126 : i32
      %add3A_128 = arith.constant 2 : i32
      %add3A_129 = arith.addi %sub3A_120, %add3A_128 : i32
      %lt3A_130 = arith.constant 128 : i32
      %lt3A_131 = arith.cmpi slt, %add3A_129, %lt3A_130 : i32
      %and3A_132 = arith.andi %ge3A_127, %lt3A_131 : i1
      %convert_element_type3A_133 = arith.extui %and3A_132 : i1 to i32
      %cond3A_134 = arith.constant 0 : i32
      %cond3A_135 = arith.cmpi ne, %convert_element_type3A_133, %cond3A_134 : i32
      scf.if %cond3A_135 {
        %add3A_1593 = arith.constant 2 : i32
        %add3A_1594 = arith.addi %sub3A_120, %add3A_1593 : i32
        %dma_start3A_1595 = arith.constant 0 : i32
        %dma_start3A_1596 = tpu.memref_slice %arg6[%add3A_1594, %dma_start3A_1595] : memref<128x48xi32, #tpu.memory_space<vmem>> -> memref<1x48xi32, #tpu.memory_space<vmem>>
        %dma_start3A_1597 = tpu.memref_squeeze %dma_start3A_1596 : memref<1x48xi32, #tpu.memory_space<vmem>> -> memref<48xi32, #tpu.memory_space<vmem>>
        %dma_start3A_1598 = arith.constant 0 : i32
        %dma_start3A_1599 = arith.constant 0 : i32
        %dma_start3A_1600 = tpu.memref_slice %arg4[%dma_start3A_1598, %dma_start3A_1599] : memref<1000x768xf32, #tpu.memory_space<hbm>> -> memref<1000x768xf32, #tpu.memory_space<hbm>>
        tpu.enqueue_indirect_dma source(%dma_start3A_1600 : memref<1000x768xf32, #tpu.memory_space<hbm>>) target(%arg8 : memref<48x768xf32, #tpu.memory_space<vmem>>) offsets(%dma_start3A_1597 : memref<48xi32, #tpu.memory_space<vmem>>) semaphore(%arg12 : memref<!tpu.dma_semaphore, #tpu.memory_space<semaphore_mem>>)
      } else {
      }
      %dma_wait3A_136 = arith.constant 0 : i32
      %dma_wait3A_137 = arith.constant 0 : i32
      %dma_wait3A_138 = tpu.memref_slice %arg6[%dma_wait3A_136, %dma_wait3A_137] : memref<128x48xi32, #tpu.memory_space<vmem>> -> memref<1x48xi32, #tpu.memory_space<vmem>>
      %dma_wait3A_139 = tpu.memref_squeeze %dma_wait3A_138 : memref<1x48xi32, #tpu.memory_space<vmem>> -> memref<48xi32, #tpu.memory_space<vmem>>
      %dma_wait3A_140 = arith.constant 0 : i32
      %dma_wait3A_141 = arith.constant 0 : i32
      %dma_wait3A_142 = tpu.memref_slice %arg4[%dma_wait3A_140, %dma_wait3A_141] : memref<1000x768xf32, #tpu.memory_space<hbm>> -> memref<1000x768xf32, #tpu.memory_space<hbm>>
      tpu.wait_indirect_dma semaphore(%arg13 : memref<!tpu.dma_semaphore, #tpu.memory_space<semaphore_mem>>) src(%dma_wait3A_142 : memref<1000x768xf32, #tpu.memory_space<hbm>>) dst(%arg9 : memref<48x768xf32, #tpu.memory_space<vmem>>)
      %add3A_143 = arith.addi %mul3A_2, %add3A_118 : i32
      %dma_start3A_144 = arith.constant 0 : i32
      %dma_start3A_145 = arith.constant 0 : i32
      %dma_start3A_146 = tpu.memref_slice %arg5[%add3A_143, %dma_start3A_144, %dma_start3A_145] : memref<4096x50x768xf32, #tpu.memory_space<hbm>> -> memref<1x48x768xf32, #tpu.memory_space<hbm>>
      %dma_start3A_147 = tpu.memref_squeeze %dma_start3A_146 : memref<1x48x768xf32, #tpu.memory_space<hbm>> -> memref<48x768xf32, #tpu.memory_space<hbm>>
      %dma_start3A_148 = arith.constant 0 : i32
      %dma_start3A_149 = arith.constant 0 : i32
      %dma_start3A_150 = tpu.memref_slice %arg5[%add3A_143, %dma_start3A_148, %dma_start3A_149] : memref<4096x50x768xf32, #tpu.memory_space<hbm>> -> memref<1x48x768xf32, #tpu.memory_space<hbm>>
      %dma_start3A_151 = tpu.memref_squeeze %dma_start3A_150 : memref<1x48x768xf32, #tpu.memory_space<hbm>> -> memref<48x768xf32, #tpu.memory_space<hbm>>
      tpu.enqueue_dma source(%arg9 : memref<48x768xf32, #tpu.memory_space<vmem>>) target(%dma_start3A_151 : memref<48x768xf32, #tpu.memory_space<hbm>>) target_semaphore(%arg15 : memref<!tpu.dma_semaphore, #tpu.memory_space<semaphore_mem>>)
      %add3A_152 = arith.addi %mul3A_2, %add3A_118 : i32
      %dma_start3A_153 = arith.constant 2 : i32
      %dma_start3A_154 = arith.constant 48 : i32
      %dma_start3A_155 = arith.constant 0 : i32
      %dma_start3A_156 = tpu.memref_slice %arg10[%dma_start3A_153, %dma_start3A_155] : memref<16x768xf32, #tpu.memory_space<vmem>> -> memref<1x768xf32, #tpu.memory_space<vmem>>
      %dma_start3A_157 = tpu.memref_squeeze %dma_start3A_156 : memref<1x768xf32, #tpu.memory_space<vmem>> -> memref<768xf32, #tpu.memory_space<vmem>>
      %dma_start3A_158 = arith.constant 0 : i32
      %dma_start3A_159 = tpu.memref_slice %arg5[%add3A_152, %dma_start3A_154, %dma_start3A_158] : memref<4096x50x768xf32, #tpu.memory_space<hbm>> -> memref<1x1x768xf32, #tpu.memory_space<hbm>>
      %dma_start3A_160 = tpu.memref_squeeze %dma_start3A_159 : memref<1x1x768xf32, #tpu.memory_space<hbm>> -> memref<768xf32, #tpu.memory_space<hbm>>
      %dma_start3A_161 = arith.constant 0 : i32
      %dma_start3A_162 = tpu.memref_slice %arg5[%add3A_152, %dma_start3A_154, %dma_start3A_161] : memref<4096x50x768xf32, #tpu.memory_space<hbm>> -> memref<1x1x768xf32, #tpu.memory_space<hbm>>
      %dma_start3A_163 = tpu.memref_squeeze %dma_start3A_162 : memref<1x1x768xf32, #tpu.memory_space<hbm>> -> memref<768xf32, #tpu.memory_space<hbm>>
      %dma_start3A_164 = arith.constant 0 : i32
      %dma_start3A_165 = tpu.memref_slice %arg10[%dma_start3A_153, %dma_start3A_164] : memref<16x768xf32, #tpu.memory_space<vmem>> -> memref<1x768xf32, #tpu.memory_space<vmem>>
      %dma_start3A_166 = tpu.memref_squeeze %dma_start3A_165 : memref<1x768xf32, #tpu.memory_space<vmem>> -> memref<768xf32, #tpu.memory_space<vmem>>
      tpu.enqueue_dma source(%dma_start3A_166 : memref<768xf32, #tpu.memory_space<vmem>>) target(%dma_start3A_163 : memref<768xf32, #tpu.memory_space<hbm>>) target_semaphore(%arg18 : memref<!tpu.dma_semaphore, #tpu.memory_space<semaphore_mem>>)
      %add3A_167 = arith.addi %mul3A_2, %add3A_118 : i32
      %dma_start3A_168 = arith.constant 3 : i32
      %dma_start3A_169 = arith.constant 49 : i32
      %dma_start3A_170 = arith.constant 0 : i32
      %dma_start3A_171 = tpu.memref_slice %arg10[%dma_start3A_168, %dma_start3A_170] : memref<16x768xf32, #tpu.memory_space<vmem>> -> memref<1x768xf32, #tpu.memory_space<vmem>>
      %dma_start3A_172 = tpu.memref_squeeze %dma_start3A_171 : memref<1x768xf32, #tpu.memory_space<vmem>> -> memref<768xf32, #tpu.memory_space<vmem>>
      %dma_start3A_173 = arith.constant 0 : i32
      %dma_start3A_174 = tpu.memref_slice %arg5[%add3A_167, %dma_start3A_169, %dma_start3A_173] : memref<4096x50x768xf32, #tpu.memory_space<hbm>> -> memref<1x1x768xf32, #tpu.memory_space<hbm>>
      %dma_start3A_175 = tpu.memref_squeeze %dma_start3A_174 : memref<1x1x768xf32, #tpu.memory_space<hbm>> -> memref<768xf32, #tpu.memory_space<hbm>>
      %dma_start3A_176 = arith.constant 0 : i32
      %dma_start3A_177 = tpu.memref_slice %arg5[%add3A_167, %dma_start3A_169, %dma_start3A_176] : memref<4096x50x768xf32, #tpu.memory_space<hbm>> -> memref<1x1x768xf32, #tpu.memory_space<hbm>>
      %dma_start3A_178 = tpu.memref_squeeze %dma_start3A_177 : memref<1x1x768xf32, #tpu.memory_space<hbm>> -> memref<768xf32, #tpu.memory_space<hbm>>
      %dma_start3A_179 = arith.constant 0 : i32
      %dma_start3A_180 = tpu.memref_slice %arg10[%dma_start3A_168, %dma_start3A_179] : memref<16x768xf32, #tpu.memory_space<vmem>> -> memref<1x768xf32, #tpu.memory_space<vmem>>
      %dma_start3A_181 = tpu.memref_squeeze %dma_start3A_180 : memref<1x768xf32, #tpu.memory_space<vmem>> -> memref<768xf32, #tpu.memory_space<vmem>>
      tpu.enqueue_dma source(%dma_start3A_181 : memref<768xf32, #tpu.memory_space<vmem>>) target(%dma_start3A_178 : memref<768xf32, #tpu.memory_space<hbm>>) target_semaphore(%arg18 : memref<!tpu.dma_semaphore, #tpu.memory_space<semaphore_mem>>)
      %mul3A_182 = arith.constant 8 : i32
      %mul3A_183 = arith.muli %add3A_46, %mul3A_182 : i32
      %add3A_184 = arith.constant 2 : i32
      %add3A_185 = arith.addi %mul3A_183, %add3A_184 : i32
      %sub3A_186 = arith.constant 1 : i32
      %sub3A_187 = arith.subi %add3A_185, %sub3A_186 : i32
      %ge3A_188 = arith.constant 0 : i32
      %ge3A_189 = arith.cmpi sge, %sub3A_187, %ge3A_188 : i32
      %convert_element_type3A_190 = arith.extui %ge3A_189 : i1 to i32
      %cond3A_191 = arith.constant 0 : i32
      %cond3A_192 = arith.cmpi ne, %convert_element_type3A_190, %cond3A_191 : i32
      scf.if %cond3A_192 {
        %dma_wait3A_1593 = arith.constant 0 : i32
        %dma_wait3A_1594 = arith.constant 0 : i32
        %dma_wait3A_1595 = tpu.memref_slice %arg5[%mul3A_2, %dma_wait3A_1593, %dma_wait3A_1594] : memref<4096x50x768xf32, #tpu.memory_space<hbm>> -> memref<1x48x768xf32, #tpu.memory_space<hbm>>
        %dma_wait3A_1596 = tpu.memref_squeeze %dma_wait3A_1595 : memref<1x48x768xf32, #tpu.memory_space<hbm>> -> memref<48x768xf32, #tpu.memory_space<hbm>>
        %dma_wait3A_1597 = arith.constant 0 : i32
        %dma_wait3A_1598 = arith.constant 0 : i32
        %dma_wait3A_1599 = tpu.memref_slice %arg5[%mul3A_2, %dma_wait3A_1597, %dma_wait3A_1598] : memref<4096x50x768xf32, #tpu.memory_space<hbm>> -> memref<1x48x768xf32, #tpu.memory_space<hbm>>
        %dma_wait3A_1600 = tpu.memref_squeeze %dma_wait3A_1599 : memref<1x48x768xf32, #tpu.memory_space<hbm>> -> memref<48x768xf32, #tpu.memory_space<hbm>>
        tpu.wait_dma2 semaphore(%arg15 : memref<!tpu.dma_semaphore, #tpu.memory_space<semaphore_mem>>) src(%arg9 : memref<48x768xf32, #tpu.memory_space<vmem>>) dst(%dma_wait3A_1600 : memref<48x768xf32, #tpu.memory_space<hbm>>)
      } else {
      }
      %ge3A_193 = arith.constant 0 : i32
      %ge3A_194 = arith.cmpi sge, %sub3A_187, %ge3A_193 : i32
      %add3A_195 = arith.constant 2 : i32
      %add3A_196 = arith.addi %sub3A_187, %add3A_195 : i32
      %lt3A_197 = arith.constant 128 : i32
      %lt3A_198 = arith.cmpi slt, %add3A_196, %lt3A_197 : i32
      %and3A_199 = arith.andi %ge3A_194, %lt3A_198 : i1
      %convert_element_type3A_200 = arith.extui %and3A_199 : i1 to i32
      %cond3A_201 = arith.constant 0 : i32
      %cond3A_202 = arith.cmpi ne, %convert_element_type3A_200, %cond3A_201 : i32
      scf.if %cond3A_202 {
        %add3A_1593 = arith.constant 2 : i32
        %add3A_1594 = arith.addi %sub3A_187, %add3A_1593 : i32
        %dma_start3A_1595 = arith.constant 0 : i32
        %dma_start3A_1596 = tpu.memref_slice %arg6[%add3A_1594, %dma_start3A_1595] : memref<128x48xi32, #tpu.memory_space<vmem>> -> memref<1x48xi32, #tpu.memory_space<vmem>>
        %dma_start3A_1597 = tpu.memref_squeeze %dma_start3A_1596 : memref<1x48xi32, #tpu.memory_space<vmem>> -> memref<48xi32, #tpu.memory_space<vmem>>
        %dma_start3A_1598 = arith.constant 0 : i32
        %dma_start3A_1599 = arith.constant 0 : i32
        %dma_start3A_1600 = tpu.memref_slice %arg4[%dma_start3A_1598, %dma_start3A_1599] : memref<1000x768xf32, #tpu.memory_space<hbm>> -> memref<1000x768xf32, #tpu.memory_space<hbm>>
        tpu.enqueue_indirect_dma source(%dma_start3A_1600 : memref<1000x768xf32, #tpu.memory_space<hbm>>) target(%arg9 : memref<48x768xf32, #tpu.memory_space<vmem>>) offsets(%dma_start3A_1597 : memref<48xi32, #tpu.memory_space<vmem>>) semaphore(%arg13 : memref<!tpu.dma_semaphore, #tpu.memory_space<semaphore_mem>>)
      } else {
      }
      %dma_wait3A_203 = arith.constant 0 : i32
      %dma_wait3A_204 = arith.constant 0 : i32
      %dma_wait3A_205 = tpu.memref_slice %arg6[%dma_wait3A_203, %dma_wait3A_204] : memref<128x48xi32, #tpu.memory_space<vmem>> -> memref<1x48xi32, #tpu.memory_space<vmem>>
      %dma_wait3A_206 = tpu.memref_squeeze %dma_wait3A_205 : memref<1x48xi32, #tpu.memory_space<vmem>> -> memref<48xi32, #tpu.memory_space<vmem>>
      %dma_wait3A_207 = arith.constant 0 : i32
      %dma_wait3A_208 = arith.constant 0 : i32
      %dma_wait3A_209 = tpu.memref_slice %arg4[%dma_wait3A_207, %dma_wait3A_208] : memref<1000x768xf32, #tpu.memory_space<hbm>> -> memref<1000x768xf32, #tpu.memory_space<hbm>>
      tpu.wait_indirect_dma semaphore(%arg12 : memref<!tpu.dma_semaphore, #tpu.memory_space<semaphore_mem>>) src(%dma_wait3A_209 : memref<1000x768xf32, #tpu.memory_space<hbm>>) dst(%arg8 : memref<48x768xf32, #tpu.memory_space<vmem>>)
      %add3A_210 = arith.addi %mul3A_2, %add3A_185 : i32
      %dma_start3A_211 = arith.constant 0 : i32
      %dma_start3A_212 = arith.constant 0 : i32
      %dma_start3A_213 = tpu.memref_slice %arg5[%add3A_210, %dma_start3A_211, %dma_start3A_212] : memref<4096x50x768xf32, #tpu.memory_space<hbm>> -> memref<1x48x768xf32, #tpu.memory_space<hbm>>
      %dma_start3A_214 = tpu.memref_squeeze %dma_start3A_213 : memref<1x48x768xf32, #tpu.memory_space<hbm>> -> memref<48x768xf32, #tpu.memory_space<hbm>>
      %dma_start3A_215 = arith.constant 0 : i32
      %dma_start3A_216 = arith.constant 0 : i32
      %dma_start3A_217 = tpu.memref_slice %arg5[%add3A_210, %dma_start3A_215, %dma_start3A_216] : memref<4096x50x768xf32, #tpu.memory_space<hbm>> -> memref<1x48x768xf32, #tpu.memory_space<hbm>>
      %dma_start3A_218 = tpu.memref_squeeze %dma_start3A_217 : memref<1x48x768xf32, #tpu.memory_space<hbm>> -> memref<48x768xf32, #tpu.memory_space<hbm>>
      tpu.enqueue_dma source(%arg8 : memref<48x768xf32, #tpu.memory_space<vmem>>) target(%dma_start3A_218 : memref<48x768xf32, #tpu.memory_space<hbm>>) target_semaphore(%arg14 : memref<!tpu.dma_semaphore, #tpu.memory_space<semaphore_mem>>)
      %add3A_219 = arith.addi %mul3A_2, %add3A_185 : i32
      %dma_start3A_220 = arith.constant 4 : i32
      %dma_start3A_221 = arith.constant 48 : i32
      %dma_start3A_222 = arith.constant 0 : i32
      %dma_start3A_223 = tpu.memref_slice %arg10[%dma_start3A_220, %dma_start3A_222] : memref<16x768xf32, #tpu.memory_space<vmem>> -> memref<1x768xf32, #tpu.memory_space<vmem>>
      %dma_start3A_224 = tpu.memref_squeeze %dma_start3A_223 : memref<1x768xf32, #tpu.memory_space<vmem>> -> memref<768xf32, #tpu.memory_space<vmem>>
      %dma_start3A_225 = arith.constant 0 : i32
      %dma_start3A_226 = tpu.memref_slice %arg5[%add3A_219, %dma_start3A_221, %dma_start3A_225] : memref<4096x50x768xf32, #tpu.memory_space<hbm>> -> memref<1x1x768xf32, #tpu.memory_space<hbm>>
      %dma_start3A_227 = tpu.memref_squeeze %dma_start3A_226 : memref<1x1x768xf32, #tpu.memory_space<hbm>> -> memref<768xf32, #tpu.memory_space<hbm>>
      %dma_start3A_228 = arith.constant 0 : i32
      %dma_start3A_229 = tpu.memref_slice %arg5[%add3A_219, %dma_start3A_221, %dma_start3A_228] : memref<4096x50x768xf32, #tpu.memory_space<hbm>> -> memref<1x1x768xf32, #tpu.memory_space<hbm>>
      %dma_start3A_230 = tpu.memref_squeeze %dma_start3A_229 : memref<1x1x768xf32, #tpu.memory_space<hbm>> -> memref<768xf32, #tpu.memory_space<hbm>>
      %dma_start3A_231 = arith.constant 0 : i32
      %dma_start3A_232 = tpu.memref_slice %arg10[%dma_start3A_220, %dma_start3A_231] : memref<16x768xf32, #tpu.memory_space<vmem>> -> memref<1x768xf32, #tpu.memory_space<vmem>>
      %dma_start3A_233 = tpu.memref_squeeze %dma_start3A_232 : memref<1x768xf32, #tpu.memory_space<vmem>> -> memref<768xf32, #tpu.memory_space<vmem>>
      tpu.enqueue_dma source(%dma_start3A_233 : memref<768xf32, #tpu.memory_space<vmem>>) target(%dma_start3A_230 : memref<768xf32, #tpu.memory_space<hbm>>) target_semaphore(%arg18 : memref<!tpu.dma_semaphore, #tpu.memory_space<semaphore_mem>>)
      %add3A_234 = arith.addi %mul3A_2, %add3A_185 : i32
      %dma_start3A_235 = arith.constant 5 : i32
      %dma_start3A_236 = arith.constant 49 : i32
      %dma_start3A_237 = arith.constant 0 : i32
      %dma_start3A_238 = tpu.memref_slice %arg10[%dma_start3A_235, %dma_start3A_237] : memref<16x768xf32, #tpu.memory_space<vmem>> -> memref<1x768xf32, #tpu.memory_space<vmem>>
      %dma_start3A_239 = tpu.memref_squeeze %dma_start3A_238 : memref<1x768xf32, #tpu.memory_space<vmem>> -> memref<768xf32, #tpu.memory_space<vmem>>
      %dma_start3A_240 = arith.constant 0 : i32
      %dma_start3A_241 = tpu.memref_slice %arg5[%add3A_234, %dma_start3A_236, %dma_start3A_240] : memref<4096x50x768xf32, #tpu.memory_space<hbm>> -> memref<1x1x768xf32, #tpu.memory_space<hbm>>
      %dma_start3A_242 = tpu.memref_squeeze %dma_start3A_241 : memref<1x1x768xf32, #tpu.memory_space<hbm>> -> memref<768xf32, #tpu.memory_space<hbm>>
      %dma_start3A_243 = arith.constant 0 : i32
      %dma_start3A_244 = tpu.memref_slice %arg5[%add3A_234, %dma_start3A_236, %dma_start3A_243] : memref<4096x50x768xf32, #tpu.memory_space<hbm>> -> memref<1x1x768xf32, #tpu.memory_space<hbm>>
      %dma_start3A_245 = tpu.memref_squeeze %dma_start3A_244 : memref<1x1x768xf32, #tpu.memory_space<hbm>> -> memref<768xf32, #tpu.memory_space<hbm>>
      %dma_start3A_246 = arith.constant 0 : i32
      %dma_start3A_247 = tpu.memref_slice %arg10[%dma_start3A_235, %dma_start3A_246] : memref<16x768xf32, #tpu.memory_space<vmem>> -> memref<1x768xf32, #tpu.memory_space<vmem>>
      %dma_start3A_248 = tpu.memref_squeeze %dma_start3A_247 : memref<1x768xf32, #tpu.memory_space<vmem>> -> memref<768xf32, #tpu.memory_space<vmem>>
      tpu.enqueue_dma source(%dma_start3A_248 : memref<768xf32, #tpu.memory_space<vmem>>) target(%dma_start3A_245 : memref<768xf32, #tpu.memory_space<hbm>>) target_semaphore(%arg18 : memref<!tpu.dma_semaphore, #tpu.memory_space<semaphore_mem>>)
      %mul3A_249 = arith.constant 8 : i32
      %mul3A_250 = arith.muli %add3A_46, %mul3A_249 : i32
      %add3A_251 = arith.constant 3 : i32
      %add3A_252 = arith.addi %mul3A_250, %add3A_251 : i32
      %sub3A_253 = arith.constant 1 : i32
      %sub3A_254 = arith.subi %add3A_252, %sub3A_253 : i32
      %ge3A_255 = arith.constant 0 : i32
      %ge3A_256 = arith.cmpi sge, %sub3A_254, %ge3A_255 : i32
      %convert_element_type3A_257 = arith.extui %ge3A_256 : i1 to i32
      %cond3A_258 = arith.constant 0 : i32
      %cond3A_259 = arith.cmpi ne, %convert_element_type3A_257, %cond3A_258 : i32
      scf.if %cond3A_259 {
        %dma_wait3A_1593 = arith.constant 0 : i32
        %dma_wait3A_1594 = arith.constant 0 : i32
        %dma_wait3A_1595 = tpu.memref_slice %arg5[%mul3A_2, %dma_wait3A_1593, %dma_wait3A_1594] : memref<4096x50x768xf32, #tpu.memory_space<hbm>> -> memref<1x48x768xf32, #tpu.memory_space<hbm>>
        %dma_wait3A_1596 = tpu.memref_squeeze %dma_wait3A_1595 : memref<1x48x768xf32, #tpu.memory_space<hbm>> -> memref<48x768xf32, #tpu.memory_space<hbm>>
        %dma_wait3A_1597 = arith.constant 0 : i32
        %dma_wait3A_1598 = arith.constant 0 : i32
        %dma_wait3A_1599 = tpu.memref_slice %arg5[%mul3A_2, %dma_wait3A_1597, %dma_wait3A_1598] : memref<4096x50x768xf32, #tpu.memory_space<hbm>> -> memref<1x48x768xf32, #tpu.memory_space<hbm>>
        %dma_wait3A_1600 = tpu.memref_squeeze %dma_wait3A_1599 : memref<1x48x768xf32, #tpu.memory_space<hbm>> -> memref<48x768xf32, #tpu.memory_space<hbm>>
        tpu.wait_dma2 semaphore(%arg14 : memref<!tpu.dma_semaphore, #tpu.memory_space<semaphore_mem>>) src(%arg8 : memref<48x768xf32, #tpu.memory_space<vmem>>) dst(%dma_wait3A_1600 : memref<48x768xf32, #tpu.memory_space<hbm>>)
      } else {
      }
      %ge3A_260 = arith.constant 0 : i32
      %ge3A_261 = arith.cmpi sge, %sub3A_254, %ge3A_260 : i32
      %add3A_262 = arith.constant 2 : i32
      %add3A_263 = arith.addi %sub3A_254, %add3A_262 : i32
      %lt3A_264 = arith.constant 128 : i32
      %lt3A_265 = arith.cmpi slt, %add3A_263, %lt3A_264 : i32
      %and3A_266 = arith.andi %ge3A_261, %lt3A_265 : i1
      %convert_element_type3A_267 = arith.extui %and3A_266 : i1 to i32
      %cond3A_268 = arith.constant 0 : i32
      %cond3A_269 = arith.cmpi ne, %convert_element_type3A_267, %cond3A_268 : i32
      scf.if %cond3A_269 {
        %add3A_1593 = arith.constant 2 : i32
        %add3A_1594 = arith.addi %sub3A_254, %add3A_1593 : i32
        %dma_start3A_1595 = arith.constant 0 : i32
        %dma_start3A_1596 = tpu.memref_slice %arg6[%add3A_1594, %dma_start3A_1595] : memref<128x48xi32, #tpu.memory_space<vmem>> -> memref<1x48xi32, #tpu.memory_space<vmem>>
        %dma_start3A_1597 = tpu.memref_squeeze %dma_start3A_1596 : memref<1x48xi32, #tpu.memory_space<vmem>> -> memref<48xi32, #tpu.memory_space<vmem>>
        %dma_start3A_1598 = arith.constant 0 : i32
        %dma_start3A_1599 = arith.constant 0 : i32
        %dma_start3A_1600 = tpu.memref_slice %arg4[%dma_start3A_1598, %dma_start3A_1599] : memref<1000x768xf32, #tpu.memory_space<hbm>> -> memref<1000x768xf32, #tpu.memory_space<hbm>>
        tpu.enqueue_indirect_dma source(%dma_start3A_1600 : memref<1000x768xf32, #tpu.memory_space<hbm>>) target(%arg8 : memref<48x768xf32, #tpu.memory_space<vmem>>) offsets(%dma_start3A_1597 : memref<48xi32, #tpu.memory_space<vmem>>) semaphore(%arg12 : memref<!tpu.dma_semaphore, #tpu.memory_space<semaphore_mem>>)
      } else {
      }
      %dma_wait3A_270 = arith.constant 0 : i32
      %dma_wait3A_271 = arith.constant 0 : i32
      %dma_wait3A_272 = tpu.memref_slice %arg6[%dma_wait3A_270, %dma_wait3A_271] : memref<128x48xi32, #tpu.memory_space<vmem>> -> memref<1x48xi32, #tpu.memory_space<vmem>>
      %dma_wait3A_273 = tpu.memref_squeeze %dma_wait3A_272 : memref<1x48xi32, #tpu.memory_space<vmem>> -> memref<48xi32, #tpu.memory_space<vmem>>
      %dma_wait3A_274 = arith.constant 0 : i32
      %dma_wait3A_275 = arith.constant 0 : i32
      %dma_wait3A_276 = tpu.memref_slice %arg4[%dma_wait3A_274, %dma_wait3A_275] : memref<1000x768xf32, #tpu.memory_space<hbm>> -> memref<1000x768xf32, #tpu.memory_space<hbm>>
      tpu.wait_indirect_dma semaphore(%arg13 : memref<!tpu.dma_semaphore, #tpu.memory_space<semaphore_mem>>) src(%dma_wait3A_276 : memref<1000x768xf32, #tpu.memory_space<hbm>>) dst(%arg9 : memref<48x768xf32, #tpu.memory_space<vmem>>)
      %add3A_277 = arith.addi %mul3A_2, %add3A_252 : i32
      %dma_start3A_278 = arith.constant 0 : i32
      %dma_start3A_279 = arith.constant 0 : i32
      %dma_start3A_280 = tpu.memref_slice %arg5[%add3A_277, %dma_start3A_278, %dma_start3A_279] : memref<4096x50x768xf32, #tpu.memory_space<hbm>> -> memref<1x48x768xf32, #tpu.memory_space<hbm>>
      %dma_start3A_281 = tpu.memref_squeeze %dma_start3A_280 : memref<1x48x768xf32, #tpu.memory_space<hbm>> -> memref<48x768xf32, #tpu.memory_space<hbm>>
      %dma_start3A_282 = arith.constant 0 : i32
      %dma_start3A_283 = arith.constant 0 : i32
      %dma_start3A_284 = tpu.memref_slice %arg5[%add3A_277, %dma_start3A_282, %dma_start3A_283] : memref<4096x50x768xf32, #tpu.memory_space<hbm>> -> memref<1x48x768xf32, #tpu.memory_space<hbm>>
      %dma_start3A_285 = tpu.memref_squeeze %dma_start3A_284 : memref<1x48x768xf32, #tpu.memory_space<hbm>> -> memref<48x768xf32, #tpu.memory_space<hbm>>
      tpu.enqueue_dma source(%arg9 : memref<48x768xf32, #tpu.memory_space<vmem>>) target(%dma_start3A_285 : memref<48x768xf32, #tpu.memory_space<hbm>>) target_semaphore(%arg15 : memref<!tpu.dma_semaphore, #tpu.memory_space<semaphore_mem>>)
      %add3A_286 = arith.addi %mul3A_2, %add3A_252 : i32
      %dma_start3A_287 = arith.constant 6 : i32
      %dma_start3A_288 = arith.constant 48 : i32
      %dma_start3A_289 = arith.constant 0 : i32
      %dma_start3A_290 = tpu.memref_slice %arg10[%dma_start3A_287, %dma_start3A_289] : memref<16x768xf32, #tpu.memory_space<vmem>> -> memref<1x768xf32, #tpu.memory_space<vmem>>
      %dma_start3A_291 = tpu.memref_squeeze %dma_start3A_290 : memref<1x768xf32, #tpu.memory_space<vmem>> -> memref<768xf32, #tpu.memory_space<vmem>>
      %dma_start3A_292 = arith.constant 0 : i32
      %dma_start3A_293 = tpu.memref_slice %arg5[%add3A_286, %dma_start3A_288, %dma_start3A_292] : memref<4096x50x768xf32, #tpu.memory_space<hbm>> -> memref<1x1x768xf32, #tpu.memory_space<hbm>>
      %dma_start3A_294 = tpu.memref_squeeze %dma_start3A_293 : memref<1x1x768xf32, #tpu.memory_space<hbm>> -> memref<768xf32, #tpu.memory_space<hbm>>
      %dma_start3A_295 = arith.constant 0 : i32
      %dma_start3A_296 = tpu.memref_slice %arg5[%add3A_286, %dma_start3A_288, %dma_start3A_295] : memref<4096x50x768xf32, #tpu.memory_space<hbm>> -> memref<1x1x768xf32, #tpu.memory_space<hbm>>
      %dma_start3A_297 = tpu.memref_squeeze %dma_start3A_296 : memref<1x1x768xf32, #tpu.memory_space<hbm>> -> memref<768xf32, #tpu.memory_space<hbm>>
      %dma_start3A_298 = arith.constant 0 : i32
      %dma_start3A_299 = tpu.memref_slice %arg10[%dma_start3A_287, %dma_start3A_298] : memref<16x768xf32, #tpu.memory_space<vmem>> -> memref<1x768xf32, #tpu.memory_space<vmem>>
      %dma_start3A_300 = tpu.memref_squeeze %dma_start3A_299 : memref<1x768xf32, #tpu.memory_space<vmem>> -> memref<768xf32, #tpu.memory_space<vmem>>
      tpu.enqueue_dma source(%dma_start3A_300 : memref<768xf32, #tpu.memory_space<vmem>>) target(%dma_start3A_297 : memref<768xf32, #tpu.memory_space<hbm>>) target_semaphore(%arg18 : memref<!tpu.dma_semaphore, #tpu.memory_space<semaphore_mem>>)
      %add3A_301 = arith.addi %mul3A_2, %add3A_252 : i32
      %dma_start3A_302 = arith.constant 7 : i32
      %dma_start3A_303 = arith.constant 49 : i32
      %dma_start3A_304 = arith.constant 0 : i32
      %dma_start3A_305 = tpu.memref_slice %arg10[%dma_start3A_302, %dma_start3A_304] : memref<16x768xf32, #tpu.memory_space<vmem>> -> memref<1x768xf32, #tpu.memory_space<vmem>>
      %dma_start3A_306 = tpu.memref_squeeze %dma_start3A_305 : memref<1x768xf32, #tpu.memory_space<vmem>> -> memref<768xf32, #tpu.memory_space<vmem>>
      %dma_start3A_307 = arith.constant 0 : i32
      %dma_start3A_308 = tpu.memref_slice %arg5[%add3A_301, %dma_start3A_303, %dma_start3A_307] : memref<4096x50x768xf32, #tpu.memory_space<hbm>> -> memref<1x1x768xf32, #tpu.memory_space<hbm>>
      %dma_start3A_309 = tpu.memref_squeeze %dma_start3A_308 : memref<1x1x768xf32, #tpu.memory_space<hbm>> -> memref<768xf32, #tpu.memory_space<hbm>>
      %dma_start3A_310 = arith.constant 0 : i32
      %dma_start3A_311 = tpu.memref_slice %arg5[%add3A_301, %dma_start3A_303, %dma_start3A_310] : memref<4096x50x768xf32, #tpu.memory_space<hbm>> -> memref<1x1x768xf32, #tpu.memory_space<hbm>>
      %dma_start3A_312 = tpu.memref_squeeze %dma_start3A_311 : memref<1x1x768xf32, #tpu.memory_space<hbm>> -> memref<768xf32, #tpu.memory_space<hbm>>
      %dma_start3A_313 = arith.constant 0 : i32
      %dma_start3A_314 = tpu.memref_slice %arg10[%dma_start3A_302, %dma_start3A_313] : memref<16x768xf32, #tpu.memory_space<vmem>> -> memref<1x768xf32, #tpu.memory_space<vmem>>
      %dma_start3A_315 = tpu.memref_squeeze %dma_start3A_314 : memref<1x768xf32, #tpu.memory_space<vmem>> -> memref<768xf32, #tpu.memory_space<vmem>>
      tpu.enqueue_dma source(%dma_start3A_315 : memref<768xf32, #tpu.memory_space<vmem>>) target(%dma_start3A_312 : memref<768xf32, #tpu.memory_space<hbm>>) target_semaphore(%arg18 : memref<!tpu.dma_semaphore, #tpu.memory_space<semaphore_mem>>)
      %mul3A_316 = arith.constant 8 : i32
      %mul3A_317 = arith.muli %add3A_46, %mul3A_316 : i32
      %add3A_318 = arith.constant 4 : i32
      %add3A_319 = arith.addi %mul3A_317, %add3A_318 : i32
      %sub3A_320 = arith.constant 1 : i32
      %sub3A_321 = arith.subi %add3A_319, %sub3A_320 : i32
      %ge3A_322 = arith.constant 0 : i32
      %ge3A_323 = arith.cmpi sge, %sub3A_321, %ge3A_322 : i32
      %convert_element_type3A_324 = arith.extui %ge3A_323 : i1 to i32
      %cond3A_325 = arith.constant 0 : i32
      %cond3A_326 = arith.cmpi ne, %convert_element_type3A_324, %cond3A_325 : i32
      scf.if %cond3A_326 {
        %dma_wait3A_1593 = arith.constant 0 : i32
        %dma_wait3A_1594 = arith.constant 0 : i32
        %dma_wait3A_1595 = tpu.memref_slice %arg5[%mul3A_2, %dma_wait3A_1593, %dma_wait3A_1594] : memref<4096x50x768xf32, #tpu.memory_space<hbm>> -> memref<1x48x768xf32, #tpu.memory_space<hbm>>
        %dma_wait3A_1596 = tpu.memref_squeeze %dma_wait3A_1595 : memref<1x48x768xf32, #tpu.memory_space<hbm>> -> memref<48x768xf32, #tpu.memory_space<hbm>>
        %dma_wait3A_1597 = arith.constant 0 : i32
        %dma_wait3A_1598 = arith.constant 0 : i32
        %dma_wait3A_1599 = tpu.memref_slice %arg5[%mul3A_2, %dma_wait3A_1597, %dma_wait3A_1598] : memref<4096x50x768xf32, #tpu.memory_space<hbm>> -> memref<1x48x768xf32, #tpu.memory_space<hbm>>
        %dma_wait3A_1600 = tpu.memref_squeeze %dma_wait3A_1599 : memref<1x48x768xf32, #tpu.memory_space<hbm>> -> memref<48x768xf32, #tpu.memory_space<hbm>>
        tpu.wait_dma2 semaphore(%arg15 : memref<!tpu.dma_semaphore, #tpu.memory_space<semaphore_mem>>) src(%arg9 : memref<48x768xf32, #tpu.memory_space<vmem>>) dst(%dma_wait3A_1600 : memref<48x768xf32, #tpu.memory_space<hbm>>)
      } else {
      }
      %ge3A_327 = arith.constant 0 : i32
      %ge3A_328 = arith.cmpi sge, %sub3A_321, %ge3A_327 : i32
      %add3A_329 = arith.constant 2 : i32
      %add3A_330 = arith.addi %sub3A_321, %add3A_329 : i32
      %lt3A_331 = arith.constant 128 : i32
      %lt3A_332 = arith.cmpi slt, %add3A_330, %lt3A_331 : i32
      %and3A_333 = arith.andi %ge3A_328, %lt3A_332 : i1
      %convert_element_type3A_334 = arith.extui %and3A_333 : i1 to i32
      %cond3A_335 = arith.constant 0 : i32
      %cond3A_336 = arith.cmpi ne, %convert_element_type3A_334, %cond3A_335 : i32
      scf.if %cond3A_336 {
        %add3A_1593 = arith.constant 2 : i32
        %add3A_1594 = arith.addi %sub3A_321, %add3A_1593 : i32
        %dma_start3A_1595 = arith.constant 0 : i32
        %dma_start3A_1596 = tpu.memref_slice %arg6[%add3A_1594, %dma_start3A_1595] : memref<128x48xi32, #tpu.memory_space<vmem>> -> memref<1x48xi32, #tpu.memory_space<vmem>>
        %dma_start3A_1597 = tpu.memref_squeeze %dma_start3A_1596 : memref<1x48xi32, #tpu.memory_space<vmem>> -> memref<48xi32, #tpu.memory_space<vmem>>
        %dma_start3A_1598 = arith.constant 0 : i32
        %dma_start3A_1599 = arith.constant 0 : i32
        %dma_start3A_1600 = tpu.memref_slice %arg4[%dma_start3A_1598, %dma_start3A_1599] : memref<1000x768xf32, #tpu.memory_space<hbm>> -> memref<1000x768xf32, #tpu.memory_space<hbm>>
        tpu.enqueue_indirect_dma source(%dma_start3A_1600 : memref<1000x768xf32, #tpu.memory_space<hbm>>) target(%arg9 : memref<48x768xf32, #tpu.memory_space<vmem>>) offsets(%dma_start3A_1597 : memref<48xi32, #tpu.memory_space<vmem>>) semaphore(%arg13 : memref<!tpu.dma_semaphore, #tpu.memory_space<semaphore_mem>>)
      } else {
      }
      %dma_wait3A_337 = arith.constant 0 : i32
      %dma_wait3A_338 = arith.constant 0 : i32
      %dma_wait3A_339 = tpu.memref_slice %arg6[%dma_wait3A_337, %dma_wait3A_338] : memref<128x48xi32, #tpu.memory_space<vmem>> -> memref<1x48xi32, #tpu.memory_space<vmem>>
      %dma_wait3A_340 = tpu.memref_squeeze %dma_wait3A_339 : memref<1x48xi32, #tpu.memory_space<vmem>> -> memref<48xi32, #tpu.memory_space<vmem>>
      %dma_wait3A_341 = arith.constant 0 : i32
      %dma_wait3A_342 = arith.constant 0 : i32
      %dma_wait3A_343 = tpu.memref_slice %arg4[%dma_wait3A_341, %dma_wait3A_342] : memref<1000x768xf32, #tpu.memory_space<hbm>> -> memref<1000x768xf32, #tpu.memory_space<hbm>>
      tpu.wait_indirect_dma semaphore(%arg12 : memref<!tpu.dma_semaphore, #tpu.memory_space<semaphore_mem>>) src(%dma_wait3A_343 : memref<1000x768xf32, #tpu.memory_space<hbm>>) dst(%arg8 : memref<48x768xf32, #tpu.memory_space<vmem>>)
      %add3A_344 = arith.addi %mul3A_2, %add3A_319 : i32
      %dma_start3A_345 = arith.constant 0 : i32
      %dma_start3A_346 = arith.constant 0 : i32
      %dma_start3A_347 = tpu.memref_slice %arg5[%add3A_344, %dma_start3A_345, %dma_start3A_346] : memref<4096x50x768xf32, #tpu.memory_space<hbm>> -> memref<1x48x768xf32, #tpu.memory_space<hbm>>
      %dma_start3A_348 = tpu.memref_squeeze %dma_start3A_347 : memref<1x48x768xf32, #tpu.memory_space<hbm>> -> memref<48x768xf32, #tpu.memory_space<hbm>>
      %dma_start3A_349 = arith.constant 0 : i32
      %dma_start3A_350 = arith.constant 0 : i32
      %dma_start3A_351 = tpu.memref_slice %arg5[%add3A_344, %dma_start3A_349, %dma_start3A_350] : memref<4096x50x768xf32, #tpu.memory_space<hbm>> -> memref<1x48x768xf32, #tpu.memory_space<hbm>>
      %dma_start3A_352 = tpu.memref_squeeze %dma_start3A_351 : memref<1x48x768xf32, #tpu.memory_space<hbm>> -> memref<48x768xf32, #tpu.memory_space<hbm>>
      tpu.enqueue_dma source(%arg8 : memref<48x768xf32, #tpu.memory_space<vmem>>) target(%dma_start3A_352 : memref<48x768xf32, #tpu.memory_space<hbm>>) target_semaphore(%arg14 : memref<!tpu.dma_semaphore, #tpu.memory_space<semaphore_mem>>)
      %add3A_353 = arith.addi %mul3A_2, %add3A_319 : i32
      %dma_start3A_354 = arith.constant 8 : i32
      %dma_start3A_355 = arith.constant 48 : i32
      %dma_start3A_356 = arith.constant 0 : i32
      %dma_start3A_357 = tpu.memref_slice %arg10[%dma_start3A_354, %dma_start3A_356] : memref<16x768xf32, #tpu.memory_space<vmem>> -> memref<1x768xf32, #tpu.memory_space<vmem>>
      %dma_start3A_358 = tpu.memref_squeeze %dma_start3A_357 : memref<1x768xf32, #tpu.memory_space<vmem>> -> memref<768xf32, #tpu.memory_space<vmem>>
      %dma_start3A_359 = arith.constant 0 : i32
      %dma_start3A_360 = tpu.memref_slice %arg5[%add3A_353, %dma_start3A_355, %dma_start3A_359] : memref<4096x50x768xf32, #tpu.memory_space<hbm>> -> memref<1x1x768xf32, #tpu.memory_space<hbm>>
      %dma_start3A_361 = tpu.memref_squeeze %dma_start3A_360 : memref<1x1x768xf32, #tpu.memory_space<hbm>> -> memref<768xf32, #tpu.memory_space<hbm>>
      %dma_start3A_362 = arith.constant 0 : i32
      %dma_start3A_363 = tpu.memref_slice %arg5[%add3A_353, %dma_start3A_355, %dma_start3A_362] : memref<4096x50x768xf32, #tpu.memory_space<hbm>> -> memref<1x1x768xf32, #tpu.memory_space<hbm>>
      %dma_start3A_364 = tpu.memref_squeeze %dma_start3A_363 : memref<1x1x768xf32, #tpu.memory_space<hbm>> -> memref<768xf32, #tpu.memory_space<hbm>>
      %dma_start3A_365 = arith.constant 0 : i32
      %dma_start3A_366 = tpu.memref_slice %arg10[%dma_start3A_354, %dma_start3A_365] : memref<16x768xf32, #tpu.memory_space<vmem>> -> memref<1x768xf32, #tpu.memory_space<vmem>>
      %dma_start3A_367 = tpu.memref_squeeze %dma_start3A_366 : memref<1x768xf32, #tpu.memory_space<vmem>> -> memref<768xf32, #tpu.memory_space<vmem>>
      tpu.enqueue_dma source(%dma_start3A_367 : memref<768xf32, #tpu.memory_space<vmem>>) target(%dma_start3A_364 : memref<768xf32, #tpu.memory_space<hbm>>) target_semaphore(%arg18 : memref<!tpu.dma_semaphore, #tpu.memory_space<semaphore_mem>>)
      %add3A_368 = arith.addi %mul3A_2, %add3A_319 : i32
      %dma_start3A_369 = arith.constant 9 : i32
      %dma_start3A_370 = arith.constant 49 : i32
      %dma_start3A_371 = arith.constant 0 : i32
      %dma_start3A_372 = tpu.memref_slice %arg10[%dma_start3A_369, %dma_start3A_371] : memref<16x768xf32, #tpu.memory_space<vmem>> -> memref<1x768xf32, #tpu.memory_space<vmem>>
      %dma_start3A_373 = tpu.memref_squeeze %dma_start3A_372 : memref<1x768xf32, #tpu.memory_space<vmem>> -> memref<768xf32, #tpu.memory_space<vmem>>
      %dma_start3A_374 = arith.constant 0 : i32
      %dma_start3A_375 = tpu.memref_slice %arg5[%add3A_368, %dma_start3A_370, %dma_start3A_374] : memref<4096x50x768xf32, #tpu.memory_space<hbm>> -> memref<1x1x768xf32, #tpu.memory_space<hbm>>
      %dma_start3A_376 = tpu.memref_squeeze %dma_start3A_375 : memref<1x1x768xf32, #tpu.memory_space<hbm>> -> memref<768xf32, #tpu.memory_space<hbm>>
      %dma_start3A_377 = arith.constant 0 : i32
      %dma_start3A_378 = tpu.memref_slice %arg5[%add3A_368, %dma_start3A_370, %dma_start3A_377] : memref<4096x50x768xf32, #tpu.memory_space<hbm>> -> memref<1x1x768xf32, #tpu.memory_space<hbm>>
      %dma_start3A_379 = tpu.memref_squeeze %dma_start3A_378 : memref<1x1x768xf32, #tpu.memory_space<hbm>> -> memref<768xf32, #tpu.memory_space<hbm>>
      %dma_start3A_380 = arith.constant 0 : i32
      %dma_start3A_381 = tpu.memref_slice %arg10[%dma_start3A_369, %dma_start3A_380] : memref<16x768xf32, #tpu.memory_space<vmem>> -> memref<1x768xf32, #tpu.memory_space<vmem>>
      %dma_start3A_382 = tpu.memref_squeeze %dma_start3A_381 : memref<1x768xf32, #tpu.memory_space<vmem>> -> memref<768xf32, #tpu.memory_space<vmem>>
      tpu.enqueue_dma source(%dma_start3A_382 : memref<768xf32, #tpu.memory_space<vmem>>) target(%dma_start3A_379 : memref<768xf32, #tpu.memory_space<hbm>>) target_semaphore(%arg18 : memref<!tpu.dma_semaphore, #tpu.memory_space<semaphore_mem>>)
      %mul3A_383 = arith.constant 8 : i32
      %mul3A_384 = arith.muli %add3A_46, %mul3A_383 : i32
      %add3A_385 = arith.constant 5 : i32
      %add3A_386 = arith.addi %mul3A_384, %add3A_385 : i32
      %sub3A_387 = arith.constant 1 : i32
      %sub3A_388 = arith.subi %add3A_386, %sub3A_387 : i32
      %ge3A_389 = arith.constant 0 : i32
      %ge3A_390 = arith.cmpi sge, %sub3A_388, %ge3A_389 : i32
      %convert_element_type3A_391 = arith.extui %ge3A_390 : i1 to i32
      %cond3A_392 = arith.constant 0 : i32
      %cond3A_393 = arith.cmpi ne, %convert_element_type3A_391, %cond3A_392 : i32
      scf.if %cond3A_393 {
        %dma_wait3A_1593 = arith.constant 0 : i32
        %dma_wait3A_1594 = arith.constant 0 : i32
        %dma_wait3A_1595 = tpu.memref_slice %arg5[%mul3A_2, %dma_wait3A_1593, %dma_wait3A_1594] : memref<4096x50x768xf32, #tpu.memory_space<hbm>> -> memref<1x48x768xf32, #tpu.memory_space<hbm>>
        %dma_wait3A_1596 = tpu.memref_squeeze %dma_wait3A_1595 : memref<1x48x768xf32, #tpu.memory_space<hbm>> -> memref<48x768xf32, #tpu.memory_space<hbm>>
        %dma_wait3A_1597 = arith.constant 0 : i32
        %dma_wait3A_1598 = arith.constant 0 : i32
        %dma_wait3A_1599 = tpu.memref_slice %arg5[%mul3A_2, %dma_wait3A_1597, %dma_wait3A_1598] : memref<4096x50x768xf32, #tpu.memory_space<hbm>> -> memref<1x48x768xf32, #tpu.memory_space<hbm>>
        %dma_wait3A_1600 = tpu.memref_squeeze %dma_wait3A_1599 : memref<1x48x768xf32, #tpu.memory_space<hbm>> -> memref<48x768xf32, #tpu.memory_space<hbm>>
        tpu.wait_dma2 semaphore(%arg14 : memref<!tpu.dma_semaphore, #tpu.memory_space<semaphore_mem>>) src(%arg8 : memref<48x768xf32, #tpu.memory_space<vmem>>) dst(%dma_wait3A_1600 : memref<48x768xf32, #tpu.memory_space<hbm>>)
      } else {
      }
      %ge3A_394 = arith.constant 0 : i32
      %ge3A_395 = arith.cmpi sge, %sub3A_388, %ge3A_394 : i32
      %add3A_396 = arith.constant 2 : i32
      %add3A_397 = arith.addi %sub3A_388, %add3A_396 : i32
      %lt3A_398 = arith.constant 128 : i32
      %lt3A_399 = arith.cmpi slt, %add3A_397, %lt3A_398 : i32
      %and3A_400 = arith.andi %ge3A_395, %lt3A_399 : i1
      %convert_element_type3A_401 = arith.extui %and3A_400 : i1 to i32
      %cond3A_402 = arith.constant 0 : i32
      %cond3A_403 = arith.cmpi ne, %convert_element_type3A_401, %cond3A_402 : i32
      scf.if %cond3A_403 {
        %add3A_1593 = arith.constant 2 : i32
        %add3A_1594 = arith.addi %sub3A_388, %add3A_1593 : i32
        %dma_start3A_1595 = arith.constant 0 : i32
        %dma_start3A_1596 = tpu.memref_slice %arg6[%add3A_1594, %dma_start3A_1595] : memref<128x48xi32, #tpu.memory_space<vmem>> -> memref<1x48xi32, #tpu.memory_space<vmem>>
        %dma_start3A_1597 = tpu.memref_squeeze %dma_start3A_1596 : memref<1x48xi32, #tpu.memory_space<vmem>> -> memref<48xi32, #tpu.memory_space<vmem>>
        %dma_start3A_1598 = arith.constant 0 : i32
        %dma_start3A_1599 = arith.constant 0 : i32
        %dma_start3A_1600 = tpu.memref_slice %arg4[%dma_start3A_1598, %dma_start3A_1599] : memref<1000x768xf32, #tpu.memory_space<hbm>> -> memref<1000x768xf32, #tpu.memory_space<hbm>>
        tpu.enqueue_indirect_dma source(%dma_start3A_1600 : memref<1000x768xf32, #tpu.memory_space<hbm>>) target(%arg8 : memref<48x768xf32, #tpu.memory_space<vmem>>) offsets(%dma_start3A_1597 : memref<48xi32, #tpu.memory_space<vmem>>) semaphore(%arg12 : memref<!tpu.dma_semaphore, #tpu.memory_space<semaphore_mem>>)
      } else {
      }
      %dma_wait3A_404 = arith.constant 0 : i32
      %dma_wait3A_405 = arith.constant 0 : i32
      %dma_wait3A_406 = tpu.memref_slice %arg6[%dma_wait3A_404, %dma_wait3A_405] : memref<128x48xi32, #tpu.memory_space<vmem>> -> memref<1x48xi32, #tpu.memory_space<vmem>>
      %dma_wait3A_407 = tpu.memref_squeeze %dma_wait3A_406 : memref<1x48xi32, #tpu.memory_space<vmem>> -> memref<48xi32, #tpu.memory_space<vmem>>
      %dma_wait3A_408 = arith.constant 0 : i32
      %dma_wait3A_409 = arith.constant 0 : i32
      %dma_wait3A_410 = tpu.memref_slice %arg4[%dma_wait3A_408, %dma_wait3A_409] : memref<1000x768xf32, #tpu.memory_space<hbm>> -> memref<1000x768xf32, #tpu.memory_space<hbm>>
      tpu.wait_indirect_dma semaphore(%arg13 : memref<!tpu.dma_semaphore, #tpu.memory_space<semaphore_mem>>) src(%dma_wait3A_410 : memref<1000x768xf32, #tpu.memory_space<hbm>>) dst(%arg9 : memref<48x768xf32, #tpu.memory_space<vmem>>)
      %add3A_411 = arith.addi %mul3A_2, %add3A_386 : i32
      %dma_start3A_412 = arith.constant 0 : i32
      %dma_start3A_413 = arith.constant 0 : i32
      %dma_start3A_414 = tpu.memref_slice %arg5[%add3A_411, %dma_start3A_412, %dma_start3A_413] : memref<4096x50x768xf32, #tpu.memory_space<hbm>> -> memref<1x48x768xf32, #tpu.memory_space<hbm>>
      %dma_start3A_415 = tpu.memref_squeeze %dma_start3A_414 : memref<1x48x768xf32, #tpu.memory_space<hbm>> -> memref<48x768xf32, #tpu.memory_space<hbm>>
      %dma_start3A_416 = arith.constant 0 : i32
      %dma_start3A_417 = arith.constant 0 : i32
      %dma_start3A_418 = tpu.memref_slice %arg5[%add3A_411, %dma_start3A_416, %dma_start3A_417] : memref<4096x50x768xf32, #tpu.memory_space<hbm>> -> memref<1x48x768xf32, #tpu.memory_space<hbm>>
      %dma_start3A_419 = tpu.memref_squeeze %dma_start3A_418 : memref<1x48x768xf32, #tpu.memory_space<hbm>> -> memref<48x768xf32, #tpu.memory_space<hbm>>
      tpu.enqueue_dma source(%arg9 : memref<48x768xf32, #tpu.memory_space<vmem>>) target(%dma_start3A_419 : memref<48x768xf32, #tpu.memory_space<hbm>>) target_semaphore(%arg15 : memref<!tpu.dma_semaphore, #tpu.memory_space<semaphore_mem>>)
      %add3A_420 = arith.addi %mul3A_2, %add3A_386 : i32
      %dma_start3A_421 = arith.constant 10 : i32
      %dma_start3A_422 = arith.constant 48 : i32
      %dma_start3A_423 = arith.constant 0 : i32
      %dma_start3A_424 = tpu.memref_slice %arg10[%dma_start3A_421, %dma_start3A_423] : memref<16x768xf32, #tpu.memory_space<vmem>> -> memref<1x768xf32, #tpu.memory_space<vmem>>
      %dma_start3A_425 = tpu.memref_squeeze %dma_start3A_424 : memref<1x768xf32, #tpu.memory_space<vmem>> -> memref<768xf32, #tpu.memory_space<vmem>>
      %dma_start3A_426 = arith.constant 0 : i32
      %dma_start3A_427 = tpu.memref_slice %arg5[%add3A_420, %dma_start3A_422, %dma_start3A_426] : memref<4096x50x768xf32, #tpu.memory_space<hbm>> -> memref<1x1x768xf32, #tpu.memory_space<hbm>>
      %dma_start3A_428 = tpu.memref_squeeze %dma_start3A_427 : memref<1x1x768xf32, #tpu.memory_space<hbm>> -> memref<768xf32, #tpu.memory_space<hbm>>
      %dma_start3A_429 = arith.constant 0 : i32
      %dma_start3A_430 = tpu.memref_slice %arg5[%add3A_420, %dma_start3A_422, %dma_start3A_429] : memref<4096x50x768xf32, #tpu.memory_space<hbm>> -> memref<1x1x768xf32, #tpu.memory_space<hbm>>
      %dma_start3A_431 = tpu.memref_squeeze %dma_start3A_430 : memref<1x1x768xf32, #tpu.memory_space<hbm>> -> memref<768xf32, #tpu.memory_space<hbm>>
      %dma_start3A_432 = arith.constant 0 : i32
      %dma_start3A_433 = tpu.memref_slice %arg10[%dma_start3A_421, %dma_start3A_432] : memref<16x768xf32, #tpu.memory_space<vmem>> -> memref<1x768xf32, #tpu.memory_space<vmem>>
      %dma_start3A_434 = tpu.memref_squeeze %dma_start3A_433 : memref<1x768xf32, #tpu.memory_space<vmem>> -> memref<768xf32, #tpu.memory_space<vmem>>
      tpu.enqueue_dma source(%dma_start3A_434 : memref<768xf32, #tpu.memory_space<vmem>>) target(%dma_start3A_431 : memref<768xf32, #tpu.memory_space<hbm>>) target_semaphore(%arg18 : memref<!tpu.dma_semaphore, #tpu.memory_space<semaphore_mem>>)
      %add3A_435 = arith.addi %mul3A_2, %add3A_386 : i32
      %dma_start3A_436 = arith.constant 11 : i32
      %dma_start3A_437 = arith.constant 49 : i32
      %dma_start3A_438 = arith.constant 0 : i32
      %dma_start3A_439 = tpu.memref_slice %arg10[%dma_start3A_436, %dma_start3A_438] : memref<16x768xf32, #tpu.memory_space<vmem>> -> memref<1x768xf32, #tpu.memory_space<vmem>>
      %dma_start3A_440 = tpu.memref_squeeze %dma_start3A_439 : memref<1x768xf32, #tpu.memory_space<vmem>> -> memref<768xf32, #tpu.memory_space<vmem>>
      %dma_start3A_441 = arith.constant 0 : i32
      %dma_start3A_442 = tpu.memref_slice %arg5[%add3A_435, %dma_start3A_437, %dma_start3A_441] : memref<4096x50x768xf32, #tpu.memory_space<hbm>> -> memref<1x1x768xf32, #tpu.memory_space<hbm>>
      %dma_start3A_443 = tpu.memref_squeeze %dma_start3A_442 : memref<1x1x768xf32, #tpu.memory_space<hbm>> -> memref<768xf32, #tpu.memory_space<hbm>>
      %dma_start3A_444 = arith.constant 0 : i32
      %dma_start3A_445 = tpu.memref_slice %arg5[%add3A_435, %dma_start3A_437, %dma_start3A_444] : memref<4096x50x768xf32, #tpu.memory_space<hbm>> -> memref<1x1x768xf32, #tpu.memory_space<hbm>>
      %dma_start3A_446 = tpu.memref_squeeze %dma_start3A_445 : memref<1x1x768xf32, #tpu.memory_space<hbm>> -> memref<768xf32, #tpu.memory_space<hbm>>
      %dma_start3A_447 = arith.constant 0 : i32
      %dma_start3A_448 = tpu.memref_slice %arg10[%dma_start3A_436, %dma_start3A_447] : memref<16x768xf32, #tpu.memory_space<vmem>> -> memref<1x768xf32, #tpu.memory_space<vmem>>
      %dma_start3A_449 = tpu.memref_squeeze %dma_start3A_448 : memref<1x768xf32, #tpu.memory_space<vmem>> -> memref<768xf32, #tpu.memory_space<vmem>>
      tpu.enqueue_dma source(%dma_start3A_449 : memref<768xf32, #tpu.memory_space<vmem>>) target(%dma_start3A_446 : memref<768xf32, #tpu.memory_space<hbm>>) target_semaphore(%arg18 : memref<!tpu.dma_semaphore, #tpu.memory_space<semaphore_mem>>)
      %mul3A_450 = arith.constant 8 : i32
      %mul3A_451 = arith.muli %add3A_46, %mul3A_450 : i32
      %add3A_452 = arith.constant 6 : i32
      %add3A_453 = arith.addi %mul3A_451, %add3A_452 : i32
      %sub3A_454 = arith.constant 1 : i32
      %sub3A_455 = arith.subi %add3A_453, %sub3A_454 : i32
      %ge3A_456 = arith.constant 0 : i32
      %ge3A_457 = arith.cmpi sge, %sub3A_455, %ge3A_456 : i32
      %convert_element_type3A_458 = arith.extui %ge3A_457 : i1 to i32
      %cond3A_459 = arith.constant 0 : i32
      %cond3A_460 = arith.cmpi ne, %convert_element_type3A_458, %cond3A_459 : i32
      scf.if %cond3A_460 {
        %dma_wait3A_1593 = arith.constant 0 : i32
        %dma_wait3A_1594 = arith.constant 0 : i32
        %dma_wait3A_1595 = tpu.memref_slice %arg5[%mul3A_2, %dma_wait3A_1593, %dma_wait3A_1594] : memref<4096x50x768xf32, #tpu.memory_space<hbm>> -> memref<1x48x768xf32, #tpu.memory_space<hbm>>
        %dma_wait3A_1596 = tpu.memref_squeeze %dma_wait3A_1595 : memref<1x48x768xf32, #tpu.memory_space<hbm>> -> memref<48x768xf32, #tpu.memory_space<hbm>>
        %dma_wait3A_1597 = arith.constant 0 : i32
        %dma_wait3A_1598 = arith.constant 0 : i32
        %dma_wait3A_1599 = tpu.memref_slice %arg5[%mul3A_2, %dma_wait3A_1597, %dma_wait3A_1598] : memref<4096x50x768xf32, #tpu.memory_space<hbm>> -> memref<1x48x768xf32, #tpu.memory_space<hbm>>
        %dma_wait3A_1600 = tpu.memref_squeeze %dma_wait3A_1599 : memref<1x48x768xf32, #tpu.memory_space<hbm>> -> memref<48x768xf32, #tpu.memory_space<hbm>>
        tpu.wait_dma2 semaphore(%arg15 : memref<!tpu.dma_semaphore, #tpu.memory_space<semaphore_mem>>) src(%arg9 : memref<48x768xf32, #tpu.memory_space<vmem>>) dst(%dma_wait3A_1600 : memref<48x768xf32, #tpu.memory_space<hbm>>)
      } else {
      }
      %ge3A_461 = arith.constant 0 : i32
      %ge3A_462 = arith.cmpi sge, %sub3A_455, %ge3A_461 : i32
      %add3A_463 = arith.constant 2 : i32
      %add3A_464 = arith.addi %sub3A_455, %add3A_463 : i32
      %lt3A_465 = arith.constant 128 : i32
      %lt3A_466 = arith.cmpi slt, %add3A_464, %lt3A_465 : i32
      %and3A_467 = arith.andi %ge3A_462, %lt3A_466 : i1
      %convert_element_type3A_468 = arith.extui %and3A_467 : i1 to i32
      %cond3A_469 = arith.constant 0 : i32
      %cond3A_470 = arith.cmpi ne, %convert_element_type3A_468, %cond3A_469 : i32
      scf.if %cond3A_470 {
        %add3A_1593 = arith.constant 2 : i32
        %add3A_1594 = arith.addi %sub3A_455, %add3A_1593 : i32
        %dma_start3A_1595 = arith.constant 0 : i32
        %dma_start3A_1596 = tpu.memref_slice %arg6[%add3A_1594, %dma_start3A_1595] : memref<128x48xi32, #tpu.memory_space<vmem>> -> memref<1x48xi32, #tpu.memory_space<vmem>>
        %dma_start3A_1597 = tpu.memref_squeeze %dma_start3A_1596 : memref<1x48xi32, #tpu.memory_space<vmem>> -> memref<48xi32, #tpu.memory_space<vmem>>
        %dma_start3A_1598 = arith.constant 0 : i32
        %dma_start3A_1599 = arith.constant 0 : i32
        %dma_start3A_1600 = tpu.memref_slice %arg4[%dma_start3A_1598, %dma_start3A_1599] : memref<1000x768xf32, #tpu.memory_space<hbm>> -> memref<1000x768xf32, #tpu.memory_space<hbm>>
        tpu.enqueue_indirect_dma source(%dma_start3A_1600 : memref<1000x768xf32, #tpu.memory_space<hbm>>) target(%arg9 : memref<48x768xf32, #tpu.memory_space<vmem>>) offsets(%dma_start3A_1597 : memref<48xi32, #tpu.memory_space<vmem>>) semaphore(%arg13 : memref<!tpu.dma_semaphore, #tpu.memory_space<semaphore_mem>>)
      } else {
      }
      %dma_wait3A_471 = arith.constant 0 : i32
      %dma_wait3A_472 = arith.constant 0 : i32
      %dma_wait3A_473 = tpu.memref_slice %arg6[%dma_wait3A_471, %dma_wait3A_472] : memref<128x48xi32, #tpu.memory_space<vmem>> -> memref<1x48xi32, #tpu.memory_space<vmem>>
      %dma_wait3A_474 = tpu.memref_squeeze %dma_wait3A_473 : memref<1x48xi32, #tpu.memory_space<vmem>> -> memref<48xi32, #tpu.memory_space<vmem>>
      %dma_wait3A_475 = arith.constant 0 : i32
      %dma_wait3A_476 = arith.constant 0 : i32
      %dma_wait3A_477 = tpu.memref_slice %arg4[%dma_wait3A_475, %dma_wait3A_476] : memref<1000x768xf32, #tpu.memory_space<hbm>> -> memref<1000x768xf32, #tpu.memory_space<hbm>>
      tpu.wait_indirect_dma semaphore(%arg12 : memref<!tpu.dma_semaphore, #tpu.memory_space<semaphore_mem>>) src(%dma_wait3A_477 : memref<1000x768xf32, #tpu.memory_space<hbm>>) dst(%arg8 : memref<48x768xf32, #tpu.memory_space<vmem>>)
      %add3A_478 = arith.addi %mul3A_2, %add3A_453 : i32
      %dma_start3A_479 = arith.constant 0 : i32
      %dma_start3A_480 = arith.constant 0 : i32
      %dma_start3A_481 = tpu.memref_slice %arg5[%add3A_478, %dma_start3A_479, %dma_start3A_480] : memref<4096x50x768xf32, #tpu.memory_space<hbm>> -> memref<1x48x768xf32, #tpu.memory_space<hbm>>
      %dma_start3A_482 = tpu.memref_squeeze %dma_start3A_481 : memref<1x48x768xf32, #tpu.memory_space<hbm>> -> memref<48x768xf32, #tpu.memory_space<hbm>>
      %dma_start3A_483 = arith.constant 0 : i32
      %dma_start3A_484 = arith.constant 0 : i32
      %dma_start3A_485 = tpu.memref_slice %arg5[%add3A_478, %dma_start3A_483, %dma_start3A_484] : memref<4096x50x768xf32, #tpu.memory_space<hbm>> -> memref<1x48x768xf32, #tpu.memory_space<hbm>>
      %dma_start3A_486 = tpu.memref_squeeze %dma_start3A_485 : memref<1x48x768xf32, #tpu.memory_space<hbm>> -> memref<48x768xf32, #tpu.memory_space<hbm>>
      tpu.enqueue_dma source(%arg8 : memref<48x768xf32, #tpu.memory_space<vmem>>) target(%dma_start3A_486 : memref<48x768xf32, #tpu.memory_space<hbm>>) target_semaphore(%arg14 : memref<!tpu.dma_semaphore, #tpu.memory_space<semaphore_mem>>)
      %add3A_487 = arith.addi %mul3A_2, %add3A_453 : i32
      %dma_start3A_488 = arith.constant 12 : i32
      %dma_start3A_489 = arith.constant 48 : i32
      %dma_start3A_490 = arith.constant 0 : i32
      %dma_start3A_491 = tpu.memref_slice %arg10[%dma_start3A_488, %dma_start3A_490] : memref<16x768xf32, #tpu.memory_space<vmem>> -> memref<1x768xf32, #tpu.memory_space<vmem>>
      %dma_start3A_492 = tpu.memref_squeeze %dma_start3A_491 : memref<1x768xf32, #tpu.memory_space<vmem>> -> memref<768xf32, #tpu.memory_space<vmem>>
      %dma_start3A_493 = arith.constant 0 : i32
      %dma_start3A_494 = tpu.memref_slice %arg5[%add3A_487, %dma_start3A_489, %dma_start3A_493] : memref<4096x50x768xf32, #tpu.memory_space<hbm>> -> memref<1x1x768xf32, #tpu.memory_space<hbm>>
      %dma_start3A_495 = tpu.memref_squeeze %dma_start3A_494 : memref<1x1x768xf32, #tpu.memory_space<hbm>> -> memref<768xf32, #tpu.memory_space<hbm>>
      %dma_start3A_496 = arith.constant 0 : i32
      %dma_start3A_497 = tpu.memref_slice %arg5[%add3A_487, %dma_start3A_489, %dma_start3A_496] : memref<4096x50x768xf32, #tpu.memory_space<hbm>> -> memref<1x1x768xf32, #tpu.memory_space<hbm>>
      %dma_start3A_498 = tpu.memref_squeeze %dma_start3A_497 : memref<1x1x768xf32, #tpu.memory_space<hbm>> -> memref<768xf32, #tpu.memory_space<hbm>>
      %dma_start3A_499 = arith.constant 0 : i32
      %dma_start3A_500 = tpu.memref_slice %arg10[%dma_start3A_488, %dma_start3A_499] : memref<16x768xf32, #tpu.memory_space<vmem>> -> memref<1x768xf32, #tpu.memory_space<vmem>>
      %dma_start3A_501 = tpu.memref_squeeze %dma_start3A_500 : memref<1x768xf32, #tpu.memory_space<vmem>> -> memref<768xf32, #tpu.memory_space<vmem>>
      tpu.enqueue_dma source(%dma_start3A_501 : memref<768xf32, #tpu.memory_space<vmem>>) target(%dma_start3A_498 : memref<768xf32, #tpu.memory_space<hbm>>) target_semaphore(%arg18 : memref<!tpu.dma_semaphore, #tpu.memory_space<semaphore_mem>>)
      %add3A_502 = arith.addi %mul3A_2, %add3A_453 : i32
      %dma_start3A_503 = arith.constant 13 : i32
      %dma_start3A_504 = arith.constant 49 : i32
      %dma_start3A_505 = arith.constant 0 : i32
      %dma_start3A_506 = tpu.memref_slice %arg10[%dma_start3A_503, %dma_start3A_505] : memref<16x768xf32, #tpu.memory_space<vmem>> -> memref<1x768xf32, #tpu.memory_space<vmem>>
      %dma_start3A_507 = tpu.memref_squeeze %dma_start3A_506 : memref<1x768xf32, #tpu.memory_space<vmem>> -> memref<768xf32, #tpu.memory_space<vmem>>
      %dma_start3A_508 = arith.constant 0 : i32
      %dma_start3A_509 = tpu.memref_slice %arg5[%add3A_502, %dma_start3A_504, %dma_start3A_508] : memref<4096x50x768xf32, #tpu.memory_space<hbm>> -> memref<1x1x768xf32, #tpu.memory_space<hbm>>
      %dma_start3A_510 = tpu.memref_squeeze %dma_start3A_509 : memref<1x1x768xf32, #tpu.memory_space<hbm>> -> memref<768xf32, #tpu.memory_space<hbm>>
      %dma_start3A_511 = arith.constant 0 : i32
      %dma_start3A_512 = tpu.memref_slice %arg5[%add3A_502, %dma_start3A_504, %dma_start3A_511] : memref<4096x50x768xf32, #tpu.memory_space<hbm>> -> memref<1x1x768xf32, #tpu.memory_space<hbm>>
      %dma_start3A_513 = tpu.memref_squeeze %dma_start3A_512 : memref<1x1x768xf32, #tpu.memory_space<hbm>> -> memref<768xf32, #tpu.memory_space<hbm>>
      %dma_start3A_514 = arith.constant 0 : i32
      %dma_start3A_515 = tpu.memref_slice %arg10[%dma_start3A_503, %dma_start3A_514] : memref<16x768xf32, #tpu.memory_space<vmem>> -> memref<1x768xf32, #tpu.memory_space<vmem>>
      %dma_start3A_516 = tpu.memref_squeeze %dma_start3A_515 : memref<1x768xf32, #tpu.memory_space<vmem>> -> memref<768xf32, #tpu.memory_space<vmem>>
      tpu.enqueue_dma source(%dma_start3A_516 : memref<768xf32, #tpu.memory_space<vmem>>) target(%dma_start3A_513 : memref<768xf32, #tpu.memory_space<hbm>>) target_semaphore(%arg18 : memref<!tpu.dma_semaphore, #tpu.memory_space<semaphore_mem>>)
      %mul3A_517 = arith.constant 8 : i32
      %mul3A_518 = arith.muli %add3A_46, %mul3A_517 : i32
      %add3A_519 = arith.constant 7 : i32
      %add3A_520 = arith.addi %mul3A_518, %add3A_519 : i32
      %sub3A_521 = arith.constant 1 : i32
      %sub3A_522 = arith.subi %add3A_520, %sub3A_521 : i32
      %ge3A_523 = arith.constant 0 : i32
      %ge3A_524 = arith.cmpi sge, %sub3A_522, %ge3A_523 : i32
      %convert_element_type3A_525 = arith.extui %ge3A_524 : i1 to i32
      %cond3A_526 = arith.constant 0 : i32
      %cond3A_527 = arith.cmpi ne, %convert_element_type3A_525, %cond3A_526 : i32
      scf.if %cond3A_527 {
        %dma_wait3A_1593 = arith.constant 0 : i32
        %dma_wait3A_1594 = arith.constant 0 : i32
        %dma_wait3A_1595 = tpu.memref_slice %arg5[%mul3A_2, %dma_wait3A_1593, %dma_wait3A_1594] : memref<4096x50x768xf32, #tpu.memory_space<hbm>> -> memref<1x48x768xf32, #tpu.memory_space<hbm>>
        %dma_wait3A_1596 = tpu.memref_squeeze %dma_wait3A_1595 : memref<1x48x768xf32, #tpu.memory_space<hbm>> -> memref<48x768xf32, #tpu.memory_space<hbm>>
        %dma_wait3A_1597 = arith.constant 0 : i32
        %dma_wait3A_1598 = arith.constant 0 : i32
        %dma_wait3A_1599 = tpu.memref_slice %arg5[%mul3A_2, %dma_wait3A_1597, %dma_wait3A_1598] : memref<4096x50x768xf32, #tpu.memory_space<hbm>> -> memref<1x48x768xf32, #tpu.memory_space<hbm>>
        %dma_wait3A_1600 = tpu.memref_squeeze %dma_wait3A_1599 : memref<1x48x768xf32, #tpu.memory_space<hbm>> -> memref<48x768xf32, #tpu.memory_space<hbm>>
        tpu.wait_dma2 semaphore(%arg14 : memref<!tpu.dma_semaphore, #tpu.memory_space<semaphore_mem>>) src(%arg8 : memref<48x768xf32, #tpu.memory_space<vmem>>) dst(%dma_wait3A_1600 : memref<48x768xf32, #tpu.memory_space<hbm>>)
      } else {
      }
      %ge3A_528 = arith.constant 0 : i32
      %ge3A_529 = arith.cmpi sge, %sub3A_522, %ge3A_528 : i32
      %add3A_530 = arith.constant 2 : i32
      %add3A_531 = arith.addi %sub3A_522, %add3A_530 : i32
      %lt3A_532 = arith.constant 128 : i32
      %lt3A_533 = arith.cmpi slt, %add3A_531, %lt3A_532 : i32
      %and3A_534 = arith.andi %ge3A_529, %lt3A_533 : i1
      %convert_element_type3A_535 = arith.extui %and3A_534 : i1 to i32
      %cond3A_536 = arith.constant 0 : i32
      %cond3A_537 = arith.cmpi ne, %convert_element_type3A_535, %cond3A_536 : i32
      scf.if %cond3A_537 {
        %add3A_1593 = arith.constant 2 : i32
        %add3A_1594 = arith.addi %sub3A_522, %add3A_1593 : i32
        %dma_start3A_1595 = arith.constant 0 : i32
        %dma_start3A_1596 = tpu.memref_slice %arg6[%add3A_1594, %dma_start3A_1595] : memref<128x48xi32, #tpu.memory_space<vmem>> -> memref<1x48xi32, #tpu.memory_space<vmem>>
        %dma_start3A_1597 = tpu.memref_squeeze %dma_start3A_1596 : memref<1x48xi32, #tpu.memory_space<vmem>> -> memref<48xi32, #tpu.memory_space<vmem>>
        %dma_start3A_1598 = arith.constant 0 : i32
        %dma_start3A_1599 = arith.constant 0 : i32
        %dma_start3A_1600 = tpu.memref_slice %arg4[%dma_start3A_1598, %dma_start3A_1599] : memref<1000x768xf32, #tpu.memory_space<hbm>> -> memref<1000x768xf32, #tpu.memory_space<hbm>>
        tpu.enqueue_indirect_dma source(%dma_start3A_1600 : memref<1000x768xf32, #tpu.memory_space<hbm>>) target(%arg8 : memref<48x768xf32, #tpu.memory_space<vmem>>) offsets(%dma_start3A_1597 : memref<48xi32, #tpu.memory_space<vmem>>) semaphore(%arg12 : memref<!tpu.dma_semaphore, #tpu.memory_space<semaphore_mem>>)
      } else {
      }
      %dma_wait3A_538 = arith.constant 0 : i32
      %dma_wait3A_539 = arith.constant 0 : i32
      %dma_wait3A_540 = tpu.memref_slice %arg6[%dma_wait3A_538, %dma_wait3A_539] : memref<128x48xi32, #tpu.memory_space<vmem>> -> memref<1x48xi32, #tpu.memory_space<vmem>>
      %dma_wait3A_541 = tpu.memref_squeeze %dma_wait3A_540 : memref<1x48xi32, #tpu.memory_space<vmem>> -> memref<48xi32, #tpu.memory_space<vmem>>
      %dma_wait3A_542 = arith.constant 0 : i32
      %dma_wait3A_543 = arith.constant 0 : i32
      %dma_wait3A_544 = tpu.memref_slice %arg4[%dma_wait3A_542, %dma_wait3A_543] : memref<1000x768xf32, #tpu.memory_space<hbm>> -> memref<1000x768xf32, #tpu.memory_space<hbm>>
      tpu.wait_indirect_dma semaphore(%arg13 : memref<!tpu.dma_semaphore, #tpu.memory_space<semaphore_mem>>) src(%dma_wait3A_544 : memref<1000x768xf32, #tpu.memory_space<hbm>>) dst(%arg9 : memref<48x768xf32, #tpu.memory_space<vmem>>)
      %add3A_545 = arith.addi %mul3A_2, %add3A_520 : i32
      %dma_start3A_546 = arith.constant 0 : i32
      %dma_start3A_547 = arith.constant 0 : i32
      %dma_start3A_548 = tpu.memref_slice %arg5[%add3A_545, %dma_start3A_546, %dma_start3A_547] : memref<4096x50x768xf32, #tpu.memory_space<hbm>> -> memref<1x48x768xf32, #tpu.memory_space<hbm>>
      %dma_start3A_549 = tpu.memref_squeeze %dma_start3A_548 : memref<1x48x768xf32, #tpu.memory_space<hbm>> -> memref<48x768xf32, #tpu.memory_space<hbm>>
      %dma_start3A_550 = arith.constant 0 : i32
      %dma_start3A_551 = arith.constant 0 : i32
      %dma_start3A_552 = tpu.memref_slice %arg5[%add3A_545, %dma_start3A_550, %dma_start3A_551] : memref<4096x50x768xf32, #tpu.memory_space<hbm>> -> memref<1x48x768xf32, #tpu.memory_space<hbm>>
      %dma_start3A_553 = tpu.memref_squeeze %dma_start3A_552 : memref<1x48x768xf32, #tpu.memory_space<hbm>> -> memref<48x768xf32, #tpu.memory_space<hbm>>
      tpu.enqueue_dma source(%arg9 : memref<48x768xf32, #tpu.memory_space<vmem>>) target(%dma_start3A_553 : memref<48x768xf32, #tpu.memory_space<hbm>>) target_semaphore(%arg15 : memref<!tpu.dma_semaphore, #tpu.memory_space<semaphore_mem>>)
      %add3A_554 = arith.addi %mul3A_2, %add3A_520 : i32
      %dma_start3A_555 = arith.constant 14 : i32
      %dma_start3A_556 = arith.constant 48 : i32
      %dma_start3A_557 = arith.constant 0 : i32
      %dma_start3A_558 = tpu.memref_slice %arg10[%dma_start3A_555, %dma_start3A_557] : memref<16x768xf32, #tpu.memory_space<vmem>> -> memref<1x768xf32, #tpu.memory_space<vmem>>
      %dma_start3A_559 = tpu.memref_squeeze %dma_start3A_558 : memref<1x768xf32, #tpu.memory_space<vmem>> -> memref<768xf32, #tpu.memory_space<vmem>>
      %dma_start3A_560 = arith.constant 0 : i32
      %dma_start3A_561 = tpu.memref_slice %arg5[%add3A_554, %dma_start3A_556, %dma_start3A_560] : memref<4096x50x768xf32, #tpu.memory_space<hbm>> -> memref<1x1x768xf32, #tpu.memory_space<hbm>>
      %dma_start3A_562 = tpu.memref_squeeze %dma_start3A_561 : memref<1x1x768xf32, #tpu.memory_space<hbm>> -> memref<768xf32, #tpu.memory_space<hbm>>
      %dma_start3A_563 = arith.constant 0 : i32
      %dma_start3A_564 = tpu.memref_slice %arg5[%add3A_554, %dma_start3A_556, %dma_start3A_563] : memref<4096x50x768xf32, #tpu.memory_space<hbm>> -> memref<1x1x768xf32, #tpu.memory_space<hbm>>
      %dma_start3A_565 = tpu.memref_squeeze %dma_start3A_564 : memref<1x1x768xf32, #tpu.memory_space<hbm>> -> memref<768xf32, #tpu.memory_space<hbm>>
      %dma_start3A_566 = arith.constant 0 : i32
      %dma_start3A_567 = tpu.memref_slice %arg10[%dma_start3A_555, %dma_start3A_566] : memref<16x768xf32, #tpu.memory_space<vmem>> -> memref<1x768xf32, #tpu.memory_space<vmem>>
      %dma_start3A_568 = tpu.memref_squeeze %dma_start3A_567 : memref<1x768xf32, #tpu.memory_space<vmem>> -> memref<768xf32, #tpu.memory_space<vmem>>
      tpu.enqueue_dma source(%dma_start3A_568 : memref<768xf32, #tpu.memory_space<vmem>>) target(%dma_start3A_565 : memref<768xf32, #tpu.memory_space<hbm>>) target_semaphore(%arg18 : memref<!tpu.dma_semaphore, #tpu.memory_space<semaphore_mem>>)
      %add3A_569 = arith.addi %mul3A_2, %add3A_520 : i32
      %dma_start3A_570 = arith.constant 15 : i32
      %dma_start3A_571 = arith.constant 49 : i32
      %dma_start3A_572 = arith.constant 0 : i32
      %dma_start3A_573 = tpu.memref_slice %arg10[%dma_start3A_570, %dma_start3A_572] : memref<16x768xf32, #tpu.memory_space<vmem>> -> memref<1x768xf32, #tpu.memory_space<vmem>>
      %dma_start3A_574 = tpu.memref_squeeze %dma_start3A_573 : memref<1x768xf32, #tpu.memory_space<vmem>> -> memref<768xf32, #tpu.memory_space<vmem>>
      %dma_start3A_575 = arith.constant 0 : i32
      %dma_start3A_576 = tpu.memref_slice %arg5[%add3A_569, %dma_start3A_571, %dma_start3A_575] : memref<4096x50x768xf32, #tpu.memory_space<hbm>> -> memref<1x1x768xf32, #tpu.memory_space<hbm>>
      %dma_start3A_577 = tpu.memref_squeeze %dma_start3A_576 : memref<1x1x768xf32, #tpu.memory_space<hbm>> -> memref<768xf32, #tpu.memory_space<hbm>>
      %dma_start3A_578 = arith.constant 0 : i32
      %dma_start3A_579 = tpu.memref_slice %arg5[%add3A_569, %dma_start3A_571, %dma_start3A_578] : memref<4096x50x768xf32, #tpu.memory_space<hbm>> -> memref<1x1x768xf32, #tpu.memory_space<hbm>>
      %dma_start3A_580 = tpu.memref_squeeze %dma_start3A_579 : memref<1x1x768xf32, #tpu.memory_space<hbm>> -> memref<768xf32, #tpu.memory_space<hbm>>
      %dma_start3A_581 = arith.constant 0 : i32
      %dma_start3A_582 = tpu.memref_slice %arg10[%dma_start3A_570, %dma_start3A_581] : memref<16x768xf32, #tpu.memory_space<vmem>> -> memref<1x768xf32, #tpu.memory_space<vmem>>
      %dma_start3A_583 = tpu.memref_squeeze %dma_start3A_582 : memref<1x768xf32, #tpu.memory_space<vmem>> -> memref<768xf32, #tpu.memory_space<vmem>>
      tpu.enqueue_dma source(%dma_start3A_583 : memref<768xf32, #tpu.memory_space<vmem>>) target(%dma_start3A_580 : memref<768xf32, #tpu.memory_space<hbm>>) target_semaphore(%arg18 : memref<!tpu.dma_semaphore, #tpu.memory_space<semaphore_mem>>)
      %dma_wait3A_584 = arith.constant 0 : i32
      %dma_wait3A_585 = arith.constant 48 : i32
      %dma_wait3A_586 = arith.constant 0 : i32
      %dma_wait3A_587 = tpu.memref_slice %arg10[%dma_wait3A_584, %dma_wait3A_586] : memref<16x768xf32, #tpu.memory_space<vmem>> -> memref<1x768xf32, #tpu.memory_space<vmem>>
      %dma_wait3A_588 = tpu.memref_squeeze %dma_wait3A_587 : memref<1x768xf32, #tpu.memory_space<vmem>> -> memref<768xf32, #tpu.memory_space<vmem>>
      %dma_wait3A_589 = arith.constant 0 : i32
      %dma_wait3A_590 = tpu.memref_slice %arg5[%mul3A_2, %dma_wait3A_585, %dma_wait3A_589] : memref<4096x50x768xf32, #tpu.memory_space<hbm>> -> memref<1x1x768xf32, #tpu.memory_space<hbm>>
      %dma_wait3A_591 = tpu.memref_squeeze %dma_wait3A_590 : memref<1x1x768xf32, #tpu.memory_space<hbm>> -> memref<768xf32, #tpu.memory_space<hbm>>
      %dma_wait3A_592 = arith.constant 0 : i32
      %dma_wait3A_593 = tpu.memref_slice %arg5[%mul3A_2, %dma_wait3A_585, %dma_wait3A_592] : memref<4096x50x768xf32, #tpu.memory_space<hbm>> -> memref<1x1x768xf32, #tpu.memory_space<hbm>>
      %dma_wait3A_594 = tpu.memref_squeeze %dma_wait3A_593 : memref<1x1x768xf32, #tpu.memory_space<hbm>> -> memref<768xf32, #tpu.memory_space<hbm>>
      %dma_wait3A_595 = arith.constant 0 : i32
      %dma_wait3A_596 = tpu.memref_slice %arg10[%dma_wait3A_584, %dma_wait3A_595] : memref<16x768xf32, #tpu.memory_space<vmem>> -> memref<1x768xf32, #tpu.memory_space<vmem>>
      %dma_wait3A_597 = tpu.memref_squeeze %dma_wait3A_596 : memref<1x768xf32, #tpu.memory_space<vmem>> -> memref<768xf32, #tpu.memory_space<vmem>>
      tpu.wait_dma2 semaphore(%arg18 : memref<!tpu.dma_semaphore, #tpu.memory_space<semaphore_mem>>) src(%dma_wait3A_597 : memref<768xf32, #tpu.memory_space<vmem>>) dst(%dma_wait3A_594 : memref<768xf32, #tpu.memory_space<hbm>>)
      %dma_wait3A_598 = arith.constant 0 : i32
      %dma_wait3A_599 = arith.constant 48 : i32
      %dma_wait3A_600 = arith.constant 0 : i32
      %dma_wait3A_601 = tpu.memref_slice %arg10[%dma_wait3A_598, %dma_wait3A_600] : memref<16x768xf32, #tpu.memory_space<vmem>> -> memref<1x768xf32, #tpu.memory_space<vmem>>
      %dma_wait3A_602 = tpu.memref_squeeze %dma_wait3A_601 : memref<1x768xf32, #tpu.memory_space<vmem>> -> memref<768xf32, #tpu.memory_space<vmem>>
      %dma_wait3A_603 = arith.constant 0 : i32
      %dma_wait3A_604 = tpu.memref_slice %arg5[%mul3A_2, %dma_wait3A_599, %dma_wait3A_603] : memref<4096x50x768xf32, #tpu.memory_space<hbm>> -> memref<1x1x768xf32, #tpu.memory_space<hbm>>
      %dma_wait3A_605 = tpu.memref_squeeze %dma_wait3A_604 : memref<1x1x768xf32, #tpu.memory_space<hbm>> -> memref<768xf32, #tpu.memory_space<hbm>>
      %dma_wait3A_606 = arith.constant 0 : i32
      %dma_wait3A_607 = tpu.memref_slice %arg5[%mul3A_2, %dma_wait3A_599, %dma_wait3A_606] : memref<4096x50x768xf32, #tpu.memory_space<hbm>> -> memref<1x1x768xf32, #tpu.memory_space<hbm>>
      %dma_wait3A_608 = tpu.memref_squeeze %dma_wait3A_607 : memref<1x1x768xf32, #tpu.memory_space<hbm>> -> memref<768xf32, #tpu.memory_space<hbm>>
      %dma_wait3A_609 = arith.constant 0 : i32
      %dma_wait3A_610 = tpu.memref_slice %arg10[%dma_wait3A_598, %dma_wait3A_609] : memref<16x768xf32, #tpu.memory_space<vmem>> -> memref<1x768xf32, #tpu.memory_space<vmem>>
      %dma_wait3A_611 = tpu.memref_squeeze %dma_wait3A_610 : memref<1x768xf32, #tpu.memory_space<vmem>> -> memref<768xf32, #tpu.memory_space<vmem>>
      tpu.wait_dma2 semaphore(%arg18 : memref<!tpu.dma_semaphore, #tpu.memory_space<semaphore_mem>>) src(%dma_wait3A_611 : memref<768xf32, #tpu.memory_space<vmem>>) dst(%dma_wait3A_608 : memref<768xf32, #tpu.memory_space<hbm>>)
      %dma_wait3A_612 = arith.constant 0 : i32
      %dma_wait3A_613 = arith.constant 48 : i32
      %dma_wait3A_614 = arith.constant 0 : i32
      %dma_wait3A_615 = tpu.memref_slice %arg10[%dma_wait3A_612, %dma_wait3A_614] : memref<16x768xf32, #tpu.memory_space<vmem>> -> memref<1x768xf32, #tpu.memory_space<vmem>>
      %dma_wait3A_616 = tpu.memref_squeeze %dma_wait3A_615 : memref<1x768xf32, #tpu.memory_space<vmem>> -> memref<768xf32, #tpu.memory_space<vmem>>
      %dma_wait3A_617 = arith.constant 0 : i32
      %dma_wait3A_618 = tpu.memref_slice %arg5[%mul3A_2, %dma_wait3A_613, %dma_wait3A_617] : memref<4096x50x768xf32, #tpu.memory_space<hbm>> -> memref<1x1x768xf32, #tpu.memory_space<hbm>>
      %dma_wait3A_619 = tpu.memref_squeeze %dma_wait3A_618 : memref<1x1x768xf32, #tpu.memory_space<hbm>> -> memref<768xf32, #tpu.memory_space<hbm>>
      %dma_wait3A_620 = arith.constant 0 : i32
      %dma_wait3A_621 = tpu.memref_slice %arg5[%mul3A_2, %dma_wait3A_613, %dma_wait3A_620] : memref<4096x50x768xf32, #tpu.memory_space<hbm>> -> memref<1x1x768xf32, #tpu.memory_space<hbm>>
      %dma_wait3A_622 = tpu.memref_squeeze %dma_wait3A_621 : memref<1x1x768xf32, #tpu.memory_space<hbm>> -> memref<768xf32, #tpu.memory_space<hbm>>
      %dma_wait3A_623 = arith.constant 0 : i32
      %dma_wait3A_624 = tpu.memref_slice %arg10[%dma_wait3A_612, %dma_wait3A_623] : memref<16x768xf32, #tpu.memory_space<vmem>> -> memref<1x768xf32, #tpu.memory_space<vmem>>
      %dma_wait3A_625 = tpu.memref_squeeze %dma_wait3A_624 : memref<1x768xf32, #tpu.memory_space<vmem>> -> memref<768xf32, #tpu.memory_space<vmem>>
      tpu.wait_dma2 semaphore(%arg18 : memref<!tpu.dma_semaphore, #tpu.memory_space<semaphore_mem>>) src(%dma_wait3A_625 : memref<768xf32, #tpu.memory_space<vmem>>) dst(%dma_wait3A_622 : memref<768xf32, #tpu.memory_space<hbm>>)
      %dma_wait3A_626 = arith.constant 0 : i32
      %dma_wait3A_627 = arith.constant 48 : i32
      %dma_wait3A_628 = arith.constant 0 : i32
      %dma_wait3A_629 = tpu.memref_slice %arg10[%dma_wait3A_626, %dma_wait3A_628] : memref<16x768xf32, #tpu.memory_space<vmem>> -> memref<1x768xf32, #tpu.memory_space<vmem>>
      %dma_wait3A_630 = tpu.memref_squeeze %dma_wait3A_629 : memref<1x768xf32, #tpu.memory_space<vmem>> -> memref<768xf32, #tpu.memory_space<vmem>>
      %dma_wait3A_631 = arith.constant 0 : i32
      %dma_wait3A_632 = tpu.memref_slice %arg5[%mul3A_2, %dma_wait3A_627, %dma_wait3A_631] : memref<4096x50x768xf32, #tpu.memory_space<hbm>> -> memref<1x1x768xf32, #tpu.memory_space<hbm>>
      %dma_wait3A_633 = tpu.memref_squeeze %dma_wait3A_632 : memref<1x1x768xf32, #tpu.memory_space<hbm>> -> memref<768xf32, #tpu.memory_space<hbm>>
      %dma_wait3A_634 = arith.constant 0 : i32
      %dma_wait3A_635 = tpu.memref_slice %arg5[%mul3A_2, %dma_wait3A_627, %dma_wait3A_634] : memref<4096x50x768xf32, #tpu.memory_space<hbm>> -> memref<1x1x768xf32, #tpu.memory_space<hbm>>
      %dma_wait3A_636 = tpu.memref_squeeze %dma_wait3A_635 : memref<1x1x768xf32, #tpu.memory_space<hbm>> -> memref<768xf32, #tpu.memory_space<hbm>>
      %dma_wait3A_637 = arith.constant 0 : i32
      %dma_wait3A_638 = tpu.memref_slice %arg10[%dma_wait3A_626, %dma_wait3A_637] : memref<16x768xf32, #tpu.memory_space<vmem>> -> memref<1x768xf32, #tpu.memory_space<vmem>>
      %dma_wait3A_639 = tpu.memref_squeeze %dma_wait3A_638 : memref<1x768xf32, #tpu.memory_space<vmem>> -> memref<768xf32, #tpu.memory_space<vmem>>
      tpu.wait_dma2 semaphore(%arg18 : memref<!tpu.dma_semaphore, #tpu.memory_space<semaphore_mem>>) src(%dma_wait3A_639 : memref<768xf32, #tpu.memory_space<vmem>>) dst(%dma_wait3A_636 : memref<768xf32, #tpu.memory_space<hbm>>)
      %dma_wait3A_640 = arith.constant 0 : i32
      %dma_wait3A_641 = arith.constant 48 : i32
      %dma_wait3A_642 = arith.constant 0 : i32
      %dma_wait3A_643 = tpu.memref_slice %arg10[%dma_wait3A_640, %dma_wait3A_642] : memref<16x768xf32, #tpu.memory_space<vmem>> -> memref<1x768xf32, #tpu.memory_space<vmem>>
      %dma_wait3A_644 = tpu.memref_squeeze %dma_wait3A_643 : memref<1x768xf32, #tpu.memory_space<vmem>> -> memref<768xf32, #tpu.memory_space<vmem>>
      %dma_wait3A_645 = arith.constant 0 : i32
      %dma_wait3A_646 = tpu.memref_slice %arg5[%mul3A_2, %dma_wait3A_641, %dma_wait3A_645] : memref<4096x50x768xf32, #tpu.memory_space<hbm>> -> memref<1x1x768xf32, #tpu.memory_space<hbm>>
      %dma_wait3A_647 = tpu.memref_squeeze %dma_wait3A_646 : memref<1x1x768xf32, #tpu.memory_space<hbm>> -> memref<768xf32, #tpu.memory_space<hbm>>
      %dma_wait3A_648 = arith.constant 0 : i32
      %dma_wait3A_649 = tpu.memref_slice %arg5[%mul3A_2, %dma_wait3A_641, %dma_wait3A_648] : memref<4096x50x768xf32, #tpu.memory_space<hbm>> -> memref<1x1x768xf32, #tpu.memory_space<hbm>>
      %dma_wait3A_650 = tpu.memref_squeeze %dma_wait3A_649 : memref<1x1x768xf32, #tpu.memory_space<hbm>> -> memref<768xf32, #tpu.memory_space<hbm>>
      %dma_wait3A_651 = arith.constant 0 : i32
      %dma_wait3A_652 = tpu.memref_slice %arg10[%dma_wait3A_640, %dma_wait3A_651] : memref<16x768xf32, #tpu.memory_space<vmem>> -> memref<1x768xf32, #tpu.memory_space<vmem>>
      %dma_wait3A_653 = tpu.memref_squeeze %dma_wait3A_652 : memref<1x768xf32, #tpu.memory_space<vmem>> -> memref<768xf32, #tpu.memory_space<vmem>>
      tpu.wait_dma2 semaphore(%arg18 : memref<!tpu.dma_semaphore, #tpu.memory_space<semaphore_mem>>) src(%dma_wait3A_653 : memref<768xf32, #tpu.memory_space<vmem>>) dst(%dma_wait3A_650 : memref<768xf32, #tpu.memory_space<hbm>>)
      %dma_wait3A_654 = arith.constant 0 : i32
      %dma_wait3A_655 = arith.constant 48 : i32
      %dma_wait3A_656 = arith.constant 0 : i32
      %dma_wait3A_657 = tpu.memref_slice %arg10[%dma_wait3A_654, %dma_wait3A_656] : memref<16x768xf32, #tpu.memory_space<vmem>> -> memref<1x768xf32, #tpu.memory_space<vmem>>
      %dma_wait3A_658 = tpu.memref_squeeze %dma_wait3A_657 : memref<1x768xf32, #tpu.memory_space<vmem>> -> memref<768xf32, #tpu.memory_space<vmem>>
      %dma_wait3A_659 = arith.constant 0 : i32
      %dma_wait3A_660 = tpu.memref_slice %arg5[%mul3A_2, %dma_wait3A_655, %dma_wait3A_659] : memref<4096x50x768xf32, #tpu.memory_space<hbm>> -> memref<1x1x768xf32, #tpu.memory_space<hbm>>
      %dma_wait3A_661 = tpu.memref_squeeze %dma_wait3A_660 : memref<1x1x768xf32, #tpu.memory_space<hbm>> -> memref<768xf32, #tpu.memory_space<hbm>>
      %dma_wait3A_662 = arith.constant 0 : i32
      %dma_wait3A_663 = tpu.memref_slice %arg5[%mul3A_2, %dma_wait3A_655, %dma_wait3A_662] : memref<4096x50x768xf32, #tpu.memory_space<hbm>> -> memref<1x1x768xf32, #tpu.memory_space<hbm>>
      %dma_wait3A_664 = tpu.memref_squeeze %dma_wait3A_663 : memref<1x1x768xf32, #tpu.memory_space<hbm>> -> memref<768xf32, #tpu.memory_space<hbm>>
      %dma_wait3A_665 = arith.constant 0 : i32
      %dma_wait3A_666 = tpu.memref_slice %arg10[%dma_wait3A_654, %dma_wait3A_665] : memref<16x768xf32, #tpu.memory_space<vmem>> -> memref<1x768xf32, #tpu.memory_space<vmem>>
      %dma_wait3A_667 = tpu.memref_squeeze %dma_wait3A_666 : memref<1x768xf32, #tpu.memory_space<vmem>> -> memref<768xf32, #tpu.memory_space<vmem>>
      tpu.wait_dma2 semaphore(%arg18 : memref<!tpu.dma_semaphore, #tpu.memory_space<semaphore_mem>>) src(%dma_wait3A_667 : memref<768xf32, #tpu.memory_space<vmem>>) dst(%dma_wait3A_664 : memref<768xf32, #tpu.memory_space<hbm>>)
      %dma_wait3A_668 = arith.constant 0 : i32
      %dma_wait3A_669 = arith.constant 48 : i32
      %dma_wait3A_670 = arith.constant 0 : i32
      %dma_wait3A_671 = tpu.memref_slice %arg10[%dma_wait3A_668, %dma_wait3A_670] : memref<16x768xf32, #tpu.memory_space<vmem>> -> memref<1x768xf32, #tpu.memory_space<vmem>>
      %dma_wait3A_672 = tpu.memref_squeeze %dma_wait3A_671 : memref<1x768xf32, #tpu.memory_space<vmem>> -> memref<768xf32, #tpu.memory_space<vmem>>
      %dma_wait3A_673 = arith.constant 0 : i32
      %dma_wait3A_674 = tpu.memref_slice %arg5[%mul3A_2, %dma_wait3A_669, %dma_wait3A_673] : memref<4096x50x768xf32, #tpu.memory_space<hbm>> -> memref<1x1x768xf32, #tpu.memory_space<hbm>>
      %dma_wait3A_675 = tpu.memref_squeeze %dma_wait3A_674 : memref<1x1x768xf32, #tpu.memory_space<hbm>> -> memref<768xf32, #tpu.memory_space<hbm>>
      %dma_wait3A_676 = arith.constant 0 : i32
      %dma_wait3A_677 = tpu.memref_slice %arg5[%mul3A_2, %dma_wait3A_669, %dma_wait3A_676] : memref<4096x50x768xf32, #tpu.memory_space<hbm>> -> memref<1x1x768xf32, #tpu.memory_space<hbm>>
      %dma_wait3A_678 = tpu.memref_squeeze %dma_wait3A_677 : memref<1x1x768xf32, #tpu.memory_space<hbm>> -> memref<768xf32, #tpu.memory_space<hbm>>
      %dma_wait3A_679 = arith.constant 0 : i32
      %dma_wait3A_680 = tpu.memref_slice %arg10[%dma_wait3A_668, %dma_wait3A_679] : memref<16x768xf32, #tpu.memory_space<vmem>> -> memref<1x768xf32, #tpu.memory_space<vmem>>
      %dma_wait3A_681 = tpu.memref_squeeze %dma_wait3A_680 : memref<1x768xf32, #tpu.memory_space<vmem>> -> memref<768xf32, #tpu.memory_space<vmem>>
      tpu.wait_dma2 semaphore(%arg18 : memref<!tpu.dma_semaphore, #tpu.memory_space<semaphore_mem>>) src(%dma_wait3A_681 : memref<768xf32, #tpu.memory_space<vmem>>) dst(%dma_wait3A_678 : memref<768xf32, #tpu.memory_space<hbm>>)
      %dma_wait3A_682 = arith.constant 0 : i32
      %dma_wait3A_683 = arith.constant 48 : i32
      %dma_wait3A_684 = arith.constant 0 : i32
      %dma_wait3A_685 = tpu.memref_slice %arg10[%dma_wait3A_682, %dma_wait3A_684] : memref<16x768xf32, #tpu.memory_space<vmem>> -> memref<1x768xf32, #tpu.memory_space<vmem>>
      %dma_wait3A_686 = tpu.memref_squeeze %dma_wait3A_685 : memref<1x768xf32, #tpu.memory_space<vmem>> -> memref<768xf32, #tpu.memory_space<vmem>>
      %dma_wait3A_687 = arith.constant 0 : i32
      %dma_wait3A_688 = tpu.memref_slice %arg5[%mul3A_2, %dma_wait3A_683, %dma_wait3A_687] : memref<4096x50x768xf32, #tpu.memory_space<hbm>> -> memref<1x1x768xf32, #tpu.memory_space<hbm>>
      %dma_wait3A_689 = tpu.memref_squeeze %dma_wait3A_688 : memref<1x1x768xf32, #tpu.memory_space<hbm>> -> memref<768xf32, #tpu.memory_space<hbm>>
      %dma_wait3A_690 = arith.constant 0 : i32
      %dma_wait3A_691 = tpu.memref_slice %arg5[%mul3A_2, %dma_wait3A_683, %dma_wait3A_690] : memref<4096x50x768xf32, #tpu.memory_space<hbm>> -> memref<1x1x768xf32, #tpu.memory_space<hbm>>
      %dma_wait3A_692 = tpu.memref_squeeze %dma_wait3A_691 : memref<1x1x768xf32, #tpu.memory_space<hbm>> -> memref<768xf32, #tpu.memory_space<hbm>>
      %dma_wait3A_693 = arith.constant 0 : i32
      %dma_wait3A_694 = tpu.memref_slice %arg10[%dma_wait3A_682, %dma_wait3A_693] : memref<16x768xf32, #tpu.memory_space<vmem>> -> memref<1x768xf32, #tpu.memory_space<vmem>>
      %dma_wait3A_695 = tpu.memref_squeeze %dma_wait3A_694 : memref<1x768xf32, #tpu.memory_space<vmem>> -> memref<768xf32, #tpu.memory_space<vmem>>
      tpu.wait_dma2 semaphore(%arg18 : memref<!tpu.dma_semaphore, #tpu.memory_space<semaphore_mem>>) src(%dma_wait3A_695 : memref<768xf32, #tpu.memory_space<vmem>>) dst(%dma_wait3A_692 : memref<768xf32, #tpu.memory_space<hbm>>)
      %dma_wait3A_696 = arith.constant 0 : i32
      %dma_wait3A_697 = arith.constant 48 : i32
      %dma_wait3A_698 = arith.constant 0 : i32
      %dma_wait3A_699 = tpu.memref_slice %arg10[%dma_wait3A_696, %dma_wait3A_698] : memref<16x768xf32, #tpu.memory_space<vmem>> -> memref<1x768xf32, #tpu.memory_space<vmem>>
      %dma_wait3A_700 = tpu.memref_squeeze %dma_wait3A_699 : memref<1x768xf32, #tpu.memory_space<vmem>> -> memref<768xf32, #tpu.memory_space<vmem>>
      %dma_wait3A_701 = arith.constant 0 : i32
      %dma_wait3A_702 = tpu.memref_slice %arg5[%mul3A_2, %dma_wait3A_697, %dma_wait3A_701] : memref<4096x50x768xf32, #tpu.memory_space<hbm>> -> memref<1x1x768xf32, #tpu.memory_space<hbm>>
      %dma_wait3A_703 = tpu.memref_squeeze %dma_wait3A_702 : memref<1x1x768xf32, #tpu.memory_space<hbm>> -> memref<768xf32, #tpu.memory_space<hbm>>
      %dma_wait3A_704 = arith.constant 0 : i32
      %dma_wait3A_705 = tpu.memref_slice %arg5[%mul3A_2, %dma_wait3A_697, %dma_wait3A_704] : memref<4096x50x768xf32, #tpu.memory_space<hbm>> -> memref<1x1x768xf32, #tpu.memory_space<hbm>>
      %dma_wait3A_706 = tpu.memref_squeeze %dma_wait3A_705 : memref<1x1x768xf32, #tpu.memory_space<hbm>> -> memref<768xf32, #tpu.memory_space<hbm>>
      %dma_wait3A_707 = arith.constant 0 : i32
      %dma_wait3A_708 = tpu.memref_slice %arg10[%dma_wait3A_696, %dma_wait3A_707] : memref<16x768xf32, #tpu.memory_space<vmem>> -> memref<1x768xf32, #tpu.memory_space<vmem>>
      %dma_wait3A_709 = tpu.memref_squeeze %dma_wait3A_708 : memref<1x768xf32, #tpu.memory_space<vmem>> -> memref<768xf32, #tpu.memory_space<vmem>>
      tpu.wait_dma2 semaphore(%arg18 : memref<!tpu.dma_semaphore, #tpu.memory_space<semaphore_mem>>) src(%dma_wait3A_709 : memref<768xf32, #tpu.memory_space<vmem>>) dst(%dma_wait3A_706 : memref<768xf32, #tpu.memory_space<hbm>>)
      %dma_wait3A_710 = arith.constant 0 : i32
      %dma_wait3A_711 = arith.constant 48 : i32
      %dma_wait3A_712 = arith.constant 0 : i32
      %dma_wait3A_713 = tpu.memref_slice %arg10[%dma_wait3A_710, %dma_wait3A_712] : memref<16x768xf32, #tpu.memory_space<vmem>> -> memref<1x768xf32, #tpu.memory_space<vmem>>
      %dma_wait3A_714 = tpu.memref_squeeze %dma_wait3A_713 : memref<1x768xf32, #tpu.memory_space<vmem>> -> memref<768xf32, #tpu.memory_space<vmem>>
      %dma_wait3A_715 = arith.constant 0 : i32
      %dma_wait3A_716 = tpu.memref_slice %arg5[%mul3A_2, %dma_wait3A_711, %dma_wait3A_715] : memref<4096x50x768xf32, #tpu.memory_space<hbm>> -> memref<1x1x768xf32, #tpu.memory_space<hbm>>
      %dma_wait3A_717 = tpu.memref_squeeze %dma_wait3A_716 : memref<1x1x768xf32, #tpu.memory_space<hbm>> -> memref<768xf32, #tpu.memory_space<hbm>>
      %dma_wait3A_718 = arith.constant 0 : i32
      %dma_wait3A_719 = tpu.memref_slice %arg5[%mul3A_2, %dma_wait3A_711, %dma_wait3A_718] : memref<4096x50x768xf32, #tpu.memory_space<hbm>> -> memref<1x1x768xf32, #tpu.memory_space<hbm>>
      %dma_wait3A_720 = tpu.memref_squeeze %dma_wait3A_719 : memref<1x1x768xf32, #tpu.memory_space<hbm>> -> memref<768xf32, #tpu.memory_space<hbm>>
      %dma_wait3A_721 = arith.constant 0 : i32
      %dma_wait3A_722 = tpu.memref_slice %arg10[%dma_wait3A_710, %dma_wait3A_721] : memref<16x768xf32, #tpu.memory_space<vmem>> -> memref<1x768xf32, #tpu.memory_space<vmem>>
      %dma_wait3A_723 = tpu.memref_squeeze %dma_wait3A_722 : memref<1x768xf32, #tpu.memory_space<vmem>> -> memref<768xf32, #tpu.memory_space<vmem>>
      tpu.wait_dma2 semaphore(%arg18 : memref<!tpu.dma_semaphore, #tpu.memory_space<semaphore_mem>>) src(%dma_wait3A_723 : memref<768xf32, #tpu.memory_space<vmem>>) dst(%dma_wait3A_720 : memref<768xf32, #tpu.memory_space<hbm>>)
      %dma_wait3A_724 = arith.constant 0 : i32
      %dma_wait3A_725 = arith.constant 48 : i32
      %dma_wait3A_726 = arith.constant 0 : i32
      %dma_wait3A_727 = tpu.memref_slice %arg10[%dma_wait3A_724, %dma_wait3A_726] : memref<16x768xf32, #tpu.memory_space<vmem>> -> memref<1x768xf32, #tpu.memory_space<vmem>>
      %dma_wait3A_728 = tpu.memref_squeeze %dma_wait3A_727 : memref<1x768xf32, #tpu.memory_space<vmem>> -> memref<768xf32, #tpu.memory_space<vmem>>
      %dma_wait3A_729 = arith.constant 0 : i32
      %dma_wait3A_730 = tpu.memref_slice %arg5[%mul3A_2, %dma_wait3A_725, %dma_wait3A_729] : memref<4096x50x768xf32, #tpu.memory_space<hbm>> -> memref<1x1x768xf32, #tpu.memory_space<hbm>>
      %dma_wait3A_731 = tpu.memref_squeeze %dma_wait3A_730 : memref<1x1x768xf32, #tpu.memory_space<hbm>> -> memref<768xf32, #tpu.memory_space<hbm>>
      %dma_wait3A_732 = arith.constant 0 : i32
      %dma_wait3A_733 = tpu.memref_slice %arg5[%mul3A_2, %dma_wait3A_725, %dma_wait3A_732] : memref<4096x50x768xf32, #tpu.memory_space<hbm>> -> memref<1x1x768xf32, #tpu.memory_space<hbm>>
      %dma_wait3A_734 = tpu.memref_squeeze %dma_wait3A_733 : memref<1x1x768xf32, #tpu.memory_space<hbm>> -> memref<768xf32, #tpu.memory_space<hbm>>
      %dma_wait3A_735 = arith.constant 0 : i32
      %dma_wait3A_736 = tpu.memref_slice %arg10[%dma_wait3A_724, %dma_wait3A_735] : memref<16x768xf32, #tpu.memory_space<vmem>> -> memref<1x768xf32, #tpu.memory_space<vmem>>
      %dma_wait3A_737 = tpu.memref_squeeze %dma_wait3A_736 : memref<1x768xf32, #tpu.memory_space<vmem>> -> memref<768xf32, #tpu.memory_space<vmem>>
      tpu.wait_dma2 semaphore(%arg18 : memref<!tpu.dma_semaphore, #tpu.memory_space<semaphore_mem>>) src(%dma_wait3A_737 : memref<768xf32, #tpu.memory_space<vmem>>) dst(%dma_wait3A_734 : memref<768xf32, #tpu.memory_space<hbm>>)
      %dma_wait3A_738 = arith.constant 0 : i32
      %dma_wait3A_739 = arith.constant 48 : i32
      %dma_wait3A_740 = arith.constant 0 : i32
      %dma_wait3A_741 = tpu.memref_slice %arg10[%dma_wait3A_738, %dma_wait3A_740] : memref<16x768xf32, #tpu.memory_space<vmem>> -> memref<1x768xf32, #tpu.memory_space<vmem>>
      %dma_wait3A_742 = tpu.memref_squeeze %dma_wait3A_741 : memref<1x768xf32, #tpu.memory_space<vmem>> -> memref<768xf32, #tpu.memory_space<vmem>>
      %dma_wait3A_743 = arith.constant 0 : i32
      %dma_wait3A_744 = tpu.memref_slice %arg5[%mul3A_2, %dma_wait3A_739, %dma_wait3A_743] : memref<4096x50x768xf32, #tpu.memory_space<hbm>> -> memref<1x1x768xf32, #tpu.memory_space<hbm>>
      %dma_wait3A_745 = tpu.memref_squeeze %dma_wait3A_744 : memref<1x1x768xf32, #tpu.memory_space<hbm>> -> memref<768xf32, #tpu.memory_space<hbm>>
      %dma_wait3A_746 = arith.constant 0 : i32
      %dma_wait3A_747 = tpu.memref_slice %arg5[%mul3A_2, %dma_wait3A_739, %dma_wait3A_746] : memref<4096x50x768xf32, #tpu.memory_space<hbm>> -> memref<1x1x768xf32, #tpu.memory_space<hbm>>
      %dma_wait3A_748 = tpu.memref_squeeze %dma_wait3A_747 : memref<1x1x768xf32, #tpu.memory_space<hbm>> -> memref<768xf32, #tpu.memory_space<hbm>>
      %dma_wait3A_749 = arith.constant 0 : i32
      %dma_wait3A_750 = tpu.memref_slice %arg10[%dma_wait3A_738, %dma_wait3A_749] : memref<16x768xf32, #tpu.memory_space<vmem>> -> memref<1x768xf32, #tpu.memory_space<vmem>>
      %dma_wait3A_751 = tpu.memref_squeeze %dma_wait3A_750 : memref<1x768xf32, #tpu.memory_space<vmem>> -> memref<768xf32, #tpu.memory_space<vmem>>
      tpu.wait_dma2 semaphore(%arg18 : memref<!tpu.dma_semaphore, #tpu.memory_space<semaphore_mem>>) src(%dma_wait3A_751 : memref<768xf32, #tpu.memory_space<vmem>>) dst(%dma_wait3A_748 : memref<768xf32, #tpu.memory_space<hbm>>)
      %dma_wait3A_752 = arith.constant 0 : i32
      %dma_wait3A_753 = arith.constant 48 : i32
      %dma_wait3A_754 = arith.constant 0 : i32
      %dma_wait3A_755 = tpu.memref_slice %arg10[%dma_wait3A_752, %dma_wait3A_754] : memref<16x768xf32, #tpu.memory_space<vmem>> -> memref<1x768xf32, #tpu.memory_space<vmem>>
      %dma_wait3A_756 = tpu.memref_squeeze %dma_wait3A_755 : memref<1x768xf32, #tpu.memory_space<vmem>> -> memref<768xf32, #tpu.memory_space<vmem>>
      %dma_wait3A_757 = arith.constant 0 : i32
      %dma_wait3A_758 = tpu.memref_slice %arg5[%mul3A_2, %dma_wait3A_753, %dma_wait3A_757] : memref<4096x50x768xf32, #tpu.memory_space<hbm>> -> memref<1x1x768xf32, #tpu.memory_space<hbm>>
      %dma_wait3A_759 = tpu.memref_squeeze %dma_wait3A_758 : memref<1x1x768xf32, #tpu.memory_space<hbm>> -> memref<768xf32, #tpu.memory_space<hbm>>
      %dma_wait3A_760 = arith.constant 0 : i32
      %dma_wait3A_761 = tpu.memref_slice %arg5[%mul3A_2, %dma_wait3A_753, %dma_wait3A_760] : memref<4096x50x768xf32, #tpu.memory_space<hbm>> -> memref<1x1x768xf32, #tpu.memory_space<hbm>>
      %dma_wait3A_762 = tpu.memref_squeeze %dma_wait3A_761 : memref<1x1x768xf32, #tpu.memory_space<hbm>> -> memref<768xf32, #tpu.memory_space<hbm>>
      %dma_wait3A_763 = arith.constant 0 : i32
      %dma_wait3A_764 = tpu.memref_slice %arg10[%dma_wait3A_752, %dma_wait3A_763] : memref<16x768xf32, #tpu.memory_space<vmem>> -> memref<1x768xf32, #tpu.memory_space<vmem>>
      %dma_wait3A_765 = tpu.memref_squeeze %dma_wait3A_764 : memref<1x768xf32, #tpu.memory_space<vmem>> -> memref<768xf32, #tpu.memory_space<vmem>>
      tpu.wait_dma2 semaphore(%arg18 : memref<!tpu.dma_semaphore, #tpu.memory_space<semaphore_mem>>) src(%dma_wait3A_765 : memref<768xf32, #tpu.memory_space<vmem>>) dst(%dma_wait3A_762 : memref<768xf32, #tpu.memory_space<hbm>>)
      %dma_wait3A_766 = arith.constant 0 : i32
      %dma_wait3A_767 = arith.constant 48 : i32
      %dma_wait3A_768 = arith.constant 0 : i32
      %dma_wait3A_769 = tpu.memref_slice %arg10[%dma_wait3A_766, %dma_wait3A_768] : memref<16x768xf32, #tpu.memory_space<vmem>> -> memref<1x768xf32, #tpu.memory_space<vmem>>
      %dma_wait3A_770 = tpu.memref_squeeze %dma_wait3A_769 : memref<1x768xf32, #tpu.memory_space<vmem>> -> memref<768xf32, #tpu.memory_space<vmem>>
      %dma_wait3A_771 = arith.constant 0 : i32
      %dma_wait3A_772 = tpu.memref_slice %arg5[%mul3A_2, %dma_wait3A_767, %dma_wait3A_771] : memref<4096x50x768xf32, #tpu.memory_space<hbm>> -> memref<1x1x768xf32, #tpu.memory_space<hbm>>
      %dma_wait3A_773 = tpu.memref_squeeze %dma_wait3A_772 : memref<1x1x768xf32, #tpu.memory_space<hbm>> -> memref<768xf32, #tpu.memory_space<hbm>>
      %dma_wait3A_774 = arith.constant 0 : i32
      %dma_wait3A_775 = tpu.memref_slice %arg5[%mul3A_2, %dma_wait3A_767, %dma_wait3A_774] : memref<4096x50x768xf32, #tpu.memory_space<hbm>> -> memref<1x1x768xf32, #tpu.memory_space<hbm>>
      %dma_wait3A_776 = tpu.memref_squeeze %dma_wait3A_775 : memref<1x1x768xf32, #tpu.memory_space<hbm>> -> memref<768xf32, #tpu.memory_space<hbm>>
      %dma_wait3A_777 = arith.constant 0 : i32
      %dma_wait3A_778 = tpu.memref_slice %arg10[%dma_wait3A_766, %dma_wait3A_777] : memref<16x768xf32, #tpu.memory_space<vmem>> -> memref<1x768xf32, #tpu.memory_space<vmem>>
      %dma_wait3A_779 = tpu.memref_squeeze %dma_wait3A_778 : memref<1x768xf32, #tpu.memory_space<vmem>> -> memref<768xf32, #tpu.memory_space<vmem>>
      tpu.wait_dma2 semaphore(%arg18 : memref<!tpu.dma_semaphore, #tpu.memory_space<semaphore_mem>>) src(%dma_wait3A_779 : memref<768xf32, #tpu.memory_space<vmem>>) dst(%dma_wait3A_776 : memref<768xf32, #tpu.memory_space<hbm>>)
      %dma_wait3A_780 = arith.constant 0 : i32
      %dma_wait3A_781 = arith.constant 48 : i32
      %dma_wait3A_782 = arith.constant 0 : i32
      %dma_wait3A_783 = tpu.memref_slice %arg10[%dma_wait3A_780, %dma_wait3A_782] : memref<16x768xf32, #tpu.memory_space<vmem>> -> memref<1x768xf32, #tpu.memory_space<vmem>>
      %dma_wait3A_784 = tpu.memref_squeeze %dma_wait3A_783 : memref<1x768xf32, #tpu.memory_space<vmem>> -> memref<768xf32, #tpu.memory_space<vmem>>
      %dma_wait3A_785 = arith.constant 0 : i32
      %dma_wait3A_786 = tpu.memref_slice %arg5[%mul3A_2, %dma_wait3A_781, %dma_wait3A_785] : memref<4096x50x768xf32, #tpu.memory_space<hbm>> -> memref<1x1x768xf32, #tpu.memory_space<hbm>>
      %dma_wait3A_787 = tpu.memref_squeeze %dma_wait3A_786 : memref<1x1x768xf32, #tpu.memory_space<hbm>> -> memref<768xf32, #tpu.memory_space<hbm>>
      %dma_wait3A_788 = arith.constant 0 : i32
      %dma_wait3A_789 = tpu.memref_slice %arg5[%mul3A_2, %dma_wait3A_781, %dma_wait3A_788] : memref<4096x50x768xf32, #tpu.memory_space<hbm>> -> memref<1x1x768xf32, #tpu.memory_space<hbm>>
      %dma_wait3A_790 = tpu.memref_squeeze %dma_wait3A_789 : memref<1x1x768xf32, #tpu.memory_space<hbm>> -> memref<768xf32, #tpu.memory_space<hbm>>
      %dma_wait3A_791 = arith.constant 0 : i32
      %dma_wait3A_792 = tpu.memref_slice %arg10[%dma_wait3A_780, %dma_wait3A_791] : memref<16x768xf32, #tpu.memory_space<vmem>> -> memref<1x768xf32, #tpu.memory_space<vmem>>
      %dma_wait3A_793 = tpu.memref_squeeze %dma_wait3A_792 : memref<1x768xf32, #tpu.memory_space<vmem>> -> memref<768xf32, #tpu.memory_space<vmem>>
      tpu.wait_dma2 semaphore(%arg18 : memref<!tpu.dma_semaphore, #tpu.memory_space<semaphore_mem>>) src(%dma_wait3A_793 : memref<768xf32, #tpu.memory_space<vmem>>) dst(%dma_wait3A_790 : memref<768xf32, #tpu.memory_space<hbm>>)
      %dma_wait3A_794 = arith.constant 0 : i32
      %dma_wait3A_795 = arith.constant 48 : i32
      %dma_wait3A_796 = arith.constant 0 : i32
      %dma_wait3A_797 = tpu.memref_slice %arg10[%dma_wait3A_794, %dma_wait3A_796] : memref<16x768xf32, #tpu.memory_space<vmem>> -> memref<1x768xf32, #tpu.memory_space<vmem>>
      %dma_wait3A_798 = tpu.memref_squeeze %dma_wait3A_797 : memref<1x768xf32, #tpu.memory_space<vmem>> -> memref<768xf32, #tpu.memory_space<vmem>>
      %dma_wait3A_799 = arith.constant 0 : i32
      %dma_wait3A_800 = tpu.memref_slice %arg5[%mul3A_2, %dma_wait3A_795, %dma_wait3A_799] : memref<4096x50x768xf32, #tpu.memory_space<hbm>> -> memref<1x1x768xf32, #tpu.memory_space<hbm>>
      %dma_wait3A_801 = tpu.memref_squeeze %dma_wait3A_800 : memref<1x1x768xf32, #tpu.memory_space<hbm>> -> memref<768xf32, #tpu.memory_space<hbm>>
      %dma_wait3A_802 = arith.constant 0 : i32
      %dma_wait3A_803 = tpu.memref_slice %arg5[%mul3A_2, %dma_wait3A_795, %dma_wait3A_802] : memref<4096x50x768xf32, #tpu.memory_space<hbm>> -> memref<1x1x768xf32, #tpu.memory_space<hbm>>
      %dma_wait3A_804 = tpu.memref_squeeze %dma_wait3A_803 : memref<1x1x768xf32, #tpu.memory_space<hbm>> -> memref<768xf32, #tpu.memory_space<hbm>>
      %dma_wait3A_805 = arith.constant 0 : i32
      %dma_wait3A_806 = tpu.memref_slice %arg10[%dma_wait3A_794, %dma_wait3A_805] : memref<16x768xf32, #tpu.memory_space<vmem>> -> memref<1x768xf32, #tpu.memory_space<vmem>>
      %dma_wait3A_807 = tpu.memref_squeeze %dma_wait3A_806 : memref<1x768xf32, #tpu.memory_space<vmem>> -> memref<768xf32, #tpu.memory_space<vmem>>
      tpu.wait_dma2 semaphore(%arg18 : memref<!tpu.dma_semaphore, #tpu.memory_space<semaphore_mem>>) src(%dma_wait3A_807 : memref<768xf32, #tpu.memory_space<vmem>>) dst(%dma_wait3A_804 : memref<768xf32, #tpu.memory_space<hbm>>)
      %add3A_808 = arith.constant 2 : i32
      %add3A_809 = arith.addi %add3A_46, %add3A_808 : i32
      %lt3A_810 = arith.constant 16 : i32
      %lt3A_811 = arith.cmpi slt, %add3A_809, %lt3A_810 : i32
      %convert_element_type3A_812 = arith.extui %lt3A_811 : i1 to i32
      %cond3A_813 = arith.constant 0 : i32
      %cond3A_814 = arith.cmpi ne, %convert_element_type3A_812, %cond3A_813 : i32
      scf.if %cond3A_814 {
        %add3A_1593 = arith.constant 2 : i32
        %add3A_1594 = arith.addi %add3A_46, %add3A_1593 : i32
        %dma_start3A_1595 = arith.constant 0 : i32
        %dma_start3A_1596 = tpu.memref_slice %arg7[%add3A_1594, %dma_start3A_1595] : memref<16x16xi32, #tpu.memory_space<vmem>> -> memref<1x16xi32, #tpu.memory_space<vmem>>
        %dma_start3A_1597 = tpu.memref_squeeze %dma_start3A_1596 : memref<1x16xi32, #tpu.memory_space<vmem>> -> memref<16xi32, #tpu.memory_space<vmem>>
        %dma_start3A_1598 = arith.constant 0 : i32
        %dma_start3A_1599 = arith.constant 0 : i32
        %dma_start3A_1600 = tpu.memref_slice %arg4[%dma_start3A_1598, %dma_start3A_1599] : memref<1000x768xf32, #tpu.memory_space<hbm>> -> memref<1000x768xf32, #tpu.memory_space<hbm>>
        tpu.enqueue_indirect_dma source(%dma_start3A_1600 : memref<1000x768xf32, #tpu.memory_space<hbm>>) target(%arg10 : memref<16x768xf32, #tpu.memory_space<vmem>>) offsets(%dma_start3A_1597 : memref<16xi32, #tpu.memory_space<vmem>>) semaphore(%arg16 : memref<!tpu.dma_semaphore, #tpu.memory_space<semaphore_mem>>)
      } else {
      }
      %mul3A_815 = arith.constant 2 : i32
      %mul3A_816 = arith.muli %mul3A_815, %scan3A_42 : i32
      %add3A_817 = arith.constant 1 : i32
      %add3A_818 = arith.addi %mul3A_816, %add3A_817 : i32
      %dma_wait3A_819 = arith.constant 0 : i32
      %dma_wait3A_820 = arith.constant 0 : i32
      %dma_wait3A_821 = tpu.memref_slice %arg7[%dma_wait3A_819, %dma_wait3A_820] : memref<16x16xi32, #tpu.memory_space<vmem>> -> memref<1x16xi32, #tpu.memory_space<vmem>>
      %dma_wait3A_822 = tpu.memref_squeeze %dma_wait3A_821 : memref<1x16xi32, #tpu.memory_space<vmem>> -> memref<16xi32, #tpu.memory_space<vmem>>
      %dma_wait3A_823 = arith.constant 0 : i32
      %dma_wait3A_824 = arith.constant 0 : i32
      %dma_wait3A_825 = tpu.memref_slice %arg4[%dma_wait3A_823, %dma_wait3A_824] : memref<1000x768xf32, #tpu.memory_space<hbm>> -> memref<1000x768xf32, #tpu.memory_space<hbm>>
      tpu.wait_indirect_dma semaphore(%arg17 : memref<!tpu.dma_semaphore, #tpu.memory_space<semaphore_mem>>) src(%dma_wait3A_825 : memref<1000x768xf32, #tpu.memory_space<hbm>>) dst(%arg11 : memref<16x768xf32, #tpu.memory_space<vmem>>)
      %mul3A_826 = arith.constant 8 : i32
      %mul3A_827 = arith.muli %add3A_818, %mul3A_826 : i32
      %add3A_828 = arith.constant 0 : i32
      %add3A_829 = arith.addi %mul3A_827, %add3A_828 : i32
      %sub3A_830 = arith.constant 1 : i32
      %sub3A_831 = arith.subi %add3A_829, %sub3A_830 : i32
      %ge3A_832 = arith.constant 0 : i32
      %ge3A_833 = arith.cmpi sge, %sub3A_831, %ge3A_832 : i32
      %convert_element_type3A_834 = arith.extui %ge3A_833 : i1 to i32
      %cond3A_835 = arith.constant 0 : i32
      %cond3A_836 = arith.cmpi ne, %convert_element_type3A_834, %cond3A_835 : i32
      scf.if %cond3A_836 {
        %dma_wait3A_1593 = arith.constant 0 : i32
        %dma_wait3A_1594 = arith.constant 0 : i32
        %dma_wait3A_1595 = tpu.memref_slice %arg5[%mul3A_2, %dma_wait3A_1593, %dma_wait3A_1594] : memref<4096x50x768xf32, #tpu.memory_space<hbm>> -> memref<1x48x768xf32, #tpu.memory_space<hbm>>
        %dma_wait3A_1596 = tpu.memref_squeeze %dma_wait3A_1595 : memref<1x48x768xf32, #tpu.memory_space<hbm>> -> memref<48x768xf32, #tpu.memory_space<hbm>>
        %dma_wait3A_1597 = arith.constant 0 : i32
        %dma_wait3A_1598 = arith.constant 0 : i32
        %dma_wait3A_1599 = tpu.memref_slice %arg5[%mul3A_2, %dma_wait3A_1597, %dma_wait3A_1598] : memref<4096x50x768xf32, #tpu.memory_space<hbm>> -> memref<1x48x768xf32, #tpu.memory_space<hbm>>
        %dma_wait3A_1600 = tpu.memref_squeeze %dma_wait3A_1599 : memref<1x48x768xf32, #tpu.memory_space<hbm>> -> memref<48x768xf32, #tpu.memory_space<hbm>>
        tpu.wait_dma2 semaphore(%arg15 : memref<!tpu.dma_semaphore, #tpu.memory_space<semaphore_mem>>) src(%arg9 : memref<48x768xf32, #tpu.memory_space<vmem>>) dst(%dma_wait3A_1600 : memref<48x768xf32, #tpu.memory_space<hbm>>)
      } else {
      }
      %ge3A_837 = arith.constant 0 : i32
      %ge3A_838 = arith.cmpi sge, %sub3A_831, %ge3A_837 : i32
      %add3A_839 = arith.constant 2 : i32
      %add3A_840 = arith.addi %sub3A_831, %add3A_839 : i32
      %lt3A_841 = arith.constant 128 : i32
      %lt3A_842 = arith.cmpi slt, %add3A_840, %lt3A_841 : i32
      %and3A_843 = arith.andi %ge3A_838, %lt3A_842 : i1
      %convert_element_type3A_844 = arith.extui %and3A_843 : i1 to i32
      %cond3A_845 = arith.constant 0 : i32
      %cond3A_846 = arith.cmpi ne, %convert_element_type3A_844, %cond3A_845 : i32
      scf.if %cond3A_846 {
        %add3A_1593 = arith.constant 2 : i32
        %add3A_1594 = arith.addi %sub3A_831, %add3A_1593 : i32
        %dma_start3A_1595 = arith.constant 0 : i32
        %dma_start3A_1596 = tpu.memref_slice %arg6[%add3A_1594, %dma_start3A_1595] : memref<128x48xi32, #tpu.memory_space<vmem>> -> memref<1x48xi32, #tpu.memory_space<vmem>>
        %dma_start3A_1597 = tpu.memref_squeeze %dma_start3A_1596 : memref<1x48xi32, #tpu.memory_space<vmem>> -> memref<48xi32, #tpu.memory_space<vmem>>
        %dma_start3A_1598 = arith.constant 0 : i32
        %dma_start3A_1599 = arith.constant 0 : i32
        %dma_start3A_1600 = tpu.memref_slice %arg4[%dma_start3A_1598, %dma_start3A_1599] : memref<1000x768xf32, #tpu.memory_space<hbm>> -> memref<1000x768xf32, #tpu.memory_space<hbm>>
        tpu.enqueue_indirect_dma source(%dma_start3A_1600 : memref<1000x768xf32, #tpu.memory_space<hbm>>) target(%arg9 : memref<48x768xf32, #tpu.memory_space<vmem>>) offsets(%dma_start3A_1597 : memref<48xi32, #tpu.memory_space<vmem>>) semaphore(%arg13 : memref<!tpu.dma_semaphore, #tpu.memory_space<semaphore_mem>>)
      } else {
      }
      %dma_wait3A_847 = arith.constant 0 : i32
      %dma_wait3A_848 = arith.constant 0 : i32
      %dma_wait3A_849 = tpu.memref_slice %arg6[%dma_wait3A_847, %dma_wait3A_848] : memref<128x48xi32, #tpu.memory_space<vmem>> -> memref<1x48xi32, #tpu.memory_space<vmem>>
      %dma_wait3A_850 = tpu.memref_squeeze %dma_wait3A_849 : memref<1x48xi32, #tpu.memory_space<vmem>> -> memref<48xi32, #tpu.memory_space<vmem>>
      %dma_wait3A_851 = arith.constant 0 : i32
      %dma_wait3A_852 = arith.constant 0 : i32
      %dma_wait3A_853 = tpu.memref_slice %arg4[%dma_wait3A_851, %dma_wait3A_852] : memref<1000x768xf32, #tpu.memory_space<hbm>> -> memref<1000x768xf32, #tpu.memory_space<hbm>>
      tpu.wait_indirect_dma semaphore(%arg12 : memref<!tpu.dma_semaphore, #tpu.memory_space<semaphore_mem>>) src(%dma_wait3A_853 : memref<1000x768xf32, #tpu.memory_space<hbm>>) dst(%arg8 : memref<48x768xf32, #tpu.memory_space<vmem>>)
      %add3A_854 = arith.addi %mul3A_2, %add3A_829 : i32
      %dma_start3A_855 = arith.constant 0 : i32
      %dma_start3A_856 = arith.constant 0 : i32
      %dma_start3A_857 = tpu.memref_slice %arg5[%add3A_854, %dma_start3A_855, %dma_start3A_856] : memref<4096x50x768xf32, #tpu.memory_space<hbm>> -> memref<1x48x768xf32, #tpu.memory_space<hbm>>
      %dma_start3A_858 = tpu.memref_squeeze %dma_start3A_857 : memref<1x48x768xf32, #tpu.memory_space<hbm>> -> memref<48x768xf32, #tpu.memory_space<hbm>>
      %dma_start3A_859 = arith.constant 0 : i32
      %dma_start3A_860 = arith.constant 0 : i32
      %dma_start3A_861 = tpu.memref_slice %arg5[%add3A_854, %dma_start3A_859, %dma_start3A_860] : memref<4096x50x768xf32, #tpu.memory_space<hbm>> -> memref<1x48x768xf32, #tpu.memory_space<hbm>>
      %dma_start3A_862 = tpu.memref_squeeze %dma_start3A_861 : memref<1x48x768xf32, #tpu.memory_space<hbm>> -> memref<48x768xf32, #tpu.memory_space<hbm>>
      tpu.enqueue_dma source(%arg8 : memref<48x768xf32, #tpu.memory_space<vmem>>) target(%dma_start3A_862 : memref<48x768xf32, #tpu.memory_space<hbm>>) target_semaphore(%arg14 : memref<!tpu.dma_semaphore, #tpu.memory_space<semaphore_mem>>)
      %add3A_863 = arith.addi %mul3A_2, %add3A_829 : i32
      %dma_start3A_864 = arith.constant 0 : i32
      %dma_start3A_865 = arith.constant 48 : i32
      %dma_start3A_866 = arith.constant 0 : i32
      %dma_start3A_867 = tpu.memref_slice %arg11[%dma_start3A_864, %dma_start3A_866] : memref<16x768xf32, #tpu.memory_space<vmem>> -> memref<1x768xf32, #tpu.memory_space<vmem>>
      %dma_start3A_868 = tpu.memref_squeeze %dma_start3A_867 : memref<1x768xf32, #tpu.memory_space<vmem>> -> memref<768xf32, #tpu.memory_space<vmem>>
      %dma_start3A_869 = arith.constant 0 : i32
      %dma_start3A_870 = tpu.memref_slice %arg5[%add3A_863, %dma_start3A_865, %dma_start3A_869] : memref<4096x50x768xf32, #tpu.memory_space<hbm>> -> memref<1x1x768xf32, #tpu.memory_space<hbm>>
      %dma_start3A_871 = tpu.memref_squeeze %dma_start3A_870 : memref<1x1x768xf32, #tpu.memory_space<hbm>> -> memref<768xf32, #tpu.memory_space<hbm>>
      %dma_start3A_872 = arith.constant 0 : i32
      %dma_start3A_873 = tpu.memref_slice %arg5[%add3A_863, %dma_start3A_865, %dma_start3A_872] : memref<4096x50x768xf32, #tpu.memory_space<hbm>> -> memref<1x1x768xf32, #tpu.memory_space<hbm>>
      %dma_start3A_874 = tpu.memref_squeeze %dma_start3A_873 : memref<1x1x768xf32, #tpu.memory_space<hbm>> -> memref<768xf32, #tpu.memory_space<hbm>>
      %dma_start3A_875 = arith.constant 0 : i32
      %dma_start3A_876 = tpu.memref_slice %arg11[%dma_start3A_864, %dma_start3A_875] : memref<16x768xf32, #tpu.memory_space<vmem>> -> memref<1x768xf32, #tpu.memory_space<vmem>>
      %dma_start3A_877 = tpu.memref_squeeze %dma_start3A_876 : memref<1x768xf32, #tpu.memory_space<vmem>> -> memref<768xf32, #tpu.memory_space<vmem>>
      tpu.enqueue_dma source(%dma_start3A_877 : memref<768xf32, #tpu.memory_space<vmem>>) target(%dma_start3A_874 : memref<768xf32, #tpu.memory_space<hbm>>) target_semaphore(%arg19 : memref<!tpu.dma_semaphore, #tpu.memory_space<semaphore_mem>>)
      %add3A_878 = arith.addi %mul3A_2, %add3A_829 : i32
      %dma_start3A_879 = arith.constant 1 : i32
      %dma_start3A_880 = arith.constant 49 : i32
      %dma_start3A_881 = arith.constant 0 : i32
      %dma_start3A_882 = tpu.memref_slice %arg11[%dma_start3A_879, %dma_start3A_881] : memref<16x768xf32, #tpu.memory_space<vmem>> -> memref<1x768xf32, #tpu.memory_space<vmem>>
      %dma_start3A_883 = tpu.memref_squeeze %dma_start3A_882 : memref<1x768xf32, #tpu.memory_space<vmem>> -> memref<768xf32, #tpu.memory_space<vmem>>
      %dma_start3A_884 = arith.constant 0 : i32
      %dma_start3A_885 = tpu.memref_slice %arg5[%add3A_878, %dma_start3A_880, %dma_start3A_884] : memref<4096x50x768xf32, #tpu.memory_space<hbm>> -> memref<1x1x768xf32, #tpu.memory_space<hbm>>
      %dma_start3A_886 = tpu.memref_squeeze %dma_start3A_885 : memref<1x1x768xf32, #tpu.memory_space<hbm>> -> memref<768xf32, #tpu.memory_space<hbm>>
      %dma_start3A_887 = arith.constant 0 : i32
      %dma_start3A_888 = tpu.memref_slice %arg5[%add3A_878, %dma_start3A_880, %dma_start3A_887] : memref<4096x50x768xf32, #tpu.memory_space<hbm>> -> memref<1x1x768xf32, #tpu.memory_space<hbm>>
      %dma_start3A_889 = tpu.memref_squeeze %dma_start3A_888 : memref<1x1x768xf32, #tpu.memory_space<hbm>> -> memref<768xf32, #tpu.memory_space<hbm>>
      %dma_start3A_890 = arith.constant 0 : i32
      %dma_start3A_891 = tpu.memref_slice %arg11[%dma_start3A_879, %dma_start3A_890] : memref<16x768xf32, #tpu.memory_space<vmem>> -> memref<1x768xf32, #tpu.memory_space<vmem>>
      %dma_start3A_892 = tpu.memref_squeeze %dma_start3A_891 : memref<1x768xf32, #tpu.memory_space<vmem>> -> memref<768xf32, #tpu.memory_space<vmem>>
      tpu.enqueue_dma source(%dma_start3A_892 : memref<768xf32, #tpu.memory_space<vmem>>) target(%dma_start3A_889 : memref<768xf32, #tpu.memory_space<hbm>>) target_semaphore(%arg19 : memref<!tpu.dma_semaphore, #tpu.memory_space<semaphore_mem>>)
      %mul3A_893 = arith.constant 8 : i32
      %mul3A_894 = arith.muli %add3A_818, %mul3A_893 : i32
      %add3A_895 = arith.constant 1 : i32
      %add3A_896 = arith.addi %mul3A_894, %add3A_895 : i32
      %sub3A_897 = arith.constant 1 : i32
      %sub3A_898 = arith.subi %add3A_896, %sub3A_897 : i32
      %ge3A_899 = arith.constant 0 : i32
      %ge3A_900 = arith.cmpi sge, %sub3A_898, %ge3A_899 : i32
      %convert_element_type3A_901 = arith.extui %ge3A_900 : i1 to i32
      %cond3A_902 = arith.constant 0 : i32
      %cond3A_903 = arith.cmpi ne, %convert_element_type3A_901, %cond3A_902 : i32
      scf.if %cond3A_903 {
        %dma_wait3A_1593 = arith.constant 0 : i32
        %dma_wait3A_1594 = arith.constant 0 : i32
        %dma_wait3A_1595 = tpu.memref_slice %arg5[%mul3A_2, %dma_wait3A_1593, %dma_wait3A_1594] : memref<4096x50x768xf32, #tpu.memory_space<hbm>> -> memref<1x48x768xf32, #tpu.memory_space<hbm>>
        %dma_wait3A_1596 = tpu.memref_squeeze %dma_wait3A_1595 : memref<1x48x768xf32, #tpu.memory_space<hbm>> -> memref<48x768xf32, #tpu.memory_space<hbm>>
        %dma_wait3A_1597 = arith.constant 0 : i32
        %dma_wait3A_1598 = arith.constant 0 : i32
        %dma_wait3A_1599 = tpu.memref_slice %arg5[%mul3A_2, %dma_wait3A_1597, %dma_wait3A_1598] : memref<4096x50x768xf32, #tpu.memory_space<hbm>> -> memref<1x48x768xf32, #tpu.memory_space<hbm>>
        %dma_wait3A_1600 = tpu.memref_squeeze %dma_wait3A_1599 : memref<1x48x768xf32, #tpu.memory_space<hbm>> -> memref<48x768xf32, #tpu.memory_space<hbm>>
        tpu.wait_dma2 semaphore(%arg14 : memref<!tpu.dma_semaphore, #tpu.memory_space<semaphore_mem>>) src(%arg8 : memref<48x768xf32, #tpu.memory_space<vmem>>) dst(%dma_wait3A_1600 : memref<48x768xf32, #tpu.memory_space<hbm>>)
      } else {
      }
      %ge3A_904 = arith.constant 0 : i32
      %ge3A_905 = arith.cmpi sge, %sub3A_898, %ge3A_904 : i32
      %add3A_906 = arith.constant 2 : i32
      %add3A_907 = arith.addi %sub3A_898, %add3A_906 : i32
      %lt3A_908 = arith.constant 128 : i32
      %lt3A_909 = arith.cmpi slt, %add3A_907, %lt3A_908 : i32
      %and3A_910 = arith.andi %ge3A_905, %lt3A_909 : i1
      %convert_element_type3A_911 = arith.extui %and3A_910 : i1 to i32
      %cond3A_912 = arith.constant 0 : i32
      %cond3A_913 = arith.cmpi ne, %convert_element_type3A_911, %cond3A_912 : i32
      scf.if %cond3A_913 {
        %add3A_1593 = arith.constant 2 : i32
        %add3A_1594 = arith.addi %sub3A_898, %add3A_1593 : i32
        %dma_start3A_1595 = arith.constant 0 : i32
        %dma_start3A_1596 = tpu.memref_slice %arg6[%add3A_1594, %dma_start3A_1595] : memref<128x48xi32, #tpu.memory_space<vmem>> -> memref<1x48xi32, #tpu.memory_space<vmem>>
        %dma_start3A_1597 = tpu.memref_squeeze %dma_start3A_1596 : memref<1x48xi32, #tpu.memory_space<vmem>> -> memref<48xi32, #tpu.memory_space<vmem>>
        %dma_start3A_1598 = arith.constant 0 : i32
        %dma_start3A_1599 = arith.constant 0 : i32
        %dma_start3A_1600 = tpu.memref_slice %arg4[%dma_start3A_1598, %dma_start3A_1599] : memref<1000x768xf32, #tpu.memory_space<hbm>> -> memref<1000x768xf32, #tpu.memory_space<hbm>>
        tpu.enqueue_indirect_dma source(%dma_start3A_1600 : memref<1000x768xf32, #tpu.memory_space<hbm>>) target(%arg8 : memref<48x768xf32, #tpu.memory_space<vmem>>) offsets(%dma_start3A_1597 : memref<48xi32, #tpu.memory_space<vmem>>) semaphore(%arg12 : memref<!tpu.dma_semaphore, #tpu.memory_space<semaphore_mem>>)
      } else {
      }
      %dma_wait3A_914 = arith.constant 0 : i32
      %dma_wait3A_915 = arith.constant 0 : i32
      %dma_wait3A_916 = tpu.memref_slice %arg6[%dma_wait3A_914, %dma_wait3A_915] : memref<128x48xi32, #tpu.memory_space<vmem>> -> memref<1x48xi32, #tpu.memory_space<vmem>>
      %dma_wait3A_917 = tpu.memref_squeeze %dma_wait3A_916 : memref<1x48xi32, #tpu.memory_space<vmem>> -> memref<48xi32, #tpu.memory_space<vmem>>
      %dma_wait3A_918 = arith.constant 0 : i32
      %dma_wait3A_919 = arith.constant 0 : i32
      %dma_wait3A_920 = tpu.memref_slice %arg4[%dma_wait3A_918, %dma_wait3A_919] : memref<1000x768xf32, #tpu.memory_space<hbm>> -> memref<1000x768xf32, #tpu.memory_space<hbm>>
      tpu.wait_indirect_dma semaphore(%arg13 : memref<!tpu.dma_semaphore, #tpu.memory_space<semaphore_mem>>) src(%dma_wait3A_920 : memref<1000x768xf32, #tpu.memory_space<hbm>>) dst(%arg9 : memref<48x768xf32, #tpu.memory_space<vmem>>)
      %add3A_921 = arith.addi %mul3A_2, %add3A_896 : i32
      %dma_start3A_922 = arith.constant 0 : i32
      %dma_start3A_923 = arith.constant 0 : i32
      %dma_start3A_924 = tpu.memref_slice %arg5[%add3A_921, %dma_start3A_922, %dma_start3A_923] : memref<4096x50x768xf32, #tpu.memory_space<hbm>> -> memref<1x48x768xf32, #tpu.memory_space<hbm>>
      %dma_start3A_925 = tpu.memref_squeeze %dma_start3A_924 : memref<1x48x768xf32, #tpu.memory_space<hbm>> -> memref<48x768xf32, #tpu.memory_space<hbm>>
      %dma_start3A_926 = arith.constant 0 : i32
      %dma_start3A_927 = arith.constant 0 : i32
      %dma_start3A_928 = tpu.memref_slice %arg5[%add3A_921, %dma_start3A_926, %dma_start3A_927] : memref<4096x50x768xf32, #tpu.memory_space<hbm>> -> memref<1x48x768xf32, #tpu.memory_space<hbm>>
      %dma_start3A_929 = tpu.memref_squeeze %dma_start3A_928 : memref<1x48x768xf32, #tpu.memory_space<hbm>> -> memref<48x768xf32, #tpu.memory_space<hbm>>
      tpu.enqueue_dma source(%arg9 : memref<48x768xf32, #tpu.memory_space<vmem>>) target(%dma_start3A_929 : memref<48x768xf32, #tpu.memory_space<hbm>>) target_semaphore(%arg15 : memref<!tpu.dma_semaphore, #tpu.memory_space<semaphore_mem>>)
      %add3A_930 = arith.addi %mul3A_2, %add3A_896 : i32
      %dma_start3A_931 = arith.constant 2 : i32
      %dma_start3A_932 = arith.constant 48 : i32
      %dma_start3A_933 = arith.constant 0 : i32
      %dma_start3A_934 = tpu.memref_slice %arg11[%dma_start3A_931, %dma_start3A_933] : memref<16x768xf32, #tpu.memory_space<vmem>> -> memref<1x768xf32, #tpu.memory_space<vmem>>
      %dma_start3A_935 = tpu.memref_squeeze %dma_start3A_934 : memref<1x768xf32, #tpu.memory_space<vmem>> -> memref<768xf32, #tpu.memory_space<vmem>>
      %dma_start3A_936 = arith.constant 0 : i32
      %dma_start3A_937 = tpu.memref_slice %arg5[%add3A_930, %dma_start3A_932, %dma_start3A_936] : memref<4096x50x768xf32, #tpu.memory_space<hbm>> -> memref<1x1x768xf32, #tpu.memory_space<hbm>>
      %dma_start3A_938 = tpu.memref_squeeze %dma_start3A_937 : memref<1x1x768xf32, #tpu.memory_space<hbm>> -> memref<768xf32, #tpu.memory_space<hbm>>
      %dma_start3A_939 = arith.constant 0 : i32
      %dma_start3A_940 = tpu.memref_slice %arg5[%add3A_930, %dma_start3A_932, %dma_start3A_939] : memref<4096x50x768xf32, #tpu.memory_space<hbm>> -> memref<1x1x768xf32, #tpu.memory_space<hbm>>
      %dma_start3A_941 = tpu.memref_squeeze %dma_start3A_940 : memref<1x1x768xf32, #tpu.memory_space<hbm>> -> memref<768xf32, #tpu.memory_space<hbm>>
      %dma_start3A_942 = arith.constant 0 : i32
      %dma_start3A_943 = tpu.memref_slice %arg11[%dma_start3A_931, %dma_start3A_942] : memref<16x768xf32, #tpu.memory_space<vmem>> -> memref<1x768xf32, #tpu.memory_space<vmem>>
      %dma_start3A_944 = tpu.memref_squeeze %dma_start3A_943 : memref<1x768xf32, #tpu.memory_space<vmem>> -> memref<768xf32, #tpu.memory_space<vmem>>
      tpu.enqueue_dma source(%dma_start3A_944 : memref<768xf32, #tpu.memory_space<vmem>>) target(%dma_start3A_941 : memref<768xf32, #tpu.memory_space<hbm>>) target_semaphore(%arg19 : memref<!tpu.dma_semaphore, #tpu.memory_space<semaphore_mem>>)
      %add3A_945 = arith.addi %mul3A_2, %add3A_896 : i32
      %dma_start3A_946 = arith.constant 3 : i32
      %dma_start3A_947 = arith.constant 49 : i32
      %dma_start3A_948 = arith.constant 0 : i32
      %dma_start3A_949 = tpu.memref_slice %arg11[%dma_start3A_946, %dma_start3A_948] : memref<16x768xf32, #tpu.memory_space<vmem>> -> memref<1x768xf32, #tpu.memory_space<vmem>>
      %dma_start3A_950 = tpu.memref_squeeze %dma_start3A_949 : memref<1x768xf32, #tpu.memory_space<vmem>> -> memref<768xf32, #tpu.memory_space<vmem>>
      %dma_start3A_951 = arith.constant 0 : i32
      %dma_start3A_952 = tpu.memref_slice %arg5[%add3A_945, %dma_start3A_947, %dma_start3A_951] : memref<4096x50x768xf32, #tpu.memory_space<hbm>> -> memref<1x1x768xf32, #tpu.memory_space<hbm>>
      %dma_start3A_953 = tpu.memref_squeeze %dma_start3A_952 : memref<1x1x768xf32, #tpu.memory_space<hbm>> -> memref<768xf32, #tpu.memory_space<hbm>>
      %dma_start3A_954 = arith.constant 0 : i32
      %dma_start3A_955 = tpu.memref_slice %arg5[%add3A_945, %dma_start3A_947, %dma_start3A_954] : memref<4096x50x768xf32, #tpu.memory_space<hbm>> -> memref<1x1x768xf32, #tpu.memory_space<hbm>>
      %dma_start3A_956 = tpu.memref_squeeze %dma_start3A_955 : memref<1x1x768xf32, #tpu.memory_space<hbm>> -> memref<768xf32, #tpu.memory_space<hbm>>
      %dma_start3A_957 = arith.constant 0 : i32
      %dma_start3A_958 = tpu.memref_slice %arg11[%dma_start3A_946, %dma_start3A_957] : memref<16x768xf32, #tpu.memory_space<vmem>> -> memref<1x768xf32, #tpu.memory_space<vmem>>
      %dma_start3A_959 = tpu.memref_squeeze %dma_start3A_958 : memref<1x768xf32, #tpu.memory_space<vmem>> -> memref<768xf32, #tpu.memory_space<vmem>>
      tpu.enqueue_dma source(%dma_start3A_959 : memref<768xf32, #tpu.memory_space<vmem>>) target(%dma_start3A_956 : memref<768xf32, #tpu.memory_space<hbm>>) target_semaphore(%arg19 : memref<!tpu.dma_semaphore, #tpu.memory_space<semaphore_mem>>)
      %mul3A_960 = arith.constant 8 : i32
      %mul3A_961 = arith.muli %add3A_818, %mul3A_960 : i32
      %add3A_962 = arith.constant 2 : i32
      %add3A_963 = arith.addi %mul3A_961, %add3A_962 : i32
      %sub3A_964 = arith.constant 1 : i32
      %sub3A_965 = arith.subi %add3A_963, %sub3A_964 : i32
      %ge3A_966 = arith.constant 0 : i32
      %ge3A_967 = arith.cmpi sge, %sub3A_965, %ge3A_966 : i32
      %convert_element_type3A_968 = arith.extui %ge3A_967 : i1 to i32
      %cond3A_969 = arith.constant 0 : i32
      %cond3A_970 = arith.cmpi ne, %convert_element_type3A_968, %cond3A_969 : i32
      scf.if %cond3A_970 {
        %dma_wait3A_1593 = arith.constant 0 : i32
        %dma_wait3A_1594 = arith.constant 0 : i32
        %dma_wait3A_1595 = tpu.memref_slice %arg5[%mul3A_2, %dma_wait3A_1593, %dma_wait3A_1594] : memref<4096x50x768xf32, #tpu.memory_space<hbm>> -> memref<1x48x768xf32, #tpu.memory_space<hbm>>
        %dma_wait3A_1596 = tpu.memref_squeeze %dma_wait3A_1595 : memref<1x48x768xf32, #tpu.memory_space<hbm>> -> memref<48x768xf32, #tpu.memory_space<hbm>>
        %dma_wait3A_1597 = arith.constant 0 : i32
        %dma_wait3A_1598 = arith.constant 0 : i32
        %dma_wait3A_1599 = tpu.memref_slice %arg5[%mul3A_2, %dma_wait3A_1597, %dma_wait3A_1598] : memref<4096x50x768xf32, #tpu.memory_space<hbm>> -> memref<1x48x768xf32, #tpu.memory_space<hbm>>
        %dma_wait3A_1600 = tpu.memref_squeeze %dma_wait3A_1599 : memref<1x48x768xf32, #tpu.memory_space<hbm>> -> memref<48x768xf32, #tpu.memory_space<hbm>>
        tpu.wait_dma2 semaphore(%arg15 : memref<!tpu.dma_semaphore, #tpu.memory_space<semaphore_mem>>) src(%arg9 : memref<48x768xf32, #tpu.memory_space<vmem>>) dst(%dma_wait3A_1600 : memref<48x768xf32, #tpu.memory_space<hbm>>)
      } else {
      }
      %ge3A_971 = arith.constant 0 : i32
      %ge3A_972 = arith.cmpi sge, %sub3A_965, %ge3A_971 : i32
      %add3A_973 = arith.constant 2 : i32
      %add3A_974 = arith.addi %sub3A_965, %add3A_973 : i32
      %lt3A_975 = arith.constant 128 : i32
      %lt3A_976 = arith.cmpi slt, %add3A_974, %lt3A_975 : i32
      %and3A_977 = arith.andi %ge3A_972, %lt3A_976 : i1
      %convert_element_type3A_978 = arith.extui %and3A_977 : i1 to i32
      %cond3A_979 = arith.constant 0 : i32
      %cond3A_980 = arith.cmpi ne, %convert_element_type3A_978, %cond3A_979 : i32
      scf.if %cond3A_980 {
        %add3A_1593 = arith.constant 2 : i32
        %add3A_1594 = arith.addi %sub3A_965, %add3A_1593 : i32
        %dma_start3A_1595 = arith.constant 0 : i32
        %dma_start3A_1596 = tpu.memref_slice %arg6[%add3A_1594, %dma_start3A_1595] : memref<128x48xi32, #tpu.memory_space<vmem>> -> memref<1x48xi32, #tpu.memory_space<vmem>>
        %dma_start3A_1597 = tpu.memref_squeeze %dma_start3A_1596 : memref<1x48xi32, #tpu.memory_space<vmem>> -> memref<48xi32, #tpu.memory_space<vmem>>
        %dma_start3A_1598 = arith.constant 0 : i32
        %dma_start3A_1599 = arith.constant 0 : i32
        %dma_start3A_1600 = tpu.memref_slice %arg4[%dma_start3A_1598, %dma_start3A_1599] : memref<1000x768xf32, #tpu.memory_space<hbm>> -> memref<1000x768xf32, #tpu.memory_space<hbm>>
        tpu.enqueue_indirect_dma source(%dma_start3A_1600 : memref<1000x768xf32, #tpu.memory_space<hbm>>) target(%arg9 : memref<48x768xf32, #tpu.memory_space<vmem>>) offsets(%dma_start3A_1597 : memref<48xi32, #tpu.memory_space<vmem>>) semaphore(%arg13 : memref<!tpu.dma_semaphore, #tpu.memory_space<semaphore_mem>>)
      } else {
      }
      %dma_wait3A_981 = arith.constant 0 : i32
      %dma_wait3A_982 = arith.constant 0 : i32
      %dma_wait3A_983 = tpu.memref_slice %arg6[%dma_wait3A_981, %dma_wait3A_982] : memref<128x48xi32, #tpu.memory_space<vmem>> -> memref<1x48xi32, #tpu.memory_space<vmem>>
      %dma_wait3A_984 = tpu.memref_squeeze %dma_wait3A_983 : memref<1x48xi32, #tpu.memory_space<vmem>> -> memref<48xi32, #tpu.memory_space<vmem>>
      %dma_wait3A_985 = arith.constant 0 : i32
      %dma_wait3A_986 = arith.constant 0 : i32
      %dma_wait3A_987 = tpu.memref_slice %arg4[%dma_wait3A_985, %dma_wait3A_986] : memref<1000x768xf32, #tpu.memory_space<hbm>> -> memref<1000x768xf32, #tpu.memory_space<hbm>>
      tpu.wait_indirect_dma semaphore(%arg12 : memref<!tpu.dma_semaphore, #tpu.memory_space<semaphore_mem>>) src(%dma_wait3A_987 : memref<1000x768xf32, #tpu.memory_space<hbm>>) dst(%arg8 : memref<48x768xf32, #tpu.memory_space<vmem>>)
      %add3A_988 = arith.addi %mul3A_2, %add3A_963 : i32
      %dma_start3A_989 = arith.constant 0 : i32
      %dma_start3A_990 = arith.constant 0 : i32
      %dma_start3A_991 = tpu.memref_slice %arg5[%add3A_988, %dma_start3A_989, %dma_start3A_990] : memref<4096x50x768xf32, #tpu.memory_space<hbm>> -> memref<1x48x768xf32, #tpu.memory_space<hbm>>
      %dma_start3A_992 = tpu.memref_squeeze %dma_start3A_991 : memref<1x48x768xf32, #tpu.memory_space<hbm>> -> memref<48x768xf32, #tpu.memory_space<hbm>>
      %dma_start3A_993 = arith.constant 0 : i32
      %dma_start3A_994 = arith.constant 0 : i32
      %dma_start3A_995 = tpu.memref_slice %arg5[%add3A_988, %dma_start3A_993, %dma_start3A_994] : memref<4096x50x768xf32, #tpu.memory_space<hbm>> -> memref<1x48x768xf32, #tpu.memory_space<hbm>>
      %dma_start3A_996 = tpu.memref_squeeze %dma_start3A_995 : memref<1x48x768xf32, #tpu.memory_space<hbm>> -> memref<48x768xf32, #tpu.memory_space<hbm>>
      tpu.enqueue_dma source(%arg8 : memref<48x768xf32, #tpu.memory_space<vmem>>) target(%dma_start3A_996 : memref<48x768xf32, #tpu.memory_space<hbm>>) target_semaphore(%arg14 : memref<!tpu.dma_semaphore, #tpu.memory_space<semaphore_mem>>)
      %add3A_997 = arith.addi %mul3A_2, %add3A_963 : i32
      %dma_start3A_998 = arith.constant 4 : i32
      %dma_start3A_999 = arith.constant 48 : i32
      %dma_start3A_1000 = arith.constant 0 : i32
      %dma_start3A_1001 = tpu.memref_slice %arg11[%dma_start3A_998, %dma_start3A_1000] : memref<16x768xf32, #tpu.memory_space<vmem>> -> memref<1x768xf32, #tpu.memory_space<vmem>>
      %dma_start3A_1002 = tpu.memref_squeeze %dma_start3A_1001 : memref<1x768xf32, #tpu.memory_space<vmem>> -> memref<768xf32, #tpu.memory_space<vmem>>
      %dma_start3A_1003 = arith.constant 0 : i32
      %dma_start3A_1004 = tpu.memref_slice %arg5[%add3A_997, %dma_start3A_999, %dma_start3A_1003] : memref<4096x50x768xf32, #tpu.memory_space<hbm>> -> memref<1x1x768xf32, #tpu.memory_space<hbm>>
      %dma_start3A_1005 = tpu.memref_squeeze %dma_start3A_1004 : memref<1x1x768xf32, #tpu.memory_space<hbm>> -> memref<768xf32, #tpu.memory_space<hbm>>
      %dma_start3A_1006 = arith.constant 0 : i32
      %dma_start3A_1007 = tpu.memref_slice %arg5[%add3A_997, %dma_start3A_999, %dma_start3A_1006] : memref<4096x50x768xf32, #tpu.memory_space<hbm>> -> memref<1x1x768xf32, #tpu.memory_space<hbm>>
      %dma_start3A_1008 = tpu.memref_squeeze %dma_start3A_1007 : memref<1x1x768xf32, #tpu.memory_space<hbm>> -> memref<768xf32, #tpu.memory_space<hbm>>
      %dma_start3A_1009 = arith.constant 0 : i32
      %dma_start3A_1010 = tpu.memref_slice %arg11[%dma_start3A_998, %dma_start3A_1009] : memref<16x768xf32, #tpu.memory_space<vmem>> -> memref<1x768xf32, #tpu.memory_space<vmem>>
      %dma_start3A_1011 = tpu.memref_squeeze %dma_start3A_1010 : memref<1x768xf32, #tpu.memory_space<vmem>> -> memref<768xf32, #tpu.memory_space<vmem>>
      tpu.enqueue_dma source(%dma_start3A_1011 : memref<768xf32, #tpu.memory_space<vmem>>) target(%dma_start3A_1008 : memref<768xf32, #tpu.memory_space<hbm>>) target_semaphore(%arg19 : memref<!tpu.dma_semaphore, #tpu.memory_space<semaphore_mem>>)
      %add3A_1012 = arith.addi %mul3A_2, %add3A_963 : i32
      %dma_start3A_1013 = arith.constant 5 : i32
      %dma_start3A_1014 = arith.constant 49 : i32
      %dma_start3A_1015 = arith.constant 0 : i32
      %dma_start3A_1016 = tpu.memref_slice %arg11[%dma_start3A_1013, %dma_start3A_1015] : memref<16x768xf32, #tpu.memory_space<vmem>> -> memref<1x768xf32, #tpu.memory_space<vmem>>
      %dma_start3A_1017 = tpu.memref_squeeze %dma_start3A_1016 : memref<1x768xf32, #tpu.memory_space<vmem>> -> memref<768xf32, #tpu.memory_space<vmem>>
      %dma_start3A_1018 = arith.constant 0 : i32
      %dma_start3A_1019 = tpu.memref_slice %arg5[%add3A_1012, %dma_start3A_1014, %dma_start3A_1018] : memref<4096x50x768xf32, #tpu.memory_space<hbm>> -> memref<1x1x768xf32, #tpu.memory_space<hbm>>
      %dma_start3A_1020 = tpu.memref_squeeze %dma_start3A_1019 : memref<1x1x768xf32, #tpu.memory_space<hbm>> -> memref<768xf32, #tpu.memory_space<hbm>>
      %dma_start3A_1021 = arith.constant 0 : i32
      %dma_start3A_1022 = tpu.memref_slice %arg5[%add3A_1012, %dma_start3A_1014, %dma_start3A_1021] : memref<4096x50x768xf32, #tpu.memory_space<hbm>> -> memref<1x1x768xf32, #tpu.memory_space<hbm>>
      %dma_start3A_1023 = tpu.memref_squeeze %dma_start3A_1022 : memref<1x1x768xf32, #tpu.memory_space<hbm>> -> memref<768xf32, #tpu.memory_space<hbm>>
      %dma_start3A_1024 = arith.constant 0 : i32
      %dma_start3A_1025 = tpu.memref_slice %arg11[%dma_start3A_1013, %dma_start3A_1024] : memref<16x768xf32, #tpu.memory_space<vmem>> -> memref<1x768xf32, #tpu.memory_space<vmem>>
      %dma_start3A_1026 = tpu.memref_squeeze %dma_start3A_1025 : memref<1x768xf32, #tpu.memory_space<vmem>> -> memref<768xf32, #tpu.memory_space<vmem>>
      tpu.enqueue_dma source(%dma_start3A_1026 : memref<768xf32, #tpu.memory_space<vmem>>) target(%dma_start3A_1023 : memref<768xf32, #tpu.memory_space<hbm>>) target_semaphore(%arg19 : memref<!tpu.dma_semaphore, #tpu.memory_space<semaphore_mem>>)
      %mul3A_1027 = arith.constant 8 : i32
      %mul3A_1028 = arith.muli %add3A_818, %mul3A_1027 : i32
      %add3A_1029 = arith.constant 3 : i32
      %add3A_1030 = arith.addi %mul3A_1028, %add3A_1029 : i32
      %sub3A_1031 = arith.constant 1 : i32
      %sub3A_1032 = arith.subi %add3A_1030, %sub3A_1031 : i32
      %ge3A_1033 = arith.constant 0 : i32
      %ge3A_1034 = arith.cmpi sge, %sub3A_1032, %ge3A_1033 : i32
      %convert_element_type3A_1035 = arith.extui %ge3A_1034 : i1 to i32
      %cond3A_1036 = arith.constant 0 : i32
      %cond3A_1037 = arith.cmpi ne, %convert_element_type3A_1035, %cond3A_1036 : i32
      scf.if %cond3A_1037 {
        %dma_wait3A_1593 = arith.constant 0 : i32
        %dma_wait3A_1594 = arith.constant 0 : i32
        %dma_wait3A_1595 = tpu.memref_slice %arg5[%mul3A_2, %dma_wait3A_1593, %dma_wait3A_1594] : memref<4096x50x768xf32, #tpu.memory_space<hbm>> -> memref<1x48x768xf32, #tpu.memory_space<hbm>>
        %dma_wait3A_1596 = tpu.memref_squeeze %dma_wait3A_1595 : memref<1x48x768xf32, #tpu.memory_space<hbm>> -> memref<48x768xf32, #tpu.memory_space<hbm>>
        %dma_wait3A_1597 = arith.constant 0 : i32
        %dma_wait3A_1598 = arith.constant 0 : i32
        %dma_wait3A_1599 = tpu.memref_slice %arg5[%mul3A_2, %dma_wait3A_1597, %dma_wait3A_1598] : memref<4096x50x768xf32, #tpu.memory_space<hbm>> -> memref<1x48x768xf32, #tpu.memory_space<hbm>>
        %dma_wait3A_1600 = tpu.memref_squeeze %dma_wait3A_1599 : memref<1x48x768xf32, #tpu.memory_space<hbm>> -> memref<48x768xf32, #tpu.memory_space<hbm>>
        tpu.wait_dma2 semaphore(%arg14 : memref<!tpu.dma_semaphore, #tpu.memory_space<semaphore_mem>>) src(%arg8 : memref<48x768xf32, #tpu.memory_space<vmem>>) dst(%dma_wait3A_1600 : memref<48x768xf32, #tpu.memory_space<hbm>>)
      } else {
      }
      %ge3A_1038 = arith.constant 0 : i32
      %ge3A_1039 = arith.cmpi sge, %sub3A_1032, %ge3A_1038 : i32
      %add3A_1040 = arith.constant 2 : i32
      %add3A_1041 = arith.addi %sub3A_1032, %add3A_1040 : i32
      %lt3A_1042 = arith.constant 128 : i32
      %lt3A_1043 = arith.cmpi slt, %add3A_1041, %lt3A_1042 : i32
      %and3A_1044 = arith.andi %ge3A_1039, %lt3A_1043 : i1
      %convert_element_type3A_1045 = arith.extui %and3A_1044 : i1 to i32
      %cond3A_1046 = arith.constant 0 : i32
      %cond3A_1047 = arith.cmpi ne, %convert_element_type3A_1045, %cond3A_1046 : i32
      scf.if %cond3A_1047 {
        %add3A_1593 = arith.constant 2 : i32
        %add3A_1594 = arith.addi %sub3A_1032, %add3A_1593 : i32
        %dma_start3A_1595 = arith.constant 0 : i32
        %dma_start3A_1596 = tpu.memref_slice %arg6[%add3A_1594, %dma_start3A_1595] : memref<128x48xi32, #tpu.memory_space<vmem>> -> memref<1x48xi32, #tpu.memory_space<vmem>>
        %dma_start3A_1597 = tpu.memref_squeeze %dma_start3A_1596 : memref<1x48xi32, #tpu.memory_space<vmem>> -> memref<48xi32, #tpu.memory_space<vmem>>
        %dma_start3A_1598 = arith.constant 0 : i32
        %dma_start3A_1599 = arith.constant 0 : i32
        %dma_start3A_1600 = tpu.memref_slice %arg4[%dma_start3A_1598, %dma_start3A_1599] : memref<1000x768xf32, #tpu.memory_space<hbm>> -> memref<1000x768xf32, #tpu.memory_space<hbm>>
        tpu.enqueue_indirect_dma source(%dma_start3A_1600 : memref<1000x768xf32, #tpu.memory_space<hbm>>) target(%arg8 : memref<48x768xf32, #tpu.memory_space<vmem>>) offsets(%dma_start3A_1597 : memref<48xi32, #tpu.memory_space<vmem>>) semaphore(%arg12 : memref<!tpu.dma_semaphore, #tpu.memory_space<semaphore_mem>>)
      } else {
      }
      %dma_wait3A_1048 = arith.constant 0 : i32
      %dma_wait3A_1049 = arith.constant 0 : i32
      %dma_wait3A_1050 = tpu.memref_slice %arg6[%dma_wait3A_1048, %dma_wait3A_1049] : memref<128x48xi32, #tpu.memory_space<vmem>> -> memref<1x48xi32, #tpu.memory_space<vmem>>
      %dma_wait3A_1051 = tpu.memref_squeeze %dma_wait3A_1050 : memref<1x48xi32, #tpu.memory_space<vmem>> -> memref<48xi32, #tpu.memory_space<vmem>>
      %dma_wait3A_1052 = arith.constant 0 : i32
      %dma_wait3A_1053 = arith.constant 0 : i32
      %dma_wait3A_1054 = tpu.memref_slice %arg4[%dma_wait3A_1052, %dma_wait3A_1053] : memref<1000x768xf32, #tpu.memory_space<hbm>> -> memref<1000x768xf32, #tpu.memory_space<hbm>>
      tpu.wait_indirect_dma semaphore(%arg13 : memref<!tpu.dma_semaphore, #tpu.memory_space<semaphore_mem>>) src(%dma_wait3A_1054 : memref<1000x768xf32, #tpu.memory_space<hbm>>) dst(%arg9 : memref<48x768xf32, #tpu.memory_space<vmem>>)
      %add3A_1055 = arith.addi %mul3A_2, %add3A_1030 : i32
      %dma_start3A_1056 = arith.constant 0 : i32
      %dma_start3A_1057 = arith.constant 0 : i32
      %dma_start3A_1058 = tpu.memref_slice %arg5[%add3A_1055, %dma_start3A_1056, %dma_start3A_1057] : memref<4096x50x768xf32, #tpu.memory_space<hbm>> -> memref<1x48x768xf32, #tpu.memory_space<hbm>>
      %dma_start3A_1059 = tpu.memref_squeeze %dma_start3A_1058 : memref<1x48x768xf32, #tpu.memory_space<hbm>> -> memref<48x768xf32, #tpu.memory_space<hbm>>
      %dma_start3A_1060 = arith.constant 0 : i32
      %dma_start3A_1061 = arith.constant 0 : i32
      %dma_start3A_1062 = tpu.memref_slice %arg5[%add3A_1055, %dma_start3A_1060, %dma_start3A_1061] : memref<4096x50x768xf32, #tpu.memory_space<hbm>> -> memref<1x48x768xf32, #tpu.memory_space<hbm>>
      %dma_start3A_1063 = tpu.memref_squeeze %dma_start3A_1062 : memref<1x48x768xf32, #tpu.memory_space<hbm>> -> memref<48x768xf32, #tpu.memory_space<hbm>>
      tpu.enqueue_dma source(%arg9 : memref<48x768xf32, #tpu.memory_space<vmem>>) target(%dma_start3A_1063 : memref<48x768xf32, #tpu.memory_space<hbm>>) target_semaphore(%arg15 : memref<!tpu.dma_semaphore, #tpu.memory_space<semaphore_mem>>)
      %add3A_1064 = arith.addi %mul3A_2, %add3A_1030 : i32
      %dma_start3A_1065 = arith.constant 6 : i32
      %dma_start3A_1066 = arith.constant 48 : i32
      %dma_start3A_1067 = arith.constant 0 : i32
      %dma_start3A_1068 = tpu.memref_slice %arg11[%dma_start3A_1065, %dma_start3A_1067] : memref<16x768xf32, #tpu.memory_space<vmem>> -> memref<1x768xf32, #tpu.memory_space<vmem>>
      %dma_start3A_1069 = tpu.memref_squeeze %dma_start3A_1068 : memref<1x768xf32, #tpu.memory_space<vmem>> -> memref<768xf32, #tpu.memory_space<vmem>>
      %dma_start3A_1070 = arith.constant 0 : i32
      %dma_start3A_1071 = tpu.memref_slice %arg5[%add3A_1064, %dma_start3A_1066, %dma_start3A_1070] : memref<4096x50x768xf32, #tpu.memory_space<hbm>> -> memref<1x1x768xf32, #tpu.memory_space<hbm>>
      %dma_start3A_1072 = tpu.memref_squeeze %dma_start3A_1071 : memref<1x1x768xf32, #tpu.memory_space<hbm>> -> memref<768xf32, #tpu.memory_space<hbm>>
      %dma_start3A_1073 = arith.constant 0 : i32
      %dma_start3A_1074 = tpu.memref_slice %arg5[%add3A_1064, %dma_start3A_1066, %dma_start3A_1073] : memref<4096x50x768xf32, #tpu.memory_space<hbm>> -> memref<1x1x768xf32, #tpu.memory_space<hbm>>
      %dma_start3A_1075 = tpu.memref_squeeze %dma_start3A_1074 : memref<1x1x768xf32, #tpu.memory_space<hbm>> -> memref<768xf32, #tpu.memory_space<hbm>>
      %dma_start3A_1076 = arith.constant 0 : i32
      %dma_start3A_1077 = tpu.memref_slice %arg11[%dma_start3A_1065, %dma_start3A_1076] : memref<16x768xf32, #tpu.memory_space<vmem>> -> memref<1x768xf32, #tpu.memory_space<vmem>>
      %dma_start3A_1078 = tpu.memref_squeeze %dma_start3A_1077 : memref<1x768xf32, #tpu.memory_space<vmem>> -> memref<768xf32, #tpu.memory_space<vmem>>
      tpu.enqueue_dma source(%dma_start3A_1078 : memref<768xf32, #tpu.memory_space<vmem>>) target(%dma_start3A_1075 : memref<768xf32, #tpu.memory_space<hbm>>) target_semaphore(%arg19 : memref<!tpu.dma_semaphore, #tpu.memory_space<semaphore_mem>>)
      %add3A_1079 = arith.addi %mul3A_2, %add3A_1030 : i32
      %dma_start3A_1080 = arith.constant 7 : i32
      %dma_start3A_1081 = arith.constant 49 : i32
      %dma_start3A_1082 = arith.constant 0 : i32
      %dma_start3A_1083 = tpu.memref_slice %arg11[%dma_start3A_1080, %dma_start3A_1082] : memref<16x768xf32, #tpu.memory_space<vmem>> -> memref<1x768xf32, #tpu.memory_space<vmem>>
      %dma_start3A_1084 = tpu.memref_squeeze %dma_start3A_1083 : memref<1x768xf32, #tpu.memory_space<vmem>> -> memref<768xf32, #tpu.memory_space<vmem>>
      %dma_start3A_1085 = arith.constant 0 : i32
      %dma_start3A_1086 = tpu.memref_slice %arg5[%add3A_1079, %dma_start3A_1081, %dma_start3A_1085] : memref<4096x50x768xf32, #tpu.memory_space<hbm>> -> memref<1x1x768xf32, #tpu.memory_space<hbm>>
      %dma_start3A_1087 = tpu.memref_squeeze %dma_start3A_1086 : memref<1x1x768xf32, #tpu.memory_space<hbm>> -> memref<768xf32, #tpu.memory_space<hbm>>
      %dma_start3A_1088 = arith.constant 0 : i32
      %dma_start3A_1089 = tpu.memref_slice %arg5[%add3A_1079, %dma_start3A_1081, %dma_start3A_1088] : memref<4096x50x768xf32, #tpu.memory_space<hbm>> -> memref<1x1x768xf32, #tpu.memory_space<hbm>>
      %dma_start3A_1090 = tpu.memref_squeeze %dma_start3A_1089 : memref<1x1x768xf32, #tpu.memory_space<hbm>> -> memref<768xf32, #tpu.memory_space<hbm>>
      %dma_start3A_1091 = arith.constant 0 : i32
      %dma_start3A_1092 = tpu.memref_slice %arg11[%dma_start3A_1080, %dma_start3A_1091] : memref<16x768xf32, #tpu.memory_space<vmem>> -> memref<1x768xf32, #tpu.memory_space<vmem>>
      %dma_start3A_1093 = tpu.memref_squeeze %dma_start3A_1092 : memref<1x768xf32, #tpu.memory_space<vmem>> -> memref<768xf32, #tpu.memory_space<vmem>>
      tpu.enqueue_dma source(%dma_start3A_1093 : memref<768xf32, #tpu.memory_space<vmem>>) target(%dma_start3A_1090 : memref<768xf32, #tpu.memory_space<hbm>>) target_semaphore(%arg19 : memref<!tpu.dma_semaphore, #tpu.memory_space<semaphore_mem>>)
      %mul3A_1094 = arith.constant 8 : i32
      %mul3A_1095 = arith.muli %add3A_818, %mul3A_1094 : i32
      %add3A_1096 = arith.constant 4 : i32
      %add3A_1097 = arith.addi %mul3A_1095, %add3A_1096 : i32
      %sub3A_1098 = arith.constant 1 : i32
      %sub3A_1099 = arith.subi %add3A_1097, %sub3A_1098 : i32
      %ge3A_1100 = arith.constant 0 : i32
      %ge3A_1101 = arith.cmpi sge, %sub3A_1099, %ge3A_1100 : i32
      %convert_element_type3A_1102 = arith.extui %ge3A_1101 : i1 to i32
      %cond3A_1103 = arith.constant 0 : i32
      %cond3A_1104 = arith.cmpi ne, %convert_element_type3A_1102, %cond3A_1103 : i32
      scf.if %cond3A_1104 {
        %dma_wait3A_1593 = arith.constant 0 : i32
        %dma_wait3A_1594 = arith.constant 0 : i32
        %dma_wait3A_1595 = tpu.memref_slice %arg5[%mul3A_2, %dma_wait3A_1593, %dma_wait3A_1594] : memref<4096x50x768xf32, #tpu.memory_space<hbm>> -> memref<1x48x768xf32, #tpu.memory_space<hbm>>
        %dma_wait3A_1596 = tpu.memref_squeeze %dma_wait3A_1595 : memref<1x48x768xf32, #tpu.memory_space<hbm>> -> memref<48x768xf32, #tpu.memory_space<hbm>>
        %dma_wait3A_1597 = arith.constant 0 : i32
        %dma_wait3A_1598 = arith.constant 0 : i32
        %dma_wait3A_1599 = tpu.memref_slice %arg5[%mul3A_2, %dma_wait3A_1597, %dma_wait3A_1598] : memref<4096x50x768xf32, #tpu.memory_space<hbm>> -> memref<1x48x768xf32, #tpu.memory_space<hbm>>
        %dma_wait3A_1600 = tpu.memref_squeeze %dma_wait3A_1599 : memref<1x48x768xf32, #tpu.memory_space<hbm>> -> memref<48x768xf32, #tpu.memory_space<hbm>>
        tpu.wait_dma2 semaphore(%arg15 : memref<!tpu.dma_semaphore, #tpu.memory_space<semaphore_mem>>) src(%arg9 : memref<48x768xf32, #tpu.memory_space<vmem>>) dst(%dma_wait3A_1600 : memref<48x768xf32, #tpu.memory_space<hbm>>)
      } else {
      }
      %ge3A_1105 = arith.constant 0 : i32
      %ge3A_1106 = arith.cmpi sge, %sub3A_1099, %ge3A_1105 : i32
      %add3A_1107 = arith.constant 2 : i32
      %add3A_1108 = arith.addi %sub3A_1099, %add3A_1107 : i32
      %lt3A_1109 = arith.constant 128 : i32
      %lt3A_1110 = arith.cmpi slt, %add3A_1108, %lt3A_1109 : i32
      %and3A_1111 = arith.andi %ge3A_1106, %lt3A_1110 : i1
      %convert_element_type3A_1112 = arith.extui %and3A_1111 : i1 to i32
      %cond3A_1113 = arith.constant 0 : i32
      %cond3A_1114 = arith.cmpi ne, %convert_element_type3A_1112, %cond3A_1113 : i32
      scf.if %cond3A_1114 {
        %add3A_1593 = arith.constant 2 : i32
        %add3A_1594 = arith.addi %sub3A_1099, %add3A_1593 : i32
        %dma_start3A_1595 = arith.constant 0 : i32
        %dma_start3A_1596 = tpu.memref_slice %arg6[%add3A_1594, %dma_start3A_1595] : memref<128x48xi32, #tpu.memory_space<vmem>> -> memref<1x48xi32, #tpu.memory_space<vmem>>
        %dma_start3A_1597 = tpu.memref_squeeze %dma_start3A_1596 : memref<1x48xi32, #tpu.memory_space<vmem>> -> memref<48xi32, #tpu.memory_space<vmem>>
        %dma_start3A_1598 = arith.constant 0 : i32
        %dma_start3A_1599 = arith.constant 0 : i32
        %dma_start3A_1600 = tpu.memref_slice %arg4[%dma_start3A_1598, %dma_start3A_1599] : memref<1000x768xf32, #tpu.memory_space<hbm>> -> memref<1000x768xf32, #tpu.memory_space<hbm>>
        tpu.enqueue_indirect_dma source(%dma_start3A_1600 : memref<1000x768xf32, #tpu.memory_space<hbm>>) target(%arg9 : memref<48x768xf32, #tpu.memory_space<vmem>>) offsets(%dma_start3A_1597 : memref<48xi32, #tpu.memory_space<vmem>>) semaphore(%arg13 : memref<!tpu.dma_semaphore, #tpu.memory_space<semaphore_mem>>)
      } else {
      }
      %dma_wait3A_1115 = arith.constant 0 : i32
      %dma_wait3A_1116 = arith.constant 0 : i32
      %dma_wait3A_1117 = tpu.memref_slice %arg6[%dma_wait3A_1115, %dma_wait3A_1116] : memref<128x48xi32, #tpu.memory_space<vmem>> -> memref<1x48xi32, #tpu.memory_space<vmem>>
      %dma_wait3A_1118 = tpu.memref_squeeze %dma_wait3A_1117 : memref<1x48xi32, #tpu.memory_space<vmem>> -> memref<48xi32, #tpu.memory_space<vmem>>
      %dma_wait3A_1119 = arith.constant 0 : i32
      %dma_wait3A_1120 = arith.constant 0 : i32
      %dma_wait3A_1121 = tpu.memref_slice %arg4[%dma_wait3A_1119, %dma_wait3A_1120] : memref<1000x768xf32, #tpu.memory_space<hbm>> -> memref<1000x768xf32, #tpu.memory_space<hbm>>
      tpu.wait_indirect_dma semaphore(%arg12 : memref<!tpu.dma_semaphore, #tpu.memory_space<semaphore_mem>>) src(%dma_wait3A_1121 : memref<1000x768xf32, #tpu.memory_space<hbm>>) dst(%arg8 : memref<48x768xf32, #tpu.memory_space<vmem>>)
      %add3A_1122 = arith.addi %mul3A_2, %add3A_1097 : i32
      %dma_start3A_1123 = arith.constant 0 : i32
      %dma_start3A_1124 = arith.constant 0 : i32
      %dma_start3A_1125 = tpu.memref_slice %arg5[%add3A_1122, %dma_start3A_1123, %dma_start3A_1124] : memref<4096x50x768xf32, #tpu.memory_space<hbm>> -> memref<1x48x768xf32, #tpu.memory_space<hbm>>
      %dma_start3A_1126 = tpu.memref_squeeze %dma_start3A_1125 : memref<1x48x768xf32, #tpu.memory_space<hbm>> -> memref<48x768xf32, #tpu.memory_space<hbm>>
      %dma_start3A_1127 = arith.constant 0 : i32
      %dma_start3A_1128 = arith.constant 0 : i32
      %dma_start3A_1129 = tpu.memref_slice %arg5[%add3A_1122, %dma_start3A_1127, %dma_start3A_1128] : memref<4096x50x768xf32, #tpu.memory_space<hbm>> -> memref<1x48x768xf32, #tpu.memory_space<hbm>>
      %dma_start3A_1130 = tpu.memref_squeeze %dma_start3A_1129 : memref<1x48x768xf32, #tpu.memory_space<hbm>> -> memref<48x768xf32, #tpu.memory_space<hbm>>
      tpu.enqueue_dma source(%arg8 : memref<48x768xf32, #tpu.memory_space<vmem>>) target(%dma_start3A_1130 : memref<48x768xf32, #tpu.memory_space<hbm>>) target_semaphore(%arg14 : memref<!tpu.dma_semaphore, #tpu.memory_space<semaphore_mem>>)
      %add3A_1131 = arith.addi %mul3A_2, %add3A_1097 : i32
      %dma_start3A_1132 = arith.constant 8 : i32
      %dma_start3A_1133 = arith.constant 48 : i32
      %dma_start3A_1134 = arith.constant 0 : i32
      %dma_start3A_1135 = tpu.memref_slice %arg11[%dma_start3A_1132, %dma_start3A_1134] : memref<16x768xf32, #tpu.memory_space<vmem>> -> memref<1x768xf32, #tpu.memory_space<vmem>>
      %dma_start3A_1136 = tpu.memref_squeeze %dma_start3A_1135 : memref<1x768xf32, #tpu.memory_space<vmem>> -> memref<768xf32, #tpu.memory_space<vmem>>
      %dma_start3A_1137 = arith.constant 0 : i32
      %dma_start3A_1138 = tpu.memref_slice %arg5[%add3A_1131, %dma_start3A_1133, %dma_start3A_1137] : memref<4096x50x768xf32, #tpu.memory_space<hbm>> -> memref<1x1x768xf32, #tpu.memory_space<hbm>>
      %dma_start3A_1139 = tpu.memref_squeeze %dma_start3A_1138 : memref<1x1x768xf32, #tpu.memory_space<hbm>> -> memref<768xf32, #tpu.memory_space<hbm>>
      %dma_start3A_1140 = arith.constant 0 : i32
      %dma_start3A_1141 = tpu.memref_slice %arg5[%add3A_1131, %dma_start3A_1133, %dma_start3A_1140] : memref<4096x50x768xf32, #tpu.memory_space<hbm>> -> memref<1x1x768xf32, #tpu.memory_space<hbm>>
      %dma_start3A_1142 = tpu.memref_squeeze %dma_start3A_1141 : memref<1x1x768xf32, #tpu.memory_space<hbm>> -> memref<768xf32, #tpu.memory_space<hbm>>
      %dma_start3A_1143 = arith.constant 0 : i32
      %dma_start3A_1144 = tpu.memref_slice %arg11[%dma_start3A_1132, %dma_start3A_1143] : memref<16x768xf32, #tpu.memory_space<vmem>> -> memref<1x768xf32, #tpu.memory_space<vmem>>
      %dma_start3A_1145 = tpu.memref_squeeze %dma_start3A_1144 : memref<1x768xf32, #tpu.memory_space<vmem>> -> memref<768xf32, #tpu.memory_space<vmem>>
      tpu.enqueue_dma source(%dma_start3A_1145 : memref<768xf32, #tpu.memory_space<vmem>>) target(%dma_start3A_1142 : memref<768xf32, #tpu.memory_space<hbm>>) target_semaphore(%arg19 : memref<!tpu.dma_semaphore, #tpu.memory_space<semaphore_mem>>)
      %add3A_1146 = arith.addi %mul3A_2, %add3A_1097 : i32
      %dma_start3A_1147 = arith.constant 9 : i32
      %dma_start3A_1148 = arith.constant 49 : i32
      %dma_start3A_1149 = arith.constant 0 : i32
      %dma_start3A_1150 = tpu.memref_slice %arg11[%dma_start3A_1147, %dma_start3A_1149] : memref<16x768xf32, #tpu.memory_space<vmem>> -> memref<1x768xf32, #tpu.memory_space<vmem>>
      %dma_start3A_1151 = tpu.memref_squeeze %dma_start3A_1150 : memref<1x768xf32, #tpu.memory_space<vmem>> -> memref<768xf32, #tpu.memory_space<vmem>>
      %dma_start3A_1152 = arith.constant 0 : i32
      %dma_start3A_1153 = tpu.memref_slice %arg5[%add3A_1146, %dma_start3A_1148, %dma_start3A_1152] : memref<4096x50x768xf32, #tpu.memory_space<hbm>> -> memref<1x1x768xf32, #tpu.memory_space<hbm>>
      %dma_start3A_1154 = tpu.memref_squeeze %dma_start3A_1153 : memref<1x1x768xf32, #tpu.memory_space<hbm>> -> memref<768xf32, #tpu.memory_space<hbm>>
      %dma_start3A_1155 = arith.constant 0 : i32
      %dma_start3A_1156 = tpu.memref_slice %arg5[%add3A_1146, %dma_start3A_1148, %dma_start3A_1155] : memref<4096x50x768xf32, #tpu.memory_space<hbm>> -> memref<1x1x768xf32, #tpu.memory_space<hbm>>
      %dma_start3A_1157 = tpu.memref_squeeze %dma_start3A_1156 : memref<1x1x768xf32, #tpu.memory_space<hbm>> -> memref<768xf32, #tpu.memory_space<hbm>>
      %dma_start3A_1158 = arith.constant 0 : i32
      %dma_start3A_1159 = tpu.memref_slice %arg11[%dma_start3A_1147, %dma_start3A_1158] : memref<16x768xf32, #tpu.memory_space<vmem>> -> memref<1x768xf32, #tpu.memory_space<vmem>>
      %dma_start3A_1160 = tpu.memref_squeeze %dma_start3A_1159 : memref<1x768xf32, #tpu.memory_space<vmem>> -> memref<768xf32, #tpu.memory_space<vmem>>
      tpu.enqueue_dma source(%dma_start3A_1160 : memref<768xf32, #tpu.memory_space<vmem>>) target(%dma_start3A_1157 : memref<768xf32, #tpu.memory_space<hbm>>) target_semaphore(%arg19 : memref<!tpu.dma_semaphore, #tpu.memory_space<semaphore_mem>>)
      %mul3A_1161 = arith.constant 8 : i32
      %mul3A_1162 = arith.muli %add3A_818, %mul3A_1161 : i32
      %add3A_1163 = arith.constant 5 : i32
      %add3A_1164 = arith.addi %mul3A_1162, %add3A_1163 : i32
      %sub3A_1165 = arith.constant 1 : i32
      %sub3A_1166 = arith.subi %add3A_1164, %sub3A_1165 : i32
      %ge3A_1167 = arith.constant 0 : i32
      %ge3A_1168 = arith.cmpi sge, %sub3A_1166, %ge3A_1167 : i32
      %convert_element_type3A_1169 = arith.extui %ge3A_1168 : i1 to i32
      %cond3A_1170 = arith.constant 0 : i32
      %cond3A_1171 = arith.cmpi ne, %convert_element_type3A_1169, %cond3A_1170 : i32
      scf.if %cond3A_1171 {
        %dma_wait3A_1593 = arith.constant 0 : i32
        %dma_wait3A_1594 = arith.constant 0 : i32
        %dma_wait3A_1595 = tpu.memref_slice %arg5[%mul3A_2, %dma_wait3A_1593, %dma_wait3A_1594] : memref<4096x50x768xf32, #tpu.memory_space<hbm>> -> memref<1x48x768xf32, #tpu.memory_space<hbm>>
        %dma_wait3A_1596 = tpu.memref_squeeze %dma_wait3A_1595 : memref<1x48x768xf32, #tpu.memory_space<hbm>> -> memref<48x768xf32, #tpu.memory_space<hbm>>
        %dma_wait3A_1597 = arith.constant 0 : i32
        %dma_wait3A_1598 = arith.constant 0 : i32
        %dma_wait3A_1599 = tpu.memref_slice %arg5[%mul3A_2, %dma_wait3A_1597, %dma_wait3A_1598] : memref<4096x50x768xf32, #tpu.memory_space<hbm>> -> memref<1x48x768xf32, #tpu.memory_space<hbm>>
        %dma_wait3A_1600 = tpu.memref_squeeze %dma_wait3A_1599 : memref<1x48x768xf32, #tpu.memory_space<hbm>> -> memref<48x768xf32, #tpu.memory_space<hbm>>
        tpu.wait_dma2 semaphore(%arg14 : memref<!tpu.dma_semaphore, #tpu.memory_space<semaphore_mem>>) src(%arg8 : memref<48x768xf32, #tpu.memory_space<vmem>>) dst(%dma_wait3A_1600 : memref<48x768xf32, #tpu.memory_space<hbm>>)
      } else {
      }
      %ge3A_1172 = arith.constant 0 : i32
      %ge3A_1173 = arith.cmpi sge, %sub3A_1166, %ge3A_1172 : i32
      %add3A_1174 = arith.constant 2 : i32
      %add3A_1175 = arith.addi %sub3A_1166, %add3A_1174 : i32
      %lt3A_1176 = arith.constant 128 : i32
      %lt3A_1177 = arith.cmpi slt, %add3A_1175, %lt3A_1176 : i32
      %and3A_1178 = arith.andi %ge3A_1173, %lt3A_1177 : i1
      %convert_element_type3A_1179 = arith.extui %and3A_1178 : i1 to i32
      %cond3A_1180 = arith.constant 0 : i32
      %cond3A_1181 = arith.cmpi ne, %convert_element_type3A_1179, %cond3A_1180 : i32
      scf.if %cond3A_1181 {
        %add3A_1593 = arith.constant 2 : i32
        %add3A_1594 = arith.addi %sub3A_1166, %add3A_1593 : i32
        %dma_start3A_1595 = arith.constant 0 : i32
        %dma_start3A_1596 = tpu.memref_slice %arg6[%add3A_1594, %dma_start3A_1595] : memref<128x48xi32, #tpu.memory_space<vmem>> -> memref<1x48xi32, #tpu.memory_space<vmem>>
        %dma_start3A_1597 = tpu.memref_squeeze %dma_start3A_1596 : memref<1x48xi32, #tpu.memory_space<vmem>> -> memref<48xi32, #tpu.memory_space<vmem>>
        %dma_start3A_1598 = arith.constant 0 : i32
        %dma_start3A_1599 = arith.constant 0 : i32
        %dma_start3A_1600 = tpu.memref_slice %arg4[%dma_start3A_1598, %dma_start3A_1599] : memref<1000x768xf32, #tpu.memory_space<hbm>> -> memref<1000x768xf32, #tpu.memory_space<hbm>>
        tpu.enqueue_indirect_dma source(%dma_start3A_1600 : memref<1000x768xf32, #tpu.memory_space<hbm>>) target(%arg8 : memref<48x768xf32, #tpu.memory_space<vmem>>) offsets(%dma_start3A_1597 : memref<48xi32, #tpu.memory_space<vmem>>) semaphore(%arg12 : memref<!tpu.dma_semaphore, #tpu.memory_space<semaphore_mem>>)
      } else {
      }
      %dma_wait3A_1182 = arith.constant 0 : i32
      %dma_wait3A_1183 = arith.constant 0 : i32
      %dma_wait3A_1184 = tpu.memref_slice %arg6[%dma_wait3A_1182, %dma_wait3A_1183] : memref<128x48xi32, #tpu.memory_space<vmem>> -> memref<1x48xi32, #tpu.memory_space<vmem>>
      %dma_wait3A_1185 = tpu.memref_squeeze %dma_wait3A_1184 : memref<1x48xi32, #tpu.memory_space<vmem>> -> memref<48xi32, #tpu.memory_space<vmem>>
      %dma_wait3A_1186 = arith.constant 0 : i32
      %dma_wait3A_1187 = arith.constant 0 : i32
      %dma_wait3A_1188 = tpu.memref_slice %arg4[%dma_wait3A_1186, %dma_wait3A_1187] : memref<1000x768xf32, #tpu.memory_space<hbm>> -> memref<1000x768xf32, #tpu.memory_space<hbm>>
      tpu.wait_indirect_dma semaphore(%arg13 : memref<!tpu.dma_semaphore, #tpu.memory_space<semaphore_mem>>) src(%dma_wait3A_1188 : memref<1000x768xf32, #tpu.memory_space<hbm>>) dst(%arg9 : memref<48x768xf32, #tpu.memory_space<vmem>>)
      %add3A_1189 = arith.addi %mul3A_2, %add3A_1164 : i32
      %dma_start3A_1190 = arith.constant 0 : i32
      %dma_start3A_1191 = arith.constant 0 : i32
      %dma_start3A_1192 = tpu.memref_slice %arg5[%add3A_1189, %dma_start3A_1190, %dma_start3A_1191] : memref<4096x50x768xf32, #tpu.memory_space<hbm>> -> memref<1x48x768xf32, #tpu.memory_space<hbm>>
      %dma_start3A_1193 = tpu.memref_squeeze %dma_start3A_1192 : memref<1x48x768xf32, #tpu.memory_space<hbm>> -> memref<48x768xf32, #tpu.memory_space<hbm>>
      %dma_start3A_1194 = arith.constant 0 : i32
      %dma_start3A_1195 = arith.constant 0 : i32
      %dma_start3A_1196 = tpu.memref_slice %arg5[%add3A_1189, %dma_start3A_1194, %dma_start3A_1195] : memref<4096x50x768xf32, #tpu.memory_space<hbm>> -> memref<1x48x768xf32, #tpu.memory_space<hbm>>
      %dma_start3A_1197 = tpu.memref_squeeze %dma_start3A_1196 : memref<1x48x768xf32, #tpu.memory_space<hbm>> -> memref<48x768xf32, #tpu.memory_space<hbm>>
      tpu.enqueue_dma source(%arg9 : memref<48x768xf32, #tpu.memory_space<vmem>>) target(%dma_start3A_1197 : memref<48x768xf32, #tpu.memory_space<hbm>>) target_semaphore(%arg15 : memref<!tpu.dma_semaphore, #tpu.memory_space<semaphore_mem>>)
      %add3A_1198 = arith.addi %mul3A_2, %add3A_1164 : i32
      %dma_start3A_1199 = arith.constant 10 : i32
      %dma_start3A_1200 = arith.constant 48 : i32
      %dma_start3A_1201 = arith.constant 0 : i32
      %dma_start3A_1202 = tpu.memref_slice %arg11[%dma_start3A_1199, %dma_start3A_1201] : memref<16x768xf32, #tpu.memory_space<vmem>> -> memref<1x768xf32, #tpu.memory_space<vmem>>
      %dma_start3A_1203 = tpu.memref_squeeze %dma_start3A_1202 : memref<1x768xf32, #tpu.memory_space<vmem>> -> memref<768xf32, #tpu.memory_space<vmem>>
      %dma_start3A_1204 = arith.constant 0 : i32
      %dma_start3A_1205 = tpu.memref_slice %arg5[%add3A_1198, %dma_start3A_1200, %dma_start3A_1204] : memref<4096x50x768xf32, #tpu.memory_space<hbm>> -> memref<1x1x768xf32, #tpu.memory_space<hbm>>
      %dma_start3A_1206 = tpu.memref_squeeze %dma_start3A_1205 : memref<1x1x768xf32, #tpu.memory_space<hbm>> -> memref<768xf32, #tpu.memory_space<hbm>>
      %dma_start3A_1207 = arith.constant 0 : i32
      %dma_start3A_1208 = tpu.memref_slice %arg5[%add3A_1198, %dma_start3A_1200, %dma_start3A_1207] : memref<4096x50x768xf32, #tpu.memory_space<hbm>> -> memref<1x1x768xf32, #tpu.memory_space<hbm>>
      %dma_start3A_1209 = tpu.memref_squeeze %dma_start3A_1208 : memref<1x1x768xf32, #tpu.memory_space<hbm>> -> memref<768xf32, #tpu.memory_space<hbm>>
      %dma_start3A_1210 = arith.constant 0 : i32
      %dma_start3A_1211 = tpu.memref_slice %arg11[%dma_start3A_1199, %dma_start3A_1210] : memref<16x768xf32, #tpu.memory_space<vmem>> -> memref<1x768xf32, #tpu.memory_space<vmem>>
      %dma_start3A_1212 = tpu.memref_squeeze %dma_start3A_1211 : memref<1x768xf32, #tpu.memory_space<vmem>> -> memref<768xf32, #tpu.memory_space<vmem>>
      tpu.enqueue_dma source(%dma_start3A_1212 : memref<768xf32, #tpu.memory_space<vmem>>) target(%dma_start3A_1209 : memref<768xf32, #tpu.memory_space<hbm>>) target_semaphore(%arg19 : memref<!tpu.dma_semaphore, #tpu.memory_space<semaphore_mem>>)
      %add3A_1213 = arith.addi %mul3A_2, %add3A_1164 : i32
      %dma_start3A_1214 = arith.constant 11 : i32
      %dma_start3A_1215 = arith.constant 49 : i32
      %dma_start3A_1216 = arith.constant 0 : i32
      %dma_start3A_1217 = tpu.memref_slice %arg11[%dma_start3A_1214, %dma_start3A_1216] : memref<16x768xf32, #tpu.memory_space<vmem>> -> memref<1x768xf32, #tpu.memory_space<vmem>>
      %dma_start3A_1218 = tpu.memref_squeeze %dma_start3A_1217 : memref<1x768xf32, #tpu.memory_space<vmem>> -> memref<768xf32, #tpu.memory_space<vmem>>
      %dma_start3A_1219 = arith.constant 0 : i32
      %dma_start3A_1220 = tpu.memref_slice %arg5[%add3A_1213, %dma_start3A_1215, %dma_start3A_1219] : memref<4096x50x768xf32, #tpu.memory_space<hbm>> -> memref<1x1x768xf32, #tpu.memory_space<hbm>>
      %dma_start3A_1221 = tpu.memref_squeeze %dma_start3A_1220 : memref<1x1x768xf32, #tpu.memory_space<hbm>> -> memref<768xf32, #tpu.memory_space<hbm>>
      %dma_start3A_1222 = arith.constant 0 : i32
      %dma_start3A_1223 = tpu.memref_slice %arg5[%add3A_1213, %dma_start3A_1215, %dma_start3A_1222] : memref<4096x50x768xf32, #tpu.memory_space<hbm>> -> memref<1x1x768xf32, #tpu.memory_space<hbm>>
      %dma_start3A_1224 = tpu.memref_squeeze %dma_start3A_1223 : memref<1x1x768xf32, #tpu.memory_space<hbm>> -> memref<768xf32, #tpu.memory_space<hbm>>
      %dma_start3A_1225 = arith.constant 0 : i32
      %dma_start3A_1226 = tpu.memref_slice %arg11[%dma_start3A_1214, %dma_start3A_1225] : memref<16x768xf32, #tpu.memory_space<vmem>> -> memref<1x768xf32, #tpu.memory_space<vmem>>
      %dma_start3A_1227 = tpu.memref_squeeze %dma_start3A_1226 : memref<1x768xf32, #tpu.memory_space<vmem>> -> memref<768xf32, #tpu.memory_space<vmem>>
      tpu.enqueue_dma source(%dma_start3A_1227 : memref<768xf32, #tpu.memory_space<vmem>>) target(%dma_start3A_1224 : memref<768xf32, #tpu.memory_space<hbm>>) target_semaphore(%arg19 : memref<!tpu.dma_semaphore, #tpu.memory_space<semaphore_mem>>)
      %mul3A_1228 = arith.constant 8 : i32
      %mul3A_1229 = arith.muli %add3A_818, %mul3A_1228 : i32
      %add3A_1230 = arith.constant 6 : i32
      %add3A_1231 = arith.addi %mul3A_1229, %add3A_1230 : i32
      %sub3A_1232 = arith.constant 1 : i32
      %sub3A_1233 = arith.subi %add3A_1231, %sub3A_1232 : i32
      %ge3A_1234 = arith.constant 0 : i32
      %ge3A_1235 = arith.cmpi sge, %sub3A_1233, %ge3A_1234 : i32
      %convert_element_type3A_1236 = arith.extui %ge3A_1235 : i1 to i32
      %cond3A_1237 = arith.constant 0 : i32
      %cond3A_1238 = arith.cmpi ne, %convert_element_type3A_1236, %cond3A_1237 : i32
      scf.if %cond3A_1238 {
        %dma_wait3A_1593 = arith.constant 0 : i32
        %dma_wait3A_1594 = arith.constant 0 : i32
        %dma_wait3A_1595 = tpu.memref_slice %arg5[%mul3A_2, %dma_wait3A_1593, %dma_wait3A_1594] : memref<4096x50x768xf32, #tpu.memory_space<hbm>> -> memref<1x48x768xf32, #tpu.memory_space<hbm>>
        %dma_wait3A_1596 = tpu.memref_squeeze %dma_wait3A_1595 : memref<1x48x768xf32, #tpu.memory_space<hbm>> -> memref<48x768xf32, #tpu.memory_space<hbm>>
        %dma_wait3A_1597 = arith.constant 0 : i32
        %dma_wait3A_1598 = arith.constant 0 : i32
        %dma_wait3A_1599 = tpu.memref_slice %arg5[%mul3A_2, %dma_wait3A_1597, %dma_wait3A_1598] : memref<4096x50x768xf32, #tpu.memory_space<hbm>> -> memref<1x48x768xf32, #tpu.memory_space<hbm>>
        %dma_wait3A_1600 = tpu.memref_squeeze %dma_wait3A_1599 : memref<1x48x768xf32, #tpu.memory_space<hbm>> -> memref<48x768xf32, #tpu.memory_space<hbm>>
        tpu.wait_dma2 semaphore(%arg15 : memref<!tpu.dma_semaphore, #tpu.memory_space<semaphore_mem>>) src(%arg9 : memref<48x768xf32, #tpu.memory_space<vmem>>) dst(%dma_wait3A_1600 : memref<48x768xf32, #tpu.memory_space<hbm>>)
      } else {
      }
      %ge3A_1239 = arith.constant 0 : i32
      %ge3A_1240 = arith.cmpi sge, %sub3A_1233, %ge3A_1239 : i32
      %add3A_1241 = arith.constant 2 : i32
      %add3A_1242 = arith.addi %sub3A_1233, %add3A_1241 : i32
      %lt3A_1243 = arith.constant 128 : i32
      %lt3A_1244 = arith.cmpi slt, %add3A_1242, %lt3A_1243 : i32
      %and3A_1245 = arith.andi %ge3A_1240, %lt3A_1244 : i1
      %convert_element_type3A_1246 = arith.extui %and3A_1245 : i1 to i32
      %cond3A_1247 = arith.constant 0 : i32
      %cond3A_1248 = arith.cmpi ne, %convert_element_type3A_1246, %cond3A_1247 : i32
      scf.if %cond3A_1248 {
        %add3A_1593 = arith.constant 2 : i32
        %add3A_1594 = arith.addi %sub3A_1233, %add3A_1593 : i32
        %dma_start3A_1595 = arith.constant 0 : i32
        %dma_start3A_1596 = tpu.memref_slice %arg6[%add3A_1594, %dma_start3A_1595] : memref<128x48xi32, #tpu.memory_space<vmem>> -> memref<1x48xi32, #tpu.memory_space<vmem>>
        %dma_start3A_1597 = tpu.memref_squeeze %dma_start3A_1596 : memref<1x48xi32, #tpu.memory_space<vmem>> -> memref<48xi32, #tpu.memory_space<vmem>>
        %dma_start3A_1598 = arith.constant 0 : i32
        %dma_start3A_1599 = arith.constant 0 : i32
        %dma_start3A_1600 = tpu.memref_slice %arg4[%dma_start3A_1598, %dma_start3A_1599] : memref<1000x768xf32, #tpu.memory_space<hbm>> -> memref<1000x768xf32, #tpu.memory_space<hbm>>
        tpu.enqueue_indirect_dma source(%dma_start3A_1600 : memref<1000x768xf32, #tpu.memory_space<hbm>>) target(%arg9 : memref<48x768xf32, #tpu.memory_space<vmem>>) offsets(%dma_start3A_1597 : memref<48xi32, #tpu.memory_space<vmem>>) semaphore(%arg13 : memref<!tpu.dma_semaphore, #tpu.memory_space<semaphore_mem>>)
      } else {
      }
      %dma_wait3A_1249 = arith.constant 0 : i32
      %dma_wait3A_1250 = arith.constant 0 : i32
      %dma_wait3A_1251 = tpu.memref_slice %arg6[%dma_wait3A_1249, %dma_wait3A_1250] : memref<128x48xi32, #tpu.memory_space<vmem>> -> memref<1x48xi32, #tpu.memory_space<vmem>>
      %dma_wait3A_1252 = tpu.memref_squeeze %dma_wait3A_1251 : memref<1x48xi32, #tpu.memory_space<vmem>> -> memref<48xi32, #tpu.memory_space<vmem>>
      %dma_wait3A_1253 = arith.constant 0 : i32
      %dma_wait3A_1254 = arith.constant 0 : i32
      %dma_wait3A_1255 = tpu.memref_slice %arg4[%dma_wait3A_1253, %dma_wait3A_1254] : memref<1000x768xf32, #tpu.memory_space<hbm>> -> memref<1000x768xf32, #tpu.memory_space<hbm>>
      tpu.wait_indirect_dma semaphore(%arg12 : memref<!tpu.dma_semaphore, #tpu.memory_space<semaphore_mem>>) src(%dma_wait3A_1255 : memref<1000x768xf32, #tpu.memory_space<hbm>>) dst(%arg8 : memref<48x768xf32, #tpu.memory_space<vmem>>)
      %add3A_1256 = arith.addi %mul3A_2, %add3A_1231 : i32
      %dma_start3A_1257 = arith.constant 0 : i32
      %dma_start3A_1258 = arith.constant 0 : i32
      %dma_start3A_1259 = tpu.memref_slice %arg5[%add3A_1256, %dma_start3A_1257, %dma_start3A_1258] : memref<4096x50x768xf32, #tpu.memory_space<hbm>> -> memref<1x48x768xf32, #tpu.memory_space<hbm>>
      %dma_start3A_1260 = tpu.memref_squeeze %dma_start3A_1259 : memref<1x48x768xf32, #tpu.memory_space<hbm>> -> memref<48x768xf32, #tpu.memory_space<hbm>>
      %dma_start3A_1261 = arith.constant 0 : i32
      %dma_start3A_1262 = arith.constant 0 : i32
      %dma_start3A_1263 = tpu.memref_slice %arg5[%add3A_1256, %dma_start3A_1261, %dma_start3A_1262] : memref<4096x50x768xf32, #tpu.memory_space<hbm>> -> memref<1x48x768xf32, #tpu.memory_space<hbm>>
      %dma_start3A_1264 = tpu.memref_squeeze %dma_start3A_1263 : memref<1x48x768xf32, #tpu.memory_space<hbm>> -> memref<48x768xf32, #tpu.memory_space<hbm>>
      tpu.enqueue_dma source(%arg8 : memref<48x768xf32, #tpu.memory_space<vmem>>) target(%dma_start3A_1264 : memref<48x768xf32, #tpu.memory_space<hbm>>) target_semaphore(%arg14 : memref<!tpu.dma_semaphore, #tpu.memory_space<semaphore_mem>>)
      %add3A_1265 = arith.addi %mul3A_2, %add3A_1231 : i32
      %dma_start3A_1266 = arith.constant 12 : i32
      %dma_start3A_1267 = arith.constant 48 : i32
      %dma_start3A_1268 = arith.constant 0 : i32
      %dma_start3A_1269 = tpu.memref_slice %arg11[%dma_start3A_1266, %dma_start3A_1268] : memref<16x768xf32, #tpu.memory_space<vmem>> -> memref<1x768xf32, #tpu.memory_space<vmem>>
      %dma_start3A_1270 = tpu.memref_squeeze %dma_start3A_1269 : memref<1x768xf32, #tpu.memory_space<vmem>> -> memref<768xf32, #tpu.memory_space<vmem>>
      %dma_start3A_1271 = arith.constant 0 : i32
      %dma_start3A_1272 = tpu.memref_slice %arg5[%add3A_1265, %dma_start3A_1267, %dma_start3A_1271] : memref<4096x50x768xf32, #tpu.memory_space<hbm>> -> memref<1x1x768xf32, #tpu.memory_space<hbm>>
      %dma_start3A_1273 = tpu.memref_squeeze %dma_start3A_1272 : memref<1x1x768xf32, #tpu.memory_space<hbm>> -> memref<768xf32, #tpu.memory_space<hbm>>
      %dma_start3A_1274 = arith.constant 0 : i32
      %dma_start3A_1275 = tpu.memref_slice %arg5[%add3A_1265, %dma_start3A_1267, %dma_start3A_1274] : memref<4096x50x768xf32, #tpu.memory_space<hbm>> -> memref<1x1x768xf32, #tpu.memory_space<hbm>>
      %dma_start3A_1276 = tpu.memref_squeeze %dma_start3A_1275 : memref<1x1x768xf32, #tpu.memory_space<hbm>> -> memref<768xf32, #tpu.memory_space<hbm>>
      %dma_start3A_1277 = arith.constant 0 : i32
      %dma_start3A_1278 = tpu.memref_slice %arg11[%dma_start3A_1266, %dma_start3A_1277] : memref<16x768xf32, #tpu.memory_space<vmem>> -> memref<1x768xf32, #tpu.memory_space<vmem>>
      %dma_start3A_1279 = tpu.memref_squeeze %dma_start3A_1278 : memref<1x768xf32, #tpu.memory_space<vmem>> -> memref<768xf32, #tpu.memory_space<vmem>>
      tpu.enqueue_dma source(%dma_start3A_1279 : memref<768xf32, #tpu.memory_space<vmem>>) target(%dma_start3A_1276 : memref<768xf32, #tpu.memory_space<hbm>>) target_semaphore(%arg19 : memref<!tpu.dma_semaphore, #tpu.memory_space<semaphore_mem>>)
      %add3A_1280 = arith.addi %mul3A_2, %add3A_1231 : i32
      %dma_start3A_1281 = arith.constant 13 : i32
      %dma_start3A_1282 = arith.constant 49 : i32
      %dma_start3A_1283 = arith.constant 0 : i32
      %dma_start3A_1284 = tpu.memref_slice %arg11[%dma_start3A_1281, %dma_start3A_1283] : memref<16x768xf32, #tpu.memory_space<vmem>> -> memref<1x768xf32, #tpu.memory_space<vmem>>
      %dma_start3A_1285 = tpu.memref_squeeze %dma_start3A_1284 : memref<1x768xf32, #tpu.memory_space<vmem>> -> memref<768xf32, #tpu.memory_space<vmem>>
      %dma_start3A_1286 = arith.constant 0 : i32
      %dma_start3A_1287 = tpu.memref_slice %arg5[%add3A_1280, %dma_start3A_1282, %dma_start3A_1286] : memref<4096x50x768xf32, #tpu.memory_space<hbm>> -> memref<1x1x768xf32, #tpu.memory_space<hbm>>
      %dma_start3A_1288 = tpu.memref_squeeze %dma_start3A_1287 : memref<1x1x768xf32, #tpu.memory_space<hbm>> -> memref<768xf32, #tpu.memory_space<hbm>>
      %dma_start3A_1289 = arith.constant 0 : i32
      %dma_start3A_1290 = tpu.memref_slice %arg5[%add3A_1280, %dma_start3A_1282, %dma_start3A_1289] : memref<4096x50x768xf32, #tpu.memory_space<hbm>> -> memref<1x1x768xf32, #tpu.memory_space<hbm>>
      %dma_start3A_1291 = tpu.memref_squeeze %dma_start3A_1290 : memref<1x1x768xf32, #tpu.memory_space<hbm>> -> memref<768xf32, #tpu.memory_space<hbm>>
      %dma_start3A_1292 = arith.constant 0 : i32
      %dma_start3A_1293 = tpu.memref_slice %arg11[%dma_start3A_1281, %dma_start3A_1292] : memref<16x768xf32, #tpu.memory_space<vmem>> -> memref<1x768xf32, #tpu.memory_space<vmem>>
      %dma_start3A_1294 = tpu.memref_squeeze %dma_start3A_1293 : memref<1x768xf32, #tpu.memory_space<vmem>> -> memref<768xf32, #tpu.memory_space<vmem>>
      tpu.enqueue_dma source(%dma_start3A_1294 : memref<768xf32, #tpu.memory_space<vmem>>) target(%dma_start3A_1291 : memref<768xf32, #tpu.memory_space<hbm>>) target_semaphore(%arg19 : memref<!tpu.dma_semaphore, #tpu.memory_space<semaphore_mem>>)
      %mul3A_1295 = arith.constant 8 : i32
      %mul3A_1296 = arith.muli %add3A_818, %mul3A_1295 : i32
      %add3A_1297 = arith.constant 7 : i32
      %add3A_1298 = arith.addi %mul3A_1296, %add3A_1297 : i32
      %sub3A_1299 = arith.constant 1 : i32
      %sub3A_1300 = arith.subi %add3A_1298, %sub3A_1299 : i32
      %ge3A_1301 = arith.constant 0 : i32
      %ge3A_1302 = arith.cmpi sge, %sub3A_1300, %ge3A_1301 : i32
      %convert_element_type3A_1303 = arith.extui %ge3A_1302 : i1 to i32
      %cond3A_1304 = arith.constant 0 : i32
      %cond3A_1305 = arith.cmpi ne, %convert_element_type3A_1303, %cond3A_1304 : i32
      scf.if %cond3A_1305 {
        %dma_wait3A_1593 = arith.constant 0 : i32
        %dma_wait3A_1594 = arith.constant 0 : i32
        %dma_wait3A_1595 = tpu.memref_slice %arg5[%mul3A_2, %dma_wait3A_1593, %dma_wait3A_1594] : memref<4096x50x768xf32, #tpu.memory_space<hbm>> -> memref<1x48x768xf32, #tpu.memory_space<hbm>>
        %dma_wait3A_1596 = tpu.memref_squeeze %dma_wait3A_1595 : memref<1x48x768xf32, #tpu.memory_space<hbm>> -> memref<48x768xf32, #tpu.memory_space<hbm>>
        %dma_wait3A_1597 = arith.constant 0 : i32
        %dma_wait3A_1598 = arith.constant 0 : i32
        %dma_wait3A_1599 = tpu.memref_slice %arg5[%mul3A_2, %dma_wait3A_1597, %dma_wait3A_1598] : memref<4096x50x768xf32, #tpu.memory_space<hbm>> -> memref<1x48x768xf32, #tpu.memory_space<hbm>>
        %dma_wait3A_1600 = tpu.memref_squeeze %dma_wait3A_1599 : memref<1x48x768xf32, #tpu.memory_space<hbm>> -> memref<48x768xf32, #tpu.memory_space<hbm>>
        tpu.wait_dma2 semaphore(%arg14 : memref<!tpu.dma_semaphore, #tpu.memory_space<semaphore_mem>>) src(%arg8 : memref<48x768xf32, #tpu.memory_space<vmem>>) dst(%dma_wait3A_1600 : memref<48x768xf32, #tpu.memory_space<hbm>>)
      } else {
      }
      %ge3A_1306 = arith.constant 0 : i32
      %ge3A_1307 = arith.cmpi sge, %sub3A_1300, %ge3A_1306 : i32
      %add3A_1308 = arith.constant 2 : i32
      %add3A_1309 = arith.addi %sub3A_1300, %add3A_1308 : i32
      %lt3A_1310 = arith.constant 128 : i32
      %lt3A_1311 = arith.cmpi slt, %add3A_1309, %lt3A_1310 : i32
      %and3A_1312 = arith.andi %ge3A_1307, %lt3A_1311 : i1
      %convert_element_type3A_1313 = arith.extui %and3A_1312 : i1 to i32
      %cond3A_1314 = arith.constant 0 : i32
      %cond3A_1315 = arith.cmpi ne, %convert_element_type3A_1313, %cond3A_1314 : i32
      scf.if %cond3A_1315 {
        %add3A_1593 = arith.constant 2 : i32
        %add3A_1594 = arith.addi %sub3A_1300, %add3A_1593 : i32
        %dma_start3A_1595 = arith.constant 0 : i32
        %dma_start3A_1596 = tpu.memref_slice %arg6[%add3A_1594, %dma_start3A_1595] : memref<128x48xi32, #tpu.memory_space<vmem>> -> memref<1x48xi32, #tpu.memory_space<vmem>>
        %dma_start3A_1597 = tpu.memref_squeeze %dma_start3A_1596 : memref<1x48xi32, #tpu.memory_space<vmem>> -> memref<48xi32, #tpu.memory_space<vmem>>
        %dma_start3A_1598 = arith.constant 0 : i32
        %dma_start3A_1599 = arith.constant 0 : i32
        %dma_start3A_1600 = tpu.memref_slice %arg4[%dma_start3A_1598, %dma_start3A_1599] : memref<1000x768xf32, #tpu.memory_space<hbm>> -> memref<1000x768xf32, #tpu.memory_space<hbm>>
        tpu.enqueue_indirect_dma source(%dma_start3A_1600 : memref<1000x768xf32, #tpu.memory_space<hbm>>) target(%arg8 : memref<48x768xf32, #tpu.memory_space<vmem>>) offsets(%dma_start3A_1597 : memref<48xi32, #tpu.memory_space<vmem>>) semaphore(%arg12 : memref<!tpu.dma_semaphore, #tpu.memory_space<semaphore_mem>>)
      } else {
      }
      %dma_wait3A_1316 = arith.constant 0 : i32
      %dma_wait3A_1317 = arith.constant 0 : i32
      %dma_wait3A_1318 = tpu.memref_slice %arg6[%dma_wait3A_1316, %dma_wait3A_1317] : memref<128x48xi32, #tpu.memory_space<vmem>> -> memref<1x48xi32, #tpu.memory_space<vmem>>
      %dma_wait3A_1319 = tpu.memref_squeeze %dma_wait3A_1318 : memref<1x48xi32, #tpu.memory_space<vmem>> -> memref<48xi32, #tpu.memory_space<vmem>>
      %dma_wait3A_1320 = arith.constant 0 : i32
      %dma_wait3A_1321 = arith.constant 0 : i32
      %dma_wait3A_1322 = tpu.memref_slice %arg4[%dma_wait3A_1320, %dma_wait3A_1321] : memref<1000x768xf32, #tpu.memory_space<hbm>> -> memref<1000x768xf32, #tpu.memory_space<hbm>>
      tpu.wait_indirect_dma semaphore(%arg13 : memref<!tpu.dma_semaphore, #tpu.memory_space<semaphore_mem>>) src(%dma_wait3A_1322 : memref<1000x768xf32, #tpu.memory_space<hbm>>) dst(%arg9 : memref<48x768xf32, #tpu.memory_space<vmem>>)
      %add3A_1323 = arith.addi %mul3A_2, %add3A_1298 : i32
      %dma_start3A_1324 = arith.constant 0 : i32
      %dma_start3A_1325 = arith.constant 0 : i32
      %dma_start3A_1326 = tpu.memref_slice %arg5[%add3A_1323, %dma_start3A_1324, %dma_start3A_1325] : memref<4096x50x768xf32, #tpu.memory_space<hbm>> -> memref<1x48x768xf32, #tpu.memory_space<hbm>>
      %dma_start3A_1327 = tpu.memref_squeeze %dma_start3A_1326 : memref<1x48x768xf32, #tpu.memory_space<hbm>> -> memref<48x768xf32, #tpu.memory_space<hbm>>
      %dma_start3A_1328 = arith.constant 0 : i32
      %dma_start3A_1329 = arith.constant 0 : i32
      %dma_start3A_1330 = tpu.memref_slice %arg5[%add3A_1323, %dma_start3A_1328, %dma_start3A_1329] : memref<4096x50x768xf32, #tpu.memory_space<hbm>> -> memref<1x48x768xf32, #tpu.memory_space<hbm>>
      %dma_start3A_1331 = tpu.memref_squeeze %dma_start3A_1330 : memref<1x48x768xf32, #tpu.memory_space<hbm>> -> memref<48x768xf32, #tpu.memory_space<hbm>>
      tpu.enqueue_dma source(%arg9 : memref<48x768xf32, #tpu.memory_space<vmem>>) target(%dma_start3A_1331 : memref<48x768xf32, #tpu.memory_space<hbm>>) target_semaphore(%arg15 : memref<!tpu.dma_semaphore, #tpu.memory_space<semaphore_mem>>)
      %add3A_1332 = arith.addi %mul3A_2, %add3A_1298 : i32
      %dma_start3A_1333 = arith.constant 14 : i32
      %dma_start3A_1334 = arith.constant 48 : i32
      %dma_start3A_1335 = arith.constant 0 : i32
      %dma_start3A_1336 = tpu.memref_slice %arg11[%dma_start3A_1333, %dma_start3A_1335] : memref<16x768xf32, #tpu.memory_space<vmem>> -> memref<1x768xf32, #tpu.memory_space<vmem>>
      %dma_start3A_1337 = tpu.memref_squeeze %dma_start3A_1336 : memref<1x768xf32, #tpu.memory_space<vmem>> -> memref<768xf32, #tpu.memory_space<vmem>>
      %dma_start3A_1338 = arith.constant 0 : i32
      %dma_start3A_1339 = tpu.memref_slice %arg5[%add3A_1332, %dma_start3A_1334, %dma_start3A_1338] : memref<4096x50x768xf32, #tpu.memory_space<hbm>> -> memref<1x1x768xf32, #tpu.memory_space<hbm>>
      %dma_start3A_1340 = tpu.memref_squeeze %dma_start3A_1339 : memref<1x1x768xf32, #tpu.memory_space<hbm>> -> memref<768xf32, #tpu.memory_space<hbm>>
      %dma_start3A_1341 = arith.constant 0 : i32
      %dma_start3A_1342 = tpu.memref_slice %arg5[%add3A_1332, %dma_start3A_1334, %dma_start3A_1341] : memref<4096x50x768xf32, #tpu.memory_space<hbm>> -> memref<1x1x768xf32, #tpu.memory_space<hbm>>
      %dma_start3A_1343 = tpu.memref_squeeze %dma_start3A_1342 : memref<1x1x768xf32, #tpu.memory_space<hbm>> -> memref<768xf32, #tpu.memory_space<hbm>>
      %dma_start3A_1344 = arith.constant 0 : i32
      %dma_start3A_1345 = tpu.memref_slice %arg11[%dma_start3A_1333, %dma_start3A_1344] : memref<16x768xf32, #tpu.memory_space<vmem>> -> memref<1x768xf32, #tpu.memory_space<vmem>>
      %dma_start3A_1346 = tpu.memref_squeeze %dma_start3A_1345 : memref<1x768xf32, #tpu.memory_space<vmem>> -> memref<768xf32, #tpu.memory_space<vmem>>
      tpu.enqueue_dma source(%dma_start3A_1346 : memref<768xf32, #tpu.memory_space<vmem>>) target(%dma_start3A_1343 : memref<768xf32, #tpu.memory_space<hbm>>) target_semaphore(%arg19 : memref<!tpu.dma_semaphore, #tpu.memory_space<semaphore_mem>>)
      %add3A_1347 = arith.addi %mul3A_2, %add3A_1298 : i32
      %dma_start3A_1348 = arith.constant 15 : i32
      %dma_start3A_1349 = arith.constant 49 : i32
      %dma_start3A_1350 = arith.constant 0 : i32
      %dma_start3A_1351 = tpu.memref_slice %arg11[%dma_start3A_1348, %dma_start3A_1350] : memref<16x768xf32, #tpu.memory_space<vmem>> -> memref<1x768xf32, #tpu.memory_space<vmem>>
      %dma_start3A_1352 = tpu.memref_squeeze %dma_start3A_1351 : memref<1x768xf32, #tpu.memory_space<vmem>> -> memref<768xf32, #tpu.memory_space<vmem>>
      %dma_start3A_1353 = arith.constant 0 : i32
      %dma_start3A_1354 = tpu.memref_slice %arg5[%add3A_1347, %dma_start3A_1349, %dma_start3A_1353] : memref<4096x50x768xf32, #tpu.memory_space<hbm>> -> memref<1x1x768xf32, #tpu.memory_space<hbm>>
      %dma_start3A_1355 = tpu.memref_squeeze %dma_start3A_1354 : memref<1x1x768xf32, #tpu.memory_space<hbm>> -> memref<768xf32, #tpu.memory_space<hbm>>
      %dma_start3A_1356 = arith.constant 0 : i32
      %dma_start3A_1357 = tpu.memref_slice %arg5[%add3A_1347, %dma_start3A_1349, %dma_start3A_1356] : memref<4096x50x768xf32, #tpu.memory_space<hbm>> -> memref<1x1x768xf32, #tpu.memory_space<hbm>>
      %dma_start3A_1358 = tpu.memref_squeeze %dma_start3A_1357 : memref<1x1x768xf32, #tpu.memory_space<hbm>> -> memref<768xf32, #tpu.memory_space<hbm>>
      %dma_start3A_1359 = arith.constant 0 : i32
      %dma_start3A_1360 = tpu.memref_slice %arg11[%dma_start3A_1348, %dma_start3A_1359] : memref<16x768xf32, #tpu.memory_space<vmem>> -> memref<1x768xf32, #tpu.memory_space<vmem>>
      %dma_start3A_1361 = tpu.memref_squeeze %dma_start3A_1360 : memref<1x768xf32, #tpu.memory_space<vmem>> -> memref<768xf32, #tpu.memory_space<vmem>>
      tpu.enqueue_dma source(%dma_start3A_1361 : memref<768xf32, #tpu.memory_space<vmem>>) target(%dma_start3A_1358 : memref<768xf32, #tpu.memory_space<hbm>>) target_semaphore(%arg19 : memref<!tpu.dma_semaphore, #tpu.memory_space<semaphore_mem>>)
      %dma_wait3A_1362 = arith.constant 0 : i32
      %dma_wait3A_1363 = arith.constant 48 : i32
      %dma_wait3A_1364 = arith.constant 0 : i32
      %dma_wait3A_1365 = tpu.memref_slice %arg11[%dma_wait3A_1362, %dma_wait3A_1364] : memref<16x768xf32, #tpu.memory_space<vmem>> -> memref<1x768xf32, #tpu.memory_space<vmem>>
      %dma_wait3A_1366 = tpu.memref_squeeze %dma_wait3A_1365 : memref<1x768xf32, #tpu.memory_space<vmem>> -> memref<768xf32, #tpu.memory_space<vmem>>
      %dma_wait3A_1367 = arith.constant 0 : i32
      %dma_wait3A_1368 = tpu.memref_slice %arg5[%mul3A_2, %dma_wait3A_1363, %dma_wait3A_1367] : memref<4096x50x768xf32, #tpu.memory_space<hbm>> -> memref<1x1x768xf32, #tpu.memory_space<hbm>>
      %dma_wait3A_1369 = tpu.memref_squeeze %dma_wait3A_1368 : memref<1x1x768xf32, #tpu.memory_space<hbm>> -> memref<768xf32, #tpu.memory_space<hbm>>
      %dma_wait3A_1370 = arith.constant 0 : i32
      %dma_wait3A_1371 = tpu.memref_slice %arg5[%mul3A_2, %dma_wait3A_1363, %dma_wait3A_1370] : memref<4096x50x768xf32, #tpu.memory_space<hbm>> -> memref<1x1x768xf32, #tpu.memory_space<hbm>>
      %dma_wait3A_1372 = tpu.memref_squeeze %dma_wait3A_1371 : memref<1x1x768xf32, #tpu.memory_space<hbm>> -> memref<768xf32, #tpu.memory_space<hbm>>
      %dma_wait3A_1373 = arith.constant 0 : i32
      %dma_wait3A_1374 = tpu.memref_slice %arg11[%dma_wait3A_1362, %dma_wait3A_1373] : memref<16x768xf32, #tpu.memory_space<vmem>> -> memref<1x768xf32, #tpu.memory_space<vmem>>
      %dma_wait3A_1375 = tpu.memref_squeeze %dma_wait3A_1374 : memref<1x768xf32, #tpu.memory_space<vmem>> -> memref<768xf32, #tpu.memory_space<vmem>>
      tpu.wait_dma2 semaphore(%arg19 : memref<!tpu.dma_semaphore, #tpu.memory_space<semaphore_mem>>) src(%dma_wait3A_1375 : memref<768xf32, #tpu.memory_space<vmem>>) dst(%dma_wait3A_1372 : memref<768xf32, #tpu.memory_space<hbm>>)
      %dma_wait3A_1376 = arith.constant 0 : i32
      %dma_wait3A_1377 = arith.constant 48 : i32
      %dma_wait3A_1378 = arith.constant 0 : i32
      %dma_wait3A_1379 = tpu.memref_slice %arg11[%dma_wait3A_1376, %dma_wait3A_1378] : memref<16x768xf32, #tpu.memory_space<vmem>> -> memref<1x768xf32, #tpu.memory_space<vmem>>
      %dma_wait3A_1380 = tpu.memref_squeeze %dma_wait3A_1379 : memref<1x768xf32, #tpu.memory_space<vmem>> -> memref<768xf32, #tpu.memory_space<vmem>>
      %dma_wait3A_1381 = arith.constant 0 : i32
      %dma_wait3A_1382 = tpu.memref_slice %arg5[%mul3A_2, %dma_wait3A_1377, %dma_wait3A_1381] : memref<4096x50x768xf32, #tpu.memory_space<hbm>> -> memref<1x1x768xf32, #tpu.memory_space<hbm>>
      %dma_wait3A_1383 = tpu.memref_squeeze %dma_wait3A_1382 : memref<1x1x768xf32, #tpu.memory_space<hbm>> -> memref<768xf32, #tpu.memory_space<hbm>>
      %dma_wait3A_1384 = arith.constant 0 : i32
      %dma_wait3A_1385 = tpu.memref_slice %arg5[%mul3A_2, %dma_wait3A_1377, %dma_wait3A_1384] : memref<4096x50x768xf32, #tpu.memory_space<hbm>> -> memref<1x1x768xf32, #tpu.memory_space<hbm>>
      %dma_wait3A_1386 = tpu.memref_squeeze %dma_wait3A_1385 : memref<1x1x768xf32, #tpu.memory_space<hbm>> -> memref<768xf32, #tpu.memory_space<hbm>>
      %dma_wait3A_1387 = arith.constant 0 : i32
      %dma_wait3A_1388 = tpu.memref_slice %arg11[%dma_wait3A_1376, %dma_wait3A_1387] : memref<16x768xf32, #tpu.memory_space<vmem>> -> memref<1x768xf32, #tpu.memory_space<vmem>>
      %dma_wait3A_1389 = tpu.memref_squeeze %dma_wait3A_1388 : memref<1x768xf32, #tpu.memory_space<vmem>> -> memref<768xf32, #tpu.memory_space<vmem>>
      tpu.wait_dma2 semaphore(%arg19 : memref<!tpu.dma_semaphore, #tpu.memory_space<semaphore_mem>>) src(%dma_wait3A_1389 : memref<768xf32, #tpu.memory_space<vmem>>) dst(%dma_wait3A_1386 : memref<768xf32, #tpu.memory_space<hbm>>)
      %dma_wait3A_1390 = arith.constant 0 : i32
      %dma_wait3A_1391 = arith.constant 48 : i32
      %dma_wait3A_1392 = arith.constant 0 : i32
      %dma_wait3A_1393 = tpu.memref_slice %arg11[%dma_wait3A_1390, %dma_wait3A_1392] : memref<16x768xf32, #tpu.memory_space<vmem>> -> memref<1x768xf32, #tpu.memory_space<vmem>>
      %dma_wait3A_1394 = tpu.memref_squeeze %dma_wait3A_1393 : memref<1x768xf32, #tpu.memory_space<vmem>> -> memref<768xf32, #tpu.memory_space<vmem>>
      %dma_wait3A_1395 = arith.constant 0 : i32
      %dma_wait3A_1396 = tpu.memref_slice %arg5[%mul3A_2, %dma_wait3A_1391, %dma_wait3A_1395] : memref<4096x50x768xf32, #tpu.memory_space<hbm>> -> memref<1x1x768xf32, #tpu.memory_space<hbm>>
      %dma_wait3A_1397 = tpu.memref_squeeze %dma_wait3A_1396 : memref<1x1x768xf32, #tpu.memory_space<hbm>> -> memref<768xf32, #tpu.memory_space<hbm>>
      %dma_wait3A_1398 = arith.constant 0 : i32
      %dma_wait3A_1399 = tpu.memref_slice %arg5[%mul3A_2, %dma_wait3A_1391, %dma_wait3A_1398] : memref<4096x50x768xf32, #tpu.memory_space<hbm>> -> memref<1x1x768xf32, #tpu.memory_space<hbm>>
      %dma_wait3A_1400 = tpu.memref_squeeze %dma_wait3A_1399 : memref<1x1x768xf32, #tpu.memory_space<hbm>> -> memref<768xf32, #tpu.memory_space<hbm>>
      %dma_wait3A_1401 = arith.constant 0 : i32
      %dma_wait3A_1402 = tpu.memref_slice %arg11[%dma_wait3A_1390, %dma_wait3A_1401] : memref<16x768xf32, #tpu.memory_space<vmem>> -> memref<1x768xf32, #tpu.memory_space<vmem>>
      %dma_wait3A_1403 = tpu.memref_squeeze %dma_wait3A_1402 : memref<1x768xf32, #tpu.memory_space<vmem>> -> memref<768xf32, #tpu.memory_space<vmem>>
      tpu.wait_dma2 semaphore(%arg19 : memref<!tpu.dma_semaphore, #tpu.memory_space<semaphore_mem>>) src(%dma_wait3A_1403 : memref<768xf32, #tpu.memory_space<vmem>>) dst(%dma_wait3A_1400 : memref<768xf32, #tpu.memory_space<hbm>>)
      %dma_wait3A_1404 = arith.constant 0 : i32
      %dma_wait3A_1405 = arith.constant 48 : i32
      %dma_wait3A_1406 = arith.constant 0 : i32
      %dma_wait3A_1407 = tpu.memref_slice %arg11[%dma_wait3A_1404, %dma_wait3A_1406] : memref<16x768xf32, #tpu.memory_space<vmem>> -> memref<1x768xf32, #tpu.memory_space<vmem>>
      %dma_wait3A_1408 = tpu.memref_squeeze %dma_wait3A_1407 : memref<1x768xf32, #tpu.memory_space<vmem>> -> memref<768xf32, #tpu.memory_space<vmem>>
      %dma_wait3A_1409 = arith.constant 0 : i32
      %dma_wait3A_1410 = tpu.memref_slice %arg5[%mul3A_2, %dma_wait3A_1405, %dma_wait3A_1409] : memref<4096x50x768xf32, #tpu.memory_space<hbm>> -> memref<1x1x768xf32, #tpu.memory_space<hbm>>
      %dma_wait3A_1411 = tpu.memref_squeeze %dma_wait3A_1410 : memref<1x1x768xf32, #tpu.memory_space<hbm>> -> memref<768xf32, #tpu.memory_space<hbm>>
      %dma_wait3A_1412 = arith.constant 0 : i32
      %dma_wait3A_1413 = tpu.memref_slice %arg5[%mul3A_2, %dma_wait3A_1405, %dma_wait3A_1412] : memref<4096x50x768xf32, #tpu.memory_space<hbm>> -> memref<1x1x768xf32, #tpu.memory_space<hbm>>
      %dma_wait3A_1414 = tpu.memref_squeeze %dma_wait3A_1413 : memref<1x1x768xf32, #tpu.memory_space<hbm>> -> memref<768xf32, #tpu.memory_space<hbm>>
      %dma_wait3A_1415 = arith.constant 0 : i32
      %dma_wait3A_1416 = tpu.memref_slice %arg11[%dma_wait3A_1404, %dma_wait3A_1415] : memref<16x768xf32, #tpu.memory_space<vmem>> -> memref<1x768xf32, #tpu.memory_space<vmem>>
      %dma_wait3A_1417 = tpu.memref_squeeze %dma_wait3A_1416 : memref<1x768xf32, #tpu.memory_space<vmem>> -> memref<768xf32, #tpu.memory_space<vmem>>
      tpu.wait_dma2 semaphore(%arg19 : memref<!tpu.dma_semaphore, #tpu.memory_space<semaphore_mem>>) src(%dma_wait3A_1417 : memref<768xf32, #tpu.memory_space<vmem>>) dst(%dma_wait3A_1414 : memref<768xf32, #tpu.memory_space<hbm>>)
      %dma_wait3A_1418 = arith.constant 0 : i32
      %dma_wait3A_1419 = arith.constant 48 : i32
      %dma_wait3A_1420 = arith.constant 0 : i32
      %dma_wait3A_1421 = tpu.memref_slice %arg11[%dma_wait3A_1418, %dma_wait3A_1420] : memref<16x768xf32, #tpu.memory_space<vmem>> -> memref<1x768xf32, #tpu.memory_space<vmem>>
      %dma_wait3A_1422 = tpu.memref_squeeze %dma_wait3A_1421 : memref<1x768xf32, #tpu.memory_space<vmem>> -> memref<768xf32, #tpu.memory_space<vmem>>
      %dma_wait3A_1423 = arith.constant 0 : i32
      %dma_wait3A_1424 = tpu.memref_slice %arg5[%mul3A_2, %dma_wait3A_1419, %dma_wait3A_1423] : memref<4096x50x768xf32, #tpu.memory_space<hbm>> -> memref<1x1x768xf32, #tpu.memory_space<hbm>>
      %dma_wait3A_1425 = tpu.memref_squeeze %dma_wait3A_1424 : memref<1x1x768xf32, #tpu.memory_space<hbm>> -> memref<768xf32, #tpu.memory_space<hbm>>
      %dma_wait3A_1426 = arith.constant 0 : i32
      %dma_wait3A_1427 = tpu.memref_slice %arg5[%mul3A_2, %dma_wait3A_1419, %dma_wait3A_1426] : memref<4096x50x768xf32, #tpu.memory_space<hbm>> -> memref<1x1x768xf32, #tpu.memory_space<hbm>>
      %dma_wait3A_1428 = tpu.memref_squeeze %dma_wait3A_1427 : memref<1x1x768xf32, #tpu.memory_space<hbm>> -> memref<768xf32, #tpu.memory_space<hbm>>
      %dma_wait3A_1429 = arith.constant 0 : i32
      %dma_wait3A_1430 = tpu.memref_slice %arg11[%dma_wait3A_1418, %dma_wait3A_1429] : memref<16x768xf32, #tpu.memory_space<vmem>> -> memref<1x768xf32, #tpu.memory_space<vmem>>
      %dma_wait3A_1431 = tpu.memref_squeeze %dma_wait3A_1430 : memref<1x768xf32, #tpu.memory_space<vmem>> -> memref<768xf32, #tpu.memory_space<vmem>>
      tpu.wait_dma2 semaphore(%arg19 : memref<!tpu.dma_semaphore, #tpu.memory_space<semaphore_mem>>) src(%dma_wait3A_1431 : memref<768xf32, #tpu.memory_space<vmem>>) dst(%dma_wait3A_1428 : memref<768xf32, #tpu.memory_space<hbm>>)
      %dma_wait3A_1432 = arith.constant 0 : i32
      %dma_wait3A_1433 = arith.constant 48 : i32
      %dma_wait3A_1434 = arith.constant 0 : i32
      %dma_wait3A_1435 = tpu.memref_slice %arg11[%dma_wait3A_1432, %dma_wait3A_1434] : memref<16x768xf32, #tpu.memory_space<vmem>> -> memref<1x768xf32, #tpu.memory_space<vmem>>
      %dma_wait3A_1436 = tpu.memref_squeeze %dma_wait3A_1435 : memref<1x768xf32, #tpu.memory_space<vmem>> -> memref<768xf32, #tpu.memory_space<vmem>>
      %dma_wait3A_1437 = arith.constant 0 : i32
      %dma_wait3A_1438 = tpu.memref_slice %arg5[%mul3A_2, %dma_wait3A_1433, %dma_wait3A_1437] : memref<4096x50x768xf32, #tpu.memory_space<hbm>> -> memref<1x1x768xf32, #tpu.memory_space<hbm>>
      %dma_wait3A_1439 = tpu.memref_squeeze %dma_wait3A_1438 : memref<1x1x768xf32, #tpu.memory_space<hbm>> -> memref<768xf32, #tpu.memory_space<hbm>>
      %dma_wait3A_1440 = arith.constant 0 : i32
      %dma_wait3A_1441 = tpu.memref_slice %arg5[%mul3A_2, %dma_wait3A_1433, %dma_wait3A_1440] : memref<4096x50x768xf32, #tpu.memory_space<hbm>> -> memref<1x1x768xf32, #tpu.memory_space<hbm>>
      %dma_wait3A_1442 = tpu.memref_squeeze %dma_wait3A_1441 : memref<1x1x768xf32, #tpu.memory_space<hbm>> -> memref<768xf32, #tpu.memory_space<hbm>>
      %dma_wait3A_1443 = arith.constant 0 : i32
      %dma_wait3A_1444 = tpu.memref_slice %arg11[%dma_wait3A_1432, %dma_wait3A_1443] : memref<16x768xf32, #tpu.memory_space<vmem>> -> memref<1x768xf32, #tpu.memory_space<vmem>>
      %dma_wait3A_1445 = tpu.memref_squeeze %dma_wait3A_1444 : memref<1x768xf32, #tpu.memory_space<vmem>> -> memref<768xf32, #tpu.memory_space<vmem>>
      tpu.wait_dma2 semaphore(%arg19 : memref<!tpu.dma_semaphore, #tpu.memory_space<semaphore_mem>>) src(%dma_wait3A_1445 : memref<768xf32, #tpu.memory_space<vmem>>) dst(%dma_wait3A_1442 : memref<768xf32, #tpu.memory_space<hbm>>)
      %dma_wait3A_1446 = arith.constant 0 : i32
      %dma_wait3A_1447 = arith.constant 48 : i32
      %dma_wait3A_1448 = arith.constant 0 : i32
      %dma_wait3A_1449 = tpu.memref_slice %arg11[%dma_wait3A_1446, %dma_wait3A_1448] : memref<16x768xf32, #tpu.memory_space<vmem>> -> memref<1x768xf32, #tpu.memory_space<vmem>>
      %dma_wait3A_1450 = tpu.memref_squeeze %dma_wait3A_1449 : memref<1x768xf32, #tpu.memory_space<vmem>> -> memref<768xf32, #tpu.memory_space<vmem>>
      %dma_wait3A_1451 = arith.constant 0 : i32
      %dma_wait3A_1452 = tpu.memref_slice %arg5[%mul3A_2, %dma_wait3A_1447, %dma_wait3A_1451] : memref<4096x50x768xf32, #tpu.memory_space<hbm>> -> memref<1x1x768xf32, #tpu.memory_space<hbm>>
      %dma_wait3A_1453 = tpu.memref_squeeze %dma_wait3A_1452 : memref<1x1x768xf32, #tpu.memory_space<hbm>> -> memref<768xf32, #tpu.memory_space<hbm>>
      %dma_wait3A_1454 = arith.constant 0 : i32
      %dma_wait3A_1455 = tpu.memref_slice %arg5[%mul3A_2, %dma_wait3A_1447, %dma_wait3A_1454] : memref<4096x50x768xf32, #tpu.memory_space<hbm>> -> memref<1x1x768xf32, #tpu.memory_space<hbm>>
      %dma_wait3A_1456 = tpu.memref_squeeze %dma_wait3A_1455 : memref<1x1x768xf32, #tpu.memory_space<hbm>> -> memref<768xf32, #tpu.memory_space<hbm>>
      %dma_wait3A_1457 = arith.constant 0 : i32
      %dma_wait3A_1458 = tpu.memref_slice %arg11[%dma_wait3A_1446, %dma_wait3A_1457] : memref<16x768xf32, #tpu.memory_space<vmem>> -> memref<1x768xf32, #tpu.memory_space<vmem>>
      %dma_wait3A_1459 = tpu.memref_squeeze %dma_wait3A_1458 : memref<1x768xf32, #tpu.memory_space<vmem>> -> memref<768xf32, #tpu.memory_space<vmem>>
      tpu.wait_dma2 semaphore(%arg19 : memref<!tpu.dma_semaphore, #tpu.memory_space<semaphore_mem>>) src(%dma_wait3A_1459 : memref<768xf32, #tpu.memory_space<vmem>>) dst(%dma_wait3A_1456 : memref<768xf32, #tpu.memory_space<hbm>>)
      %dma_wait3A_1460 = arith.constant 0 : i32
      %dma_wait3A_1461 = arith.constant 48 : i32
      %dma_wait3A_1462 = arith.constant 0 : i32
      %dma_wait3A_1463 = tpu.memref_slice %arg11[%dma_wait3A_1460, %dma_wait3A_1462] : memref<16x768xf32, #tpu.memory_space<vmem>> -> memref<1x768xf32, #tpu.memory_space<vmem>>
      %dma_wait3A_1464 = tpu.memref_squeeze %dma_wait3A_1463 : memref<1x768xf32, #tpu.memory_space<vmem>> -> memref<768xf32, #tpu.memory_space<vmem>>
      %dma_wait3A_1465 = arith.constant 0 : i32
      %dma_wait3A_1466 = tpu.memref_slice %arg5[%mul3A_2, %dma_wait3A_1461, %dma_wait3A_1465] : memref<4096x50x768xf32, #tpu.memory_space<hbm>> -> memref<1x1x768xf32, #tpu.memory_space<hbm>>
      %dma_wait3A_1467 = tpu.memref_squeeze %dma_wait3A_1466 : memref<1x1x768xf32, #tpu.memory_space<hbm>> -> memref<768xf32, #tpu.memory_space<hbm>>
      %dma_wait3A_1468 = arith.constant 0 : i32
      %dma_wait3A_1469 = tpu.memref_slice %arg5[%mul3A_2, %dma_wait3A_1461, %dma_wait3A_1468] : memref<4096x50x768xf32, #tpu.memory_space<hbm>> -> memref<1x1x768xf32, #tpu.memory_space<hbm>>
      %dma_wait3A_1470 = tpu.memref_squeeze %dma_wait3A_1469 : memref<1x1x768xf32, #tpu.memory_space<hbm>> -> memref<768xf32, #tpu.memory_space<hbm>>
      %dma_wait3A_1471 = arith.constant 0 : i32
      %dma_wait3A_1472 = tpu.memref_slice %arg11[%dma_wait3A_1460, %dma_wait3A_1471] : memref<16x768xf32, #tpu.memory_space<vmem>> -> memref<1x768xf32, #tpu.memory_space<vmem>>
      %dma_wait3A_1473 = tpu.memref_squeeze %dma_wait3A_1472 : memref<1x768xf32, #tpu.memory_space<vmem>> -> memref<768xf32, #tpu.memory_space<vmem>>
      tpu.wait_dma2 semaphore(%arg19 : memref<!tpu.dma_semaphore, #tpu.memory_space<semaphore_mem>>) src(%dma_wait3A_1473 : memref<768xf32, #tpu.memory_space<vmem>>) dst(%dma_wait3A_1470 : memref<768xf32, #tpu.memory_space<hbm>>)
      %dma_wait3A_1474 = arith.constant 0 : i32
      %dma_wait3A_1475 = arith.constant 48 : i32
      %dma_wait3A_1476 = arith.constant 0 : i32
      %dma_wait3A_1477 = tpu.memref_slice %arg11[%dma_wait3A_1474, %dma_wait3A_1476] : memref<16x768xf32, #tpu.memory_space<vmem>> -> memref<1x768xf32, #tpu.memory_space<vmem>>
      %dma_wait3A_1478 = tpu.memref_squeeze %dma_wait3A_1477 : memref<1x768xf32, #tpu.memory_space<vmem>> -> memref<768xf32, #tpu.memory_space<vmem>>
      %dma_wait3A_1479 = arith.constant 0 : i32
      %dma_wait3A_1480 = tpu.memref_slice %arg5[%mul3A_2, %dma_wait3A_1475, %dma_wait3A_1479] : memref<4096x50x768xf32, #tpu.memory_space<hbm>> -> memref<1x1x768xf32, #tpu.memory_space<hbm>>
      %dma_wait3A_1481 = tpu.memref_squeeze %dma_wait3A_1480 : memref<1x1x768xf32, #tpu.memory_space<hbm>> -> memref<768xf32, #tpu.memory_space<hbm>>
      %dma_wait3A_1482 = arith.constant 0 : i32
      %dma_wait3A_1483 = tpu.memref_slice %arg5[%mul3A_2, %dma_wait3A_1475, %dma_wait3A_1482] : memref<4096x50x768xf32, #tpu.memory_space<hbm>> -> memref<1x1x768xf32, #tpu.memory_space<hbm>>
      %dma_wait3A_1484 = tpu.memref_squeeze %dma_wait3A_1483 : memref<1x1x768xf32, #tpu.memory_space<hbm>> -> memref<768xf32, #tpu.memory_space<hbm>>
      %dma_wait3A_1485 = arith.constant 0 : i32
      %dma_wait3A_1486 = tpu.memref_slice %arg11[%dma_wait3A_1474, %dma_wait3A_1485] : memref<16x768xf32, #tpu.memory_space<vmem>> -> memref<1x768xf32, #tpu.memory_space<vmem>>
      %dma_wait3A_1487 = tpu.memref_squeeze %dma_wait3A_1486 : memref<1x768xf32, #tpu.memory_space<vmem>> -> memref<768xf32, #tpu.memory_space<vmem>>
      tpu.wait_dma2 semaphore(%arg19 : memref<!tpu.dma_semaphore, #tpu.memory_space<semaphore_mem>>) src(%dma_wait3A_1487 : memref<768xf32, #tpu.memory_space<vmem>>) dst(%dma_wait3A_1484 : memref<768xf32, #tpu.memory_space<hbm>>)
      %dma_wait3A_1488 = arith.constant 0 : i32
      %dma_wait3A_1489 = arith.constant 48 : i32
      %dma_wait3A_1490 = arith.constant 0 : i32
      %dma_wait3A_1491 = tpu.memref_slice %arg11[%dma_wait3A_1488, %dma_wait3A_1490] : memref<16x768xf32, #tpu.memory_space<vmem>> -> memref<1x768xf32, #tpu.memory_space<vmem>>
      %dma_wait3A_1492 = tpu.memref_squeeze %dma_wait3A_1491 : memref<1x768xf32, #tpu.memory_space<vmem>> -> memref<768xf32, #tpu.memory_space<vmem>>
      %dma_wait3A_1493 = arith.constant 0 : i32
      %dma_wait3A_1494 = tpu.memref_slice %arg5[%mul3A_2, %dma_wait3A_1489, %dma_wait3A_1493] : memref<4096x50x768xf32, #tpu.memory_space<hbm>> -> memref<1x1x768xf32, #tpu.memory_space<hbm>>
      %dma_wait3A_1495 = tpu.memref_squeeze %dma_wait3A_1494 : memref<1x1x768xf32, #tpu.memory_space<hbm>> -> memref<768xf32, #tpu.memory_space<hbm>>
      %dma_wait3A_1496 = arith.constant 0 : i32
      %dma_wait3A_1497 = tpu.memref_slice %arg5[%mul3A_2, %dma_wait3A_1489, %dma_wait3A_1496] : memref<4096x50x768xf32, #tpu.memory_space<hbm>> -> memref<1x1x768xf32, #tpu.memory_space<hbm>>
      %dma_wait3A_1498 = tpu.memref_squeeze %dma_wait3A_1497 : memref<1x1x768xf32, #tpu.memory_space<hbm>> -> memref<768xf32, #tpu.memory_space<hbm>>
      %dma_wait3A_1499 = arith.constant 0 : i32
      %dma_wait3A_1500 = tpu.memref_slice %arg11[%dma_wait3A_1488, %dma_wait3A_1499] : memref<16x768xf32, #tpu.memory_space<vmem>> -> memref<1x768xf32, #tpu.memory_space<vmem>>
      %dma_wait3A_1501 = tpu.memref_squeeze %dma_wait3A_1500 : memref<1x768xf32, #tpu.memory_space<vmem>> -> memref<768xf32, #tpu.memory_space<vmem>>
      tpu.wait_dma2 semaphore(%arg19 : memref<!tpu.dma_semaphore, #tpu.memory_space<semaphore_mem>>) src(%dma_wait3A_1501 : memref<768xf32, #tpu.memory_space<vmem>>) dst(%dma_wait3A_1498 : memref<768xf32, #tpu.memory_space<hbm>>)
      %dma_wait3A_1502 = arith.constant 0 : i32
      %dma_wait3A_1503 = arith.constant 48 : i32
      %dma_wait3A_1504 = arith.constant 0 : i32
      %dma_wait3A_1505 = tpu.memref_slice %arg11[%dma_wait3A_1502, %dma_wait3A_1504] : memref<16x768xf32, #tpu.memory_space<vmem>> -> memref<1x768xf32, #tpu.memory_space<vmem>>
      %dma_wait3A_1506 = tpu.memref_squeeze %dma_wait3A_1505 : memref<1x768xf32, #tpu.memory_space<vmem>> -> memref<768xf32, #tpu.memory_space<vmem>>
      %dma_wait3A_1507 = arith.constant 0 : i32
      %dma_wait3A_1508 = tpu.memref_slice %arg5[%mul3A_2, %dma_wait3A_1503, %dma_wait3A_1507] : memref<4096x50x768xf32, #tpu.memory_space<hbm>> -> memref<1x1x768xf32, #tpu.memory_space<hbm>>
      %dma_wait3A_1509 = tpu.memref_squeeze %dma_wait3A_1508 : memref<1x1x768xf32, #tpu.memory_space<hbm>> -> memref<768xf32, #tpu.memory_space<hbm>>
      %dma_wait3A_1510 = arith.constant 0 : i32
      %dma_wait3A_1511 = tpu.memref_slice %arg5[%mul3A_2, %dma_wait3A_1503, %dma_wait3A_1510] : memref<4096x50x768xf32, #tpu.memory_space<hbm>> -> memref<1x1x768xf32, #tpu.memory_space<hbm>>
      %dma_wait3A_1512 = tpu.memref_squeeze %dma_wait3A_1511 : memref<1x1x768xf32, #tpu.memory_space<hbm>> -> memref<768xf32, #tpu.memory_space<hbm>>
      %dma_wait3A_1513 = arith.constant 0 : i32
      %dma_wait3A_1514 = tpu.memref_slice %arg11[%dma_wait3A_1502, %dma_wait3A_1513] : memref<16x768xf32, #tpu.memory_space<vmem>> -> memref<1x768xf32, #tpu.memory_space<vmem>>
      %dma_wait3A_1515 = tpu.memref_squeeze %dma_wait3A_1514 : memref<1x768xf32, #tpu.memory_space<vmem>> -> memref<768xf32, #tpu.memory_space<vmem>>
      tpu.wait_dma2 semaphore(%arg19 : memref<!tpu.dma_semaphore, #tpu.memory_space<semaphore_mem>>) src(%dma_wait3A_1515 : memref<768xf32, #tpu.memory_space<vmem>>) dst(%dma_wait3A_1512 : memref<768xf32, #tpu.memory_space<hbm>>)
      %dma_wait3A_1516 = arith.constant 0 : i32
      %dma_wait3A_1517 = arith.constant 48 : i32
      %dma_wait3A_1518 = arith.constant 0 : i32
      %dma_wait3A_1519 = tpu.memref_slice %arg11[%dma_wait3A_1516, %dma_wait3A_1518] : memref<16x768xf32, #tpu.memory_space<vmem>> -> memref<1x768xf32, #tpu.memory_space<vmem>>
      %dma_wait3A_1520 = tpu.memref_squeeze %dma_wait3A_1519 : memref<1x768xf32, #tpu.memory_space<vmem>> -> memref<768xf32, #tpu.memory_space<vmem>>
      %dma_wait3A_1521 = arith.constant 0 : i32
      %dma_wait3A_1522 = tpu.memref_slice %arg5[%mul3A_2, %dma_wait3A_1517, %dma_wait3A_1521] : memref<4096x50x768xf32, #tpu.memory_space<hbm>> -> memref<1x1x768xf32, #tpu.memory_space<hbm>>
      %dma_wait3A_1523 = tpu.memref_squeeze %dma_wait3A_1522 : memref<1x1x768xf32, #tpu.memory_space<hbm>> -> memref<768xf32, #tpu.memory_space<hbm>>
      %dma_wait3A_1524 = arith.constant 0 : i32
      %dma_wait3A_1525 = tpu.memref_slice %arg5[%mul3A_2, %dma_wait3A_1517, %dma_wait3A_1524] : memref<4096x50x768xf32, #tpu.memory_space<hbm>> -> memref<1x1x768xf32, #tpu.memory_space<hbm>>
      %dma_wait3A_1526 = tpu.memref_squeeze %dma_wait3A_1525 : memref<1x1x768xf32, #tpu.memory_space<hbm>> -> memref<768xf32, #tpu.memory_space<hbm>>
      %dma_wait3A_1527 = arith.constant 0 : i32
      %dma_wait3A_1528 = tpu.memref_slice %arg11[%dma_wait3A_1516, %dma_wait3A_1527] : memref<16x768xf32, #tpu.memory_space<vmem>> -> memref<1x768xf32, #tpu.memory_space<vmem>>
      %dma_wait3A_1529 = tpu.memref_squeeze %dma_wait3A_1528 : memref<1x768xf32, #tpu.memory_space<vmem>> -> memref<768xf32, #tpu.memory_space<vmem>>
      tpu.wait_dma2 semaphore(%arg19 : memref<!tpu.dma_semaphore, #tpu.memory_space<semaphore_mem>>) src(%dma_wait3A_1529 : memref<768xf32, #tpu.memory_space<vmem>>) dst(%dma_wait3A_1526 : memref<768xf32, #tpu.memory_space<hbm>>)
      %dma_wait3A_1530 = arith.constant 0 : i32
      %dma_wait3A_1531 = arith.constant 48 : i32
      %dma_wait3A_1532 = arith.constant 0 : i32
      %dma_wait3A_1533 = tpu.memref_slice %arg11[%dma_wait3A_1530, %dma_wait3A_1532] : memref<16x768xf32, #tpu.memory_space<vmem>> -> memref<1x768xf32, #tpu.memory_space<vmem>>
      %dma_wait3A_1534 = tpu.memref_squeeze %dma_wait3A_1533 : memref<1x768xf32, #tpu.memory_space<vmem>> -> memref<768xf32, #tpu.memory_space<vmem>>
      %dma_wait3A_1535 = arith.constant 0 : i32
      %dma_wait3A_1536 = tpu.memref_slice %arg5[%mul3A_2, %dma_wait3A_1531, %dma_wait3A_1535] : memref<4096x50x768xf32, #tpu.memory_space<hbm>> -> memref<1x1x768xf32, #tpu.memory_space<hbm>>
      %dma_wait3A_1537 = tpu.memref_squeeze %dma_wait3A_1536 : memref<1x1x768xf32, #tpu.memory_space<hbm>> -> memref<768xf32, #tpu.memory_space<hbm>>
      %dma_wait3A_1538 = arith.constant 0 : i32
      %dma_wait3A_1539 = tpu.memref_slice %arg5[%mul3A_2, %dma_wait3A_1531, %dma_wait3A_1538] : memref<4096x50x768xf32, #tpu.memory_space<hbm>> -> memref<1x1x768xf32, #tpu.memory_space<hbm>>
      %dma_wait3A_1540 = tpu.memref_squeeze %dma_wait3A_1539 : memref<1x1x768xf32, #tpu.memory_space<hbm>> -> memref<768xf32, #tpu.memory_space<hbm>>
      %dma_wait3A_1541 = arith.constant 0 : i32
      %dma_wait3A_1542 = tpu.memref_slice %arg11[%dma_wait3A_1530, %dma_wait3A_1541] : memref<16x768xf32, #tpu.memory_space<vmem>> -> memref<1x768xf32, #tpu.memory_space<vmem>>
      %dma_wait3A_1543 = tpu.memref_squeeze %dma_wait3A_1542 : memref<1x768xf32, #tpu.memory_space<vmem>> -> memref<768xf32, #tpu.memory_space<vmem>>
      tpu.wait_dma2 semaphore(%arg19 : memref<!tpu.dma_semaphore, #tpu.memory_space<semaphore_mem>>) src(%dma_wait3A_1543 : memref<768xf32, #tpu.memory_space<vmem>>) dst(%dma_wait3A_1540 : memref<768xf32, #tpu.memory_space<hbm>>)
      %dma_wait3A_1544 = arith.constant 0 : i32
      %dma_wait3A_1545 = arith.constant 48 : i32
      %dma_wait3A_1546 = arith.constant 0 : i32
      %dma_wait3A_1547 = tpu.memref_slice %arg11[%dma_wait3A_1544, %dma_wait3A_1546] : memref<16x768xf32, #tpu.memory_space<vmem>> -> memref<1x768xf32, #tpu.memory_space<vmem>>
      %dma_wait3A_1548 = tpu.memref_squeeze %dma_wait3A_1547 : memref<1x768xf32, #tpu.memory_space<vmem>> -> memref<768xf32, #tpu.memory_space<vmem>>
      %dma_wait3A_1549 = arith.constant 0 : i32
      %dma_wait3A_1550 = tpu.memref_slice %arg5[%mul3A_2, %dma_wait3A_1545, %dma_wait3A_1549] : memref<4096x50x768xf32, #tpu.memory_space<hbm>> -> memref<1x1x768xf32, #tpu.memory_space<hbm>>
      %dma_wait3A_1551 = tpu.memref_squeeze %dma_wait3A_1550 : memref<1x1x768xf32, #tpu.memory_space<hbm>> -> memref<768xf32, #tpu.memory_space<hbm>>
      %dma_wait3A_1552 = arith.constant 0 : i32
      %dma_wait3A_1553 = tpu.memref_slice %arg5[%mul3A_2, %dma_wait3A_1545, %dma_wait3A_1552] : memref<4096x50x768xf32, #tpu.memory_space<hbm>> -> memref<1x1x768xf32, #tpu.memory_space<hbm>>
      %dma_wait3A_1554 = tpu.memref_squeeze %dma_wait3A_1553 : memref<1x1x768xf32, #tpu.memory_space<hbm>> -> memref<768xf32, #tpu.memory_space<hbm>>
      %dma_wait3A_1555 = arith.constant 0 : i32
      %dma_wait3A_1556 = tpu.memref_slice %arg11[%dma_wait3A_1544, %dma_wait3A_1555] : memref<16x768xf32, #tpu.memory_space<vmem>> -> memref<1x768xf32, #tpu.memory_space<vmem>>
      %dma_wait3A_1557 = tpu.memref_squeeze %dma_wait3A_1556 : memref<1x768xf32, #tpu.memory_space<vmem>> -> memref<768xf32, #tpu.memory_space<vmem>>
      tpu.wait_dma2 semaphore(%arg19 : memref<!tpu.dma_semaphore, #tpu.memory_space<semaphore_mem>>) src(%dma_wait3A_1557 : memref<768xf32, #tpu.memory_space<vmem>>) dst(%dma_wait3A_1554 : memref<768xf32, #tpu.memory_space<hbm>>)
      %dma_wait3A_1558 = arith.constant 0 : i32
      %dma_wait3A_1559 = arith.constant 48 : i32
      %dma_wait3A_1560 = arith.constant 0 : i32
      %dma_wait3A_1561 = tpu.memref_slice %arg11[%dma_wait3A_1558, %dma_wait3A_1560] : memref<16x768xf32, #tpu.memory_space<vmem>> -> memref<1x768xf32, #tpu.memory_space<vmem>>
      %dma_wait3A_1562 = tpu.memref_squeeze %dma_wait3A_1561 : memref<1x768xf32, #tpu.memory_space<vmem>> -> memref<768xf32, #tpu.memory_space<vmem>>
      %dma_wait3A_1563 = arith.constant 0 : i32
      %dma_wait3A_1564 = tpu.memref_slice %arg5[%mul3A_2, %dma_wait3A_1559, %dma_wait3A_1563] : memref<4096x50x768xf32, #tpu.memory_space<hbm>> -> memref<1x1x768xf32, #tpu.memory_space<hbm>>
      %dma_wait3A_1565 = tpu.memref_squeeze %dma_wait3A_1564 : memref<1x1x768xf32, #tpu.memory_space<hbm>> -> memref<768xf32, #tpu.memory_space<hbm>>
      %dma_wait3A_1566 = arith.constant 0 : i32
      %dma_wait3A_1567 = tpu.memref_slice %arg5[%mul3A_2, %dma_wait3A_1559, %dma_wait3A_1566] : memref<4096x50x768xf32, #tpu.memory_space<hbm>> -> memref<1x1x768xf32, #tpu.memory_space<hbm>>
      %dma_wait3A_1568 = tpu.memref_squeeze %dma_wait3A_1567 : memref<1x1x768xf32, #tpu.memory_space<hbm>> -> memref<768xf32, #tpu.memory_space<hbm>>
      %dma_wait3A_1569 = arith.constant 0 : i32
      %dma_wait3A_1570 = tpu.memref_slice %arg11[%dma_wait3A_1558, %dma_wait3A_1569] : memref<16x768xf32, #tpu.memory_space<vmem>> -> memref<1x768xf32, #tpu.memory_space<vmem>>
      %dma_wait3A_1571 = tpu.memref_squeeze %dma_wait3A_1570 : memref<1x768xf32, #tpu.memory_space<vmem>> -> memref<768xf32, #tpu.memory_space<vmem>>
      tpu.wait_dma2 semaphore(%arg19 : memref<!tpu.dma_semaphore, #tpu.memory_space<semaphore_mem>>) src(%dma_wait3A_1571 : memref<768xf32, #tpu.memory_space<vmem>>) dst(%dma_wait3A_1568 : memref<768xf32, #tpu.memory_space<hbm>>)
      %dma_wait3A_1572 = arith.constant 0 : i32
      %dma_wait3A_1573 = arith.constant 48 : i32
      %dma_wait3A_1574 = arith.constant 0 : i32
      %dma_wait3A_1575 = tpu.memref_slice %arg11[%dma_wait3A_1572, %dma_wait3A_1574] : memref<16x768xf32, #tpu.memory_space<vmem>> -> memref<1x768xf32, #tpu.memory_space<vmem>>
      %dma_wait3A_1576 = tpu.memref_squeeze %dma_wait3A_1575 : memref<1x768xf32, #tpu.memory_space<vmem>> -> memref<768xf32, #tpu.memory_space<vmem>>
      %dma_wait3A_1577 = arith.constant 0 : i32
      %dma_wait3A_1578 = tpu.memref_slice %arg5[%mul3A_2, %dma_wait3A_1573, %dma_wait3A_1577] : memref<4096x50x768xf32, #tpu.memory_space<hbm>> -> memref<1x1x768xf32, #tpu.memory_space<hbm>>
      %dma_wait3A_1579 = tpu.memref_squeeze %dma_wait3A_1578 : memref<1x1x768xf32, #tpu.memory_space<hbm>> -> memref<768xf32, #tpu.memory_space<hbm>>
      %dma_wait3A_1580 = arith.constant 0 : i32
      %dma_wait3A_1581 = tpu.memref_slice %arg5[%mul3A_2, %dma_wait3A_1573, %dma_wait3A_1580] : memref<4096x50x768xf32, #tpu.memory_space<hbm>> -> memref<1x1x768xf32, #tpu.memory_space<hbm>>
      %dma_wait3A_1582 = tpu.memref_squeeze %dma_wait3A_1581 : memref<1x1x768xf32, #tpu.memory_space<hbm>> -> memref<768xf32, #tpu.memory_space<hbm>>
      %dma_wait3A_1583 = arith.constant 0 : i32
      %dma_wait3A_1584 = tpu.memref_slice %arg11[%dma_wait3A_1572, %dma_wait3A_1583] : memref<16x768xf32, #tpu.memory_space<vmem>> -> memref<1x768xf32, #tpu.memory_space<vmem>>
      %dma_wait3A_1585 = tpu.memref_squeeze %dma_wait3A_1584 : memref<1x768xf32, #tpu.memory_space<vmem>> -> memref<768xf32, #tpu.memory_space<vmem>>
      tpu.wait_dma2 semaphore(%arg19 : memref<!tpu.dma_semaphore, #tpu.memory_space<semaphore_mem>>) src(%dma_wait3A_1585 : memref<768xf32, #tpu.memory_space<vmem>>) dst(%dma_wait3A_1582 : memref<768xf32, #tpu.memory_space<hbm>>)
      %add3A_1586 = arith.constant 2 : i32
      %add3A_1587 = arith.addi %add3A_818, %add3A_1586 : i32
      %lt3A_1588 = arith.constant 16 : i32
      %lt3A_1589 = arith.cmpi slt, %add3A_1587, %lt3A_1588 : i32
      %convert_element_type3A_1590 = arith.extui %lt3A_1589 : i1 to i32
      %cond3A_1591 = arith.constant 0 : i32
      %cond3A_1592 = arith.cmpi ne, %convert_element_type3A_1590, %cond3A_1591 : i32
      scf.if %cond3A_1592 {
        %add3A_1593 = arith.constant 2 : i32
        %add3A_1594 = arith.addi %add3A_818, %add3A_1593 : i32
        %dma_start3A_1595 = arith.constant 0 : i32
        %dma_start3A_1596 = tpu.memref_slice %arg7[%add3A_1594, %dma_start3A_1595] : memref<16x16xi32, #tpu.memory_space<vmem>> -> memref<1x16xi32, #tpu.memory_space<vmem>>
        %dma_start3A_1597 = tpu.memref_squeeze %dma_start3A_1596 : memref<1x16xi32, #tpu.memory_space<vmem>> -> memref<16xi32, #tpu.memory_space<vmem>>
        %dma_start3A_1598 = arith.constant 0 : i32
        %dma_start3A_1599 = arith.constant 0 : i32
        %dma_start3A_1600 = tpu.memref_slice %arg4[%dma_start3A_1598, %dma_start3A_1599] : memref<1000x768xf32, #tpu.memory_space<hbm>> -> memref<1000x768xf32, #tpu.memory_space<hbm>>
        tpu.enqueue_indirect_dma source(%dma_start3A_1600 : memref<1000x768xf32, #tpu.memory_space<hbm>>) target(%arg11 : memref<16x768xf32, #tpu.memory_space<vmem>>) offsets(%dma_start3A_1597 : memref<16xi32, #tpu.memory_space<vmem>>) semaphore(%arg17 : memref<!tpu.dma_semaphore, #tpu.memory_space<semaphore_mem>>)
      } else {
      }
    }
    %scan3A_34 = arith.constant 8 : i32
    %dma_wait3A = arith.constant 0 : i32
    %dma_wait3A_35 = arith.constant 0 : i32
    %dma_wait3A_36 = tpu.memref_slice %arg5[%mul3A_2, %dma_wait3A, %dma_wait3A_35] : memref<4096x50x768xf32, #tpu.memory_space<hbm>> -> memref<1x48x768xf32, #tpu.memory_space<hbm>>
    %dma_wait3A_37 = tpu.memref_squeeze %dma_wait3A_36 : memref<1x48x768xf32, #tpu.memory_space<hbm>> -> memref<48x768xf32, #tpu.memory_space<hbm>>
    %dma_wait3A_38 = arith.constant 0 : i32
    %dma_wait3A_39 = arith.constant 0 : i32
    %dma_wait3A_40 = tpu.memref_slice %arg5[%mul3A_2, %dma_wait3A_38, %dma_wait3A_39] : memref<4096x50x768xf32, #tpu.memory_space<hbm>> -> memref<1x48x768xf32, #tpu.memory_space<hbm>>
    %dma_wait3A_41 = tpu.memref_squeeze %dma_wait3A_40 : memref<1x48x768xf32, #tpu.memory_space<hbm>> -> memref<48x768xf32, #tpu.memory_space<hbm>>
    tpu.wait_dma2 semaphore(%arg15 : memref<!tpu.dma_semaphore, #tpu.memory_space<semaphore_mem>>) src(%arg9 : memref<48x768xf32, #tpu.memory_space<vmem>>) dst(%dma_wait3A_41 : memref<48x768xf32, #tpu.memory_space<hbm>>)
    return
  }
}

</mosaic_0001>

<sc_bundles>
// kernel: _emb_call.3.cloned.1.call-start
scs
__scs_entry_jumppad:
0x0: {  	(pc) =	sbr.rel $0x88, $3  }
0x1: {  	(tag) =	ssettag $0x0;
	lr =	simm.s32 $0x1  }
0x2: {  	[smem:$0x3F9E] =	sst lr;
	_ =	strace $0xD0000000  }
0x3: {  	_ = 	snop  }
0x4: {  	_ = 	snop  }
0x5: {  	_ = 	snop  }
0x6: {  	_ = 	snop  }
0x7: {  	_ = 	snop  }
__scs_overlays_trampoline_lowered:
0x8: {  	[smem:$0x3FAD] =	sst s0  }
0x9: {  	[smem:$0x3FAE] =	sst s1  }
0xa: {  	[smem:$0x3FAF] =	sst s2  }
0xb: {  	[smem:$0x3FB0] =	sst s3  }
0xc: {  	[smem:$0x3FB1] =	sst s4  }
0xd: {  	[smem:$0x3FB2] =	sst s5  }
0xe: {  	[smem:$0x3FB3] =	sst s6  }
0xf: {  	[smem:$0x3FB4] =	sst s7  }
0x10: {  	[smem:$0x3FB5] =	sst s8  }
0x11: {  	[smem:$0x3FB6] =	sst s9;
	s0 =	simm.s32 @!p0 $0x0  }
0x12: {  	s1 =	sld [smem:$0x3F9C];
	s0 =	simm.s32 @p0 $0x1  }
0x13: {  	[smem:$0x3FB7] =	sst s0;
	s0 =	simm.s32 @!p1 $0x0  }
0x14: {  	s2 =	sld [smem:$0x3F9B];
	s0 =	simm.s32 @p1 $0x1  }
0x15: {  	[smem:$0x3FB8] =	sst s0;
	s0 =	simm.s32 @!p2 $0x0  }
0x16: {  	s3 =	sld [smem:$0x3FDB];
	s0 =	simm.s32 @p2 $0x1  }
0x17: {  	s4 =	simm.s32 $0x1BF5;
	[smem:$0x3FBA] =	sst s0  }
0x18: {  	s0 =	sld [smem:$0x3F9D];
	_ =	swait.ge [sflag:s4], $0x0  }
0x19: {  	s7 =	sld [smem:$0x3F9E]  }
0x1a: {  	s8 =	sadd.s32 $0xFFFFE003, lr  }
0x1b: {  	s9 =	sadd.s32 $0xFFFFFEF7, lr;
	s5 =	simm.s32 $0xFFFFFFFF;
	p2 =	slt.u32 s8, $0xFFFFF086  }
0x1c: {  	p1 =	slt.u32 s9, $0xF7A;
	s5 =	simm.s32 @!p2 $0x0  }
0x1d: {  	s5 =	simm.s32 @p1 $0x1;
	p0 =	seq.s32 s7, s2  }
0x1e: {  	s7 =	smul.u32 @!p0 $0xF7A, s2;
	p2 =	seq.s32 @!p0 s5, $0x0  }
0x1f: {  	s9 =	smul.u32 $0xF7A, s1;
	s8 =	simm.s32 @!p0 $0x1BF5;
	p2 =	por !p2, p0  }
0x20: {  	[sflag:s8] =	ssyncset.s32 @!p0 $0xFFFFF086;
	s6 =	sadd.s32 @!p0 s3, s7;
	s7 =	simm.s32 @!p0 $0x108  }
0x21: {  	s3 =	sadd.s32 s3, s9;
	s6 =	sadd.s32 @!p0 $0x88, s6;
	s7 =	simm.s32 @p2 $0x1082  }
0x22: {  	[simem:s7], [sflag:s8] =	dma.local @!p0 [hbm:s6], $0xF7A  }
0x23: {  	s9 =	sor.u32 $0xD0000000, s2;
	s6 =	simm.s32 $0x108;
	_ =	swait.ge @!p0 [sflag:s8], $0x0  }
0x24: {  	s3 =	sadd.s32 $0x88, s3;
	s6 =	simm.s32 @!p1 $0x1082;
	[sflag:s4] =	ssyncset.s32 $0xFFFFF086  }
0x25: {  	[simem:s6], [sflag:s4] =	dma.local [hbm:s3], $0xF7A  }
0x26: {  	[smem:$0x3F9E] =	sst s1;
	(tag) =	ssettag s2;
	_ =	strace s9  }
0x27: {  	s1 =	sld [smem:$0x3FAE]  }
0x28: {  	s2 =	sld [smem:$0x3FAF]  }
0x29: {  	s4 =	sld [smem:$0x3FB1]  }
0x2a: {  	p0 =	seq.s32 s5, $0x0;
	s5 =	sld [smem:$0x3FB2]  }
0x2b: {  	s6 =	sld [smem:$0x3FB3]  }
0x2c: {  	s7 =	sld [smem:$0x3FB4]  }
0x2d: {  	s3 =	simm.s32 $0x108;
	s8 =	sld [smem:$0x3FB5]  }
0x2e: {  	s3 =	simm.s32 @!p0 $0x1082;
	s9 =	sld [smem:$0x3FB6]  }
0x2f: {  	lr =	sadd.s32 s0, s3;
	s0 =	sld [smem:$0x3FAD]  }
0x30: {  	s3 =	sld [smem:$0x3FB0]  }
0x31: {  	[smem:$0x3FB9] =	sst s10  }
0x32: {  	s10 =	sld [smem:$0x3FB7];
	_ =	sdelay $0x3  }
0x33: {  	p0 =	seq.s32 s10, $0x1;
	s10 =	sld [smem:$0x3FB9];
	_ =	sdelay $0x3  }
0x34: {  	[smem:$0x3FB9] =	sst s10  }
0x35: {  	s10 =	sld [smem:$0x3FB8];
	_ =	sdelay $0x3  }
0x36: {  	p1 =	seq.s32 s10, $0x1;
	s10 =	sld [smem:$0x3FB9];
	_ =	sdelay $0x3  }
0x37: {  	[smem:$0x3FB9] =	sst s10  }
0x38: {  	s10 =	sld [smem:$0x3FBA]  }
0x39: {  	_ = 	snop;
	(pc) =	sbr.ind lr, $3  }
0x3a: {  	_ = 	snop  }
0x3b: {  	_ = 	snop  }
0x3c: {  	p2 =	seq.s32 s10, $0x1;
	s10 =	sld [smem:$0x3FB9]  }
0x3d: {  	_ =	shalt  }
0x3e: {  	_ =	shalt  }
0x3f: {  	_ =	shalt  }
0x40: {  	_ =	shalt  }
0x41: {  	_ =	shalt  }
0x42: {  	_ =	shalt  }
0x43: {  	_ =	shalt  }
0x44: {  	_ =	shalt  }
0x45: {  	_ =	shalt  }
0x46: {  	_ =	shalt  }
0x47: {  	_ =	shalt  }
0x48: {  	_ =	shalt  }
0x49: {  	_ =	shalt  }
0x4a: {  	_ =	shalt  }
0x4b: {  	_ =	shalt  }
0x4c: {  	_ =	shalt  }
0x4d: {  	_ =	shalt  }
0x4e: {  	_ =	shalt  }
0x4f: {  	_ =	shalt  }
0x50: {  	_ =	shalt  }
0x51: {  	_ =	shalt  }
0x52: {  	_ =	shalt  }
0x53: {  	_ =	shalt  }
0x54: {  	_ =	shalt  }
0x55: {  	_ =	shalt  }
0x56: {  	_ =	shalt  }
0x57: {  	_ =	shalt  }
0x58: {  	_ =	shalt  }
0x59: {  	_ =	shalt  }
0x5a: {  	_ =	shalt  }
0x5b: {  	_ =	shalt  }
0x5c: {  	_ =	shalt  }
0x5d: {  	_ =	shalt  }
0x5e: {  	_ =	shalt  }
0x5f: {  	_ =	shalt  }
0x60: {  	_ =	shalt  }
0x61: {  	_ =	shalt  }
0x62: {  	_ =	shalt  }
0x63: {  	_ =	shalt  }
0x64: {  	_ =	shalt  }
0x65: {  	_ =	shalt  }
0x66: {  	_ =	shalt  }
0x67: {  	_ =	shalt  }
0x68: {  	_ =	shalt  }
0x69: {  	_ =	shalt  }
0x6a: {  	_ =	shalt  }
0x6b: {  	_ =	shalt  }
0x6c: {  	_ =	shalt  }
0x6d: {  	_ =	shalt  }
0x6e: {  	_ =	shalt  }
0x6f: {  	_ =	shalt  }
0x70: {  	_ =	shalt  }
0x71: {  	_ =	shalt  }
0x72: {  	_ =	shalt  }
0x73: {  	_ =	shalt  }
0x74: {  	_ =	shalt  }
0x75: {  	_ =	shalt  }
0x76: {  	_ =	shalt  }
0x77: {  	_ =	shalt  }
0x78: {  	_ =	shalt  }
0x79: {  	_ =	shalt  }
0x7a: {  	_ =	shalt  }
0x7b: {  	_ =	shalt  }
0x7c: {  	_ =	shalt  }
0x7d: {  	_ =	shalt  }
0x7e: {  	_ =	shalt  }
0x7f: {  	_ =	shalt  }
0x80: {  	_ =	shalt  }
0x81: {  	_ =	shalt  }
0x82: {  	_ =	shalt  }
0x83: {  	_ =	shalt  }
0x84: {  	_ =	shalt  }
0x85: {  	_ =	shalt  }
0x86: {  	_ =	shalt  }
0x87: {  	_ =	shalt  }
.Lfunc_end0:
.L_simem_size_0:
called_computation_lowered:
.L_overlay_start_0:
0x88: {  	s2 =	sld [smem:$0x3FD9]  }
0x89: {  	s3 =	sld [smem:$0x3FFE];
	_ =	sdelay $0x1  }
0x8a: {  	s1 =	srdreg.scid  }
0x8b: {  	s0 =	sand.u32 $0x1, s1  }
0x8c: {  	s17 =	sshll.u32 s0, $0xA;
	s2 =	sadd.s32 s3, s2  }
0x8d: {  	s2 =	sadd.s32 s2, s17  }
0x8e: {  	[smem:$0x3FC5] =	sst s2  }
0x8f: {  	_ = 	snop  }
0x90: {  	s2 =	sld [smem:$0x3FC7]  }
0x91: {  	s18 =	sld [smem:$0x3FD0];
	(tm) =	ssettm $0x1  }
0x92: {  	s4 =	sld [smem:$0x3FFB];
	_ =	sdelay $0x3  }
0x93: {  	_ =	strace s4  }
0x94: {  	s4 =	sld [smem:$0x3FFC];
	_ =	sdelay $0x3  }
0x95: {  	_ =	strace s4  }
0x96: {  	s4 =	sld [smem:$0x3FFD];
	_ =	sdelay $0x3  }
0x97: {  	_ =	strace s4  }
0x98: {  	_ =	strace $0x8FFFFFFF  }
0x99: {  	s19 =	sld [smem:$0x3FDB];
	_ =	sdelay $0x1  }
0x9a: {  	s5 =	simm.s32 $_scs_section_size  }
0x9b: {  	s6 =	simm.s32 $_size__tile_overlayer_lowered;
	s7 =	simm.s32 $_tile_overlayer_lowered  }
0x9c: {  	s22 =	simm.s32 $0x1BFF;
	s21 =	sshll.u32 s7, $0x1;
	s4 =	sadd.s32 s5, s19  }
0x9d: {  	s8 =	simm.s32 $0x0;
	s20 =	sshll.u32 s6, $0x1;
	s6 =	sadd.s32 s21, s4  }
0x9e: {  	[timem:s8], [sflag:s22] =	dma.local [hbm:s6], s20  }
0x9f: {  	_ =	swait.ge [sflag:s22], s20  }
0xa0: {  	s5 =	ssub.s32 $0x0, s20;
	[sflag:s22] =	ssyncset.done $0x0  }
0xa1: {  	[sflag:s22] =	ssyncadd.s32 s5;
	_ =	sdelay $0x1  }
0xa2: {  	s23 =	simm.s32 $0x1B8B  }
0xa3: {  	_ =	swait.ge [sflag:s23], $0x1  }
0xa4: {  	[sflag:s23] =	ssyncset.done $0x0  }
0xa5: {  	s25 =	simm.s32 $0x1B8E;
	s24 =	sld [smem:$0x3FFE];
	[sflag:s23] =	ssyncadd.s32 $0xFFFFFFFF  }
0xa6: {  	s26 =	simm.s32 $execute0_lowered;
	[smem:$0x3FD2] =	sst s25  }
0xa7: {  	s6 =	sshll.u32 s26, $0x1;
	_ =	strace $0x80000046;
	[dreg:$0x1] =	wrdreg $0xFFFFFFFF  }
0xa8: {  	s28 =	simm.s32 $_size_execute0_lowered;
	s4 =	sadd.s32 s4, s6;
	[dreg:$0x0] =	wrdreg $0x0  }
0xa9: {  	s6 =	sshll.u32 s28, $0x1;
	[dreg:$0x2] =	wrdreg s4  }
0xaa: {  	[dreg:$0x3] =	wrdreg s6  }
0xab: {  	[dreg:$0x4] =	wrdreg $0xC0  }
0xac: {  	_ =	task [dreg:s8], $0x5FFFF  }
0xad: {  	[dreg:$0x1] =	wrdreg $0xFFFFFFFF  }
0xae: {  	[dreg:$0x0] =	wrdreg $0x60  }
0xaf: {  	[dreg:$0x2] =	wrdreg s18  }
0xb0: {  	[dreg:$0x3] =	wrdreg s24  }
0xb1: {  	[dreg:$0x4] =	wrdreg s2  }
0xb2: {  	[dreg:$0x5] =	wrdreg $0x9  }
0xb3: {  	_ =	task.clear_ibuf [dreg:s8], $0x6FFFF;
	_ =	strace $0x90000046  }
0xb4: {  	s29 =	simm.s32 $0x9;
	_ =	strace $0x80000048  }
0xb5: {  	_ =	swait.ge [sflag:s29], $0x1  }
0xb6: {  	[sflag:s29] =	ssyncadd.s32 $0xFFFFFFFF  }
0xb7: {  	_ =	strace $0x90000048  }
0xb8: {  	_ =	sfence  }
0xb9: {  	s30 =	sld [smem:$0x0];
	_ =	sdelay $0x2  }
0xba: {  	s31 =	sshll.u32 s1, $0xD;
	s1 =	sshrl.u32 s1, $0x2  }
0xbb: {  	s3 =	sand.u32 $0x4000, s31;
	s1 =	sadd.s32 s1, s30  }
0xbc: {  	s0 =	sor.u32 s3, s0;
	s1 =	sshll.u32 s1, $0x11  }
0xbd: {  	s0 =	sor.u32 s1, s0  }
0xbe: {  	s0 =	sadd.s32 $0x8F2B, s0  }
0xbf: {  	[sflag:s0] =	ssyncadd.remote.s32 $0x1  }
0xc0: {  	_ =	sfence.sel $0xFFFF  }
0xc1: {  	[dreg:$0x0] =	wrdreg $0xFFFFFFFF;
	(pc) =	sbr.abs _section_cstart, $3  }
0xc2: {  	[dreg:$0x1] =	wrdreg $0xFFFFFFFF  }
0xc3: {  	_ =	task.clear_ibuf [dreg:s8], $0x2FFFF;
	_ =	strace $0x9FFFFFFF  }
0xc4: {  	(tm) =	ssettm $0x7FFFFFFF  }
0xc5: {  	_ =	shalt  }
tec
execute0_lowered:
.L_overlay_start_1:
0x0: {  	(tag) =	ssettag $0x1  }
0x1: {  	s0 =	rddreg [dreg:$0x0]  }
0x2: {  	s1 =	rddreg [dreg:$0x1];
	s3 =	srdreg.scid  }
0x3: {  	s10 =	stileid.u32;
	s2 =	rddreg [dreg:$0x2];
	s29 =	simm.s32 $0x16000  }
0x4: {  	s30 =	simm.s32 $0x7;
	s31 =	simm.s32 $0x8;
	s28 =	simm.s32 $0x3  }
0x5: {  	s4 =	sand.u32 $0x1, s3;
	s5 =	sshll.u32 s10, $0x1;
	s8 =	smul.u32 $0xA80000, s10  }
0x6: {  	s3 =	simm.s32 $0x0;
	s11 =	sadd.s32 $0x2400, s1;
	s15 =	smul.u32 $0x150000, s10  }
0x7: {  	s5 =	sor.u32 s4, s5;
	[smem:$0x7FF] =	sst s3;
	s7 =	ssub.s32 $0x2, s4  }
0x8: {  	s6 =	sshll.u32 s5, $0x8;
	_ =	strace $0x80000047;
	s9 =	sshrl.u32 s7, $0x1  }
0x9: {  	s12 =	sshll.u32 s5, $0xB;
	s5 =	sshll.u32 s5, $0x7;
	[dreg:$0x4] =	wrdreg s11  }
0xa: {  	s6 =	sadd.s32 s6, s1;
	s1 =	ssub.s32 s7, s9;
	s9 =	smul.u32 $0x540000, s4  }
0xb: {  	[dreg:$0x5] =	wrdreg s5;
	s0 =	sadd.s32 s0, s12;
	s4 =	smul.u32 $0xA8000, s4  }
0xc: {  	[dreg:$0x6] =	wrdreg s0;
	s13 =	sadd.s32 $0x400, s6;
	s14 =	smax.u32 s1, $0x1  }
0xd: {  	s1 =	sadd.s32 s15, s11;
	[dreg:$0x7] =	wrdreg s13;
	s0 =	sadd.s32 s9, s8  }
0xe: {  	[dreg:$0x8] =	wrdreg s14;
	s1 =	sadd.s32 s4, s1;
	s16 =	sadd.s32 $0x67800, s0  }
0xf: {  	s17 =	sadd.s32 $0x67880, s0;
	[dreg:$0xb] =	wrdreg s1;
	s19 =	sadd.s32 $0x72000, s0  }
0x10: {  	s20 =	sadd.s32 $0x72080, s0;
	s21 =	sadd.s32 $0x7C800, s0;
	s24 =	sadd.s32 $0x7C880, s0  }
0x11: {  	s25 =	sor.u32 $0x1E080, s0;
	s26 =	sor.u32 $0x1E000, s0;
	s8 =	sadd.s32 $0x87000, s0  }
0x12: {  	s9 =	sadd.s32 $0x87080, s0;
	s10 =	sor.u32 $0x28880, s0;
	s14 =	sor.u32 $0x28800, s0  }
0x13: {  	s15 =	sadd.s32 $0x91800, s0;
	s5 =	sshrl.u32 s16, $0x3;
	s6 =	sshrl.u32 s17, $0x3  }
0x14: {  	s1 =	sshrl.u32 s19, $0x3;
	s4 =	sshrl.u32 s20, $0x3;
	s16 =	sadd.s32 $0x91880, s0  }
0x15: {  	s19 =	sor.u32 $0x33080, s0;
	s20 =	sor.u32 $0x33000, s0;
	s5 =	sadd.s32 s5, s11  }
0x16: {  	s18 =	sadd.s32 s6, s11;
	s1 =	sadd.s32 s1, s11;
	[dreg:$0x9] =	wrdreg s5  }
0x17: {  	s22 =	sadd.s32 s4, s11;
	s4 =	sshrl.u32 s25, $0x3;
	[dreg:$0xa] =	wrdreg s18  }
0x18: {  	s25 =	sor.u32 $0x3D880, s0;
	s5 =	sshrl.u32 s21, $0x3;
	[dreg:$0xc] =	wrdreg s1  }
0x19: {  	[dreg:$0xd] =	wrdreg s22;
	s1 =	sshrl.u32 s24, $0x3;
	s6 =	sadd.s32 s4, s11  }
0x1a: {  	s4 =	sshrl.u32 s9, $0x3;
	s21 =	sadd.s32 $0x9C000, s0;
	s24 =	sadd.s32 $0x9C080, s0  }
0x1b: {  	s9 =	sadd.s32 $0xA6880, s0;
	s23 =	sadd.s32 s5, s11;
	s5 =	sshrl.u32 s26, $0x3  }
0x1c: {  	s1 =	sadd.s32 s1, s11;
	[dreg:$0x10] =	wrdreg s6;
	s12 =	sadd.s32 s4, s11  }
0x1d: {  	s4 =	sshrl.u32 s15, $0x3;
	s26 =	sor.u32 $0x3D800, s0;
	[dreg:$0xe] =	wrdreg s23  }
0x1e: {  	s15 =	sadd.s32 $0x54000, s0;
	[dreg:$0xf] =	wrdreg s1;
	s7 =	sadd.s32 s5, s11  }
0x1f: {  	s1 =	sshrl.u32 s8, $0x3;
	s5 =	sshrl.u32 s10, $0x3;
	[dreg:$0x13] =	wrdreg s12  }
0x20: {  	s17 =	sadd.s32 s4, s11;
	s4 =	sshrl.u32 s20, $0x3;
	s8 =	sadd.s32 $0xA6800, s0  }
0x21: {  	s10 =	sadd.s32 $0x48080, s0;
	s20 =	sor.u32 $0x9000, s0;
	[dreg:$0x11] =	wrdreg s7  }
0x22: {  	s1 =	sadd.s32 s1, s11;
	s13 =	sadd.s32 s5, s11;
	s5 =	sshrl.u32 s16, $0x3  }
0x23: {  	[dreg:$0x16] =	wrdreg s17;
	s22 =	sadd.s32 s4, s11;
	s4 =	sshrl.u32 s25, $0x3  }
0x24: {  	s16 =	sadd.s32 $0x5D000, s0;
	s25 =	sadd.s32 $0x52800, s0;
	[dreg:$0x12] =	wrdreg s1  }
0x25: {  	[dreg:$0x14] =	wrdreg s13;
	s1 =	sshrl.u32 s14, $0x3;
	s18 =	sadd.s32 s5, s11  }
0x26: {  	s5 =	sshrl.u32 s21, $0x3;
	[dreg:$0x19] =	wrdreg s22;
	s6 =	sadd.s32 s4, s11  }
0x27: {  	s4 =	sshrl.u32 s9, $0x3;
	s14 =	sadd.s32 $0x48000, s0;
	s21 =	sor.u32 $0x9080, s0  }
0x28: {  	s9 =	simm.s32 $0xF800;
	s1 =	sadd.s32 s1, s11;
	[dreg:$0x17] =	wrdreg s18  }
0x29: {  	s23 =	sadd.s32 s5, s11;
	s5 =	sshrl.u32 s26, $0x3;
	[dreg:$0x1c] =	wrdreg s6  }
0x2a: {  	s12 =	sadd.s32 s4, s11;
	s4 =	sshrl.u32 s15, $0x3;
	s26 =	sshrl.u32 s25, $0x3  }
0x2b: {  	s15 =	sadd.s32 $0x200, s2;
	s6 =	simm.s32 $0xD800;
	[dreg:$0x15] =	wrdreg s1  }
0x2c: {  	s25 =	simm.s32 $0x13800;
	s1 =	sshrl.u32 s19, $0x3;
	[dreg:$0x1a] =	wrdreg s23  }
0x2d: {  	s7 =	sadd.s32 s5, s11;
	s5 =	sshrl.u32 s10, $0x3;
	[dreg:$0x1f] =	wrdreg s12  }
0x2e: {  	s17 =	sadd.s32 s4, s11;
	s19 =	sadd.s32 $0x5D080, s0;
	s4 =	sshrl.u32 s20, $0x3  }
0x2f: {  	s10 =	simm.s32 $0x10000;
	s12 =	simm.s32 $0x11000;
	s1 =	sadd.s32 s1, s11  }
0x30: {  	[dreg:$0x1d] =	wrdreg s7;
	s13 =	sadd.s32 s5, s11;
	s5 =	sshrl.u32 s16, $0x3  }
0x31: {  	[smem:$0x7F6] =	sst s17;
	s22 =	sadd.s32 s4, s11;
	s7 =	simm.s32 $0xE000  }
0x32: {  	s4 =	simm.s32 $0xE800;
	s17 =	simm.s32 $0x12000;
	[dreg:$0x18] =	wrdreg s1  }
0x33: {  	s16 =	simm.s32 $0x15000;
	s1 =	sshrl.u32 s24, $0x3;
	[smem:$0x7F4] =	sst s13  }
0x34: {  	s18 =	sadd.s32 s5, s11;
	s5 =	sshrl.u32 s21, $0x3;
	[smem:$0x7F9] =	sst s22  }
0x35: {  	s24 =	sshrl.u32 s0, $0x3;
	s0 =	sadd.s32 $0x52880, s0;
	s13 =	simm.s32 $0x11800  }
0x36: {  	s22 =	simm.s32 $0x14000;
	s21 =	simm.s32 $0x14800;
	s1 =	sadd.s32 s1, s11  }
0x37: {  	[smem:$0x7F7] =	sst s18;
	s23 =	sadd.s32 s5, s11;
	s0 =	sshrl.u32 s0, $0x3  }
0x38: {  	s18 =	simm.s32 $0x12800;
	[dreg:$0x1b] =	wrdreg s1;
	s1 =	sshrl.u32 s8, $0x3  }
0x39: {  	s5 =	simm.s32 $0x0;
	[smem:$0x7FA] =	sst s23;
	s1 =	sadd.s32 s1, s11  }
0x3a: {  	s0 =	sadd.s32 s0, s11;
	[dreg:$0x1e] =	wrdreg s1;
	s1 =	sshrl.u32 s14, $0x3  }
0x3b: {  	s23 =	simm.s32 $0x4800;
	s8 =	simm.s32 $0xF000;
	s1 =	sadd.s32 s1, s11  }
.Ltmp0:
0x3c: {  	[smem:$0x7F5] =	sst s1;
	s1 =	sshrl.u32 s19, $0x3;
	(pc) =	sbr.rel .LBB2_1-.Ltmp0, $4  }
0x3d: {  	[smem:$0x7FD] =	sst s0;
	s14 =	sadd.s32 $0x100, s2;
	s1 =	sadd.s32 s1, s11  }
0x3e: {  	v2 =	vlaneseq.u32;
	s19 =	simm.s32 $0x13000;
	[smem:$0x7F8] =	sst s1;
	s1 =	sadd.s32 s24, s11  }
0x3f: {  	vm0 =	vmmov $0xffff;
	v1 =	vshrl.u32 v2, $0x3;
	s24 =	simm.s32 $0x15800;
	[smem:$0x7FB] =	sst s1;
	s1 =	sadd.s32 s26, s11  }
0x40: {  	v0 =	vand.u32 $0x7, v2;
	v2 =	vor.u32 $0x8, v2;
	v1 =	vmul.u32 $0x8, v1;
	s11 =	simm.s32 $0x10800;
	s26 =	simm.s32 $0x2;
	[smem:$0x7FC] =	sst s1  }
.LBB2_9:
0x41: {  	s1 =	simm.s32 $0x4  }
0x42: {  	_ =	swait.ge [sflag:s1], $0x9000  }
0x43: {  	s5 =	sld [smem:$0x7F2];
	_ =	sdelay $0x2  }
0x44: {  	s0 =	rddreg [dreg:$0x8];
	s5 =	sadd.s32 $0x1, s5  }
0x45: {  	p0 =	sne.s32 s5, s0  }
.Ltmp1:
0x46: {  	_ = 	snop;
	(pc) =	sbr.rel @!p0 .LBB2_10-.Ltmp1, $3  }
0x47: {  	_ =	sdelay $0x1  }
0x48: {  	s7 =	simm.s32 $0xE000;
	[sflag:s1] =	ssyncset.done $0x0  }
0x49: {  	s4 =	simm.s32 $0xE800;
	s8 =	simm.s32 $0xF000;
	[sflag:s1] =	ssyncadd.s32 $0xFFFF7000  }
.LBB2_1:
0x4a: {  	[smem:$0x7F2] =	sst s5  }
0x4b: {  	s0 =	rddreg [dreg:$0x6];
	s1 =	simm.s32 $0x9  }
0x4c: {  	[tilespmem:s3], [sflag:$0x9] =	stream.linear.gather [hbm4b:s0+s3], $0x4000, $0x38;
	[tilespmem:$0x1C800] =	vst v63  }
0x4d: {  	_ =	swait.ge [sflag:s1], $0x4000  }
0x4e: {  	[sflag:s1] =	ssyncset.done $0x0  }
0x4f: {  	s20 =	simm.s32 $0x4000;
	s5 =	rddreg [dreg:$0x7];
	[sflag:s1] =	ssyncadd.s32 $0xFFFFC000  }
0x50: {  	[tilespmem:s20], [sflag:$0x9] =	stream.linear.gather [hbm4b:s5+s3], $0x800, $0x38;
	[tilespmem:$0x1C800] =	vst v63  }
0x51: {  	_ =	swait.ge [sflag:s1], $0x800  }
0x52: {  	[sflag:s1] =	ssyncset.done $0x0  }
0x53: {  	[sflag:s1] =	ssyncadd.s32 $0xFFFFF800  }
0x54: {  	v3 =	vld [tilespmem:$0x0];
	_ =	sdelay $0x4  }
0x55: {  	v4 =	vshrl.u32 v3, $0x3  }
0x56: {  	v4 =	vmul.u32 $0x30, v4  }
0x57: {  	v3 =	vand.u32 $0x7, v3  }
0x58: {  	v3 =	vor.u32 v3, v4  }
0x59: {  	v4 =	vperm.xlane v3, v0;
	_ =	sdelay $0x1  }
0x5a: {  	v4 =	vadd.s32 v1, v4;
	_ =	sdelay $0x3  }
0x5b: {  	v3 =	vperm.xlane v3, v2  }
0x5c: {  	[tilespmem:s23], [sflag:$0x1] =	stream.indirect_vreg.gather [hbm4b:s2+s3], $0x80, v4, vm0, $0xb8;
	[tilespmem:$0x1C800] =	vst v63  }
0x5d: {  	s20 =	simm.s32 $0x5000;
	v3 =	vadd.s32 v1, v3  }
0x5e: {  	[tilespmem:s20], [sflag:$0x1] =	stream.indirect_vreg.gather [hbm4b:s14+s3], $0x80, v4, vm0, $0xb8;
	[tilespmem:$0x1C800] =	vst v63  }
0x5f: {  	s23 =	simm.s32 $0x5800  }
0x60: {  	[tilespmem:s23], [sflag:$0x1] =	stream.indirect_vreg.gather [hbm4b:s15+s3], $0x80, v4, vm0, $0xb8;
	[tilespmem:$0x1C800] =	vst v63  }
0x61: {  	s1 =	simm.s32 $0x6000  }
0x62: {  	[tilespmem:s1], [sflag:$0x1] =	stream.indirect_vreg.gather [hbm4b:s2+s3], $0x80, v3, vm0, $0xb8;
	[tilespmem:$0x1C800] =	vst v63  }
0x63: {  	s5 =	simm.s32 $0x6800  }
0x64: {  	[tilespmem:s5], [sflag:$0x1] =	stream.indirect_vreg.gather [hbm4b:s14+s3], $0x80, v3, vm0, $0xb8;
	[tilespmem:$0x1C800] =	vst v63  }
0x65: {  	s20 =	simm.s32 $0x7000  }
0x66: {  	[tilespmem:s20], [sflag:$0x1] =	stream.indirect_vreg.gather [hbm4b:s15+s3], $0x80, v3, vm0, $0xb8;
	[tilespmem:$0x1C800] =	vst v63  }
0x67: {  	v3 =	vld [tilespmem:$0x10];
	_ =	sdelay $0x4  }
0x68: {  	v57 =	vshrl.u32 v3, $0x3  }
0x69: {  	v4 =	vmul.u32 $0x30, v57  }
0x6a: {  	v3 =	vand.u32 $0x7, v3  }
0x6b: {  	v3 =	vor.u32 v3, v4  }
0x6c: {  	v4 =	vperm.xlane v3, v0;
	_ =	sdelay $0x1  }
0x6d: {  	v4 =	vadd.s32 v1, v4;
	_ =	sdelay $0x3  }
0x6e: {  	s23 =	simm.s32 $0x7800;
	v3 =	vperm.xlane v3, v2  }
0x6f: {  	[tilespmem:s23], [sflag:$0x1] =	stream.indirect_vreg.gather [hbm4b:s2+s3], $0x80, v4, vm0, $0xb8;
	[tilespmem:$0x1C800] =	vst v63  }
0x70: {  	s1 =	simm.s32 $0x8000;
	v3 =	vadd.s32 v1, v3  }
0x71: {  	[tilespmem:s1], [sflag:$0x1] =	stream.indirect_vreg.gather [hbm4b:s14+s3], $0x80, v4, vm0, $0xb8;
	[tilespmem:$0x1C800] =	vst v63  }
0x72: {  	s5 =	simm.s32 $0x8800  }
0x73: {  	[tilespmem:s5], [sflag:$0x1] =	stream.indirect_vreg.gather [hbm4b:s15+s3], $0x80, v4, vm0, $0xb8;
	[tilespmem:$0x1C800] =	vst v63  }
0x74: {  	s20 =	simm.s32 $0x9000  }
0x75: {  	[tilespmem:s20], [sflag:$0x1] =	stream.indirect_vreg.gather [hbm4b:s2+s3], $0x80, v3, vm0, $0xb8;
	[tilespmem:$0x1C800] =	vst v63  }
0x76: {  	s23 =	simm.s32 $0x9800  }
0x77: {  	[tilespmem:s23], [sflag:$0x1] =	stream.indirect_vreg.gather [hbm4b:s14+s3], $0x80, v3, vm0, $0xb8;
	[tilespmem:$0x1C800] =	vst v63  }
0x78: {  	s1 =	simm.s32 $0xA000  }
0x79: {  	[tilespmem:s1], [sflag:$0x1] =	stream.indirect_vreg.gather [hbm4b:s15+s3], $0x80, v3, vm0, $0xb8;
	[tilespmem:$0x1C800] =	vst v63  }
0x7a: {  	v3 =	vld [tilespmem:$0x20];
	_ =	sdelay $0x4  }
0x7b: {  	v58 =	vshrl.u32 v3, $0x3  }
0x7c: {  	v4 =	vmul.u32 $0x30, v58  }
0x7d: {  	v3 =	vand.u32 $0x7, v3  }
0x7e: {  	v3 =	vor.u32 v3, v4  }
0x7f: {  	v4 =	vperm.xlane v3, v0;
	_ =	sdelay $0x1  }
0x80: {  	v4 =	vadd.s32 v1, v4;
	_ =	sdelay $0x3  }
0x81: {  	s5 =	simm.s32 $0xA800;
	v3 =	vperm.xlane v3, v2  }
0x82: {  	[tilespmem:s5], [sflag:$0x1] =	stream.indirect_vreg.gather [hbm4b:s2+s3], $0x80, v4, vm0, $0xb8;
	[tilespmem:$0x1C800] =	vst v63  }
0x83: {  	s20 =	simm.s32 $0xB000;
	v3 =	vadd.s32 v1, v3  }
0x84: {  	[tilespmem:s20], [sflag:$0x1] =	stream.indirect_vreg.gather [hbm4b:s14+s3], $0x80, v4, vm0, $0xb8;
	[tilespmem:$0x1C800] =	vst v63  }
0x85: {  	s23 =	simm.s32 $0xB800  }
0x86: {  	[tilespmem:s23], [sflag:$0x1] =	stream.indirect_vreg.gather [hbm4b:s15+s3], $0x80, v4, vm0, $0xb8;
	[tilespmem:$0x1C800] =	vst v63  }
0x87: {  	s1 =	simm.s32 $0xC000  }
0x88: {  	[tilespmem:s1], [sflag:$0x1] =	stream.indirect_vreg.gather [hbm4b:s2+s3], $0x80, v3, vm0, $0xb8;
	[tilespmem:$0x1C800] =	vst v63  }
0x89: {  	s5 =	simm.s32 $0xC800  }
0x8a: {  	[tilespmem:s5], [sflag:$0x1] =	stream.indirect_vreg.gather [hbm4b:s14+s3], $0x80, v3, vm0, $0xb8;
	[tilespmem:$0x1C800] =	vst v63  }
0x8b: {  	s20 =	simm.s32 $0xD000  }
0x8c: {  	[tilespmem:s20], [sflag:$0x1] =	stream.indirect_vreg.gather [hbm4b:s15+s3], $0x80, v3, vm0, $0xb8;
	[tilespmem:$0x1C800] =	vst v63  }
0x8d: {  	v3 =	vld [tilespmem:$0x80];
	_ =	sdelay $0x4  }
0x8e: {  	v59 =	vshrl.u32 v3, $0x3  }
0x8f: {  	v4 =	vmul.u32 $0x30, v59  }
0x90: {  	v3 =	vand.u32 $0x7, v3  }
0x91: {  	v3 =	vor.u32 v3, v4  }
0x92: {  	v4 =	vperm.xlane v3, v0;
	_ =	sdelay $0x1  }
0x93: {  	v4 =	vadd.s32 v1, v4;
	_ =	sdelay $0x3  }
0x94: {  	v3 =	vperm.xlane v3, v2  }
0x95: {  	[tilespmem:s6], [sflag:$0x2] =	stream.indirect_vreg.gather [hbm4b:s2+s3], $0x80, v4, vm0, $0xb8;
	[tilespmem:$0x1C800] =	vst v63  }
0x96: {  	v3 =	vadd.s32 v1, v3  }
0x97: {  	[tilespmem:s7], [sflag:$0x2] =	stream.indirect_vreg.gather [hbm4b:s14+s3], $0x80, v4, vm0, $0xb8;
	[tilespmem:$0x1C800] =	vst v63  }
0x98: {  	_ = 	snop  }
0x99: {  	[tilespmem:s4], [sflag:$0x2] =	stream.indirect_vreg.gather [hbm4b:s15+s3], $0x80, v4, vm0, $0xb8;
	[tilespmem:$0x1C800] =	vst v63  }
0x9a: {  	_ = 	snop  }
0x9b: {  	[tilespmem:s8], [sflag:$0x2] =	stream.indirect_vreg.gather [hbm4b:s2+s3], $0x80, v3, vm0, $0xb8;
	[tilespmem:$0x1C800] =	vst v63  }
0x9c: {  	_ = 	snop  }
0x9d: {  	[tilespmem:s9], [sflag:$0x2] =	stream.indirect_vreg.gather [hbm4b:s14+s3], $0x80, v3, vm0, $0xb8;
	[tilespmem:$0x1C800] =	vst v63  }
0x9e: {  	_ = 	snop  }
0x9f: {  	[tilespmem:s10], [sflag:$0x2] =	stream.indirect_vreg.gather [hbm4b:s15+s3], $0x80, v3, vm0, $0xb8;
	[tilespmem:$0x1C800] =	vst v63  }
0xa0: {  	v3 =	vld [tilespmem:$0x90];
	_ =	sdelay $0x4  }
0xa1: {  	v60 =	vshrl.u32 v3, $0x3  }
0xa2: {  	v4 =	vmul.u32 $0x30, v60  }
0xa3: {  	v3 =	vand.u32 $0x7, v3  }
0xa4: {  	v3 =	vor.u32 v3, v4  }
0xa5: {  	v4 =	vperm.xlane v3, v0;
	_ =	sdelay $0x1  }
0xa6: {  	v4 =	vadd.s32 v1, v4;
	_ =	sdelay $0x3  }
0xa7: {  	v3 =	vperm.xlane v3, v2  }
0xa8: {  	[tilespmem:s11], [sflag:$0x2] =	stream.indirect_vreg.gather [hbm4b:s2+s3], $0x80, v4, vm0, $0xb8;
	[tilespmem:$0x1C800] =	vst v63  }
0xa9: {  	v3 =	vadd.s32 v1, v3  }
0xaa: {  	[tilespmem:s12], [sflag:$0x2] =	stream.indirect_vreg.gather [hbm4b:s14+s3], $0x80, v4, vm0, $0xb8;
	[tilespmem:$0x1C800] =	vst v63  }
0xab: {  	_ = 	snop  }
0xac: {  	[tilespmem:s13], [sflag:$0x2] =	stream.indirect_vreg.gather [hbm4b:s15+s3], $0x80, v4, vm0, $0xb8;
	[tilespmem:$0x1C800] =	vst v63  }
0xad: {  	_ = 	snop  }
0xae: {  	[tilespmem:s17], [sflag:$0x2] =	stream.indirect_vreg.gather [hbm4b:s2+s3], $0x80, v3, vm0, $0xb8;
	[tilespmem:$0x1C800] =	vst v63  }
0xaf: {  	_ = 	snop  }
0xb0: {  	[tilespmem:s18], [sflag:$0x2] =	stream.indirect_vreg.gather [hbm4b:s14+s3], $0x80, v3, vm0, $0xb8;
	[tilespmem:$0x1C800] =	vst v63  }
0xb1: {  	_ = 	snop  }
0xb2: {  	[tilespmem:s19], [sflag:$0x2] =	stream.indirect_vreg.gather [hbm4b:s15+s3], $0x80, v3, vm0, $0xb8;
	[tilespmem:$0x1C800] =	vst v63  }
0xb3: {  	v3 =	vld [tilespmem:$0xA0];
	_ =	sdelay $0x4  }
0xb4: {  	v61 =	vshrl.u32 v3, $0x3  }
0xb5: {  	v4 =	vmul.u32 $0x30, v61  }
0xb6: {  	v3 =	vand.u32 $0x7, v3  }
0xb7: {  	v3 =	vor.u32 v3, v4  }
0xb8: {  	v4 =	vperm.xlane v3, v0;
	_ =	sdelay $0x1  }
0xb9: {  	v4 =	vadd.s32 v1, v4;
	_ =	sdelay $0x3  }
0xba: {  	v3 =	vperm.xlane v3, v2  }
0xbb: {  	[tilespmem:s25], [sflag:$0x2] =	stream.indirect_vreg.gather [hbm4b:s2+s3], $0x80, v4, vm0, $0xb8;
	[tilespmem:$0x1C800] =	vst v63  }
0xbc: {  	v3 =	vadd.s32 v1, v3  }
0xbd: {  	[tilespmem:s22], [sflag:$0x2] =	stream.indirect_vreg.gather [hbm4b:s14+s3], $0x80, v4, vm0, $0xb8;
	[tilespmem:$0x1C800] =	vst v63  }
0xbe: {  	_ = 	snop  }
0xbf: {  	[tilespmem:s21], [sflag:$0x2] =	stream.indirect_vreg.gather [hbm4b:s15+s3], $0x80, v4, vm0, $0xb8;
	[tilespmem:$0x1C800] =	vst v63  }
0xc0: {  	_ = 	snop  }
0xc1: {  	[tilespmem:s16], [sflag:$0x2] =	stream.indirect_vreg.gather [hbm4b:s2+s3], $0x80, v3, vm0, $0xb8;
	[tilespmem:$0x1C800] =	vst v63  }
0xc2: {  	_ = 	snop  }
0xc3: {  	[tilespmem:s24], [sflag:$0x2] =	stream.indirect_vreg.gather [hbm4b:s14+s3], $0x80, v3, vm0, $0xb8;
	[tilespmem:$0x1C800] =	vst v63  }
0xc4: {  	_ = 	snop  }
0xc5: {  	[tilespmem:s29], [sflag:$0x2] =	stream.indirect_vreg.gather [hbm4b:s15+s3], $0x80, v3, vm0, $0xb8;
	[tilespmem:$0x1C800] =	vst v63  }
0xc6: {  	v3 =	vld [tilespmem:$0x4000];
	_ =	sdelay $0x4  }
0xc7: {  	v62 =	vshrl.u32 v3, $0x3  }
0xc8: {  	v4 =	vmul.u32 $0x30, v62  }
0xc9: {  	v3 =	vand.u32 $0x7, v3  }
0xca: {  	v3 =	vor.u32 v3, v4  }
0xcb: {  	v4 =	vperm.xlane v3, v0;
	_ =	sdelay $0x1  }
0xcc: {  	v4 =	vadd.s32 v1, v4;
	_ =	sdelay $0x3  }
0xcd: {  	s23 =	simm.s32 $0x16800;
	v3 =	vperm.xlane v3, v2  }
0xce: {  	[tilespmem:s23], [sflag:$0x5] =	stream.indirect_vreg.gather [hbm4b:s2+s3], $0x80, v4, vm0, $0xb8;
	[tilespmem:$0x1C800] =	vst v63  }
0xcf: {  	s1 =	simm.s32 $0x17000;
	v3 =	vadd.s32 v1, v3  }
0xd0: {  	[tilespmem:s1], [sflag:$0x5] =	stream.indirect_vreg.gather [hbm4b:s14+s3], $0x80, v4, vm0, $0xb8;
	[tilespmem:$0x1C800] =	vst v63  }
0xd1: {  	s5 =	simm.s32 $0x17800  }
0xd2: {  	[tilespmem:s5], [sflag:$0x5] =	stream.indirect_vreg.gather [hbm4b:s15+s3], $0x80, v4, vm0, $0xb8;
	[tilespmem:$0x1C800] =	vst v63  }
0xd3: {  	s7 =	simm.s32 $0x18000  }
0xd4: {  	[tilespmem:s7], [sflag:$0x5] =	stream.indirect_vreg.gather [hbm4b:s2+s3], $0x80, v3, vm0, $0xb8;
	[tilespmem:$0x1C800] =	vst v63  }
0xd5: {  	s20 =	simm.s32 $0x18800  }
0xd6: {  	[tilespmem:s20], [sflag:$0x5] =	stream.indirect_vreg.gather [hbm4b:s14+s3], $0x80, v3, vm0, $0xb8;
	[tilespmem:$0x1C800] =	vst v63  }
0xd7: {  	s22 =	simm.s32 $0x19000  }
0xd8: {  	[tilespmem:s22], [sflag:$0x5] =	stream.indirect_vreg.gather [hbm4b:s15+s3], $0x80, v3, vm0, $0xb8;
	[tilespmem:$0x1C800] =	vst v63  }
0xd9: {  	v3 =	vld [tilespmem:$0x4080];
	_ =	sdelay $0x4  }
0xda: {  	v63 =	vshrl.u32 v3, $0x3  }
0xdb: {  	v4 =	vmul.u32 $0x30, v63  }
0xdc: {  	v3 =	vand.u32 $0x7, v3  }
0xdd: {  	v3 =	vor.u32 v3, v4  }
0xde: {  	v4 =	vperm.xlane v3, v0;
	_ =	sdelay $0x1  }
0xdf: {  	v4 =	vadd.s32 v1, v4;
	_ =	sdelay $0x3  }
0xe0: {  	s23 =	simm.s32 $0x19800;
	v3 =	vperm.xlane v3, v2  }
0xe1: {  	[tilespmem:s23], [sflag:$0x6] =	stream.indirect_vreg.gather [hbm4b:s2+s3], $0x80, v4, vm0, $0xb8;
	[tilespmem:$0x1C800] =	vst v63  }
0xe2: {  	s1 =	simm.s32 $0x1A000;
	v3 =	vadd.s32 v1, v3  }
0xe3: {  	[tilespmem:s1], [sflag:$0x6] =	stream.indirect_vreg.gather [hbm4b:s14+s3], $0x80, v4, vm0, $0xb8;
	[tilespmem:$0x1C800] =	vst v63  }
0xe4: {  	s5 =	simm.s32 $0x1A800  }
0xe5: {  	[tilespmem:s5], [sflag:$0x6] =	stream.indirect_vreg.gather [hbm4b:s15+s3], $0x80, v4, vm0, $0xb8;
	[tilespmem:$0x1C800] =	vst v63  }
0xe6: {  	s7 =	simm.s32 $0x1B000;
	s23 =	simm.s32 $0x4180  }
0xe7: {  	[tilespmem:s7], [sflag:$0x6] =	stream.indirect_vreg.gather [hbm4b:s2+s3], $0x80, v3, vm0, $0xb8;
	[tilespmem:$0x1C800] =	vst v63  }
0xe8: {  	s20 =	simm.s32 $0x1B800;
	s22 =	simm.s32 $0x1C000;
	[smem:$0x7F3] =	sst s23  }
0xe9: {  	[tilespmem:s20], [sflag:$0x6] =	stream.indirect_vreg.gather [hbm4b:s14+s3], $0x80, v3, vm0, $0xb8;
	[tilespmem:$0x1C800] =	vst v63  }
0xea: {  	s1 =	simm.s32 $0x410;
	s5 =	simm.s32 $0x1;
	s7 =	simm.s32 $0x0  }
0xeb: {  	[tilespmem:s22], [sflag:$0x6] =	stream.indirect_vreg.gather [hbm4b:s15+s3], $0x80, v3, vm0, $0xb8;
	[tilespmem:$0x1C800] =	vst v63  }
.LBB2_2:
0xec: {  	p0 =	seq.s32 s7, $0x0  }
.Ltmp2:
0xed: {  	_ = 	snop;
	(pc) =	sbr.rel @p0 .LBB2_3-.Ltmp2, $4  }
0xee: {  	s0 =	simm.s32 $0x5  }
0xef: {  	_ =	swait.ge [sflag:s0], $0x3000  }
0xf0: {  	[sflag:s0] =	ssyncset.done $0x0  }
0xf1: {  	[smem:$0x7F1] =	sst s5;
	[sflag:s0] =	ssyncadd.s32 $0xFFFFD000  }
0xf2: {  	s22 =	simm.s32 $0x4  }
0xf3: {  	_ =	swait.ge [sflag:s22], $0x9000  }
0xf4: {  	[sflag:s22] =	ssyncset.done $0x0  }
0xf5: {  	[sflag:s22] =	ssyncadd.s32 $0xFFFF7000  }
0xf6: {  	v3 =	vld [tilespmem:s1+$0xFFFFFC70];
	_ =	sdelay $0x4  }
0xf7: {  	v4 =	vshrl.u32 v3, $0x3  }
0xf8: {  	v4 =	vmul.u32 $0x30, v4  }
0xf9: {  	v3 =	vand.u32 $0x7, v3  }
0xfa: {  	v3 =	vor.u32 v3, v4  }
0xfb: {  	v4 =	vperm.xlane v3, v0;
	_ =	sdelay $0x1  }
0xfc: {  	v4 =	vadd.s32 v1, v4;
	_ =	sdelay $0x3  }
0xfd: {  	v3 =	vperm.xlane v3, v2  }
0xfe: {  	[tilespmem:s6], [sflag:$0x2] =	stream.indirect_vreg.gather [hbm4b:s2+s3], $0x80, v4, vm0, $0xb8;
	[tilespmem:$0x1C800] =	vst v63  }
0xff: {  	s0 =	simm.s32 $0xE000;
	v3 =	vadd.s32 v1, v3  }
0x100: {  	[tilespmem:s0], [sflag:$0x2] =	stream.indirect_vreg.gather [hbm4b:s14+s3], $0x80, v4, vm0, $0xb8;
	[tilespmem:$0x1C800] =	vst v63  }
0x101: {  	_ = 	snop  }
0x102: {  	[tilespmem:s4], [sflag:$0x2] =	stream.indirect_vreg.gather [hbm4b:s15+s3], $0x80, v4, vm0, $0xb8;
	[tilespmem:$0x1C800] =	vst v63  }
0x103: {  	_ = 	snop  }
0x104: {  	[tilespmem:s8], [sflag:$0x2] =	stream.indirect_vreg.gather [hbm4b:s2+s3], $0x80, v3, vm0, $0xb8;
	[tilespmem:$0x1C800] =	vst v63  }
0x105: {  	_ = 	snop  }
0x106: {  	[tilespmem:s9], [sflag:$0x2] =	stream.indirect_vreg.gather [hbm4b:s14+s3], $0x80, v3, vm0, $0xb8;
	[tilespmem:$0x1C800] =	vst v63  }
0x107: {  	_ = 	snop  }
0x108: {  	[tilespmem:s10], [sflag:$0x2] =	stream.indirect_vreg.gather [hbm4b:s15+s3], $0x80, v3, vm0, $0xb8;
	[tilespmem:$0x1C800] =	vst v63  }
0x109: {  	v3 =	vld [tilespmem:s1+$0xFFFFFC80];
	_ =	sdelay $0x4  }
0x10a: {  	v62 =	vshrl.u32 v3, $0x3  }
0x10b: {  	v4 =	vmul.u32 $0x30, v62  }
0x10c: {  	v3 =	vand.u32 $0x7, v3  }
0x10d: {  	v3 =	vor.u32 v3, v4  }
0x10e: {  	v4 =	vperm.xlane v3, v0;
	_ =	sdelay $0x1  }
0x10f: {  	v4 =	vadd.s32 v1, v4;
	_ =	sdelay $0x3  }
0x110: {  	v3 =	vperm.xlane v3, v2  }
0x111: {  	[tilespmem:s11], [sflag:$0x2] =	stream.indirect_vreg.gather [hbm4b:s2+s3], $0x80, v4, vm0, $0xb8;
	[tilespmem:$0x1C800] =	vst v63  }
0x112: {  	v3 =	vadd.s32 v1, v3  }
0x113: {  	[tilespmem:s12], [sflag:$0x2] =	stream.indirect_vreg.gather [hbm4b:s14+s3], $0x80, v4, vm0, $0xb8;
	[tilespmem:$0x1C800] =	vst v63  }
0x114: {  	_ = 	snop  }
0x115: {  	[tilespmem:s13], [sflag:$0x2] =	stream.indirect_vreg.gather [hbm4b:s15+s3], $0x80, v4, vm0, $0xb8;
	[tilespmem:$0x1C800] =	vst v63  }
0x116: {  	_ = 	snop  }
0x117: {  	[tilespmem:s17], [sflag:$0x2] =	stream.indirect_vreg.gather [hbm4b:s2+s3], $0x80, v3, vm0, $0xb8;
	[tilespmem:$0x1C800] =	vst v63  }
0x118: {  	_ = 	snop  }
0x119: {  	[tilespmem:s18], [sflag:$0x2] =	stream.indirect_vreg.gather [hbm4b:s14+s3], $0x80, v3, vm0, $0xb8;
	[tilespmem:$0x1C800] =	vst v63  }
0x11a: {  	_ = 	snop  }
0x11b: {  	[tilespmem:s19], [sflag:$0x2] =	stream.indirect_vreg.gather [hbm4b:s15+s3], $0x80, v3, vm0, $0xb8;
	[tilespmem:$0x1C800] =	vst v63  }
0x11c: {  	v3 =	vld [tilespmem:s1+$0xFFFFFC90];
	_ =	sdelay $0x4  }
0x11d: {  	v63 =	vshrl.u32 v3, $0x3  }
0x11e: {  	v4 =	vmul.u32 $0x30, v63  }
0x11f: {  	v3 =	vand.u32 $0x7, v3  }
0x120: {  	v3 =	vor.u32 v3, v4  }
0x121: {  	v4 =	vperm.xlane v3, v0;
	_ =	sdelay $0x1  }
0x122: {  	v4 =	vadd.s32 v1, v4;
	_ =	sdelay $0x3  }
0x123: {  	v3 =	vperm.xlane v3, v2  }
0x124: {  	[tilespmem:s25], [sflag:$0x2] =	stream.indirect_vreg.gather [hbm4b:s2+s3], $0x80, v4, vm0, $0xb8;
	[tilespmem:$0x1C800] =	vst v63  }
0x125: {  	s23 =	simm.s32 $0x14000;
	v3 =	vadd.s32 v1, v3  }
0x126: {  	[tilespmem:s23], [sflag:$0x2] =	stream.indirect_vreg.gather [hbm4b:s14+s3], $0x80, v4, vm0, $0xb8;
	[tilespmem:$0x1C800] =	vst v63  }
0x127: {  	s6 =	simm.s32 $0x16000;
	s4 =	simm.s32 $0xE800  }
0x128: {  	[tilespmem:s21], [sflag:$0x2] =	stream.indirect_vreg.gather [hbm4b:s15+s3], $0x80, v4, vm0, $0xb8;
	[tilespmem:$0x1C800] =	vst v63  }
0x129: {  	s8 =	smov.u32 s5;
	s10 =	simm.s32 $0xF000;
	s11 =	simm.s32 $0xF800  }
0x12a: {  	[tilespmem:s16], [sflag:$0x2] =	stream.indirect_vreg.gather [hbm4b:s2+s3], $0x80, v3, vm0, $0xb8;
	[tilespmem:$0x1C800] =	vst v63  }
.Ltmp3:
0x12b: {  	s12 =	simm.s32 $0x10000;
	s13 =	simm.s32 $0x10800;
	(pc) =	sbr.rel .LBB2_5-.Ltmp3, $4  }
0x12c: {  	[tilespmem:s24], [sflag:$0x2] =	stream.indirect_vreg.gather [hbm4b:s14+s3], $0x80, v3, vm0, $0xb8;
	[tilespmem:$0x1C800] =	vst v63  }
0x12d: {  	s17 =	simm.s32 $0x11000;
	s19 =	simm.s32 $0x12000;
	s25 =	simm.s32 $0x11800  }
0x12e: {  	[tilespmem:s29], [sflag:$0x2] =	stream.indirect_vreg.gather [hbm4b:s15+s3], $0x80, v3, vm0, $0xb8;
	[tilespmem:$0x1C800] =	vst v63  }
0x12f: {  	s23 =	simm.s32 $0x14000;
	s21 =	simm.s32 $0x13000;
	s29 =	simm.s32 $0xD800  }
.LBB2_3:
0x130: {  	s4 =	simm.s32 $0xE800;
	s25 =	simm.s32 $0x11800;
	s13 =	simm.s32 $0x10800  }
0x131: {  	s11 =	simm.s32 $0xF800;
	s23 =	simm.s32 $0x14000;
	s21 =	simm.s32 $0x13000  }
0x132: {  	s19 =	simm.s32 $0x12000;
	s17 =	simm.s32 $0x11000;
	s12 =	simm.s32 $0x10000  }
0x133: {  	s10 =	simm.s32 $0xF000;
	s8 =	simm.s32 $0x1;
	s0 =	simm.s32 $0xE000  }
0x134: {  	s6 =	simm.s32 $0x16000;
	s29 =	simm.s32 $0xD800;
	s22 =	simm.s32 $0x4  }
.LBB2_5:
0x135: {  	s18 =	simm.s32 $0x1  }
0x136: {  	_ =	swait.ge [sflag:s18], $0x9000  }
0x137: {  	s5 =	sld [smem:$0x7FB];
	_ =	sdelay $0x1  }
0x138: {  	[sflag:s18] =	ssyncset.done $0x0  }
0x139: {  	s9 =	simm.s32 $0x4800;
	[sflag:s18] =	ssyncadd.s32 $0xFFFF7000;
	s5 =	sadd.s32 s7, s5  }
0x13a: {  	[hbm4b:s5+s3] =	stream.linear.scatter [tilespmem:s9], [sflag:$0x3], $0x9000, $0x38;
	[tilespmem:$0x1C800] =	vst v63  }
0x13b: {  	s9 =	sld [smem:$0x7F9];
	_ =	sdelay $0x2  }
0x13c: {  	s16 =	simm.s32 $0x16800;
	s5 =	sadd.s32 s7, s9  }
0x13d: {  	[hbm4b:s5+s3] =	stream.linear.scatter [tilespmem:s16], [sflag:$0x7], $0x80, $0x38;
	[tilespmem:$0x1C800] =	vst v63  }
0x13e: {  	s20 =	sadd.s32 $0x80, s5;
	s16 =	simm.s32 $0x16C00  }
0x13f: {  	[hbm4b:s20+s3] =	stream.linear.scatter [tilespmem:s16], [sflag:$0x7], $0x80, $0x38;
	[tilespmem:$0x1C800] =	vst v63  }
0x140: {  	s16 =	sadd.s32 $0x100, s5;
	s20 =	simm.s32 $0x17000  }
0x141: {  	[hbm4b:s16+s3] =	stream.linear.scatter [tilespmem:s20], [sflag:$0x7], $0x80, $0x38;
	[tilespmem:$0x1C800] =	vst v63  }
0x142: {  	s16 =	sadd.s32 $0x180, s5;
	s20 =	simm.s32 $0x17400  }
0x143: {  	[hbm4b:s16+s3] =	stream.linear.scatter [tilespmem:s20], [sflag:$0x7], $0x80, $0x38;
	[tilespmem:$0x1C800] =	vst v63  }
0x144: {  	s16 =	sadd.s32 $0x200, s5;
	s20 =	simm.s32 $0x17800  }
0x145: {  	[hbm4b:s16+s3] =	stream.linear.scatter [tilespmem:s20], [sflag:$0x7], $0x80, $0x38;
	[tilespmem:$0x1C800] =	vst v63  }
0x146: {  	s16 =	sld [smem:$0x7FA]  }
0x147: {  	s5 =	sadd.s32 $0x280, s5;
	s20 =	simm.s32 $0x17C00  }
0x148: {  	[hbm4b:s5+s3] =	stream.linear.scatter [tilespmem:s20], [sflag:$0x7], $0x80, $0x38;
	[tilespmem:$0x1C800] =	vst v63  }
0x149: {  	s20 =	simm.s32 $0x16880;
	s5 =	sadd.s32 s7, s16  }
0x14a: {  	[hbm4b:s5+s3] =	stream.linear.scatter [tilespmem:s20], [sflag:$0x7], $0x80, $0x38;
	[tilespmem:$0x1C800] =	vst v63  }
0x14b: {  	s16 =	sadd.s32 $0x80, s5;
	s20 =	simm.s32 $0x16C80  }
0x14c: {  	[hbm4b:s16+s3] =	stream.linear.scatter [tilespmem:s20], [sflag:$0x7], $0x80, $0x38;
	[tilespmem:$0x1C800] =	vst v63  }
0x14d: {  	s16 =	sadd.s32 $0x100, s5;
	s20 =	simm.s32 $0x17080  }
0x14e: {  	[hbm4b:s16+s3] =	stream.linear.scatter [tilespmem:s20], [sflag:$0x7], $0x80, $0x38;
	[tilespmem:$0x1C800] =	vst v63  }
0x14f: {  	s16 =	sadd.s32 $0x180, s5;
	s20 =	simm.s32 $0x17480  }
0x150: {  	[hbm4b:s16+s3] =	stream.linear.scatter [tilespmem:s20], [sflag:$0x7], $0x80, $0x38;
	[tilespmem:$0x1C800] =	vst v63  }
0x151: {  	s16 =	sadd.s32 $0x200, s5;
	s20 =	simm.s32 $0x17880  }
0x152: {  	[hbm4b:s16+s3] =	stream.linear.scatter [tilespmem:s20], [sflag:$0x7], $0x80, $0x38;
	[tilespmem:$0x1C800] =	vst v63  }
0x153: {  	s5 =	sadd.s32 $0x280, s5;
	s20 =	simm.s32 $0x17C80  }
0x154: {  	[hbm4b:s5+s3] =	stream.linear.scatter [tilespmem:s20], [sflag:$0x7], $0x80, $0x38;
	[tilespmem:$0x1C800] =	vst v63  }
0x155: {  	_ =	swait.ge [sflag:s28], $0x9000  }
0x156: {  	[sflag:s28] =	ssyncset.done $0x0  }
0x157: {  	[sflag:s28] =	ssyncadd.s32 $0xFFFF7000  }
0x158: {  	v3 =	vld [tilespmem:s1+$0xFFFFFCF0];
	_ =	sdelay $0x4  }
0x159: {  	v4 =	vshrl.u32 v3, $0x3  }
0x15a: {  	v4 =	vmul.u32 $0x30, v4  }
0x15b: {  	v3 =	vand.u32 $0x7, v3  }
0x15c: {  	v3 =	vor.u32 v3, v4  }
0x15d: {  	v4 =	vperm.xlane v3, v0;
	_ =	sdelay $0x1  }
0x15e: {  	v4 =	vadd.s32 v1, v4;
	_ =	sdelay $0x3  }
0x15f: {  	s24 =	simm.s32 $0x4800;
	v3 =	vperm.xlane v3, v2  }
0x160: {  	[tilespmem:s24], [sflag:$0x1] =	stream.indirect_vreg.gather [hbm4b:s2+s3], $0x80, v4, vm0, $0xb8;
	[tilespmem:$0x1C800] =	vst v63  }
0x161: {  	s9 =	simm.s32 $0x5000;
	v3 =	vadd.s32 v1, v3  }
0x162: {  	[tilespmem:s9], [sflag:$0x1] =	stream.indirect_vreg.gather [hbm4b:s14+s3], $0x80, v4, vm0, $0xb8;
	[tilespmem:$0x1C800] =	vst v63  }
0x163: {  	s16 =	simm.s32 $0x5800  }
0x164: {  	[tilespmem:s16], [sflag:$0x1] =	stream.indirect_vreg.gather [hbm4b:s15+s3], $0x80, v4, vm0, $0xb8;
	[tilespmem:$0x1C800] =	vst v63  }
0x165: {  	s20 =	simm.s32 $0x6000  }
0x166: {  	[tilespmem:s20], [sflag:$0x1] =	stream.indirect_vreg.gather [hbm4b:s2+s3], $0x80, v3, vm0, $0xb8;
	[tilespmem:$0x1C800] =	vst v63  }
0x167: {  	s24 =	simm.s32 $0x6800  }
0x168: {  	[tilespmem:s24], [sflag:$0x1] =	stream.indirect_vreg.gather [hbm4b:s14+s3], $0x80, v3, vm0, $0xb8;
	[tilespmem:$0x1C800] =	vst v63  }
0x169: {  	s9 =	simm.s32 $0x7000  }
0x16a: {  	[tilespmem:s9], [sflag:$0x1] =	stream.indirect_vreg.gather [hbm4b:s15+s3], $0x80, v3, vm0, $0xb8;
	[tilespmem:$0x1C800] =	vst v63  }
0x16b: {  	v3 =	vld [tilespmem:s1+$0xFFFFFD00];
	_ =	sdelay $0x4  }
0x16c: {  	v23 =	vshrl.u32 v3, $0x3  }
0x16d: {  	v4 =	vmul.u32 $0x30, v23  }
0x16e: {  	v3 =	vand.u32 $0x7, v3  }
0x16f: {  	v3 =	vor.u32 v3, v4  }
0x170: {  	v4 =	vperm.xlane v3, v0;
	_ =	sdelay $0x1  }
0x171: {  	v4 =	vadd.s32 v1, v4;
	_ =	sdelay $0x3  }
0x172: {  	s16 =	simm.s32 $0x7800;
	v3 =	vperm.xlane v3, v2  }
0x173: {  	[tilespmem:s16], [sflag:$0x1] =	stream.indirect_vreg.gather [hbm4b:s2+s3], $0x80, v4, vm0, $0xb8;
	[tilespmem:$0x1C800] =	vst v63  }
0x174: {  	s20 =	simm.s32 $0x8000;
	v3 =	vadd.s32 v1, v3  }
0x175: {  	[tilespmem:s20], [sflag:$0x1] =	stream.indirect_vreg.gather [hbm4b:s14+s3], $0x80, v4, vm0, $0xb8;
	[tilespmem:$0x1C800] =	vst v63  }
0x176: {  	s24 =	simm.s32 $0x8800  }
0x177: {  	[tilespmem:s24], [sflag:$0x1] =	stream.indirect_vreg.gather [hbm4b:s15+s3], $0x80, v4, vm0, $0xb8;
	[tilespmem:$0x1C800] =	vst v63  }
0x178: {  	s9 =	simm.s32 $0x9000  }
0x179: {  	[tilespmem:s9], [sflag:$0x1] =	stream.indirect_vreg.gather [hbm4b:s2+s3], $0x80, v3, vm0, $0xb8;
	[tilespmem:$0x1C800] =	vst v63  }
0x17a: {  	s16 =	simm.s32 $0x9800  }
0x17b: {  	[tilespmem:s16], [sflag:$0x1] =	stream.indirect_vreg.gather [hbm4b:s14+s3], $0x80, v3, vm0, $0xb8;
	[tilespmem:$0x1C800] =	vst v63  }
0x17c: {  	s20 =	simm.s32 $0xA000  }
0x17d: {  	[tilespmem:s20], [sflag:$0x1] =	stream.indirect_vreg.gather [hbm4b:s15+s3], $0x80, v3, vm0, $0xb8;
	[tilespmem:$0x1C800] =	vst v63  }
0x17e: {  	v3 =	vld [tilespmem:s1+$0xFFFFFD10];
	_ =	sdelay $0x4  }
0x17f: {  	v24 =	vshrl.u32 v3, $0x3  }
0x180: {  	v4 =	vmul.u32 $0x30, v24  }
0x181: {  	v3 =	vand.u32 $0x7, v3  }
0x182: {  	v3 =	vor.u32 v3, v4  }
0x183: {  	v4 =	vperm.xlane v3, v0;
	_ =	sdelay $0x1  }
0x184: {  	v4 =	vadd.s32 v1, v4;
	_ =	sdelay $0x3  }
0x185: {  	s24 =	simm.s32 $0xA800;
	v3 =	vperm.xlane v3, v2  }
0x186: {  	[tilespmem:s24], [sflag:$0x1] =	stream.indirect_vreg.gather [hbm4b:s2+s3], $0x80, v4, vm0, $0xb8;
	[tilespmem:$0x1C800] =	vst v63  }
0x187: {  	s9 =	simm.s32 $0xB000;
	v3 =	vadd.s32 v1, v3  }
0x188: {  	[tilespmem:s9], [sflag:$0x1] =	stream.indirect_vreg.gather [hbm4b:s14+s3], $0x80, v4, vm0, $0xb8;
	[tilespmem:$0x1C800] =	vst v63  }
0x189: {  	s16 =	simm.s32 $0xB800  }
0x18a: {  	[tilespmem:s16], [sflag:$0x1] =	stream.indirect_vreg.gather [hbm4b:s15+s3], $0x80, v4, vm0, $0xb8;
	[tilespmem:$0x1C800] =	vst v63  }
0x18b: {  	s20 =	simm.s32 $0xC000;
	s16 =	rddreg [dreg:$0x5]  }
0x18c: {  	[tilespmem:s20], [sflag:$0x1] =	stream.indirect_vreg.gather [hbm4b:s2+s3], $0x80, v3, vm0, $0xb8;
	[tilespmem:$0x1C800] =	vst v63  }
0x18d: {  	s24 =	simm.s32 $0xC800;
	s5 =	sor.u32 s16, s8  }
0x18e: {  	[tilespmem:s24], [sflag:$0x1] =	stream.indirect_vreg.gather [hbm4b:s14+s3], $0x80, v3, vm0, $0xb8;
	[tilespmem:$0x1C800] =	vst v63  }
0x18f: {  	s9 =	simm.s32 $0xD000;
	s5 =	smul.u32 $0xA800, s5  }
0x190: {  	[tilespmem:s9], [sflag:$0x1] =	stream.indirect_vreg.gather [hbm4b:s15+s3], $0x80, v3, vm0, $0xb8;
	[tilespmem:$0x1C800] =	vst v63  }
0x191: {  	_ =	swait.ge [sflag:s26], $0x9000  }
0x192: {  	s5 =	sshrl.u32 s5, $0x3;
	[sflag:s26] =	ssyncset.done $0x0;
	s20 =	rddreg [dreg:$0x4]  }
0x193: {  	[sflag:s26] =	ssyncadd.s32 $0xFFFF7000;
	s5 =	sadd.s32 s20, s5  }
0x194: {  	[hbm4b:s5+s3] =	stream.linear.scatter [tilespmem:s29], [sflag:$0x4], $0x9000, $0x38;
	[tilespmem:$0x1C800] =	vst v63  }
0x195: {  	s24 =	simm.s32 $0x16900;
	s8 =	sadd.s32 $0x1200, s5  }
0x196: {  	[hbm4b:s8+s3] =	stream.linear.scatter [tilespmem:s24], [sflag:$0x7], $0x80, $0x38;
	[tilespmem:$0x1C800] =	vst v63  }
0x197: {  	s16 =	simm.s32 $0x16D00;
	s9 =	sadd.s32 $0x1280, s5  }
0x198: {  	[hbm4b:s9+s3] =	stream.linear.scatter [tilespmem:s16], [sflag:$0x7], $0x80, $0x38;
	[tilespmem:$0x1C800] =	vst v63  }
0x199: {  	s20 =	sadd.s32 $0x1300, s5;
	s24 =	simm.s32 $0x17100  }
0x19a: {  	[hbm4b:s20+s3] =	stream.linear.scatter [tilespmem:s24], [sflag:$0x7], $0x80, $0x38;
	[tilespmem:$0x1C800] =	vst v63  }
0x19b: {  	s9 =	sadd.s32 $0x1380, s5;
	s16 =	simm.s32 $0x17500  }
0x19c: {  	[hbm4b:s9+s3] =	stream.linear.scatter [tilespmem:s16], [sflag:$0x7], $0x80, $0x38;
	[tilespmem:$0x1C800] =	vst v63  }
0x19d: {  	s20 =	sadd.s32 $0x1400, s5;
	s24 =	simm.s32 $0x17900  }
0x19e: {  	[hbm4b:s20+s3] =	stream.linear.scatter [tilespmem:s24], [sflag:$0x7], $0x80, $0x38;
	[tilespmem:$0x1C800] =	vst v63  }
0x19f: {  	s9 =	sadd.s32 $0x1480, s5;
	s16 =	simm.s32 $0x17D00  }
0x1a0: {  	[hbm4b:s9+s3] =	stream.linear.scatter [tilespmem:s16], [sflag:$0x7], $0x80, $0x38;
	[tilespmem:$0x1C800] =	vst v63  }
0x1a1: {  	s20 =	sadd.s32 $0x1210, s5;
	s24 =	simm.s32 $0x16980  }
0x1a2: {  	[hbm4b:s20+s3] =	stream.linear.scatter [tilespmem:s24], [sflag:$0x7], $0x80, $0x38;
	[tilespmem:$0x1C800] =	vst v63  }
0x1a3: {  	s9 =	sadd.s32 $0x1290, s5;
	s16 =	simm.s32 $0x16D80  }
0x1a4: {  	[hbm4b:s9+s3] =	stream.linear.scatter [tilespmem:s16], [sflag:$0x7], $0x80, $0x38;
	[tilespmem:$0x1C800] =	vst v63  }
0x1a5: {  	s20 =	sadd.s32 $0x1310, s5;
	s24 =	simm.s32 $0x17180  }
0x1a6: {  	[hbm4b:s20+s3] =	stream.linear.scatter [tilespmem:s24], [sflag:$0x7], $0x80, $0x38;
	[tilespmem:$0x1C800] =	vst v63  }
0x1a7: {  	s9 =	sadd.s32 $0x1390, s5;
	s16 =	simm.s32 $0x17580  }
0x1a8: {  	[hbm4b:s9+s3] =	stream.linear.scatter [tilespmem:s16], [sflag:$0x7], $0x80, $0x38;
	[tilespmem:$0x1C800] =	vst v63  }
0x1a9: {  	s20 =	sadd.s32 $0x1410, s5;
	s24 =	simm.s32 $0x17980  }
0x1aa: {  	[hbm4b:s20+s3] =	stream.linear.scatter [tilespmem:s24], [sflag:$0x7], $0x80, $0x38;
	[tilespmem:$0x1C800] =	vst v63  }
0x1ab: {  	s5 =	sadd.s32 $0x1490, s5;
	s16 =	simm.s32 $0x17D80  }
0x1ac: {  	[hbm4b:s5+s3] =	stream.linear.scatter [tilespmem:s16], [sflag:$0x7], $0x80, $0x38;
	[tilespmem:$0x1C800] =	vst v63  }
0x1ad: {  	_ =	swait.ge [sflag:s22], $0x9000  }
0x1ae: {  	[sflag:s22] =	ssyncset.done $0x0  }
0x1af: {  	[sflag:s22] =	ssyncadd.s32 $0xFFFF7000  }
0x1b0: {  	v3 =	vld [tilespmem:s1+$0xFFFFFD70];
	_ =	sdelay $0x4  }
0x1b1: {  	v25 =	vshrl.u32 v3, $0x3  }
0x1b2: {  	v4 =	vmul.u32 $0x30, v25  }
0x1b3: {  	v3 =	vand.u32 $0x7, v3  }
0x1b4: {  	v3 =	vor.u32 v3, v4  }
0x1b5: {  	v4 =	vperm.xlane v3, v0;
	_ =	sdelay $0x1  }
0x1b6: {  	v4 =	vadd.s32 v1, v4;
	_ =	sdelay $0x3  }
0x1b7: {  	v3 =	vperm.xlane v3, v2  }
0x1b8: {  	[tilespmem:s29], [sflag:$0x2] =	stream.indirect_vreg.gather [hbm4b:s2+s3], $0x80, v4, vm0, $0xb8;
	[tilespmem:$0x1C800] =	vst v63  }
0x1b9: {  	v3 =	vadd.s32 v1, v3  }
0x1ba: {  	[tilespmem:s0], [sflag:$0x2] =	stream.indirect_vreg.gather [hbm4b:s14+s3], $0x80, v4, vm0, $0xb8;
	[tilespmem:$0x1C800] =	vst v63  }
0x1bb: {  	_ = 	snop  }
0x1bc: {  	[tilespmem:s4], [sflag:$0x2] =	stream.indirect_vreg.gather [hbm4b:s15+s3], $0x80, v4, vm0, $0xb8;
	[tilespmem:$0x1C800] =	vst v63  }
0x1bd: {  	_ = 	snop  }
0x1be: {  	[tilespmem:s10], [sflag:$0x2] =	stream.indirect_vreg.gather [hbm4b:s2+s3], $0x80, v3, vm0, $0xb8;
	[tilespmem:$0x1C800] =	vst v63  }
0x1bf: {  	_ = 	snop  }
0x1c0: {  	[tilespmem:s11], [sflag:$0x2] =	stream.indirect_vreg.gather [hbm4b:s14+s3], $0x80, v3, vm0, $0xb8;
	[tilespmem:$0x1C800] =	vst v63  }
0x1c1: {  	_ = 	snop  }
0x1c2: {  	[tilespmem:s12], [sflag:$0x2] =	stream.indirect_vreg.gather [hbm4b:s15+s3], $0x80, v3, vm0, $0xb8;
	[tilespmem:$0x1C800] =	vst v63  }
0x1c3: {  	v3 =	vld [tilespmem:s1+$0xFFFFFD80];
	_ =	sdelay $0x4  }
0x1c4: {  	v26 =	vshrl.u32 v3, $0x3  }
0x1c5: {  	v4 =	vmul.u32 $0x30, v26  }
0x1c6: {  	v3 =	vand.u32 $0x7, v3  }
0x1c7: {  	v3 =	vor.u32 v3, v4  }
0x1c8: {  	v4 =	vperm.xlane v3, v0;
	_ =	sdelay $0x1  }
0x1c9: {  	v4 =	vadd.s32 v1, v4;
	_ =	sdelay $0x3  }
0x1ca: {  	v3 =	vperm.xlane v3, v2  }
0x1cb: {  	[tilespmem:s13], [sflag:$0x2] =	stream.indirect_vreg.gather [hbm4b:s2+s3], $0x80, v4, vm0, $0xb8;
	[tilespmem:$0x1C800] =	vst v63  }
0x1cc: {  	v3 =	vadd.s32 v1, v3  }
0x1cd: {  	[tilespmem:s17], [sflag:$0x2] =	stream.indirect_vreg.gather [hbm4b:s14+s3], $0x80, v4, vm0, $0xb8;
	[tilespmem:$0x1C800] =	vst v63  }
0x1ce: {  	_ = 	snop  }
0x1cf: {  	[tilespmem:s25], [sflag:$0x2] =	stream.indirect_vreg.gather [hbm4b:s15+s3], $0x80, v4, vm0, $0xb8;
	[tilespmem:$0x1C800] =	vst v63  }
0x1d0: {  	_ = 	snop  }
0x1d1: {  	[tilespmem:s19], [sflag:$0x2] =	stream.indirect_vreg.gather [hbm4b:s2+s3], $0x80, v3, vm0, $0xb8;
	[tilespmem:$0x1C800] =	vst v63  }
0x1d2: {  	s20 =	simm.s32 $0x12800  }
0x1d3: {  	[tilespmem:s20], [sflag:$0x2] =	stream.indirect_vreg.gather [hbm4b:s14+s3], $0x80, v3, vm0, $0xb8;
	[tilespmem:$0x1C800] =	vst v63  }
0x1d4: {  	_ = 	snop  }
0x1d5: {  	[tilespmem:s21], [sflag:$0x2] =	stream.indirect_vreg.gather [hbm4b:s15+s3], $0x80, v3, vm0, $0xb8;
	[tilespmem:$0x1C800] =	vst v63  }
0x1d6: {  	v3 =	vld [tilespmem:s1+$0xFFFFFD90];
	_ =	sdelay $0x4  }
0x1d7: {  	v27 =	vshrl.u32 v3, $0x3  }
0x1d8: {  	v4 =	vmul.u32 $0x30, v27  }
0x1d9: {  	v3 =	vand.u32 $0x7, v3  }
0x1da: {  	v3 =	vor.u32 v3, v4  }
0x1db: {  	v4 =	vperm.xlane v3, v0;
	_ =	sdelay $0x1  }
0x1dc: {  	v4 =	vadd.s32 v1, v4;
	_ =	sdelay $0x3  }
0x1dd: {  	s24 =	simm.s32 $0x13800;
	v3 =	vperm.xlane v3, v2  }
0x1de: {  	[tilespmem:s24], [sflag:$0x2] =	stream.indirect_vreg.gather [hbm4b:s2+s3], $0x80, v4, vm0, $0xb8;
	[tilespmem:$0x1C800] =	vst v63  }
0x1df: {  	v3 =	vadd.s32 v1, v3  }
0x1e0: {  	[tilespmem:s23], [sflag:$0x2] =	stream.indirect_vreg.gather [hbm4b:s14+s3], $0x80, v4, vm0, $0xb8;
	[tilespmem:$0x1C800] =	vst v63  }
0x1e1: {  	s9 =	simm.s32 $0x14800  }
0x1e2: {  	[tilespmem:s9], [sflag:$0x2] =	stream.indirect_vreg.gather [hbm4b:s15+s3], $0x80, v4, vm0, $0xb8;
	[tilespmem:$0x1C800] =	vst v63  }
0x1e3: {  	s16 =	simm.s32 $0x15000  }
0x1e4: {  	[tilespmem:s16], [sflag:$0x2] =	stream.indirect_vreg.gather [hbm4b:s2+s3], $0x80, v3, vm0, $0xb8;
	[tilespmem:$0x1C800] =	vst v63  }
0x1e5: {  	s20 =	simm.s32 $0x15800  }
0x1e6: {  	[tilespmem:s20], [sflag:$0x2] =	stream.indirect_vreg.gather [hbm4b:s14+s3], $0x80, v3, vm0, $0xb8;
	[tilespmem:$0x1C800] =	vst v63  }
0x1e7: {  	_ = 	snop  }
0x1e8: {  	[tilespmem:s6], [sflag:$0x2] =	stream.indirect_vreg.gather [hbm4b:s15+s3], $0x80, v3, vm0, $0xb8;
	[tilespmem:$0x1C800] =	vst v63  }
0x1e9: {  	_ =	swait.ge [sflag:s18], $0x9000  }
0x1ea: {  	s24 =	rddreg [dreg:$0xb]  }
0x1eb: {  	[sflag:s18] =	ssyncset.done $0x0;
	s9 =	rddreg [dreg:$0x11];
	s20 =	sadd.s32 s7, s24  }
0x1ec: {  	[sflag:s18] =	ssyncadd.s32 $0xFFFF7000;
	s24 =	simm.s32 $0x4800;
	s5 =	sadd.s32 $0x2A00, s20  }
0x1ed: {  	[hbm4b:s5+s3] =	stream.linear.scatter [tilespmem:s24], [sflag:$0x3], $0x9000, $0x38;
	[tilespmem:$0x1C800] =	vst v63  }
0x1ee: {  	s16 =	simm.s32 $0x16A00;
	s5 =	sadd.s32 s7, s9  }
0x1ef: {  	[hbm4b:s5+s3] =	stream.linear.scatter [tilespmem:s16], [sflag:$0x7], $0x80, $0x38;
	[tilespmem:$0x1C800] =	vst v63  }
0x1f0: {  	s9 =	sadd.s32 $0x80, s5;
	s16 =	simm.s32 $0x16E00  }
0x1f1: {  	[hbm4b:s9+s3] =	stream.linear.scatter [tilespmem:s16], [sflag:$0x7], $0x80, $0x38;
	[tilespmem:$0x1C800] =	vst v63  }
0x1f2: {  	s9 =	sadd.s32 $0x100, s5;
	s16 =	simm.s32 $0x17200  }
0x1f3: {  	[hbm4b:s9+s3] =	stream.linear.scatter [tilespmem:s16], [sflag:$0x7], $0x80, $0x38;
	[tilespmem:$0x1C800] =	vst v63  }
0x1f4: {  	s9 =	sadd.s32 $0x180, s5;
	s16 =	simm.s32 $0x17600  }
0x1f5: {  	[hbm4b:s9+s3] =	stream.linear.scatter [tilespmem:s16], [sflag:$0x7], $0x80, $0x38;
	[tilespmem:$0x1C800] =	vst v63  }
0x1f6: {  	s9 =	sadd.s32 $0x200, s5;
	s16 =	simm.s32 $0x17A00  }
0x1f7: {  	[hbm4b:s9+s3] =	stream.linear.scatter [tilespmem:s16], [sflag:$0x7], $0x80, $0x38;
	[tilespmem:$0x1C800] =	vst v63  }
0x1f8: {  	s5 =	sadd.s32 $0x280, s5;
	s16 =	simm.s32 $0x17E00;
	s9 =	rddreg [dreg:$0x10]  }
0x1f9: {  	[hbm4b:s5+s3] =	stream.linear.scatter [tilespmem:s16], [sflag:$0x7], $0x80, $0x38;
	[tilespmem:$0x1C800] =	vst v63  }
0x1fa: {  	s5 =	sadd.s32 s7, s9;
	s16 =	simm.s32 $0x16A80  }
0x1fb: {  	[hbm4b:s5+s3] =	stream.linear.scatter [tilespmem:s16], [sflag:$0x7], $0x80, $0x38;
	[tilespmem:$0x1C800] =	vst v63  }
0x1fc: {  	s9 =	sadd.s32 $0x80, s5;
	s16 =	simm.s32 $0x16E80  }
0x1fd: {  	[hbm4b:s9+s3] =	stream.linear.scatter [tilespmem:s16], [sflag:$0x7], $0x80, $0x38;
	[tilespmem:$0x1C800] =	vst v63  }
0x1fe: {  	s9 =	sadd.s32 $0x100, s5;
	s16 =	simm.s32 $0x17280  }
0x1ff: {  	[hbm4b:s9+s3] =	stream.linear.scatter [tilespmem:s16], [sflag:$0x7], $0x80, $0x38;
	[tilespmem:$0x1C800] =	vst v63  }
0x200: {  	s9 =	sadd.s32 $0x180, s5;
	s16 =	simm.s32 $0x17680  }
0x201: {  	[hbm4b:s9+s3] =	stream.linear.scatter [tilespmem:s16], [sflag:$0x7], $0x80, $0x38;
	[tilespmem:$0x1C800] =	vst v63  }
0x202: {  	s9 =	sadd.s32 $0x200, s5;
	s16 =	simm.s32 $0x17A80  }
0x203: {  	[hbm4b:s9+s3] =	stream.linear.scatter [tilespmem:s16], [sflag:$0x7], $0x80, $0x38;
	[tilespmem:$0x1C800] =	vst v63  }
0x204: {  	s5 =	sadd.s32 $0x280, s5;
	s16 =	simm.s32 $0x17E80  }
0x205: {  	[hbm4b:s5+s3] =	stream.linear.scatter [tilespmem:s16], [sflag:$0x7], $0x80, $0x38;
	[tilespmem:$0x1C800] =	vst v63  }
0x206: {  	_ =	swait.ge [sflag:s28], $0x9000  }
0x207: {  	[sflag:s28] =	ssyncset.done $0x0  }
0x208: {  	[sflag:s28] =	ssyncadd.s32 $0xFFFF7000  }
0x209: {  	v3 =	vld [tilespmem:s1+$0xFFFFFDF0];
	_ =	sdelay $0x4  }
0x20a: {  	v28 =	vshrl.u32 v3, $0x3  }
0x20b: {  	v4 =	vmul.u32 $0x30, v28  }
0x20c: {  	v3 =	vand.u32 $0x7, v3  }
0x20d: {  	v3 =	vor.u32 v3, v4  }
0x20e: {  	v4 =	vperm.xlane v3, v0;
	_ =	sdelay $0x1  }
0x20f: {  	v4 =	vadd.s32 v1, v4;
	_ =	sdelay $0x3  }
0x210: {  	v3 =	vperm.xlane v3, v2  }
0x211: {  	[tilespmem:s24], [sflag:$0x1] =	stream.indirect_vreg.gather [hbm4b:s2+s3], $0x80, v4, vm0, $0xb8;
	[tilespmem:$0x1C800] =	vst v63  }
0x212: {  	s16 =	simm.s32 $0x5000;
	v3 =	vadd.s32 v1, v3  }
0x213: {  	[tilespmem:s16], [sflag:$0x1] =	stream.indirect_vreg.gather [hbm4b:s14+s3], $0x80, v4, vm0, $0xb8;
	[tilespmem:$0x1C800] =	vst v63  }
0x214: {  	s9 =	simm.s32 $0x5800  }
0x215: {  	[tilespmem:s9], [sflag:$0x1] =	stream.indirect_vreg.gather [hbm4b:s15+s3], $0x80, v4, vm0, $0xb8;
	[tilespmem:$0x1C800] =	vst v63  }
0x216: {  	s16 =	simm.s32 $0x6000  }
0x217: {  	[tilespmem:s16], [sflag:$0x1] =	stream.indirect_vreg.gather [hbm4b:s2+s3], $0x80, v3, vm0, $0xb8;
	[tilespmem:$0x1C800] =	vst v63  }
0x218: {  	s9 =	simm.s32 $0x6800  }
0x219: {  	[tilespmem:s9], [sflag:$0x1] =	stream.indirect_vreg.gather [hbm4b:s14+s3], $0x80, v3, vm0, $0xb8;
	[tilespmem:$0x1C800] =	vst v63  }
0x21a: {  	s16 =	simm.s32 $0x7000  }
0x21b: {  	[tilespmem:s16], [sflag:$0x1] =	stream.indirect_vreg.gather [hbm4b:s15+s3], $0x80, v3, vm0, $0xb8;
	[tilespmem:$0x1C800] =	vst v63  }
0x21c: {  	v3 =	vld [tilespmem:s1+$0xFFFFFE00];
	_ =	sdelay $0x4  }
0x21d: {  	v29 =	vshrl.u32 v3, $0x3  }
0x21e: {  	v4 =	vmul.u32 $0x30, v29  }
0x21f: {  	v3 =	vand.u32 $0x7, v3  }
0x220: {  	v3 =	vor.u32 v3, v4  }
0x221: {  	v4 =	vperm.xlane v3, v0;
	_ =	sdelay $0x1  }
0x222: {  	v4 =	vadd.s32 v1, v4;
	_ =	sdelay $0x3  }
0x223: {  	s9 =	simm.s32 $0x7800;
	v3 =	vperm.xlane v3, v2  }
0x224: {  	[tilespmem:s9], [sflag:$0x1] =	stream.indirect_vreg.gather [hbm4b:s2+s3], $0x80, v4, vm0, $0xb8;
	[tilespmem:$0x1C800] =	vst v63  }
0x225: {  	s16 =	simm.s32 $0x8000;
	v3 =	vadd.s32 v1, v3  }
0x226: {  	[tilespmem:s16], [sflag:$0x1] =	stream.indirect_vreg.gather [hbm4b:s14+s3], $0x80, v4, vm0, $0xb8;
	[tilespmem:$0x1C800] =	vst v63  }
0x227: {  	s9 =	simm.s32 $0x8800  }
0x228: {  	[tilespmem:s9], [sflag:$0x1] =	stream.indirect_vreg.gather [hbm4b:s15+s3], $0x80, v4, vm0, $0xb8;
	[tilespmem:$0x1C800] =	vst v63  }
0x229: {  	s16 =	simm.s32 $0x9000  }
0x22a: {  	[tilespmem:s16], [sflag:$0x1] =	stream.indirect_vreg.gather [hbm4b:s2+s3], $0x80, v3, vm0, $0xb8;
	[tilespmem:$0x1C800] =	vst v63  }
0x22b: {  	s9 =	simm.s32 $0x9800  }
0x22c: {  	[tilespmem:s9], [sflag:$0x1] =	stream.indirect_vreg.gather [hbm4b:s14+s3], $0x80, v3, vm0, $0xb8;
	[tilespmem:$0x1C800] =	vst v63  }
0x22d: {  	s16 =	simm.s32 $0xA000  }
0x22e: {  	[tilespmem:s16], [sflag:$0x1] =	stream.indirect_vreg.gather [hbm4b:s15+s3], $0x80, v3, vm0, $0xb8;
	[tilespmem:$0x1C800] =	vst v63  }
0x22f: {  	v3 =	vld [tilespmem:s1+$0xFFFFFE10];
	_ =	sdelay $0x4  }
0x230: {  	v30 =	vshrl.u32 v3, $0x3  }
0x231: {  	v4 =	vmul.u32 $0x30, v30  }
0x232: {  	v3 =	vand.u32 $0x7, v3  }
0x233: {  	v3 =	vor.u32 v3, v4  }
0x234: {  	v4 =	vperm.xlane v3, v0;
	_ =	sdelay $0x1  }
0x235: {  	v4 =	vadd.s32 v1, v4;
	_ =	sdelay $0x3  }
0x236: {  	s9 =	simm.s32 $0xA800;
	v3 =	vperm.xlane v3, v2  }
0x237: {  	[tilespmem:s9], [sflag:$0x1] =	stream.indirect_vreg.gather [hbm4b:s2+s3], $0x80, v4, vm0, $0xb8;
	[tilespmem:$0x1C800] =	vst v63  }
0x238: {  	s16 =	simm.s32 $0xB000;
	v3 =	vadd.s32 v1, v3  }
0x239: {  	[tilespmem:s16], [sflag:$0x1] =	stream.indirect_vreg.gather [hbm4b:s14+s3], $0x80, v4, vm0, $0xb8;
	[tilespmem:$0x1C800] =	vst v63  }
0x23a: {  	s9 =	simm.s32 $0xB800  }
0x23b: {  	[tilespmem:s9], [sflag:$0x1] =	stream.indirect_vreg.gather [hbm4b:s15+s3], $0x80, v4, vm0, $0xb8;
	[tilespmem:$0x1C800] =	vst v63  }
0x23c: {  	s16 =	simm.s32 $0xC000  }
0x23d: {  	[tilespmem:s16], [sflag:$0x1] =	stream.indirect_vreg.gather [hbm4b:s2+s3], $0x80, v3, vm0, $0xb8;
	[tilespmem:$0x1C800] =	vst v63  }
0x23e: {  	s9 =	simm.s32 $0xC800  }
0x23f: {  	[tilespmem:s9], [sflag:$0x1] =	stream.indirect_vreg.gather [hbm4b:s14+s3], $0x80, v3, vm0, $0xb8;
	[tilespmem:$0x1C800] =	vst v63  }
0x240: {  	s16 =	simm.s32 $0xD000  }
0x241: {  	[tilespmem:s16], [sflag:$0x1] =	stream.indirect_vreg.gather [hbm4b:s15+s3], $0x80, v3, vm0, $0xb8;
	[tilespmem:$0x1C800] =	vst v63  }
0x242: {  	_ =	swait.ge [sflag:s26], $0x9000  }
0x243: {  	[sflag:s26] =	ssyncset.done $0x0  }
0x244: {  	s9 =	sadd.s32 $0x3F00, s20;
	[sflag:s26] =	ssyncadd.s32 $0xFFFF7000  }
0x245: {  	[hbm4b:s9+s3] =	stream.linear.scatter [tilespmem:s29], [sflag:$0x4], $0x9000, $0x38;
	[tilespmem:$0x1C800] =	vst v63  }
0x246: {  	s5 =	rddreg [dreg:$0x15]  }
0x247: {  	s16 =	simm.s32 $0x16B00;
	s5 =	sadd.s32 s7, s5  }
0x248: {  	[hbm4b:s5+s3] =	stream.linear.scatter [tilespmem:s16], [sflag:$0x7], $0x80, $0x38;
	[tilespmem:$0x1C800] =	vst v63  }
0x249: {  	s9 =	sadd.s32 $0x80, s5;
	s16 =	simm.s32 $0x16F00  }
0x24a: {  	[hbm4b:s9+s3] =	stream.linear.scatter [tilespmem:s16], [sflag:$0x7], $0x80, $0x38;
	[tilespmem:$0x1C800] =	vst v63  }
0x24b: {  	s9 =	sadd.s32 $0x100, s5;
	s16 =	simm.s32 $0x17300  }
0x24c: {  	[hbm4b:s9+s3] =	stream.linear.scatter [tilespmem:s16], [sflag:$0x7], $0x80, $0x38;
	[tilespmem:$0x1C800] =	vst v63  }
0x24d: {  	s9 =	sadd.s32 $0x180, s5;
	s16 =	simm.s32 $0x17700  }
0x24e: {  	[hbm4b:s9+s3] =	stream.linear.scatter [tilespmem:s16], [sflag:$0x7], $0x80, $0x38;
	[tilespmem:$0x1C800] =	vst v63  }
0x24f: {  	s9 =	sadd.s32 $0x200, s5;
	s16 =	simm.s32 $0x17B00  }
0x250: {  	[hbm4b:s9+s3] =	stream.linear.scatter [tilespmem:s16], [sflag:$0x7], $0x80, $0x38;
	[tilespmem:$0x1C800] =	vst v63  }
0x251: {  	s5 =	sadd.s32 $0x280, s5;
	s16 =	simm.s32 $0x17F00;
	s9 =	rddreg [dreg:$0x14]  }
0x252: {  	[hbm4b:s5+s3] =	stream.linear.scatter [tilespmem:s16], [sflag:$0x7], $0x80, $0x38;
	[tilespmem:$0x1C800] =	vst v63  }
0x253: {  	s5 =	sadd.s32 s7, s9;
	s16 =	simm.s32 $0x16B80  }
0x254: {  	[hbm4b:s5+s3] =	stream.linear.scatter [tilespmem:s16], [sflag:$0x7], $0x80, $0x38;
	[tilespmem:$0x1C800] =	vst v63  }
0x255: {  	s9 =	sadd.s32 $0x80, s5;
	s16 =	simm.s32 $0x16F80  }
0x256: {  	[hbm4b:s9+s3] =	stream.linear.scatter [tilespmem:s16], [sflag:$0x7], $0x80, $0x38;
	[tilespmem:$0x1C800] =	vst v63  }
0x257: {  	s9 =	sadd.s32 $0x100, s5;
	s16 =	simm.s32 $0x17380  }
0x258: {  	[hbm4b:s9+s3] =	stream.linear.scatter [tilespmem:s16], [sflag:$0x7], $0x80, $0x38;
	[tilespmem:$0x1C800] =	vst v63  }
0x259: {  	s9 =	sadd.s32 $0x180, s5;
	s16 =	simm.s32 $0x17780  }
0x25a: {  	[hbm4b:s9+s3] =	stream.linear.scatter [tilespmem:s16], [sflag:$0x7], $0x80, $0x38;
	[tilespmem:$0x1C800] =	vst v63  }
0x25b: {  	s9 =	sadd.s32 $0x200, s5;
	s16 =	simm.s32 $0x17B80  }
0x25c: {  	[hbm4b:s9+s3] =	stream.linear.scatter [tilespmem:s16], [sflag:$0x7], $0x80, $0x38;
	[tilespmem:$0x1C800] =	vst v63  }
0x25d: {  	s5 =	sadd.s32 $0x280, s5;
	s16 =	simm.s32 $0x17F80  }
0x25e: {  	[hbm4b:s5+s3] =	stream.linear.scatter [tilespmem:s16], [sflag:$0x7], $0x80, $0x38;
	[tilespmem:$0x1C800] =	vst v63  }
0x25f: {  	_ =	swait.ge [sflag:s22], $0x9000  }
0x260: {  	[sflag:s22] =	ssyncset.done $0x0  }
0x261: {  	[sflag:s22] =	ssyncadd.s32 $0xFFFF7000  }
0x262: {  	v3 =	vld [tilespmem:s1+$0xFFFFFE70];
	_ =	sdelay $0x4  }
0x263: {  	v31 =	vshrl.u32 v3, $0x3  }
0x264: {  	v4 =	vmul.u32 $0x30, v31  }
0x265: {  	v3 =	vand.u32 $0x7, v3  }
0x266: {  	v3 =	vor.u32 v3, v4  }
0x267: {  	v4 =	vperm.xlane v3, v0;
	_ =	sdelay $0x1  }
0x268: {  	v4 =	vadd.s32 v1, v4;
	_ =	sdelay $0x3  }
0x269: {  	v3 =	vperm.xlane v3, v2  }
0x26a: {  	[tilespmem:s29], [sflag:$0x2] =	stream.indirect_vreg.gather [hbm4b:s2+s3], $0x80, v4, vm0, $0xb8;
	[tilespmem:$0x1C800] =	vst v63  }
0x26b: {  	v3 =	vadd.s32 v1, v3  }
0x26c: {  	[tilespmem:s0], [sflag:$0x2] =	stream.indirect_vreg.gather [hbm4b:s14+s3], $0x80, v4, vm0, $0xb8;
	[tilespmem:$0x1C800] =	vst v63  }
0x26d: {  	_ = 	snop  }
0x26e: {  	[tilespmem:s4], [sflag:$0x2] =	stream.indirect_vreg.gather [hbm4b:s15+s3], $0x80, v4, vm0, $0xb8;
	[tilespmem:$0x1C800] =	vst v63  }
0x26f: {  	_ = 	snop  }
0x270: {  	[tilespmem:s10], [sflag:$0x2] =	stream.indirect_vreg.gather [hbm4b:s2+s3], $0x80, v3, vm0, $0xb8;
	[tilespmem:$0x1C800] =	vst v63  }
0x271: {  	_ = 	snop  }
0x272: {  	[tilespmem:s11], [sflag:$0x2] =	stream.indirect_vreg.gather [hbm4b:s14+s3], $0x80, v3, vm0, $0xb8;
	[tilespmem:$0x1C800] =	vst v63  }
0x273: {  	_ = 	snop  }
0x274: {  	[tilespmem:s12], [sflag:$0x2] =	stream.indirect_vreg.gather [hbm4b:s15+s3], $0x80, v3, vm0, $0xb8;
	[tilespmem:$0x1C800] =	vst v63  }
0x275: {  	v3 =	vld [tilespmem:s1+$0xFFFFFE80];
	_ =	sdelay $0x4  }
0x276: {  	v32 =	vshrl.u32 v3, $0x3  }
0x277: {  	v4 =	vmul.u32 $0x30, v32  }
0x278: {  	v3 =	vand.u32 $0x7, v3  }
0x279: {  	v3 =	vor.u32 v3, v4  }
0x27a: {  	v4 =	vperm.xlane v3, v0;
	_ =	sdelay $0x1  }
0x27b: {  	v4 =	vadd.s32 v1, v4;
	_ =	sdelay $0x3  }
0x27c: {  	v3 =	vperm.xlane v3, v2  }
0x27d: {  	[tilespmem:s13], [sflag:$0x2] =	stream.indirect_vreg.gather [hbm4b:s2+s3], $0x80, v4, vm0, $0xb8;
	[tilespmem:$0x1C800] =	vst v63  }
0x27e: {  	v3 =	vadd.s32 v1, v3  }
0x27f: {  	[tilespmem:s17], [sflag:$0x2] =	stream.indirect_vreg.gather [hbm4b:s14+s3], $0x80, v4, vm0, $0xb8;
	[tilespmem:$0x1C800] =	vst v63  }
0x280: {  	_ = 	snop  }
0x281: {  	[tilespmem:s25], [sflag:$0x2] =	stream.indirect_vreg.gather [hbm4b:s15+s3], $0x80, v4, vm0, $0xb8;
	[tilespmem:$0x1C800] =	vst v63  }
0x282: {  	_ = 	snop  }
0x283: {  	[tilespmem:s19], [sflag:$0x2] =	stream.indirect_vreg.gather [hbm4b:s2+s3], $0x80, v3, vm0, $0xb8;
	[tilespmem:$0x1C800] =	vst v63  }
0x284: {  	s8 =	simm.s32 $0x12800  }
0x285: {  	[tilespmem:s8], [sflag:$0x2] =	stream.indirect_vreg.gather [hbm4b:s14+s3], $0x80, v3, vm0, $0xb8;
	[tilespmem:$0x1C800] =	vst v63  }
0x286: {  	_ = 	snop  }
0x287: {  	[tilespmem:s21], [sflag:$0x2] =	stream.indirect_vreg.gather [hbm4b:s15+s3], $0x80, v3, vm0, $0xb8;
	[tilespmem:$0x1C800] =	vst v63  }
0x288: {  	v3 =	vld [tilespmem:s1+$0xFFFFFE90];
	_ =	sdelay $0x4  }
0x289: {  	v33 =	vshrl.u32 v3, $0x3  }
0x28a: {  	v4 =	vmul.u32 $0x30, v33  }
0x28b: {  	v3 =	vand.u32 $0x7, v3  }
0x28c: {  	v3 =	vor.u32 v3, v4  }
0x28d: {  	v4 =	vperm.xlane v3, v0;
	_ =	sdelay $0x1  }
0x28e: {  	v4 =	vadd.s32 v1, v4;
	_ =	sdelay $0x3  }
0x28f: {  	s16 =	simm.s32 $0x13800;
	v3 =	vperm.xlane v3, v2  }
0x290: {  	[tilespmem:s16], [sflag:$0x2] =	stream.indirect_vreg.gather [hbm4b:s2+s3], $0x80, v4, vm0, $0xb8;
	[tilespmem:$0x1C800] =	vst v63  }
0x291: {  	v3 =	vadd.s32 v1, v3  }
0x292: {  	[tilespmem:s23], [sflag:$0x2] =	stream.indirect_vreg.gather [hbm4b:s14+s3], $0x80, v4, vm0, $0xb8;
	[tilespmem:$0x1C800] =	vst v63  }
0x293: {  	s9 =	simm.s32 $0x14800  }
0x294: {  	[tilespmem:s9], [sflag:$0x2] =	stream.indirect_vreg.gather [hbm4b:s15+s3], $0x80, v4, vm0, $0xb8;
	[tilespmem:$0x1C800] =	vst v63  }
0x295: {  	s16 =	simm.s32 $0x15000  }
0x296: {  	[tilespmem:s16], [sflag:$0x2] =	stream.indirect_vreg.gather [hbm4b:s2+s3], $0x80, v3, vm0, $0xb8;
	[tilespmem:$0x1C800] =	vst v63  }
0x297: {  	s9 =	simm.s32 $0x15800  }
0x298: {  	[tilespmem:s9], [sflag:$0x2] =	stream.indirect_vreg.gather [hbm4b:s14+s3], $0x80, v3, vm0, $0xb8;
	[tilespmem:$0x1C800] =	vst v63  }
0x299: {  	_ = 	snop  }
0x29a: {  	[tilespmem:s6], [sflag:$0x2] =	stream.indirect_vreg.gather [hbm4b:s15+s3], $0x80, v3, vm0, $0xb8;
	[tilespmem:$0x1C800] =	vst v63  }
0x29b: {  	_ =	swait.ge [sflag:s18], $0x9000  }
0x29c: {  	s24 =	simm.s32 $0x4800;
	[sflag:s18] =	ssyncset.done $0x0  }
0x29d: {  	s16 =	sadd.s32 $0x5400, s20;
	s9 =	rddreg [dreg:$0x19];
	[sflag:s18] =	ssyncadd.s32 $0xFFFF7000  }
0x29e: {  	[hbm4b:s16+s3] =	stream.linear.scatter [tilespmem:s24], [sflag:$0x3], $0x9000, $0x38;
	[tilespmem:$0x1C800] =	vst v63  }
0x29f: {  	s5 =	sadd.s32 s7, s9;
	s16 =	simm.s32 $0x18000  }
0x2a0: {  	[hbm4b:s5+s3] =	stream.linear.scatter [tilespmem:s16], [sflag:$0x7], $0x80, $0x38;
	[tilespmem:$0x1C800] =	vst v63  }
0x2a1: {  	s9 =	sadd.s32 $0x80, s5;
	s16 =	simm.s32 $0x18400  }
0x2a2: {  	[hbm4b:s9+s3] =	stream.linear.scatter [tilespmem:s16], [sflag:$0x7], $0x80, $0x38;
	[tilespmem:$0x1C800] =	vst v63  }
0x2a3: {  	s9 =	sadd.s32 $0x100, s5;
	s16 =	simm.s32 $0x18800  }
0x2a4: {  	[hbm4b:s9+s3] =	stream.linear.scatter [tilespmem:s16], [sflag:$0x7], $0x80, $0x38;
	[tilespmem:$0x1C800] =	vst v63  }
0x2a5: {  	s9 =	sadd.s32 $0x180, s5;
	s16 =	simm.s32 $0x18C00  }
0x2a6: {  	[hbm4b:s9+s3] =	stream.linear.scatter [tilespmem:s16], [sflag:$0x7], $0x80, $0x38;
	[tilespmem:$0x1C800] =	vst v63  }
0x2a7: {  	s9 =	sadd.s32 $0x200, s5;
	s16 =	simm.s32 $0x19000  }
0x2a8: {  	[hbm4b:s9+s3] =	stream.linear.scatter [tilespmem:s16], [sflag:$0x7], $0x80, $0x38;
	[tilespmem:$0x1C800] =	vst v63  }
0x2a9: {  	s5 =	sadd.s32 $0x280, s5;
	s16 =	simm.s32 $0x19400;
	s9 =	rddreg [dreg:$0x18]  }
0x2aa: {  	[hbm4b:s5+s3] =	stream.linear.scatter [tilespmem:s16], [sflag:$0x7], $0x80, $0x38;
	[tilespmem:$0x1C800] =	vst v63  }
0x2ab: {  	s5 =	sadd.s32 s7, s9;
	s16 =	simm.s32 $0x18080  }
0x2ac: {  	[hbm4b:s5+s3] =	stream.linear.scatter [tilespmem:s16], [sflag:$0x7], $0x80, $0x38;
	[tilespmem:$0x1C800] =	vst v63  }
0x2ad: {  	s9 =	sadd.s32 $0x80, s5;
	s16 =	simm.s32 $0x18480  }
0x2ae: {  	[hbm4b:s9+s3] =	stream.linear.scatter [tilespmem:s16], [sflag:$0x7], $0x80, $0x38;
	[tilespmem:$0x1C800] =	vst v63  }
0x2af: {  	s9 =	sadd.s32 $0x100, s5;
	s16 =	simm.s32 $0x18880  }
0x2b0: {  	[hbm4b:s9+s3] =	stream.linear.scatter [tilespmem:s16], [sflag:$0x7], $0x80, $0x38;
	[tilespmem:$0x1C800] =	vst v63  }
0x2b1: {  	s9 =	sadd.s32 $0x180, s5;
	s16 =	simm.s32 $0x18C80  }
0x2b2: {  	[hbm4b:s9+s3] =	stream.linear.scatter [tilespmem:s16], [sflag:$0x7], $0x80, $0x38;
	[tilespmem:$0x1C800] =	vst v63  }
0x2b3: {  	s9 =	sadd.s32 $0x200, s5;
	s16 =	simm.s32 $0x19080  }
0x2b4: {  	[hbm4b:s9+s3] =	stream.linear.scatter [tilespmem:s16], [sflag:$0x7], $0x80, $0x38;
	[tilespmem:$0x1C800] =	vst v63  }
0x2b5: {  	s5 =	sadd.s32 $0x280, s5;
	s16 =	simm.s32 $0x19480  }
0x2b6: {  	[hbm4b:s5+s3] =	stream.linear.scatter [tilespmem:s16], [sflag:$0x7], $0x80, $0x38;
	[tilespmem:$0x1C800] =	vst v63  }
0x2b7: {  	_ =	swait.ge [sflag:s28], $0x9000  }
0x2b8: {  	[sflag:s28] =	ssyncset.done $0x0  }
0x2b9: {  	[sflag:s28] =	ssyncadd.s32 $0xFFFF7000  }
0x2ba: {  	v3 =	vld [tilespmem:s1+$0xFFFFFEF0];
	_ =	sdelay $0x4  }
0x2bb: {  	v34 =	vshrl.u32 v3, $0x3  }
0x2bc: {  	v4 =	vmul.u32 $0x30, v34  }
0x2bd: {  	v3 =	vand.u32 $0x7, v3  }
0x2be: {  	v3 =	vor.u32 v3, v4  }
0x2bf: {  	v4 =	vperm.xlane v3, v0;
	_ =	sdelay $0x1  }
0x2c0: {  	v4 =	vadd.s32 v1, v4;
	_ =	sdelay $0x3  }
0x2c1: {  	v3 =	vperm.xlane v3, v2  }
0x2c2: {  	[tilespmem:s24], [sflag:$0x1] =	stream.indirect_vreg.gather [hbm4b:s2+s3], $0x80, v4, vm0, $0xb8;
	[tilespmem:$0x1C800] =	vst v63  }
0x2c3: {  	s9 =	simm.s32 $0x5000;
	v3 =	vadd.s32 v1, v3  }
0x2c4: {  	[tilespmem:s9], [sflag:$0x1] =	stream.indirect_vreg.gather [hbm4b:s14+s3], $0x80, v4, vm0, $0xb8;
	[tilespmem:$0x1C800] =	vst v63  }
0x2c5: {  	s16 =	simm.s32 $0x5800  }
0x2c6: {  	[tilespmem:s16], [sflag:$0x1] =	stream.indirect_vreg.gather [hbm4b:s15+s3], $0x80, v4, vm0, $0xb8;
	[tilespmem:$0x1C800] =	vst v63  }
0x2c7: {  	s9 =	simm.s32 $0x6000  }
0x2c8: {  	[tilespmem:s9], [sflag:$0x1] =	stream.indirect_vreg.gather [hbm4b:s2+s3], $0x80, v3, vm0, $0xb8;
	[tilespmem:$0x1C800] =	vst v63  }
0x2c9: {  	s16 =	simm.s32 $0x6800  }
0x2ca: {  	[tilespmem:s16], [sflag:$0x1] =	stream.indirect_vreg.gather [hbm4b:s14+s3], $0x80, v3, vm0, $0xb8;
	[tilespmem:$0x1C800] =	vst v63  }
0x2cb: {  	s9 =	simm.s32 $0x7000  }
0x2cc: {  	[tilespmem:s9], [sflag:$0x1] =	stream.indirect_vreg.gather [hbm4b:s15+s3], $0x80, v3, vm0, $0xb8;
	[tilespmem:$0x1C800] =	vst v63  }
0x2cd: {  	v3 =	vld [tilespmem:s1+$0xFFFFFF00];
	_ =	sdelay $0x4  }
0x2ce: {  	v35 =	vshrl.u32 v3, $0x3  }
0x2cf: {  	v4 =	vmul.u32 $0x30, v35  }
0x2d0: {  	v3 =	vand.u32 $0x7, v3  }
0x2d1: {  	v3 =	vor.u32 v3, v4  }
0x2d2: {  	v4 =	vperm.xlane v3, v0;
	_ =	sdelay $0x1  }
0x2d3: {  	v4 =	vadd.s32 v1, v4;
	_ =	sdelay $0x3  }
0x2d4: {  	s16 =	simm.s32 $0x7800;
	v3 =	vperm.xlane v3, v2  }
0x2d5: {  	[tilespmem:s16], [sflag:$0x1] =	stream.indirect_vreg.gather [hbm4b:s2+s3], $0x80, v4, vm0, $0xb8;
	[tilespmem:$0x1C800] =	vst v63  }
0x2d6: {  	s9 =	simm.s32 $0x8000;
	v3 =	vadd.s32 v1, v3  }
0x2d7: {  	[tilespmem:s9], [sflag:$0x1] =	stream.indirect_vreg.gather [hbm4b:s14+s3], $0x80, v4, vm0, $0xb8;
	[tilespmem:$0x1C800] =	vst v63  }
0x2d8: {  	s16 =	simm.s32 $0x8800  }
0x2d9: {  	[tilespmem:s16], [sflag:$0x1] =	stream.indirect_vreg.gather [hbm4b:s15+s3], $0x80, v4, vm0, $0xb8;
	[tilespmem:$0x1C800] =	vst v63  }
0x2da: {  	s9 =	simm.s32 $0x9000  }
0x2db: {  	[tilespmem:s9], [sflag:$0x1] =	stream.indirect_vreg.gather [hbm4b:s2+s3], $0x80, v3, vm0, $0xb8;
	[tilespmem:$0x1C800] =	vst v63  }
0x2dc: {  	s16 =	simm.s32 $0x9800  }
0x2dd: {  	[tilespmem:s16], [sflag:$0x1] =	stream.indirect_vreg.gather [hbm4b:s14+s3], $0x80, v3, vm0, $0xb8;
	[tilespmem:$0x1C800] =	vst v63  }
0x2de: {  	s9 =	simm.s32 $0xA000  }
0x2df: {  	[tilespmem:s9], [sflag:$0x1] =	stream.indirect_vreg.gather [hbm4b:s15+s3], $0x80, v3, vm0, $0xb8;
	[tilespmem:$0x1C800] =	vst v63  }
0x2e0: {  	v3 =	vld [tilespmem:s1+$0xFFFFFF10];
	_ =	sdelay $0x4  }
0x2e1: {  	v36 =	vshrl.u32 v3, $0x3  }
0x2e2: {  	v4 =	vmul.u32 $0x30, v36  }
0x2e3: {  	v3 =	vand.u32 $0x7, v3  }
0x2e4: {  	v3 =	vor.u32 v3, v4  }
0x2e5: {  	v4 =	vperm.xlane v3, v0;
	_ =	sdelay $0x1  }
0x2e6: {  	v4 =	vadd.s32 v1, v4;
	_ =	sdelay $0x3  }
0x2e7: {  	s16 =	simm.s32 $0xA800;
	v3 =	vperm.xlane v3, v2  }
0x2e8: {  	[tilespmem:s16], [sflag:$0x1] =	stream.indirect_vreg.gather [hbm4b:s2+s3], $0x80, v4, vm0, $0xb8;
	[tilespmem:$0x1C800] =	vst v63  }
0x2e9: {  	s9 =	simm.s32 $0xB000;
	v3 =	vadd.s32 v1, v3  }
0x2ea: {  	[tilespmem:s9], [sflag:$0x1] =	stream.indirect_vreg.gather [hbm4b:s14+s3], $0x80, v4, vm0, $0xb8;
	[tilespmem:$0x1C800] =	vst v63  }
0x2eb: {  	s16 =	simm.s32 $0xB800  }
0x2ec: {  	[tilespmem:s16], [sflag:$0x1] =	stream.indirect_vreg.gather [hbm4b:s15+s3], $0x80, v4, vm0, $0xb8;
	[tilespmem:$0x1C800] =	vst v63  }
0x2ed: {  	s9 =	simm.s32 $0xC000  }
0x2ee: {  	[tilespmem:s9], [sflag:$0x1] =	stream.indirect_vreg.gather [hbm4b:s2+s3], $0x80, v3, vm0, $0xb8;
	[tilespmem:$0x1C800] =	vst v63  }
0x2ef: {  	s16 =	simm.s32 $0xC800  }
0x2f0: {  	[tilespmem:s16], [sflag:$0x1] =	stream.indirect_vreg.gather [hbm4b:s14+s3], $0x80, v3, vm0, $0xb8;
	[tilespmem:$0x1C800] =	vst v63  }
0x2f1: {  	s9 =	simm.s32 $0xD000  }
0x2f2: {  	[tilespmem:s9], [sflag:$0x1] =	stream.indirect_vreg.gather [hbm4b:s15+s3], $0x80, v3, vm0, $0xb8;
	[tilespmem:$0x1C800] =	vst v63  }
0x2f3: {  	_ =	swait.ge [sflag:s26], $0x9000  }
0x2f4: {  	[sflag:s26] =	ssyncset.done $0x0  }
0x2f5: {  	s16 =	sadd.s32 $0x6900, s20;
	s9 =	rddreg [dreg:$0x1d];
	[sflag:s26] =	ssyncadd.s32 $0xFFFF7000  }
0x2f6: {  	[hbm4b:s16+s3] =	stream.linear.scatter [tilespmem:s29], [sflag:$0x4], $0x9000, $0x38;
	[tilespmem:$0x1C800] =	vst v63  }
0x2f7: {  	s5 =	sadd.s32 s7, s9;
	s16 =	simm.s32 $0x18100  }
0x2f8: {  	[hbm4b:s5+s3] =	stream.linear.scatter [tilespmem:s16], [sflag:$0x7], $0x80, $0x38;
	[tilespmem:$0x1C800] =	vst v63  }
0x2f9: {  	s9 =	sadd.s32 $0x80, s5;
	s16 =	simm.s32 $0x18500  }
0x2fa: {  	[hbm4b:s9+s3] =	stream.linear.scatter [tilespmem:s16], [sflag:$0x7], $0x80, $0x38;
	[tilespmem:$0x1C800] =	vst v63  }
0x2fb: {  	s9 =	sadd.s32 $0x100, s5;
	s16 =	simm.s32 $0x18900  }
0x2fc: {  	[hbm4b:s9+s3] =	stream.linear.scatter [tilespmem:s16], [sflag:$0x7], $0x80, $0x38;
	[tilespmem:$0x1C800] =	vst v63  }
0x2fd: {  	s9 =	sadd.s32 $0x180, s5;
	s16 =	simm.s32 $0x18D00  }
0x2fe: {  	[hbm4b:s9+s3] =	stream.linear.scatter [tilespmem:s16], [sflag:$0x7], $0x80, $0x38;
	[tilespmem:$0x1C800] =	vst v63  }
0x2ff: {  	s9 =	sadd.s32 $0x200, s5;
	s16 =	simm.s32 $0x19100  }
0x300: {  	[hbm4b:s9+s3] =	stream.linear.scatter [tilespmem:s16], [sflag:$0x7], $0x80, $0x38;
	[tilespmem:$0x1C800] =	vst v63  }
0x301: {  	s5 =	sadd.s32 $0x280, s5;
	s16 =	simm.s32 $0x19500;
	s9 =	rddreg [dreg:$0x1c]  }
0x302: {  	[hbm4b:s5+s3] =	stream.linear.scatter [tilespmem:s16], [sflag:$0x7], $0x80, $0x38;
	[tilespmem:$0x1C800] =	vst v63  }
0x303: {  	s5 =	sadd.s32 s7, s9;
	s16 =	simm.s32 $0x18180  }
0x304: {  	[hbm4b:s5+s3] =	stream.linear.scatter [tilespmem:s16], [sflag:$0x7], $0x80, $0x38;
	[tilespmem:$0x1C800] =	vst v63  }
0x305: {  	s9 =	sadd.s32 $0x80, s5;
	s16 =	simm.s32 $0x18580  }
0x306: {  	[hbm4b:s9+s3] =	stream.linear.scatter [tilespmem:s16], [sflag:$0x7], $0x80, $0x38;
	[tilespmem:$0x1C800] =	vst v63  }
0x307: {  	s9 =	sadd.s32 $0x100, s5;
	s16 =	simm.s32 $0x18980  }
0x308: {  	[hbm4b:s9+s3] =	stream.linear.scatter [tilespmem:s16], [sflag:$0x7], $0x80, $0x38;
	[tilespmem:$0x1C800] =	vst v63  }
0x309: {  	s9 =	sadd.s32 $0x180, s5;
	s16 =	simm.s32 $0x18D80  }
0x30a: {  	[hbm4b:s9+s3] =	stream.linear.scatter [tilespmem:s16], [sflag:$0x7], $0x80, $0x38;
	[tilespmem:$0x1C800] =	vst v63  }
0x30b: {  	s9 =	sadd.s32 $0x200, s5;
	s16 =	simm.s32 $0x19180  }
0x30c: {  	[hbm4b:s9+s3] =	stream.linear.scatter [tilespmem:s16], [sflag:$0x7], $0x80, $0x38;
	[tilespmem:$0x1C800] =	vst v63  }
0x30d: {  	s5 =	sadd.s32 $0x280, s5;
	s16 =	simm.s32 $0x19580  }
0x30e: {  	[hbm4b:s5+s3] =	stream.linear.scatter [tilespmem:s16], [sflag:$0x7], $0x80, $0x38;
	[tilespmem:$0x1C800] =	vst v63  }
0x30f: {  	_ =	swait.ge [sflag:s22], $0x9000  }
0x310: {  	[sflag:s22] =	ssyncset.done $0x0  }
0x311: {  	[sflag:s22] =	ssyncadd.s32 $0xFFFF7000  }
0x312: {  	v3 =	vld [tilespmem:s1+$0xFFFFFF70];
	_ =	sdelay $0x4  }
0x313: {  	v37 =	vshrl.u32 v3, $0x3  }
0x314: {  	v4 =	vmul.u32 $0x30, v37  }
0x315: {  	v3 =	vand.u32 $0x7, v3  }
0x316: {  	v3 =	vor.u32 v3, v4  }
0x317: {  	v4 =	vperm.xlane v3, v0;
	_ =	sdelay $0x1  }
0x318: {  	v4 =	vadd.s32 v1, v4;
	_ =	sdelay $0x3  }
0x319: {  	v3 =	vperm.xlane v3, v2  }
0x31a: {  	[tilespmem:s29], [sflag:$0x2] =	stream.indirect_vreg.gather [hbm4b:s2+s3], $0x80, v4, vm0, $0xb8;
	[tilespmem:$0x1C800] =	vst v63  }
0x31b: {  	v3 =	vadd.s32 v1, v3  }
0x31c: {  	[tilespmem:s0], [sflag:$0x2] =	stream.indirect_vreg.gather [hbm4b:s14+s3], $0x80, v4, vm0, $0xb8;
	[tilespmem:$0x1C800] =	vst v63  }
0x31d: {  	_ = 	snop  }
0x31e: {  	[tilespmem:s4], [sflag:$0x2] =	stream.indirect_vreg.gather [hbm4b:s15+s3], $0x80, v4, vm0, $0xb8;
	[tilespmem:$0x1C800] =	vst v63  }
0x31f: {  	_ = 	snop  }
0x320: {  	[tilespmem:s10], [sflag:$0x2] =	stream.indirect_vreg.gather [hbm4b:s2+s3], $0x80, v3, vm0, $0xb8;
	[tilespmem:$0x1C800] =	vst v63  }
0x321: {  	_ = 	snop  }
0x322: {  	[tilespmem:s11], [sflag:$0x2] =	stream.indirect_vreg.gather [hbm4b:s14+s3], $0x80, v3, vm0, $0xb8;
	[tilespmem:$0x1C800] =	vst v63  }
0x323: {  	_ = 	snop  }
0x324: {  	[tilespmem:s12], [sflag:$0x2] =	stream.indirect_vreg.gather [hbm4b:s15+s3], $0x80, v3, vm0, $0xb8;
	[tilespmem:$0x1C800] =	vst v63  }
0x325: {  	v3 =	vld [tilespmem:s1+$0xFFFFFF80];
	_ =	sdelay $0x4  }
0x326: {  	v38 =	vshrl.u32 v3, $0x3  }
0x327: {  	v4 =	vmul.u32 $0x30, v38  }
0x328: {  	v3 =	vand.u32 $0x7, v3  }
0x329: {  	v3 =	vor.u32 v3, v4  }
0x32a: {  	v4 =	vperm.xlane v3, v0;
	_ =	sdelay $0x1  }
0x32b: {  	v4 =	vadd.s32 v1, v4;
	_ =	sdelay $0x3  }
0x32c: {  	v3 =	vperm.xlane v3, v2  }
0x32d: {  	[tilespmem:s13], [sflag:$0x2] =	stream.indirect_vreg.gather [hbm4b:s2+s3], $0x80, v4, vm0, $0xb8;
	[tilespmem:$0x1C800] =	vst v63  }
0x32e: {  	v3 =	vadd.s32 v1, v3  }
0x32f: {  	[tilespmem:s17], [sflag:$0x2] =	stream.indirect_vreg.gather [hbm4b:s14+s3], $0x80, v4, vm0, $0xb8;
	[tilespmem:$0x1C800] =	vst v63  }
0x330: {  	_ = 	snop  }
0x331: {  	[tilespmem:s25], [sflag:$0x2] =	stream.indirect_vreg.gather [hbm4b:s15+s3], $0x80, v4, vm0, $0xb8;
	[tilespmem:$0x1C800] =	vst v63  }
0x332: {  	_ = 	snop  }
0x333: {  	[tilespmem:s19], [sflag:$0x2] =	stream.indirect_vreg.gather [hbm4b:s2+s3], $0x80, v3, vm0, $0xb8;
	[tilespmem:$0x1C800] =	vst v63  }
0x334: {  	s8 =	simm.s32 $0x12800  }
0x335: {  	[tilespmem:s8], [sflag:$0x2] =	stream.indirect_vreg.gather [hbm4b:s14+s3], $0x80, v3, vm0, $0xb8;
	[tilespmem:$0x1C800] =	vst v63  }
0x336: {  	_ = 	snop  }
0x337: {  	[tilespmem:s21], [sflag:$0x2] =	stream.indirect_vreg.gather [hbm4b:s15+s3], $0x80, v3, vm0, $0xb8;
	[tilespmem:$0x1C800] =	vst v63  }
0x338: {  	v3 =	vld [tilespmem:s1+$0xFFFFFF90];
	_ =	sdelay $0x4  }
0x339: {  	v39 =	vshrl.u32 v3, $0x3  }
0x33a: {  	v4 =	vmul.u32 $0x30, v39  }
0x33b: {  	v3 =	vand.u32 $0x7, v3  }
0x33c: {  	v3 =	vor.u32 v3, v4  }
0x33d: {  	v4 =	vperm.xlane v3, v0;
	_ =	sdelay $0x1  }
0x33e: {  	v4 =	vadd.s32 v1, v4;
	_ =	sdelay $0x3  }
0x33f: {  	s16 =	simm.s32 $0x13800;
	v3 =	vperm.xlane v3, v2  }
0x340: {  	[tilespmem:s16], [sflag:$0x2] =	stream.indirect_vreg.gather [hbm4b:s2+s3], $0x80, v4, vm0, $0xb8;
	[tilespmem:$0x1C800] =	vst v63  }
0x341: {  	v3 =	vadd.s32 v1, v3  }
0x342: {  	[tilespmem:s23], [sflag:$0x2] =	stream.indirect_vreg.gather [hbm4b:s14+s3], $0x80, v4, vm0, $0xb8;
	[tilespmem:$0x1C800] =	vst v63  }
0x343: {  	s9 =	simm.s32 $0x14800  }
0x344: {  	[tilespmem:s9], [sflag:$0x2] =	stream.indirect_vreg.gather [hbm4b:s15+s3], $0x80, v4, vm0, $0xb8;
	[tilespmem:$0x1C800] =	vst v63  }
0x345: {  	s16 =	simm.s32 $0x15000  }
0x346: {  	[tilespmem:s16], [sflag:$0x2] =	stream.indirect_vreg.gather [hbm4b:s2+s3], $0x80, v3, vm0, $0xb8;
	[tilespmem:$0x1C800] =	vst v63  }
0x347: {  	s9 =	simm.s32 $0x15800  }
0x348: {  	[tilespmem:s9], [sflag:$0x2] =	stream.indirect_vreg.gather [hbm4b:s14+s3], $0x80, v3, vm0, $0xb8;
	[tilespmem:$0x1C800] =	vst v63  }
0x349: {  	_ = 	snop  }
0x34a: {  	[tilespmem:s6], [sflag:$0x2] =	stream.indirect_vreg.gather [hbm4b:s15+s3], $0x80, v3, vm0, $0xb8;
	[tilespmem:$0x1C800] =	vst v63  }
0x34b: {  	_ =	swait.ge [sflag:s18], $0x9000  }
0x34c: {  	[sflag:s18] =	ssyncset.done $0x0;
	s9 =	sld [smem:$0x7F5]  }
0x34d: {  	s16 =	sadd.s32 $0x7E00, s20;
	[sflag:s18] =	ssyncadd.s32 $0xFFFF7000  }
0x34e: {  	[hbm4b:s16+s3] =	stream.linear.scatter [tilespmem:s24], [sflag:$0x3], $0x9000, $0x38;
	[tilespmem:$0x1C800] =	vst v63  }
0x34f: {  	s16 =	simm.s32 $0x18200;
	s5 =	sadd.s32 s7, s9  }
0x350: {  	[hbm4b:s5+s3] =	stream.linear.scatter [tilespmem:s16], [sflag:$0x7], $0x80, $0x38;
	[tilespmem:$0x1C800] =	vst v63  }
0x351: {  	s9 =	sadd.s32 $0x80, s5;
	s16 =	simm.s32 $0x18600  }
0x352: {  	[hbm4b:s9+s3] =	stream.linear.scatter [tilespmem:s16], [sflag:$0x7], $0x80, $0x38;
	[tilespmem:$0x1C800] =	vst v63  }
0x353: {  	s9 =	sadd.s32 $0x100, s5;
	s16 =	simm.s32 $0x18A00  }
0x354: {  	[hbm4b:s9+s3] =	stream.linear.scatter [tilespmem:s16], [sflag:$0x7], $0x80, $0x38;
	[tilespmem:$0x1C800] =	vst v63  }
0x355: {  	s9 =	sadd.s32 $0x180, s5;
	s16 =	simm.s32 $0x18E00  }
0x356: {  	[hbm4b:s9+s3] =	stream.linear.scatter [tilespmem:s16], [sflag:$0x7], $0x80, $0x38;
	[tilespmem:$0x1C800] =	vst v63  }
0x357: {  	s9 =	sadd.s32 $0x200, s5;
	s16 =	simm.s32 $0x19200  }
0x358: {  	[hbm4b:s9+s3] =	stream.linear.scatter [tilespmem:s16], [sflag:$0x7], $0x80, $0x38;
	[tilespmem:$0x1C800] =	vst v63  }
0x359: {  	s9 =	sld [smem:$0x7F4]  }
0x35a: {  	s5 =	sadd.s32 $0x280, s5;
	s16 =	simm.s32 $0x19600  }
0x35b: {  	[hbm4b:s5+s3] =	stream.linear.scatter [tilespmem:s16], [sflag:$0x7], $0x80, $0x38;
	[tilespmem:$0x1C800] =	vst v63  }
0x35c: {  	s16 =	simm.s32 $0x18280;
	s5 =	sadd.s32 s7, s9  }
0x35d: {  	[hbm4b:s5+s3] =	stream.linear.scatter [tilespmem:s16], [sflag:$0x7], $0x80, $0x38;
	[tilespmem:$0x1C800] =	vst v63  }
0x35e: {  	s9 =	sadd.s32 $0x80, s5;
	s16 =	simm.s32 $0x18680  }
0x35f: {  	[hbm4b:s9+s3] =	stream.linear.scatter [tilespmem:s16], [sflag:$0x7], $0x80, $0x38;
	[tilespmem:$0x1C800] =	vst v63  }
0x360: {  	s9 =	sadd.s32 $0x100, s5;
	s16 =	simm.s32 $0x18A80  }
0x361: {  	[hbm4b:s9+s3] =	stream.linear.scatter [tilespmem:s16], [sflag:$0x7], $0x80, $0x38;
	[tilespmem:$0x1C800] =	vst v63  }
0x362: {  	s9 =	sadd.s32 $0x180, s5;
	s16 =	simm.s32 $0x18E80  }
0x363: {  	[hbm4b:s9+s3] =	stream.linear.scatter [tilespmem:s16], [sflag:$0x7], $0x80, $0x38;
	[tilespmem:$0x1C800] =	vst v63  }
0x364: {  	s9 =	sadd.s32 $0x200, s5;
	s16 =	simm.s32 $0x19280  }
0x365: {  	[hbm4b:s9+s3] =	stream.linear.scatter [tilespmem:s16], [sflag:$0x7], $0x80, $0x38;
	[tilespmem:$0x1C800] =	vst v63  }
0x366: {  	s5 =	sadd.s32 $0x280, s5;
	s16 =	simm.s32 $0x19680  }
0x367: {  	[hbm4b:s5+s3] =	stream.linear.scatter [tilespmem:s16], [sflag:$0x7], $0x80, $0x38;
	[tilespmem:$0x1C800] =	vst v63  }
0x368: {  	_ =	swait.ge [sflag:s28], $0x9000  }
0x369: {  	[sflag:s28] =	ssyncset.done $0x0  }
0x36a: {  	[sflag:s28] =	ssyncadd.s32 $0xFFFF7000  }
0x36b: {  	v3 =	vld [tilespmem:s1+$0xFFFFFFF0];
	_ =	sdelay $0x4  }
0x36c: {  	v40 =	vshrl.u32 v3, $0x3  }
0x36d: {  	v4 =	vmul.u32 $0x30, v40  }
0x36e: {  	v3 =	vand.u32 $0x7, v3  }
0x36f: {  	v3 =	vor.u32 v3, v4  }
0x370: {  	v4 =	vperm.xlane v3, v0;
	_ =	sdelay $0x1  }
0x371: {  	v4 =	vadd.s32 v1, v4;
	_ =	sdelay $0x3  }
0x372: {  	v3 =	vperm.xlane v3, v2  }
0x373: {  	[tilespmem:s24], [sflag:$0x1] =	stream.indirect_vreg.gather [hbm4b:s2+s3], $0x80, v4, vm0, $0xb8;
	[tilespmem:$0x1C800] =	vst v63  }
0x374: {  	s16 =	simm.s32 $0x5000;
	v3 =	vadd.s32 v1, v3  }
0x375: {  	[tilespmem:s16], [sflag:$0x1] =	stream.indirect_vreg.gather [hbm4b:s14+s3], $0x80, v4, vm0, $0xb8;
	[tilespmem:$0x1C800] =	vst v63  }
0x376: {  	s24 =	simm.s32 $0x5800  }
0x377: {  	[tilespmem:s24], [sflag:$0x1] =	stream.indirect_vreg.gather [hbm4b:s15+s3], $0x80, v4, vm0, $0xb8;
	[tilespmem:$0x1C800] =	vst v63  }
0x378: {  	s9 =	simm.s32 $0x6000  }
0x379: {  	[tilespmem:s9], [sflag:$0x1] =	stream.indirect_vreg.gather [hbm4b:s2+s3], $0x80, v3, vm0, $0xb8;
	[tilespmem:$0x1C800] =	vst v63  }
0x37a: {  	s16 =	simm.s32 $0x6800  }
0x37b: {  	[tilespmem:s16], [sflag:$0x1] =	stream.indirect_vreg.gather [hbm4b:s14+s3], $0x80, v3, vm0, $0xb8;
	[tilespmem:$0x1C800] =	vst v63  }
0x37c: {  	s24 =	simm.s32 $0x7000  }
0x37d: {  	[tilespmem:s24], [sflag:$0x1] =	stream.indirect_vreg.gather [hbm4b:s15+s3], $0x80, v3, vm0, $0xb8;
	[tilespmem:$0x1C800] =	vst v63  }
0x37e: {  	v3 =	vld [tilespmem:s1+$0x0];
	_ =	sdelay $0x4  }
0x37f: {  	v41 =	vshrl.u32 v3, $0x3  }
0x380: {  	v4 =	vmul.u32 $0x30, v41  }
0x381: {  	v3 =	vand.u32 $0x7, v3  }
0x382: {  	v3 =	vor.u32 v3, v4  }
0x383: {  	v4 =	vperm.xlane v3, v0;
	_ =	sdelay $0x1  }
0x384: {  	v4 =	vadd.s32 v1, v4;
	_ =	sdelay $0x3  }
0x385: {  	s9 =	simm.s32 $0x7800;
	v3 =	vperm.xlane v3, v2  }
0x386: {  	[tilespmem:s9], [sflag:$0x1] =	stream.indirect_vreg.gather [hbm4b:s2+s3], $0x80, v4, vm0, $0xb8;
	[tilespmem:$0x1C800] =	vst v63  }
0x387: {  	s16 =	simm.s32 $0x8000;
	v3 =	vadd.s32 v1, v3  }
0x388: {  	[tilespmem:s16], [sflag:$0x1] =	stream.indirect_vreg.gather [hbm4b:s14+s3], $0x80, v4, vm0, $0xb8;
	[tilespmem:$0x1C800] =	vst v63  }
0x389: {  	s24 =	simm.s32 $0x8800  }
0x38a: {  	[tilespmem:s24], [sflag:$0x1] =	stream.indirect_vreg.gather [hbm4b:s15+s3], $0x80, v4, vm0, $0xb8;
	[tilespmem:$0x1C800] =	vst v63  }
0x38b: {  	s9 =	simm.s32 $0x9000  }
0x38c: {  	[tilespmem:s9], [sflag:$0x1] =	stream.indirect_vreg.gather [hbm4b:s2+s3], $0x80, v3, vm0, $0xb8;
	[tilespmem:$0x1C800] =	vst v63  }
0x38d: {  	s16 =	simm.s32 $0x9800  }
0x38e: {  	[tilespmem:s16], [sflag:$0x1] =	stream.indirect_vreg.gather [hbm4b:s14+s3], $0x80, v3, vm0, $0xb8;
	[tilespmem:$0x1C800] =	vst v63  }
0x38f: {  	s24 =	simm.s32 $0xA000  }
0x390: {  	[tilespmem:s24], [sflag:$0x1] =	stream.indirect_vreg.gather [hbm4b:s15+s3], $0x80, v3, vm0, $0xb8;
	[tilespmem:$0x1C800] =	vst v63  }
0x391: {  	v3 =	vld [tilespmem:s1+$0x10];
	_ =	sdelay $0x4  }
0x392: {  	v42 =	vshrl.u32 v3, $0x3  }
0x393: {  	v4 =	vmul.u32 $0x30, v42  }
0x394: {  	v3 =	vand.u32 $0x7, v3  }
0x395: {  	v3 =	vor.u32 v3, v4  }
0x396: {  	v4 =	vperm.xlane v3, v0;
	_ =	sdelay $0x1  }
0x397: {  	v4 =	vadd.s32 v1, v4;
	_ =	sdelay $0x3  }
0x398: {  	s9 =	simm.s32 $0xA800;
	v3 =	vperm.xlane v3, v2  }
0x399: {  	[tilespmem:s9], [sflag:$0x1] =	stream.indirect_vreg.gather [hbm4b:s2+s3], $0x80, v4, vm0, $0xb8;
	[tilespmem:$0x1C800] =	vst v63  }
0x39a: {  	s16 =	simm.s32 $0xB000;
	v3 =	vadd.s32 v1, v3  }
0x39b: {  	[tilespmem:s16], [sflag:$0x1] =	stream.indirect_vreg.gather [hbm4b:s14+s3], $0x80, v4, vm0, $0xb8;
	[tilespmem:$0x1C800] =	vst v63  }
0x39c: {  	s24 =	simm.s32 $0xB800  }
0x39d: {  	[tilespmem:s24], [sflag:$0x1] =	stream.indirect_vreg.gather [hbm4b:s15+s3], $0x80, v4, vm0, $0xb8;
	[tilespmem:$0x1C800] =	vst v63  }
0x39e: {  	s9 =	simm.s32 $0xC000  }
0x39f: {  	[tilespmem:s9], [sflag:$0x1] =	stream.indirect_vreg.gather [hbm4b:s2+s3], $0x80, v3, vm0, $0xb8;
	[tilespmem:$0x1C800] =	vst v63  }
0x3a0: {  	s16 =	simm.s32 $0xC800  }
0x3a1: {  	[tilespmem:s16], [sflag:$0x1] =	stream.indirect_vreg.gather [hbm4b:s14+s3], $0x80, v3, vm0, $0xb8;
	[tilespmem:$0x1C800] =	vst v63  }
0x3a2: {  	s24 =	simm.s32 $0xD000  }
0x3a3: {  	[tilespmem:s24], [sflag:$0x1] =	stream.indirect_vreg.gather [hbm4b:s15+s3], $0x80, v3, vm0, $0xb8;
	[tilespmem:$0x1C800] =	vst v63  }
0x3a4: {  	_ =	swait.ge [sflag:s26], $0x9000  }
0x3a5: {  	[sflag:s26] =	ssyncset.done $0x0;
	s9 =	sld [smem:$0x7FC]  }
0x3a6: {  	[sflag:s26] =	ssyncadd.s32 $0xFFFF7000;
	s26 =	sadd.s32 $0x9300, s20  }
0x3a7: {  	[hbm4b:s26+s3] =	stream.linear.scatter [tilespmem:s29], [sflag:$0x4], $0x9000, $0x38;
	[tilespmem:$0x1C800] =	vst v63  }
0x3a8: {  	s16 =	simm.s32 $0x18300;
	s5 =	sadd.s32 s7, s9  }
0x3a9: {  	[hbm4b:s5+s3] =	stream.linear.scatter [tilespmem:s16], [sflag:$0x7], $0x80, $0x38;
	[tilespmem:$0x1C800] =	vst v63  }
0x3aa: {  	s26 =	simm.s32 $0x18700;
	s24 =	sadd.s32 $0x80, s5  }
0x3ab: {  	[hbm4b:s24+s3] =	stream.linear.scatter [tilespmem:s26], [sflag:$0x7], $0x80, $0x38;
	[tilespmem:$0x1C800] =	vst v63  }
0x3ac: {  	s24 =	sadd.s32 $0x100, s5;
	s26 =	simm.s32 $0x18B00  }
0x3ad: {  	[hbm4b:s24+s3] =	stream.linear.scatter [tilespmem:s26], [sflag:$0x7], $0x80, $0x38;
	[tilespmem:$0x1C800] =	vst v63  }
0x3ae: {  	s24 =	sadd.s32 $0x180, s5;
	s26 =	simm.s32 $0x18F00  }
0x3af: {  	[hbm4b:s24+s3] =	stream.linear.scatter [tilespmem:s26], [sflag:$0x7], $0x80, $0x38;
	[tilespmem:$0x1C800] =	vst v63  }
0x3b0: {  	s9 =	sld [smem:$0x7FD];
	s16 =	sadd.s32 $0x200, s5;
	s24 =	simm.s32 $0x19300  }
0x3b1: {  	[hbm4b:s16+s3] =	stream.linear.scatter [tilespmem:s24], [sflag:$0x7], $0x80, $0x38;
	[tilespmem:$0x1C800] =	vst v63  }
0x3b2: {  	s5 =	sadd.s32 $0x280, s5;
	s26 =	simm.s32 $0x19700  }
0x3b3: {  	[hbm4b:s5+s3] =	stream.linear.scatter [tilespmem:s26], [sflag:$0x7], $0x80, $0x38;
	[tilespmem:$0x1C800] =	vst v63  }
0x3b4: {  	s16 =	simm.s32 $0x18380;
	s5 =	sadd.s32 s7, s9  }
0x3b5: {  	[hbm4b:s5+s3] =	stream.linear.scatter [tilespmem:s16], [sflag:$0x7], $0x80, $0x38;
	[tilespmem:$0x1C800] =	vst v63  }
0x3b6: {  	s26 =	simm.s32 $0x18780;
	s24 =	sadd.s32 $0x80, s5  }
0x3b7: {  	[hbm4b:s24+s3] =	stream.linear.scatter [tilespmem:s26], [sflag:$0x7], $0x80, $0x38;
	[tilespmem:$0x1C800] =	vst v63  }
0x3b8: {  	s24 =	sadd.s32 $0x100, s5;
	s26 =	simm.s32 $0x18B80  }
0x3b9: {  	[hbm4b:s24+s3] =	stream.linear.scatter [tilespmem:s26], [sflag:$0x7], $0x80, $0x38;
	[tilespmem:$0x1C800] =	vst v63  }
0x3ba: {  	s24 =	sadd.s32 $0x180, s5;
	s26 =	simm.s32 $0x18F80  }
0x3bb: {  	[hbm4b:s24+s3] =	stream.linear.scatter [tilespmem:s26], [sflag:$0x7], $0x80, $0x38;
	[tilespmem:$0x1C800] =	vst v63  }
0x3bc: {  	s24 =	sadd.s32 $0x200, s5;
	s26 =	simm.s32 $0x19380  }
0x3bd: {  	[hbm4b:s24+s3] =	stream.linear.scatter [tilespmem:s26], [sflag:$0x7], $0x80, $0x38;
	[tilespmem:$0x1C800] =	vst v63  }
0x3be: {  	s5 =	sadd.s32 $0x280, s5;
	s24 =	simm.s32 $0x19780  }
0x3bf: {  	[hbm4b:s5+s3] =	stream.linear.scatter [tilespmem:s24], [sflag:$0x7], $0x80, $0x38;
	[tilespmem:$0x1C800] =	vst v63  }
0x3c0: {  	_ =	swait.ge [sflag:s30], $0x300  }
0x3c1: {  	[sflag:s30] =	ssyncset.done $0x0  }
0x3c2: {  	[sflag:s30] =	ssyncadd.s32 $0xFFFFFD00  }
0x3c3: {  	_ =	swait.ge [sflag:s30], $0x300  }
0x3c4: {  	[sflag:s30] =	ssyncset.done $0x0  }
0x3c5: {  	[sflag:s30] =	ssyncadd.s32 $0xFFFFFD00  }
0x3c6: {  	_ =	swait.ge [sflag:s30], $0x300  }
0x3c7: {  	[sflag:s30] =	ssyncset.done $0x0  }
0x3c8: {  	[sflag:s30] =	ssyncadd.s32 $0xFFFFFD00  }
0x3c9: {  	_ =	swait.ge [sflag:s30], $0x300  }
0x3ca: {  	[sflag:s30] =	ssyncset.done $0x0  }
0x3cb: {  	[sflag:s30] =	ssyncadd.s32 $0xFFFFFD00  }
0x3cc: {  	_ =	swait.ge [sflag:s30], $0x300  }
0x3cd: {  	[sflag:s30] =	ssyncset.done $0x0  }
0x3ce: {  	[sflag:s30] =	ssyncadd.s32 $0xFFFFFD00  }
0x3cf: {  	_ =	swait.ge [sflag:s30], $0x300  }
0x3d0: {  	[sflag:s30] =	ssyncset.done $0x0  }
0x3d1: {  	[sflag:s30] =	ssyncadd.s32 $0xFFFFFD00  }
0x3d2: {  	_ =	swait.ge [sflag:s30], $0x300  }
0x3d3: {  	[sflag:s30] =	ssyncset.done $0x0  }
0x3d4: {  	[sflag:s30] =	ssyncadd.s32 $0xFFFFFD00  }
0x3d5: {  	_ =	swait.ge [sflag:s30], $0x300  }
0x3d6: {  	[sflag:s30] =	ssyncset.done $0x0  }
0x3d7: {  	[sflag:s30] =	ssyncadd.s32 $0xFFFFFD00  }
0x3d8: {  	_ =	swait.ge [sflag:s30], $0x300  }
0x3d9: {  	[sflag:s30] =	ssyncset.done $0x0  }
0x3da: {  	[sflag:s30] =	ssyncadd.s32 $0xFFFFFD00  }
0x3db: {  	_ =	swait.ge [sflag:s30], $0x300  }
0x3dc: {  	[sflag:s30] =	ssyncset.done $0x0  }
0x3dd: {  	[sflag:s30] =	ssyncadd.s32 $0xFFFFFD00  }
0x3de: {  	_ =	swait.ge [sflag:s30], $0x300  }
0x3df: {  	[sflag:s30] =	ssyncset.done $0x0  }
0x3e0: {  	[sflag:s30] =	ssyncadd.s32 $0xFFFFFD00  }
0x3e1: {  	_ =	swait.ge [sflag:s30], $0x300  }
0x3e2: {  	[sflag:s30] =	ssyncset.done $0x0  }
0x3e3: {  	[sflag:s30] =	ssyncadd.s32 $0xFFFFFD00  }
0x3e4: {  	_ =	swait.ge [sflag:s30], $0x300  }
0x3e5: {  	[sflag:s30] =	ssyncset.done $0x0  }
0x3e6: {  	[sflag:s30] =	ssyncadd.s32 $0xFFFFFD00  }
0x3e7: {  	_ =	swait.ge [sflag:s30], $0x300  }
0x3e8: {  	[sflag:s30] =	ssyncset.done $0x0  }
0x3e9: {  	[sflag:s30] =	ssyncadd.s32 $0xFFFFFD00  }
0x3ea: {  	_ =	swait.ge [sflag:s30], $0x300  }
0x3eb: {  	[sflag:s30] =	ssyncset.done $0x0  }
0x3ec: {  	[sflag:s30] =	ssyncadd.s32 $0xFFFFFD00  }
0x3ed: {  	_ =	swait.ge [sflag:s30], $0x300  }
0x3ee: {  	s5 =	sld [smem:$0x7F3]  }
0x3ef: {  	[sflag:s30] =	ssyncset.done $0x0  }
0x3f0: {  	p0 =	seq.s32 s7, $0x93000;
	[sflag:s30] =	ssyncadd.s32 $0xFFFFFD00  }
0x3f1: {  	v3 =	vld @!p0 [tilespmem:s5+$0xFFFFFF80];
	_ =	sdelay $0x4  }
0x3f2: {  	v4 =	vshrl.u32 @!p0 v3, $0x3  }
0x3f3: {  	v4 =	vmul.u32 @!p0 $0x30, v4  }
0x3f4: {  	v5 =	vlaneseq.u32 @!p0;
	v3 =	vand.u32 @!p0 $0x7, v3  }
0x3f5: {  	v6 =	vshrl.u32 @!p0 v5, $0x3;
	v3 =	vor.u32 @!p0 v3, v4;
	v4 =	vand.u32 @!p0 $0x7, v5  }
0x3f6: {  	v6 =	vmul.u32 @!p0 $0x8, v6;
	v4 =	vperm.xlane @!p0 v3, v4;
	_ =	sdelay $0x1  }
0x3f7: {  	v4 =	vadd.s32 @!p0 v6, v4;
	_ =	sdelay $0x2  }
0x3f8: {  	v5 =	vor.u32 @!p0 $0x8, v5  }
0x3f9: {  	vm1 =	vmmov @!p0 $0xffff;
	s9 =	simm.s32 @!p0 $0x16800;
	s5 =	simm.s32 @!p0 $0x0;
	v3 =	vperm.xlane @!p0 v3, v5  }
0x3fa: {  	[tilespmem:s9], [sflag:$0x5] =	stream.indirect_vreg.gather @!p0 [hbm4b:s2+s5], $0x80, v4, vm1, $0xb8;
	[tilespmem:$0x1C800] =	vst v63  }
0x3fb: {  	v3 =	vadd.s32 @!p0 v6, v3;
	s9 =	simm.s32 @!p0 $0x17000  }
0x3fc: {  	[tilespmem:s9], [sflag:$0x5] =	stream.indirect_vreg.gather @!p0 [hbm4b:s14+s5], $0x80, v4, vm1, $0xb8;
	[tilespmem:$0x1C800] =	vst v63  }
0x3fd: {  	s9 =	simm.s32 @!p0 $0x17800  }
0x3fe: {  	[tilespmem:s9], [sflag:$0x5] =	stream.indirect_vreg.gather @!p0 [hbm4b:s15+s5], $0x80, v4, vm1, $0xb8;
	[tilespmem:$0x1C800] =	vst v63  }
0x3ff: {  	s9 =	simm.s32 @!p0 $0x18000  }
0x400: {  	[tilespmem:s9], [sflag:$0x5] =	stream.indirect_vreg.gather @!p0 [hbm4b:s2+s5], $0x80, v3, vm1, $0xb8;
	[tilespmem:$0x1C800] =	vst v63  }
0x401: {  	s9 =	simm.s32 @!p0 $0x18800  }
0x402: {  	[tilespmem:s9], [sflag:$0x5] =	stream.indirect_vreg.gather @!p0 [hbm4b:s14+s5], $0x80, v3, vm1, $0xb8;
	[tilespmem:$0x1C800] =	vst v63  }
0x403: {  	s26 =	simm.s32 $0x6;
	s9 =	simm.s32 @!p0 $0x19000  }
0x404: {  	[tilespmem:s9], [sflag:$0x5] =	stream.indirect_vreg.gather @!p0 [hbm4b:s15+s5], $0x80, v3, vm1, $0xb8;
	[tilespmem:$0x1C800] =	vst v63  }
0x405: {  	_ =	swait.ge [sflag:s26], $0x3000  }
0x406: {  	[sflag:s26] =	ssyncset.done $0x0  }
0x407: {  	[sflag:s26] =	ssyncadd.s32 $0xFFFFD000  }
0x408: {  	_ =	swait.ge [sflag:s22], $0x9000  }
0x409: {  	[sflag:s22] =	ssyncset.done $0x0  }
0x40a: {  	[sflag:s22] =	ssyncadd.s32 $0xFFFF7000  }
0x40b: {  	v3 =	vld [tilespmem:s1+$0x70];
	_ =	sdelay $0x4  }
0x40c: {  	v43 =	vshrl.u32 v3, $0x3  }
0x40d: {  	v4 =	vmul.u32 $0x30, v43  }
0x40e: {  	v3 =	vand.u32 $0x7, v3  }
0x40f: {  	v3 =	vor.u32 v3, v4  }
0x410: {  	v4 =	vperm.xlane v3, v0;
	_ =	sdelay $0x1  }
0x411: {  	v4 =	vadd.s32 v1, v4;
	_ =	sdelay $0x3  }
0x412: {  	v3 =	vperm.xlane v3, v2  }
0x413: {  	[tilespmem:s29], [sflag:$0x2] =	stream.indirect_vreg.gather [hbm4b:s2+s3], $0x80, v4, vm0, $0xb8;
	[tilespmem:$0x1C800] =	vst v63  }
0x414: {  	v3 =	vadd.s32 v1, v3  }
0x415: {  	[tilespmem:s0], [sflag:$0x2] =	stream.indirect_vreg.gather [hbm4b:s14+s3], $0x80, v4, vm0, $0xb8;
	[tilespmem:$0x1C800] =	vst v63  }
0x416: {  	_ = 	snop  }
0x417: {  	[tilespmem:s4], [sflag:$0x2] =	stream.indirect_vreg.gather [hbm4b:s15+s3], $0x80, v4, vm0, $0xb8;
	[tilespmem:$0x1C800] =	vst v63  }
0x418: {  	_ = 	snop  }
0x419: {  	[tilespmem:s10], [sflag:$0x2] =	stream.indirect_vreg.gather [hbm4b:s2+s3], $0x80, v3, vm0, $0xb8;
	[tilespmem:$0x1C800] =	vst v63  }
0x41a: {  	_ = 	snop  }
0x41b: {  	[tilespmem:s11], [sflag:$0x2] =	stream.indirect_vreg.gather [hbm4b:s14+s3], $0x80, v3, vm0, $0xb8;
	[tilespmem:$0x1C800] =	vst v63  }
0x41c: {  	_ = 	snop  }
0x41d: {  	[tilespmem:s12], [sflag:$0x2] =	stream.indirect_vreg.gather [hbm4b:s15+s3], $0x80, v3, vm0, $0xb8;
	[tilespmem:$0x1C800] =	vst v63  }
0x41e: {  	v3 =	vld [tilespmem:s1+$0x80];
	_ =	sdelay $0x4  }
0x41f: {  	v44 =	vshrl.u32 v3, $0x3  }
0x420: {  	v4 =	vmul.u32 $0x30, v44  }
0x421: {  	v3 =	vand.u32 $0x7, v3  }
0x422: {  	v3 =	vor.u32 v3, v4  }
0x423: {  	v4 =	vperm.xlane v3, v0;
	_ =	sdelay $0x1  }
0x424: {  	v4 =	vadd.s32 v1, v4;
	_ =	sdelay $0x3  }
0x425: {  	v3 =	vperm.xlane v3, v2  }
0x426: {  	[tilespmem:s13], [sflag:$0x2] =	stream.indirect_vreg.gather [hbm4b:s2+s3], $0x80, v4, vm0, $0xb8;
	[tilespmem:$0x1C800] =	vst v63  }
0x427: {  	v3 =	vadd.s32 v1, v3  }
0x428: {  	[tilespmem:s17], [sflag:$0x2] =	stream.indirect_vreg.gather [hbm4b:s14+s3], $0x80, v4, vm0, $0xb8;
	[tilespmem:$0x1C800] =	vst v63  }
0x429: {  	_ = 	snop  }
0x42a: {  	[tilespmem:s25], [sflag:$0x2] =	stream.indirect_vreg.gather [hbm4b:s15+s3], $0x80, v4, vm0, $0xb8;
	[tilespmem:$0x1C800] =	vst v63  }
0x42b: {  	_ = 	snop  }
0x42c: {  	[tilespmem:s19], [sflag:$0x2] =	stream.indirect_vreg.gather [hbm4b:s2+s3], $0x80, v3, vm0, $0xb8;
	[tilespmem:$0x1C800] =	vst v63  }
0x42d: {  	s8 =	simm.s32 $0x12800  }
0x42e: {  	[tilespmem:s8], [sflag:$0x2] =	stream.indirect_vreg.gather [hbm4b:s14+s3], $0x80, v3, vm0, $0xb8;
	[tilespmem:$0x1C800] =	vst v63  }
0x42f: {  	_ = 	snop  }
0x430: {  	[tilespmem:s21], [sflag:$0x2] =	stream.indirect_vreg.gather [hbm4b:s15+s3], $0x80, v3, vm0, $0xb8;
	[tilespmem:$0x1C800] =	vst v63  }
0x431: {  	v3 =	vld [tilespmem:s1+$0x90];
	_ =	sdelay $0x4  }
0x432: {  	v45 =	vshrl.u32 v3, $0x3  }
0x433: {  	v4 =	vmul.u32 $0x30, v45  }
0x434: {  	v3 =	vand.u32 $0x7, v3  }
0x435: {  	v3 =	vor.u32 v3, v4  }
0x436: {  	v4 =	vperm.xlane v3, v0;
	_ =	sdelay $0x1  }
0x437: {  	v4 =	vadd.s32 v1, v4;
	_ =	sdelay $0x3  }
0x438: {  	s9 =	simm.s32 $0x13800;
	v3 =	vperm.xlane v3, v2  }
0x439: {  	[tilespmem:s9], [sflag:$0x2] =	stream.indirect_vreg.gather [hbm4b:s2+s3], $0x80, v4, vm0, $0xb8;
	[tilespmem:$0x1C800] =	vst v63  }
0x43a: {  	v3 =	vadd.s32 v1, v3  }
0x43b: {  	[tilespmem:s23], [sflag:$0x2] =	stream.indirect_vreg.gather [hbm4b:s14+s3], $0x80, v4, vm0, $0xb8;
	[tilespmem:$0x1C800] =	vst v63  }
0x43c: {  	s23 =	simm.s32 $0x14800  }
0x43d: {  	[tilespmem:s23], [sflag:$0x2] =	stream.indirect_vreg.gather [hbm4b:s15+s3], $0x80, v4, vm0, $0xb8;
	[tilespmem:$0x1C800] =	vst v63  }
0x43e: {  	s24 =	simm.s32 $0x15000  }
0x43f: {  	[tilespmem:s24], [sflag:$0x2] =	stream.indirect_vreg.gather [hbm4b:s2+s3], $0x80, v3, vm0, $0xb8;
	[tilespmem:$0x1C800] =	vst v63  }
0x440: {  	s10 =	simm.s32 $0x15800  }
0x441: {  	[tilespmem:s10], [sflag:$0x2] =	stream.indirect_vreg.gather [hbm4b:s14+s3], $0x80, v3, vm0, $0xb8;
	[tilespmem:$0x1C800] =	vst v63  }
0x442: {  	_ = 	snop  }
0x443: {  	[tilespmem:s6], [sflag:$0x2] =	stream.indirect_vreg.gather [hbm4b:s15+s3], $0x80, v3, vm0, $0xb8;
	[tilespmem:$0x1C800] =	vst v63  }
0x444: {  	_ =	swait.ge [sflag:s18], $0x9000  }
0x445: {  	s11 =	sld [smem:$0x7F6];
	_ =	sdelay $0x1  }
0x446: {  	[sflag:s18] =	ssyncset.done $0x0;
	s12 =	sld [smem:$0x7F7]  }
0x447: {  	s6 =	simm.s32 $0x4800;
	[sflag:s18] =	ssyncadd.s32 $0xFFFF7000;
	s5 =	sadd.s32 s7, s11  }
0x448: {  	[hbm4b:s5+s3] =	stream.linear.scatter [tilespmem:s6], [sflag:$0x3], $0x9000, $0x38;
	[tilespmem:$0x1C800] =	vst v63  }
0x449: {  	s13 =	simm.s32 $0x19800;
	s5 =	sadd.s32 s7, s12  }
0x44a: {  	[hbm4b:s5+s3] =	stream.linear.scatter [tilespmem:s13], [sflag:$0x8], $0x80, $0x38;
	[tilespmem:$0x1C800] =	vst v63  }
0x44b: {  	s17 =	simm.s32 $0x19C00;
	s16 =	sadd.s32 $0x80, s5  }
0x44c: {  	[hbm4b:s16+s3] =	stream.linear.scatter [tilespmem:s17], [sflag:$0x8], $0x80, $0x38;
	[tilespmem:$0x1C800] =	vst v63  }
0x44d: {  	s21 =	simm.s32 $0x1A000;
	s19 =	sadd.s32 $0x100, s5  }
0x44e: {  	[hbm4b:s19+s3] =	stream.linear.scatter [tilespmem:s21], [sflag:$0x8], $0x80, $0x38;
	[tilespmem:$0x1C800] =	vst v63  }
0x44f: {  	s26 =	simm.s32 $0x1A400;
	s25 =	sadd.s32 $0x180, s5  }
0x450: {  	[hbm4b:s25+s3] =	stream.linear.scatter [tilespmem:s26], [sflag:$0x8], $0x80, $0x38;
	[tilespmem:$0x1C800] =	vst v63  }
0x451: {  	s4 =	simm.s32 $0x1A800;
	s10 =	sld [smem:$0x7F8];
	s0 =	sadd.s32 $0x200, s5  }
0x452: {  	[hbm4b:s0+s3] =	stream.linear.scatter [tilespmem:s4], [sflag:$0x8], $0x80, $0x38;
	[tilespmem:$0x1C800] =	vst v63  }
0x453: {  	s8 =	simm.s32 $0x1AC00;
	s5 =	sadd.s32 $0x280, s5  }
0x454: {  	[hbm4b:s5+s3] =	stream.linear.scatter [tilespmem:s8], [sflag:$0x8], $0x80, $0x38;
	[tilespmem:$0x1C800] =	vst v63  }
0x455: {  	s11 =	simm.s32 $0x19880;
	s5 =	sadd.s32 s7, s10  }
0x456: {  	[hbm4b:s5+s3] =	stream.linear.scatter [tilespmem:s11], [sflag:$0x8], $0x80, $0x38;
	[tilespmem:$0x1C800] =	vst v63  }
0x457: {  	s13 =	simm.s32 $0x19C80;
	s12 =	sadd.s32 $0x80, s5  }
0x458: {  	[hbm4b:s12+s3] =	stream.linear.scatter [tilespmem:s13], [sflag:$0x8], $0x80, $0x38;
	[tilespmem:$0x1C800] =	vst v63  }
0x459: {  	s17 =	simm.s32 $0x1A080;
	s16 =	sadd.s32 $0x100, s5  }
0x45a: {  	[hbm4b:s16+s3] =	stream.linear.scatter [tilespmem:s17], [sflag:$0x8], $0x80, $0x38;
	[tilespmem:$0x1C800] =	vst v63  }
0x45b: {  	s21 =	simm.s32 $0x1A480;
	s19 =	sadd.s32 $0x180, s5  }
0x45c: {  	[hbm4b:s19+s3] =	stream.linear.scatter [tilespmem:s21], [sflag:$0x8], $0x80, $0x38;
	[tilespmem:$0x1C800] =	vst v63  }
0x45d: {  	s26 =	simm.s32 $0x1A880;
	s25 =	sadd.s32 $0x200, s5  }
0x45e: {  	[hbm4b:s25+s3] =	stream.linear.scatter [tilespmem:s26], [sflag:$0x8], $0x80, $0x38;
	[tilespmem:$0x1C800] =	vst v63  }
0x45f: {  	s0 =	simm.s32 $0x1AC80;
	s5 =	sadd.s32 $0x280, s5  }
0x460: {  	[hbm4b:s5+s3] =	stream.linear.scatter [tilespmem:s0], [sflag:$0x8], $0x80, $0x38;
	[tilespmem:$0x1C800] =	vst v63  }
0x461: {  	_ =	swait.ge [sflag:s28], $0x9000  }
0x462: {  	[sflag:s28] =	ssyncset.done $0x0  }
0x463: {  	[sflag:s28] =	ssyncadd.s32 $0xFFFF7000  }
0x464: {  	v3 =	vld [tilespmem:s1+$0xF0];
	_ =	sdelay $0x4  }
0x465: {  	v46 =	vshrl.u32 v3, $0x3  }
0x466: {  	v4 =	vmul.u32 $0x30, v46  }
0x467: {  	v3 =	vand.u32 $0x7, v3  }
0x468: {  	v3 =	vor.u32 v3, v4  }
0x469: {  	v4 =	vperm.xlane v3, v0;
	_ =	sdelay $0x1  }
0x46a: {  	v4 =	vadd.s32 v1, v4;
	_ =	sdelay $0x3  }
0x46b: {  	v3 =	vperm.xlane v3, v2  }
0x46c: {  	[tilespmem:s6], [sflag:$0x1] =	stream.indirect_vreg.gather [hbm4b:s2+s3], $0x80, v4, vm0, $0xb8;
	[tilespmem:$0x1C800] =	vst v63  }
0x46d: {  	s21 =	simm.s32 $0x5000;
	v3 =	vadd.s32 v1, v3  }
0x46e: {  	[tilespmem:s21], [sflag:$0x1] =	stream.indirect_vreg.gather [hbm4b:s14+s3], $0x80, v4, vm0, $0xb8;
	[tilespmem:$0x1C800] =	vst v63  }
0x46f: {  	s25 =	simm.s32 $0x5800  }
0x470: {  	[tilespmem:s25], [sflag:$0x1] =	stream.indirect_vreg.gather [hbm4b:s15+s3], $0x80, v4, vm0, $0xb8;
	[tilespmem:$0x1C800] =	vst v63  }
0x471: {  	s4 =	simm.s32 $0x6000  }
0x472: {  	[tilespmem:s4], [sflag:$0x1] =	stream.indirect_vreg.gather [hbm4b:s2+s3], $0x80, v3, vm0, $0xb8;
	[tilespmem:$0x1C800] =	vst v63  }
0x473: {  	s5 =	simm.s32 $0x6800  }
0x474: {  	[tilespmem:s5], [sflag:$0x1] =	stream.indirect_vreg.gather [hbm4b:s14+s3], $0x80, v3, vm0, $0xb8;
	[tilespmem:$0x1C800] =	vst v63  }
0x475: {  	s6 =	simm.s32 $0x7000  }
0x476: {  	[tilespmem:s6], [sflag:$0x1] =	stream.indirect_vreg.gather [hbm4b:s15+s3], $0x80, v3, vm0, $0xb8;
	[tilespmem:$0x1C800] =	vst v63  }
0x477: {  	v3 =	vld [tilespmem:s1+$0x100];
	_ =	sdelay $0x4  }
0x478: {  	v47 =	vshrl.u32 v3, $0x3  }
0x479: {  	v4 =	vmul.u32 $0x30, v47  }
0x47a: {  	v3 =	vand.u32 $0x7, v3  }
0x47b: {  	v3 =	vor.u32 v3, v4  }
0x47c: {  	v4 =	vperm.xlane v3, v0;
	_ =	sdelay $0x1  }
0x47d: {  	v4 =	vadd.s32 v1, v4;
	_ =	sdelay $0x3  }
0x47e: {  	s8 =	simm.s32 $0x7800;
	v3 =	vperm.xlane v3, v2  }
0x47f: {  	[tilespmem:s8], [sflag:$0x1] =	stream.indirect_vreg.gather [hbm4b:s2+s3], $0x80, v4, vm0, $0xb8;
	[tilespmem:$0x1C800] =	vst v63  }
0x480: {  	s9 =	simm.s32 $0x8000;
	v3 =	vadd.s32 v1, v3  }
0x481: {  	[tilespmem:s9], [sflag:$0x1] =	stream.indirect_vreg.gather [hbm4b:s14+s3], $0x80, v4, vm0, $0xb8;
	[tilespmem:$0x1C800] =	vst v63  }
0x482: {  	s26 =	simm.s32 $0x8800  }
0x483: {  	[tilespmem:s26], [sflag:$0x1] =	stream.indirect_vreg.gather [hbm4b:s15+s3], $0x80, v4, vm0, $0xb8;
	[tilespmem:$0x1C800] =	vst v63  }
0x484: {  	s10 =	simm.s32 $0x9000  }
0x485: {  	[tilespmem:s10], [sflag:$0x1] =	stream.indirect_vreg.gather [hbm4b:s2+s3], $0x80, v3, vm0, $0xb8;
	[tilespmem:$0x1C800] =	vst v63  }
0x486: {  	s16 =	simm.s32 $0x9800  }
0x487: {  	[tilespmem:s16], [sflag:$0x1] =	stream.indirect_vreg.gather [hbm4b:s14+s3], $0x80, v3, vm0, $0xb8;
	[tilespmem:$0x1C800] =	vst v63  }
0x488: {  	s4 =	simm.s32 $0xA000  }
0x489: {  	[tilespmem:s4], [sflag:$0x1] =	stream.indirect_vreg.gather [hbm4b:s15+s3], $0x80, v3, vm0, $0xb8;
	[tilespmem:$0x1C800] =	vst v63  }
0x48a: {  	v3 =	vld [tilespmem:s1+$0x110];
	_ =	sdelay $0x4  }
0x48b: {  	v48 =	vshrl.u32 v3, $0x3  }
0x48c: {  	v4 =	vmul.u32 $0x30, v48  }
0x48d: {  	v3 =	vand.u32 $0x7, v3  }
0x48e: {  	v3 =	vor.u32 v3, v4  }
0x48f: {  	v4 =	vperm.xlane v3, v0;
	_ =	sdelay $0x1  }
0x490: {  	v4 =	vadd.s32 v1, v4;
	_ =	sdelay $0x3  }
0x491: {  	s6 =	simm.s32 $0xA800;
	v3 =	vperm.xlane v3, v2  }
0x492: {  	[tilespmem:s6], [sflag:$0x1] =	stream.indirect_vreg.gather [hbm4b:s2+s3], $0x80, v4, vm0, $0xb8;
	[tilespmem:$0x1C800] =	vst v63  }
0x493: {  	s8 =	simm.s32 $0xB000;
	v3 =	vadd.s32 v1, v3  }
0x494: {  	[tilespmem:s8], [sflag:$0x1] =	stream.indirect_vreg.gather [hbm4b:s14+s3], $0x80, v4, vm0, $0xb8;
	[tilespmem:$0x1C800] =	vst v63  }
0x495: {  	s9 =	simm.s32 $0xB800  }
0x496: {  	[tilespmem:s9], [sflag:$0x1] =	stream.indirect_vreg.gather [hbm4b:s15+s3], $0x80, v4, vm0, $0xb8;
	[tilespmem:$0x1C800] =	vst v63  }
0x497: {  	s16 =	simm.s32 $0xC000  }
0x498: {  	[tilespmem:s16], [sflag:$0x1] =	stream.indirect_vreg.gather [hbm4b:s2+s3], $0x80, v3, vm0, $0xb8;
	[tilespmem:$0x1C800] =	vst v63  }
0x499: {  	s9 =	simm.s32 $0xC800  }
0x49a: {  	[tilespmem:s9], [sflag:$0x1] =	stream.indirect_vreg.gather [hbm4b:s14+s3], $0x80, v3, vm0, $0xb8;
	[tilespmem:$0x1C800] =	vst v63  }
0x49b: {  	s5 =	simm.s32 $0x2;
	s16 =	simm.s32 $0xD000  }
0x49c: {  	[tilespmem:s16], [sflag:$0x1] =	stream.indirect_vreg.gather [hbm4b:s15+s3], $0x80, v3, vm0, $0xb8;
	[tilespmem:$0x1C800] =	vst v63  }
0x49d: {  	_ =	swait.ge [sflag:s5], $0x9000  }
0x49e: {  	[sflag:s5] =	ssyncset.done $0x0  }
0x49f: {  	s9 =	sadd.s32 $0xBD00, s20;
	s16 =	rddreg [dreg:$0x9];
	[sflag:s5] =	ssyncadd.s32 $0xFFFF7000  }
0x4a0: {  	[hbm4b:s9+s3] =	stream.linear.scatter [tilespmem:s29], [sflag:$0x4], $0x9000, $0x38;
	[tilespmem:$0x1C800] =	vst v63  }
0x4a1: {  	s6 =	simm.s32 $0x19900;
	s5 =	sadd.s32 s7, s16  }
0x4a2: {  	[hbm4b:s5+s3] =	stream.linear.scatter [tilespmem:s6], [sflag:$0x8], $0x80, $0x38;
	[tilespmem:$0x1C800] =	vst v63  }
0x4a3: {  	s16 =	sadd.s32 $0x80, s5;
	s6 =	simm.s32 $0x19D00  }
0x4a4: {  	[hbm4b:s16+s3] =	stream.linear.scatter [tilespmem:s6], [sflag:$0x8], $0x80, $0x38;
	[tilespmem:$0x1C800] =	vst v63  }
0x4a5: {  	s16 =	sadd.s32 $0x100, s5;
	s6 =	simm.s32 $0x1A100  }
0x4a6: {  	[hbm4b:s16+s3] =	stream.linear.scatter [tilespmem:s6], [sflag:$0x8], $0x80, $0x38;
	[tilespmem:$0x1C800] =	vst v63  }
0x4a7: {  	s16 =	sadd.s32 $0x180, s5;
	s6 =	simm.s32 $0x1A500  }
0x4a8: {  	[hbm4b:s16+s3] =	stream.linear.scatter [tilespmem:s6], [sflag:$0x8], $0x80, $0x38;
	[tilespmem:$0x1C800] =	vst v63  }
0x4a9: {  	s16 =	sadd.s32 $0x200, s5;
	s6 =	simm.s32 $0x1A900  }
0x4aa: {  	[hbm4b:s16+s3] =	stream.linear.scatter [tilespmem:s6], [sflag:$0x8], $0x80, $0x38;
	[tilespmem:$0x1C800] =	vst v63  }
0x4ab: {  	s5 =	sadd.s32 $0x280, s5;
	s6 =	simm.s32 $0x1AD00;
	s16 =	rddreg [dreg:$0xa]  }
0x4ac: {  	[hbm4b:s5+s3] =	stream.linear.scatter [tilespmem:s6], [sflag:$0x8], $0x80, $0x38;
	[tilespmem:$0x1C800] =	vst v63  }
0x4ad: {  	s5 =	sadd.s32 s7, s16;
	s6 =	simm.s32 $0x19980  }
0x4ae: {  	[hbm4b:s5+s3] =	stream.linear.scatter [tilespmem:s6], [sflag:$0x8], $0x80, $0x38;
	[tilespmem:$0x1C800] =	vst v63  }
0x4af: {  	s16 =	sadd.s32 $0x80, s5;
	s6 =	simm.s32 $0x19D80  }
0x4b0: {  	[hbm4b:s16+s3] =	stream.linear.scatter [tilespmem:s6], [sflag:$0x8], $0x80, $0x38;
	[tilespmem:$0x1C800] =	vst v63  }
0x4b1: {  	s16 =	sadd.s32 $0x100, s5;
	s6 =	simm.s32 $0x1A180  }
0x4b2: {  	[hbm4b:s16+s3] =	stream.linear.scatter [tilespmem:s6], [sflag:$0x8], $0x80, $0x38;
	[tilespmem:$0x1C800] =	vst v63  }
0x4b3: {  	s16 =	sadd.s32 $0x180, s5;
	s6 =	simm.s32 $0x1A580  }
0x4b4: {  	[hbm4b:s16+s3] =	stream.linear.scatter [tilespmem:s6], [sflag:$0x8], $0x80, $0x38;
	[tilespmem:$0x1C800] =	vst v63  }
0x4b5: {  	s16 =	sadd.s32 $0x200, s5;
	s6 =	simm.s32 $0x1A980  }
0x4b6: {  	[hbm4b:s16+s3] =	stream.linear.scatter [tilespmem:s6], [sflag:$0x8], $0x80, $0x38;
	[tilespmem:$0x1C800] =	vst v63  }
0x4b7: {  	s5 =	sadd.s32 $0x280, s5;
	s16 =	simm.s32 $0x1AD80  }
0x4b8: {  	[hbm4b:s5+s3] =	stream.linear.scatter [tilespmem:s16], [sflag:$0x8], $0x80, $0x38;
	[tilespmem:$0x1C800] =	vst v63  }
0x4b9: {  	_ =	swait.ge [sflag:s22], $0x9000  }
0x4ba: {  	[sflag:s22] =	ssyncset.done $0x0  }
0x4bb: {  	[sflag:s22] =	ssyncadd.s32 $0xFFFF7000  }
0x4bc: {  	v3 =	vld [tilespmem:s1+$0x170];
	_ =	sdelay $0x4  }
0x4bd: {  	v49 =	vshrl.u32 v3, $0x3  }
0x4be: {  	v4 =	vmul.u32 $0x30, v49  }
0x4bf: {  	v3 =	vand.u32 $0x7, v3  }
0x4c0: {  	v3 =	vor.u32 v3, v4  }
0x4c1: {  	v4 =	vperm.xlane v3, v0;
	_ =	sdelay $0x1  }
0x4c2: {  	v4 =	vadd.s32 v1, v4;
	_ =	sdelay $0x3  }
0x4c3: {  	v3 =	vperm.xlane v3, v2  }
0x4c4: {  	[tilespmem:s29], [sflag:$0x2] =	stream.indirect_vreg.gather [hbm4b:s2+s3], $0x80, v4, vm0, $0xb8;
	[tilespmem:$0x1C800] =	vst v63  }
0x4c5: {  	s0 =	simm.s32 $0xE000;
	v3 =	vadd.s32 v1, v3  }
0x4c6: {  	[tilespmem:s0], [sflag:$0x2] =	stream.indirect_vreg.gather [hbm4b:s14+s3], $0x80, v4, vm0, $0xb8;
	[tilespmem:$0x1C800] =	vst v63  }
0x4c7: {  	s8 =	simm.s32 $0xE800  }
0x4c8: {  	[tilespmem:s8], [sflag:$0x2] =	stream.indirect_vreg.gather [hbm4b:s15+s3], $0x80, v4, vm0, $0xb8;
	[tilespmem:$0x1C800] =	vst v63  }
0x4c9: {  	s4 =	simm.s32 $0xF000  }
0x4ca: {  	[tilespmem:s4], [sflag:$0x2] =	stream.indirect_vreg.gather [hbm4b:s2+s3], $0x80, v3, vm0, $0xb8;
	[tilespmem:$0x1C800] =	vst v63  }
0x4cb: {  	s10 =	simm.s32 $0xF800  }
0x4cc: {  	[tilespmem:s10], [sflag:$0x2] =	stream.indirect_vreg.gather [hbm4b:s14+s3], $0x80, v3, vm0, $0xb8;
	[tilespmem:$0x1C800] =	vst v63  }
0x4cd: {  	s11 =	simm.s32 $0x10000  }
0x4ce: {  	[tilespmem:s11], [sflag:$0x2] =	stream.indirect_vreg.gather [hbm4b:s15+s3], $0x80, v3, vm0, $0xb8;
	[tilespmem:$0x1C800] =	vst v63  }
0x4cf: {  	v3 =	vld [tilespmem:s1+$0x180];
	_ =	sdelay $0x4  }
0x4d0: {  	v50 =	vshrl.u32 v3, $0x3  }
0x4d1: {  	v4 =	vmul.u32 $0x30, v50  }
0x4d2: {  	v3 =	vand.u32 $0x7, v3  }
0x4d3: {  	v3 =	vor.u32 v3, v4  }
0x4d4: {  	v4 =	vperm.xlane v3, v0;
	_ =	sdelay $0x1  }
0x4d5: {  	v4 =	vadd.s32 v1, v4;
	_ =	sdelay $0x3  }
0x4d6: {  	s12 =	simm.s32 $0x10800;
	v3 =	vperm.xlane v3, v2  }
0x4d7: {  	[tilespmem:s12], [sflag:$0x2] =	stream.indirect_vreg.gather [hbm4b:s2+s3], $0x80, v4, vm0, $0xb8;
	[tilespmem:$0x1C800] =	vst v63  }
0x4d8: {  	s13 =	simm.s32 $0x11000;
	v3 =	vadd.s32 v1, v3  }
0x4d9: {  	[tilespmem:s13], [sflag:$0x2] =	stream.indirect_vreg.gather [hbm4b:s14+s3], $0x80, v4, vm0, $0xb8;
	[tilespmem:$0x1C800] =	vst v63  }
0x4da: {  	s19 =	simm.s32 $0x11800  }
0x4db: {  	[tilespmem:s19], [sflag:$0x2] =	stream.indirect_vreg.gather [hbm4b:s15+s3], $0x80, v4, vm0, $0xb8;
	[tilespmem:$0x1C800] =	vst v63  }
0x4dc: {  	s17 =	simm.s32 $0x12000  }
0x4dd: {  	[tilespmem:s17], [sflag:$0x2] =	stream.indirect_vreg.gather [hbm4b:s2+s3], $0x80, v3, vm0, $0xb8;
	[tilespmem:$0x1C800] =	vst v63  }
0x4de: {  	s17 =	simm.s32 $0x12800  }
0x4df: {  	[tilespmem:s17], [sflag:$0x2] =	stream.indirect_vreg.gather [hbm4b:s14+s3], $0x80, v3, vm0, $0xb8;
	[tilespmem:$0x1C800] =	vst v63  }
0x4e0: {  	s19 =	simm.s32 $0x13000  }
0x4e1: {  	[tilespmem:s19], [sflag:$0x2] =	stream.indirect_vreg.gather [hbm4b:s15+s3], $0x80, v3, vm0, $0xb8;
	[tilespmem:$0x1C800] =	vst v63  }
0x4e2: {  	v3 =	vld [tilespmem:s1+$0x190];
	_ =	sdelay $0x4  }
0x4e3: {  	v51 =	vshrl.u32 v3, $0x3  }
0x4e4: {  	v4 =	vmul.u32 $0x30, v51  }
0x4e5: {  	v3 =	vand.u32 $0x7, v3  }
0x4e6: {  	v3 =	vor.u32 v3, v4  }
0x4e7: {  	v4 =	vperm.xlane v3, v0;
	_ =	sdelay $0x1  }
0x4e8: {  	v4 =	vadd.s32 v1, v4;
	_ =	sdelay $0x3  }
0x4e9: {  	s8 =	simm.s32 $0x13800;
	v3 =	vperm.xlane v3, v2  }
0x4ea: {  	[tilespmem:s8], [sflag:$0x2] =	stream.indirect_vreg.gather [hbm4b:s2+s3], $0x80, v4, vm0, $0xb8;
	[tilespmem:$0x1C800] =	vst v63  }
0x4eb: {  	s0 =	simm.s32 $0x14000;
	v3 =	vadd.s32 v1, v3  }
0x4ec: {  	[tilespmem:s0], [sflag:$0x2] =	stream.indirect_vreg.gather [hbm4b:s14+s3], $0x80, v4, vm0, $0xb8;
	[tilespmem:$0x1C800] =	vst v63  }
0x4ed: {  	_ = 	snop  }
0x4ee: {  	[tilespmem:s23], [sflag:$0x2] =	stream.indirect_vreg.gather [hbm4b:s15+s3], $0x80, v4, vm0, $0xb8;
	[tilespmem:$0x1C800] =	vst v63  }
0x4ef: {  	_ = 	snop  }
0x4f0: {  	[tilespmem:s24], [sflag:$0x2] =	stream.indirect_vreg.gather [hbm4b:s2+s3], $0x80, v3, vm0, $0xb8;
	[tilespmem:$0x1C800] =	vst v63  }
0x4f1: {  	s6 =	simm.s32 $0x15800  }
0x4f2: {  	[tilespmem:s6], [sflag:$0x2] =	stream.indirect_vreg.gather [hbm4b:s14+s3], $0x80, v3, vm0, $0xb8;
	[tilespmem:$0x1C800] =	vst v63  }
0x4f3: {  	s23 =	simm.s32 $0x16000  }
0x4f4: {  	[tilespmem:s23], [sflag:$0x2] =	stream.indirect_vreg.gather [hbm4b:s15+s3], $0x80, v3, vm0, $0xb8;
	[tilespmem:$0x1C800] =	vst v63  }
0x4f5: {  	_ =	swait.ge [sflag:s18], $0x9000  }
0x4f6: {  	s4 =	sadd.s32 $0xD200, s20;
	[sflag:s18] =	ssyncset.done $0x0  }
0x4f7: {  	s24 =	simm.s32 $0x4800;
	s9 =	rddreg [dreg:$0xc];
	[sflag:s18] =	ssyncadd.s32 $0xFFFF7000  }
0x4f8: {  	[hbm4b:s4+s3] =	stream.linear.scatter [tilespmem:s24], [sflag:$0x3], $0x9000, $0x38;
	[tilespmem:$0x1C800] =	vst v63  }
0x4f9: {  	s10 =	simm.s32 $0x19A00;
	s5 =	sadd.s32 s7, s9  }
0x4fa: {  	[hbm4b:s5+s3] =	stream.linear.scatter [tilespmem:s10], [sflag:$0x8], $0x80, $0x38;
	[tilespmem:$0x1C800] =	vst v63  }
0x4fb: {  	s13 =	simm.s32 $0x19E00;
	s12 =	sadd.s32 $0x80, s5  }
0x4fc: {  	[hbm4b:s12+s3] =	stream.linear.scatter [tilespmem:s13], [sflag:$0x8], $0x80, $0x38;
	[tilespmem:$0x1C800] =	vst v63  }
0x4fd: {  	s19 =	simm.s32 $0x1A200;
	s17 =	sadd.s32 $0x100, s5  }
0x4fe: {  	[hbm4b:s17+s3] =	stream.linear.scatter [tilespmem:s19], [sflag:$0x8], $0x80, $0x38;
	[tilespmem:$0x1C800] =	vst v63  }
0x4ff: {  	s0 =	sadd.s32 $0x180, s5;
	s4 =	simm.s32 $0x1A600  }
0x500: {  	[hbm4b:s0+s3] =	stream.linear.scatter [tilespmem:s4], [sflag:$0x8], $0x80, $0x38;
	[tilespmem:$0x1C800] =	vst v63  }
0x501: {  	s10 =	sadd.s32 $0x200, s5;
	s12 =	simm.s32 $0x1AA00  }
0x502: {  	[hbm4b:s10+s3] =	stream.linear.scatter [tilespmem:s12], [sflag:$0x8], $0x80, $0x38;
	[tilespmem:$0x1C800] =	vst v63  }
0x503: {  	s16 =	rddreg [dreg:$0xd];
	s5 =	sadd.s32 $0x280, s5;
	s13 =	simm.s32 $0x1AE00  }
0x504: {  	[hbm4b:s5+s3] =	stream.linear.scatter [tilespmem:s13], [sflag:$0x8], $0x80, $0x38;
	[tilespmem:$0x1C800] =	vst v63  }
0x505: {  	s17 =	simm.s32 $0x19A80;
	s5 =	sadd.s32 s7, s16  }
0x506: {  	[hbm4b:s5+s3] =	stream.linear.scatter [tilespmem:s17], [sflag:$0x8], $0x80, $0x38;
	[tilespmem:$0x1C800] =	vst v63  }
0x507: {  	s0 =	simm.s32 $0x19E80;
	s19 =	sadd.s32 $0x80, s5  }
0x508: {  	[hbm4b:s19+s3] =	stream.linear.scatter [tilespmem:s0], [sflag:$0x8], $0x80, $0x38;
	[tilespmem:$0x1C800] =	vst v63  }
0x509: {  	s10 =	simm.s32 $0x1A280;
	s4 =	sadd.s32 $0x100, s5  }
0x50a: {  	[hbm4b:s4+s3] =	stream.linear.scatter [tilespmem:s10], [sflag:$0x8], $0x80, $0x38;
	[tilespmem:$0x1C800] =	vst v63  }
0x50b: {  	s13 =	simm.s32 $0x1A680;
	s12 =	sadd.s32 $0x180, s5  }
0x50c: {  	[hbm4b:s12+s3] =	stream.linear.scatter [tilespmem:s13], [sflag:$0x8], $0x80, $0x38;
	[tilespmem:$0x1C800] =	vst v63  }
0x50d: {  	s16 =	sadd.s32 $0x200, s5;
	s17 =	simm.s32 $0x1AA80  }
0x50e: {  	[hbm4b:s16+s3] =	stream.linear.scatter [tilespmem:s17], [sflag:$0x8], $0x80, $0x38;
	[tilespmem:$0x1C800] =	vst v63  }
0x50f: {  	s5 =	sadd.s32 $0x280, s5;
	s19 =	simm.s32 $0x1AE80  }
0x510: {  	[hbm4b:s5+s3] =	stream.linear.scatter [tilespmem:s19], [sflag:$0x8], $0x80, $0x38;
	[tilespmem:$0x1C800] =	vst v63  }
0x511: {  	_ =	swait.ge [sflag:s28], $0x9000  }
0x512: {  	[sflag:s28] =	ssyncset.done $0x0  }
0x513: {  	[sflag:s28] =	ssyncadd.s32 $0xFFFF7000  }
0x514: {  	v3 =	vld [tilespmem:s1+$0x1F0];
	_ =	sdelay $0x4  }
0x515: {  	v52 =	vshrl.u32 v3, $0x3  }
0x516: {  	v4 =	vmul.u32 $0x30, v52  }
0x517: {  	v3 =	vand.u32 $0x7, v3  }
0x518: {  	v3 =	vor.u32 v3, v4  }
0x519: {  	v4 =	vperm.xlane v3, v0;
	_ =	sdelay $0x1  }
0x51a: {  	v4 =	vadd.s32 v1, v4;
	_ =	sdelay $0x3  }
0x51b: {  	v3 =	vperm.xlane v3, v2  }
0x51c: {  	[tilespmem:s24], [sflag:$0x1] =	stream.indirect_vreg.gather [hbm4b:s2+s3], $0x80, v4, vm0, $0xb8;
	[tilespmem:$0x1C800] =	vst v63  }
0x51d: {  	v3 =	vadd.s32 v1, v3  }
0x51e: {  	[tilespmem:s21], [sflag:$0x1] =	stream.indirect_vreg.gather [hbm4b:s14+s3], $0x80, v4, vm0, $0xb8;
	[tilespmem:$0x1C800] =	vst v63  }
0x51f: {  	_ = 	snop  }
0x520: {  	[tilespmem:s25], [sflag:$0x1] =	stream.indirect_vreg.gather [hbm4b:s15+s3], $0x80, v4, vm0, $0xb8;
	[tilespmem:$0x1C800] =	vst v63  }
0x521: {  	s25 =	simm.s32 $0x6000  }
0x522: {  	[tilespmem:s25], [sflag:$0x1] =	stream.indirect_vreg.gather [hbm4b:s2+s3], $0x80, v3, vm0, $0xb8;
	[tilespmem:$0x1C800] =	vst v63  }
0x523: {  	s0 =	simm.s32 $0x6800  }
0x524: {  	[tilespmem:s0], [sflag:$0x1] =	stream.indirect_vreg.gather [hbm4b:s14+s3], $0x80, v3, vm0, $0xb8;
	[tilespmem:$0x1C800] =	vst v63  }
0x525: {  	s4 =	simm.s32 $0x7000  }
0x526: {  	[tilespmem:s4], [sflag:$0x1] =	stream.indirect_vreg.gather [hbm4b:s15+s3], $0x80, v3, vm0, $0xb8;
	[tilespmem:$0x1C800] =	vst v63  }
0x527: {  	v3 =	vld [tilespmem:s1+$0x200];
	_ =	sdelay $0x4  }
0x528: {  	v53 =	vshrl.u32 v3, $0x3  }
0x529: {  	v4 =	vmul.u32 $0x30, v53  }
0x52a: {  	v3 =	vand.u32 $0x7, v3  }
0x52b: {  	v3 =	vor.u32 v3, v4  }
0x52c: {  	v4 =	vperm.xlane v3, v0;
	_ =	sdelay $0x1  }
0x52d: {  	v4 =	vadd.s32 v1, v4;
	_ =	sdelay $0x3  }
0x52e: {  	s9 =	simm.s32 $0x7800;
	v3 =	vperm.xlane v3, v2  }
0x52f: {  	[tilespmem:s9], [sflag:$0x1] =	stream.indirect_vreg.gather [hbm4b:s2+s3], $0x80, v4, vm0, $0xb8;
	[tilespmem:$0x1C800] =	vst v63  }
0x530: {  	s10 =	simm.s32 $0x8000;
	v3 =	vadd.s32 v1, v3  }
0x531: {  	[tilespmem:s10], [sflag:$0x1] =	stream.indirect_vreg.gather [hbm4b:s14+s3], $0x80, v4, vm0, $0xb8;
	[tilespmem:$0x1C800] =	vst v63  }
0x532: {  	_ = 	snop  }
0x533: {  	[tilespmem:s26], [sflag:$0x1] =	stream.indirect_vreg.gather [hbm4b:s15+s3], $0x80, v4, vm0, $0xb8;
	[tilespmem:$0x1C800] =	vst v63  }
0x534: {  	s12 =	simm.s32 $0x9000  }
0x535: {  	[tilespmem:s12], [sflag:$0x1] =	stream.indirect_vreg.gather [hbm4b:s2+s3], $0x80, v3, vm0, $0xb8;
	[tilespmem:$0x1C800] =	vst v63  }
0x536: {  	s16 =	simm.s32 $0x9800  }
0x537: {  	[tilespmem:s16], [sflag:$0x1] =	stream.indirect_vreg.gather [hbm4b:s14+s3], $0x80, v3, vm0, $0xb8;
	[tilespmem:$0x1C800] =	vst v63  }
0x538: {  	s0 =	simm.s32 $0xA000  }
0x539: {  	[tilespmem:s0], [sflag:$0x1] =	stream.indirect_vreg.gather [hbm4b:s15+s3], $0x80, v3, vm0, $0xb8;
	[tilespmem:$0x1C800] =	vst v63  }
0x53a: {  	v3 =	vld [tilespmem:s1+$0x210];
	_ =	sdelay $0x4  }
0x53b: {  	v54 =	vshrl.u32 v3, $0x3  }
0x53c: {  	v4 =	vmul.u32 $0x30, v54  }
0x53d: {  	v3 =	vand.u32 $0x7, v3  }
0x53e: {  	v3 =	vor.u32 v3, v4  }
0x53f: {  	v4 =	vperm.xlane v3, v0;
	_ =	sdelay $0x1  }
0x540: {  	v4 =	vadd.s32 v1, v4;
	_ =	sdelay $0x3  }
0x541: {  	s4 =	simm.s32 $0xA800;
	v3 =	vperm.xlane v3, v2  }
0x542: {  	[tilespmem:s4], [sflag:$0x1] =	stream.indirect_vreg.gather [hbm4b:s2+s3], $0x80, v4, vm0, $0xb8;
	[tilespmem:$0x1C800] =	vst v63  }
0x543: {  	s9 =	simm.s32 $0xB000;
	v3 =	vadd.s32 v1, v3  }
0x544: {  	[tilespmem:s9], [sflag:$0x1] =	stream.indirect_vreg.gather [hbm4b:s14+s3], $0x80, v4, vm0, $0xb8;
	[tilespmem:$0x1C800] =	vst v63  }
0x545: {  	s10 =	simm.s32 $0xB800  }
0x546: {  	[tilespmem:s10], [sflag:$0x1] =	stream.indirect_vreg.gather [hbm4b:s15+s3], $0x80, v4, vm0, $0xb8;
	[tilespmem:$0x1C800] =	vst v63  }
0x547: {  	s16 =	simm.s32 $0xC000  }
0x548: {  	[tilespmem:s16], [sflag:$0x1] =	stream.indirect_vreg.gather [hbm4b:s2+s3], $0x80, v3, vm0, $0xb8;
	[tilespmem:$0x1C800] =	vst v63  }
0x549: {  	s4 =	simm.s32 $0xC800  }
0x54a: {  	[tilespmem:s4], [sflag:$0x1] =	stream.indirect_vreg.gather [hbm4b:s14+s3], $0x80, v3, vm0, $0xb8;
	[tilespmem:$0x1C800] =	vst v63  }
0x54b: {  	s26 =	simm.s32 $0x2;
	s9 =	simm.s32 $0xD000  }
0x54c: {  	[tilespmem:s9], [sflag:$0x1] =	stream.indirect_vreg.gather [hbm4b:s15+s3], $0x80, v3, vm0, $0xb8;
	[tilespmem:$0x1C800] =	vst v63  }
0x54d: {  	_ =	swait.ge [sflag:s26], $0x9000  }
0x54e: {  	[sflag:s26] =	ssyncset.done $0x0  }
0x54f: {  	s10 =	sadd.s32 $0xE700, s20;
	s16 =	rddreg [dreg:$0xe];
	[sflag:s26] =	ssyncadd.s32 $0xFFFF7000  }
0x550: {  	[hbm4b:s10+s3] =	stream.linear.scatter [tilespmem:s29], [sflag:$0x4], $0x9000, $0x38;
	[tilespmem:$0x1C800] =	vst v63  }
0x551: {  	s0 =	simm.s32 $0x19B00;
	s5 =	sadd.s32 s7, s16  }
0x552: {  	[hbm4b:s5+s3] =	stream.linear.scatter [tilespmem:s0], [sflag:$0x8], $0x80, $0x38;
	[tilespmem:$0x1C800] =	vst v63  }
0x553: {  	s4 =	sadd.s32 $0x80, s5;
	s10 =	simm.s32 $0x19F00  }
0x554: {  	[hbm4b:s4+s3] =	stream.linear.scatter [tilespmem:s10], [sflag:$0x8], $0x80, $0x38;
	[tilespmem:$0x1C800] =	vst v63  }
0x555: {  	s16 =	sadd.s32 $0x100, s5;
	s0 =	simm.s32 $0x1A300  }
0x556: {  	[hbm4b:s16+s3] =	stream.linear.scatter [tilespmem:s0], [sflag:$0x8], $0x80, $0x38;
	[tilespmem:$0x1C800] =	vst v63  }
0x557: {  	s4 =	sadd.s32 $0x180, s5;
	s10 =	simm.s32 $0x1A700  }
0x558: {  	[hbm4b:s4+s3] =	stream.linear.scatter [tilespmem:s10], [sflag:$0x8], $0x80, $0x38;
	[tilespmem:$0x1C800] =	vst v63  }
0x559: {  	s0 =	sadd.s32 $0x200, s5;
	s4 =	simm.s32 $0x1AB00  }
0x55a: {  	[hbm4b:s0+s3] =	stream.linear.scatter [tilespmem:s4], [sflag:$0x8], $0x80, $0x38;
	[tilespmem:$0x1C800] =	vst v63  }
0x55b: {  	s5 =	sadd.s32 $0x280, s5;
	s16 =	rddreg [dreg:$0xf];
	s10 =	simm.s32 $0x1AF00  }
0x55c: {  	[hbm4b:s5+s3] =	stream.linear.scatter [tilespmem:s10], [sflag:$0x8], $0x80, $0x38;
	[tilespmem:$0x1C800] =	vst v63  }
0x55d: {  	s0 =	simm.s32 $0x19B80;
	s5 =	sadd.s32 s7, s16  }
0x55e: {  	[hbm4b:s5+s3] =	stream.linear.scatter [tilespmem:s0], [sflag:$0x8], $0x80, $0x38;
	[tilespmem:$0x1C800] =	vst v63  }
0x55f: {  	s10 =	simm.s32 $0x19F80;
	s4 =	sadd.s32 $0x80, s5  }
0x560: {  	[hbm4b:s4+s3] =	stream.linear.scatter [tilespmem:s10], [sflag:$0x8], $0x80, $0x38;
	[tilespmem:$0x1C800] =	vst v63  }
0x561: {  	s16 =	sadd.s32 $0x100, s5;
	s0 =	simm.s32 $0x1A380  }
0x562: {  	[hbm4b:s16+s3] =	stream.linear.scatter [tilespmem:s0], [sflag:$0x8], $0x80, $0x38;
	[tilespmem:$0x1C800] =	vst v63  }
0x563: {  	s4 =	sadd.s32 $0x180, s5;
	s10 =	simm.s32 $0x1A780  }
0x564: {  	[hbm4b:s4+s3] =	stream.linear.scatter [tilespmem:s10], [sflag:$0x8], $0x80, $0x38;
	[tilespmem:$0x1C800] =	vst v63  }
0x565: {  	s0 =	sadd.s32 $0x200, s5;
	s4 =	simm.s32 $0x1AB80  }
0x566: {  	[hbm4b:s0+s3] =	stream.linear.scatter [tilespmem:s4], [sflag:$0x8], $0x80, $0x38;
	[tilespmem:$0x1C800] =	vst v63  }
0x567: {  	s5 =	sadd.s32 $0x280, s5;
	s10 =	simm.s32 $0x1AF80  }
0x568: {  	[hbm4b:s5+s3] =	stream.linear.scatter [tilespmem:s10], [sflag:$0x8], $0x80, $0x38;
	[tilespmem:$0x1C800] =	vst v63  }
0x569: {  	_ =	swait.ge [sflag:s22], $0x9000  }
0x56a: {  	[sflag:s22] =	ssyncset.done $0x0  }
0x56b: {  	[sflag:s22] =	ssyncadd.s32 $0xFFFF7000  }
0x56c: {  	v3 =	vld [tilespmem:s1+$0x270];
	_ =	sdelay $0x4  }
0x56d: {  	v55 =	vshrl.u32 v3, $0x3  }
0x56e: {  	v4 =	vmul.u32 $0x30, v55  }
0x56f: {  	v3 =	vand.u32 $0x7, v3  }
0x570: {  	v3 =	vor.u32 v3, v4  }
0x571: {  	v4 =	vperm.xlane v3, v0;
	_ =	sdelay $0x1  }
0x572: {  	v4 =	vadd.s32 v1, v4;
	_ =	sdelay $0x3  }
0x573: {  	v3 =	vperm.xlane v3, v2  }
0x574: {  	[tilespmem:s29], [sflag:$0x2] =	stream.indirect_vreg.gather [hbm4b:s2+s3], $0x80, v4, vm0, $0xb8;
	[tilespmem:$0x1C800] =	vst v63  }
0x575: {  	s10 =	simm.s32 $0xE000;
	v3 =	vadd.s32 v1, v3  }
0x576: {  	[tilespmem:s10], [sflag:$0x2] =	stream.indirect_vreg.gather [hbm4b:s14+s3], $0x80, v4, vm0, $0xb8;
	[tilespmem:$0x1C800] =	vst v63  }
0x577: {  	s4 =	simm.s32 $0xE800  }
0x578: {  	[tilespmem:s4], [sflag:$0x2] =	stream.indirect_vreg.gather [hbm4b:s15+s3], $0x80, v4, vm0, $0xb8;
	[tilespmem:$0x1C800] =	vst v63  }
0x579: {  	s0 =	simm.s32 $0xF000  }
0x57a: {  	[tilespmem:s0], [sflag:$0x2] =	stream.indirect_vreg.gather [hbm4b:s2+s3], $0x80, v3, vm0, $0xb8;
	[tilespmem:$0x1C800] =	vst v63  }
0x57b: {  	s16 =	simm.s32 $0xF800  }
0x57c: {  	[tilespmem:s16], [sflag:$0x2] =	stream.indirect_vreg.gather [hbm4b:s14+s3], $0x80, v3, vm0, $0xb8;
	[tilespmem:$0x1C800] =	vst v63  }
0x57d: {  	s9 =	simm.s32 $0x10000  }
0x57e: {  	[tilespmem:s9], [sflag:$0x2] =	stream.indirect_vreg.gather [hbm4b:s15+s3], $0x80, v3, vm0, $0xb8;
	[tilespmem:$0x1C800] =	vst v63  }
0x57f: {  	v3 =	vld [tilespmem:s1+$0x280];
	_ =	sdelay $0x4  }
0x580: {  	v56 =	vshrl.u32 v3, $0x3  }
0x581: {  	v4 =	vmul.u32 $0x30, v56  }
0x582: {  	v3 =	vand.u32 $0x7, v3  }
0x583: {  	v3 =	vor.u32 v3, v4  }
0x584: {  	v4 =	vperm.xlane v3, v0;
	_ =	sdelay $0x1  }
0x585: {  	v4 =	vadd.s32 v1, v4;
	_ =	sdelay $0x3  }
0x586: {  	s16 =	simm.s32 $0x10800;
	v3 =	vperm.xlane v3, v2  }
0x587: {  	[tilespmem:s16], [sflag:$0x2] =	stream.indirect_vreg.gather [hbm4b:s2+s3], $0x80, v4, vm0, $0xb8;
	[tilespmem:$0x1C800] =	vst v63  }
0x588: {  	s9 =	simm.s32 $0x11000;
	v3 =	vadd.s32 v1, v3  }
0x589: {  	[tilespmem:s9], [sflag:$0x2] =	stream.indirect_vreg.gather [hbm4b:s14+s3], $0x80, v4, vm0, $0xb8;
	[tilespmem:$0x1C800] =	vst v63  }
0x58a: {  	s16 =	simm.s32 $0x11800  }
0x58b: {  	[tilespmem:s16], [sflag:$0x2] =	stream.indirect_vreg.gather [hbm4b:s15+s3], $0x80, v4, vm0, $0xb8;
	[tilespmem:$0x1C800] =	vst v63  }
0x58c: {  	s9 =	simm.s32 $0x12000  }
0x58d: {  	[tilespmem:s9], [sflag:$0x2] =	stream.indirect_vreg.gather [hbm4b:s2+s3], $0x80, v3, vm0, $0xb8;
	[tilespmem:$0x1C800] =	vst v63  }
0x58e: {  	s11 =	simm.s32 $0x12800  }
0x58f: {  	[tilespmem:s11], [sflag:$0x2] =	stream.indirect_vreg.gather [hbm4b:s14+s3], $0x80, v3, vm0, $0xb8;
	[tilespmem:$0x1C800] =	vst v63  }
0x590: {  	s16 =	simm.s32 $0x13000  }
0x591: {  	[tilespmem:s16], [sflag:$0x2] =	stream.indirect_vreg.gather [hbm4b:s15+s3], $0x80, v3, vm0, $0xb8;
	[tilespmem:$0x1C800] =	vst v63  }
0x592: {  	v3 =	vld [tilespmem:s1+$0x290];
	_ =	sdelay $0x4  }
0x593: {  	v57 =	vshrl.u32 v3, $0x3  }
0x594: {  	v4 =	vmul.u32 $0x30, v57  }
0x595: {  	v3 =	vand.u32 $0x7, v3  }
0x596: {  	v3 =	vor.u32 v3, v4  }
0x597: {  	v4 =	vperm.xlane v3, v0;
	_ =	sdelay $0x1  }
0x598: {  	v4 =	vadd.s32 v1, v4;
	_ =	sdelay $0x3  }
0x599: {  	v3 =	vperm.xlane v3, v2  }
0x59a: {  	[tilespmem:s8], [sflag:$0x2] =	stream.indirect_vreg.gather [hbm4b:s2+s3], $0x80, v4, vm0, $0xb8;
	[tilespmem:$0x1C800] =	vst v63  }
0x59b: {  	s9 =	simm.s32 $0x14000;
	v3 =	vadd.s32 v1, v3  }
0x59c: {  	[tilespmem:s9], [sflag:$0x2] =	stream.indirect_vreg.gather [hbm4b:s14+s3], $0x80, v4, vm0, $0xb8;
	[tilespmem:$0x1C800] =	vst v63  }
0x59d: {  	s16 =	simm.s32 $0x14800  }
0x59e: {  	[tilespmem:s16], [sflag:$0x2] =	stream.indirect_vreg.gather [hbm4b:s15+s3], $0x80, v4, vm0, $0xb8;
	[tilespmem:$0x1C800] =	vst v63  }
0x59f: {  	s9 =	simm.s32 $0x15000  }
0x5a0: {  	[tilespmem:s9], [sflag:$0x2] =	stream.indirect_vreg.gather [hbm4b:s2+s3], $0x80, v3, vm0, $0xb8;
	[tilespmem:$0x1C800] =	vst v63  }
0x5a1: {  	_ = 	snop  }
0x5a2: {  	[tilespmem:s6], [sflag:$0x2] =	stream.indirect_vreg.gather [hbm4b:s14+s3], $0x80, v3, vm0, $0xb8;
	[tilespmem:$0x1C800] =	vst v63  }
0x5a3: {  	_ = 	snop  }
0x5a4: {  	[tilespmem:s23], [sflag:$0x2] =	stream.indirect_vreg.gather [hbm4b:s15+s3], $0x80, v3, vm0, $0xb8;
	[tilespmem:$0x1C800] =	vst v63  }
0x5a5: {  	_ =	swait.ge [sflag:s18], $0x9000  }
0x5a6: {  	s24 =	simm.s32 $0x4800;
	[sflag:s18] =	ssyncset.done $0x0  }
0x5a7: {  	s16 =	sadd.s32 $0xFC00, s20;
	s9 =	rddreg [dreg:$0x12];
	[sflag:s18] =	ssyncadd.s32 $0xFFFF7000  }
0x5a8: {  	[hbm4b:s16+s3] =	stream.linear.scatter [tilespmem:s24], [sflag:$0x3], $0x9000, $0x38;
	[tilespmem:$0x1C800] =	vst v63  }
0x5a9: {  	s5 =	sadd.s32 s7, s9;
	s16 =	simm.s32 $0x1B000  }
0x5aa: {  	[hbm4b:s5+s3] =	stream.linear.scatter [tilespmem:s16], [sflag:$0x8], $0x80, $0x38;
	[tilespmem:$0x1C800] =	vst v63  }
0x5ab: {  	s9 =	sadd.s32 $0x80, s5;
	s16 =	simm.s32 $0x1B400  }
0x5ac: {  	[hbm4b:s9+s3] =	stream.linear.scatter [tilespmem:s16], [sflag:$0x8], $0x80, $0x38;
	[tilespmem:$0x1C800] =	vst v63  }
0x5ad: {  	s9 =	sadd.s32 $0x100, s5;
	s16 =	simm.s32 $0x1B800  }
0x5ae: {  	[hbm4b:s9+s3] =	stream.linear.scatter [tilespmem:s16], [sflag:$0x8], $0x80, $0x38;
	[tilespmem:$0x1C800] =	vst v63  }
0x5af: {  	s9 =	sadd.s32 $0x180, s5;
	s16 =	simm.s32 $0x1BC00  }
0x5b0: {  	[hbm4b:s9+s3] =	stream.linear.scatter [tilespmem:s16], [sflag:$0x8], $0x80, $0x38;
	[tilespmem:$0x1C800] =	vst v63  }
0x5b1: {  	s9 =	sadd.s32 $0x200, s5;
	s16 =	simm.s32 $0x1C000  }
0x5b2: {  	[hbm4b:s9+s3] =	stream.linear.scatter [tilespmem:s16], [sflag:$0x8], $0x80, $0x38;
	[tilespmem:$0x1C800] =	vst v63  }
0x5b3: {  	s5 =	sadd.s32 $0x280, s5;
	s16 =	simm.s32 $0x1C400;
	s9 =	rddreg [dreg:$0x13]  }
0x5b4: {  	[hbm4b:s5+s3] =	stream.linear.scatter [tilespmem:s16], [sflag:$0x8], $0x80, $0x38;
	[tilespmem:$0x1C800] =	vst v63  }
0x5b5: {  	s5 =	sadd.s32 s7, s9;
	s16 =	simm.s32 $0x1B080  }
0x5b6: {  	[hbm4b:s5+s3] =	stream.linear.scatter [tilespmem:s16], [sflag:$0x8], $0x80, $0x38;
	[tilespmem:$0x1C800] =	vst v63  }
0x5b7: {  	s9 =	sadd.s32 $0x80, s5;
	s16 =	simm.s32 $0x1B480  }
0x5b8: {  	[hbm4b:s9+s3] =	stream.linear.scatter [tilespmem:s16], [sflag:$0x8], $0x80, $0x38;
	[tilespmem:$0x1C800] =	vst v63  }
0x5b9: {  	s9 =	sadd.s32 $0x100, s5;
	s16 =	simm.s32 $0x1B880  }
0x5ba: {  	[hbm4b:s9+s3] =	stream.linear.scatter [tilespmem:s16], [sflag:$0x8], $0x80, $0x38;
	[tilespmem:$0x1C800] =	vst v63  }
0x5bb: {  	s9 =	sadd.s32 $0x180, s5;
	s16 =	simm.s32 $0x1BC80  }
0x5bc: {  	[hbm4b:s9+s3] =	stream.linear.scatter [tilespmem:s16], [sflag:$0x8], $0x80, $0x38;
	[tilespmem:$0x1C800] =	vst v63  }
0x5bd: {  	s9 =	sadd.s32 $0x200, s5;
	s16 =	simm.s32 $0x1C080  }
0x5be: {  	[hbm4b:s9+s3] =	stream.linear.scatter [tilespmem:s16], [sflag:$0x8], $0x80, $0x38;
	[tilespmem:$0x1C800] =	vst v63  }
0x5bf: {  	s5 =	sadd.s32 $0x280, s5;
	s16 =	simm.s32 $0x1C480  }
0x5c0: {  	[hbm4b:s5+s3] =	stream.linear.scatter [tilespmem:s16], [sflag:$0x8], $0x80, $0x38;
	[tilespmem:$0x1C800] =	vst v63  }
0x5c1: {  	_ =	swait.ge [sflag:s28], $0x9000  }
0x5c2: {  	[sflag:s28] =	ssyncset.done $0x0  }
0x5c3: {  	[sflag:s28] =	ssyncadd.s32 $0xFFFF7000  }
0x5c4: {  	v3 =	vld [tilespmem:s1+$0x2F0];
	_ =	sdelay $0x4  }
0x5c5: {  	v58 =	vshrl.u32 v3, $0x3  }
0x5c6: {  	v4 =	vmul.u32 $0x30, v58  }
0x5c7: {  	v3 =	vand.u32 $0x7, v3  }
0x5c8: {  	v3 =	vor.u32 v3, v4  }
0x5c9: {  	v4 =	vperm.xlane v3, v0;
	_ =	sdelay $0x1  }
0x5ca: {  	v4 =	vadd.s32 v1, v4;
	_ =	sdelay $0x3  }
0x5cb: {  	v3 =	vperm.xlane v3, v2  }
0x5cc: {  	[tilespmem:s24], [sflag:$0x1] =	stream.indirect_vreg.gather [hbm4b:s2+s3], $0x80, v4, vm0, $0xb8;
	[tilespmem:$0x1C800] =	vst v63  }
0x5cd: {  	s21 =	simm.s32 $0x5000;
	v3 =	vadd.s32 v1, v3  }
0x5ce: {  	[tilespmem:s21], [sflag:$0x1] =	stream.indirect_vreg.gather [hbm4b:s14+s3], $0x80, v4, vm0, $0xb8;
	[tilespmem:$0x1C800] =	vst v63  }
0x5cf: {  	s16 =	simm.s32 $0x5800  }
0x5d0: {  	[tilespmem:s16], [sflag:$0x1] =	stream.indirect_vreg.gather [hbm4b:s15+s3], $0x80, v4, vm0, $0xb8;
	[tilespmem:$0x1C800] =	vst v63  }
0x5d1: {  	s19 =	simm.s32 $0x6000  }
0x5d2: {  	[tilespmem:s19], [sflag:$0x1] =	stream.indirect_vreg.gather [hbm4b:s2+s3], $0x80, v3, vm0, $0xb8;
	[tilespmem:$0x1C800] =	vst v63  }
0x5d3: {  	s17 =	simm.s32 $0x6800  }
0x5d4: {  	[tilespmem:s17], [sflag:$0x1] =	stream.indirect_vreg.gather [hbm4b:s14+s3], $0x80, v3, vm0, $0xb8;
	[tilespmem:$0x1C800] =	vst v63  }
0x5d5: {  	s21 =	simm.s32 $0x7000  }
0x5d6: {  	[tilespmem:s21], [sflag:$0x1] =	stream.indirect_vreg.gather [hbm4b:s15+s3], $0x80, v3, vm0, $0xb8;
	[tilespmem:$0x1C800] =	vst v63  }
0x5d7: {  	v3 =	vld [tilespmem:s1+$0x300];
	_ =	sdelay $0x4  }
0x5d8: {  	v59 =	vshrl.u32 v3, $0x3  }
0x5d9: {  	v4 =	vmul.u32 $0x30, v59  }
0x5da: {  	v3 =	vand.u32 $0x7, v3  }
0x5db: {  	v3 =	vor.u32 v3, v4  }
0x5dc: {  	v4 =	vperm.xlane v3, v0;
	_ =	sdelay $0x1  }
0x5dd: {  	v4 =	vadd.s32 v1, v4;
	_ =	sdelay $0x3  }
0x5de: {  	s9 =	simm.s32 $0x7800;
	v3 =	vperm.xlane v3, v2  }
0x5df: {  	[tilespmem:s9], [sflag:$0x1] =	stream.indirect_vreg.gather [hbm4b:s2+s3], $0x80, v4, vm0, $0xb8;
	[tilespmem:$0x1C800] =	vst v63  }
0x5e0: {  	s13 =	simm.s32 $0x8000;
	v3 =	vadd.s32 v1, v3  }
0x5e1: {  	[tilespmem:s13], [sflag:$0x1] =	stream.indirect_vreg.gather [hbm4b:s14+s3], $0x80, v4, vm0, $0xb8;
	[tilespmem:$0x1C800] =	vst v63  }
0x5e2: {  	s25 =	simm.s32 $0x8800  }
0x5e3: {  	[tilespmem:s25], [sflag:$0x1] =	stream.indirect_vreg.gather [hbm4b:s15+s3], $0x80, v4, vm0, $0xb8;
	[tilespmem:$0x1C800] =	vst v63  }
0x5e4: {  	s12 =	simm.s32 $0x9000  }
0x5e5: {  	[tilespmem:s12], [sflag:$0x1] =	stream.indirect_vreg.gather [hbm4b:s2+s3], $0x80, v3, vm0, $0xb8;
	[tilespmem:$0x1C800] =	vst v63  }
0x5e6: {  	s16 =	simm.s32 $0x9800  }
0x5e7: {  	[tilespmem:s16], [sflag:$0x1] =	stream.indirect_vreg.gather [hbm4b:s14+s3], $0x80, v3, vm0, $0xb8;
	[tilespmem:$0x1C800] =	vst v63  }
0x5e8: {  	s17 =	simm.s32 $0xA000  }
0x5e9: {  	[tilespmem:s17], [sflag:$0x1] =	stream.indirect_vreg.gather [hbm4b:s15+s3], $0x80, v3, vm0, $0xb8;
	[tilespmem:$0x1C800] =	vst v63  }
0x5ea: {  	v3 =	vld [tilespmem:s1+$0x310];
	_ =	sdelay $0x4  }
0x5eb: {  	v60 =	vshrl.u32 v3, $0x3  }
0x5ec: {  	v4 =	vmul.u32 $0x30, v60  }
0x5ed: {  	v3 =	vand.u32 $0x7, v3  }
0x5ee: {  	v3 =	vor.u32 v3, v4  }
0x5ef: {  	v4 =	vperm.xlane v3, v0;
	_ =	sdelay $0x1  }
0x5f0: {  	v4 =	vadd.s32 v1, v4;
	_ =	sdelay $0x3  }
0x5f1: {  	s19 =	simm.s32 $0xA800;
	v3 =	vperm.xlane v3, v2  }
0x5f2: {  	[tilespmem:s19], [sflag:$0x1] =	stream.indirect_vreg.gather [hbm4b:s2+s3], $0x80, v4, vm0, $0xb8;
	[tilespmem:$0x1C800] =	vst v63  }
0x5f3: {  	s21 =	simm.s32 $0xB000;
	v3 =	vadd.s32 v1, v3  }
0x5f4: {  	[tilespmem:s21], [sflag:$0x1] =	stream.indirect_vreg.gather [hbm4b:s14+s3], $0x80, v4, vm0, $0xb8;
	[tilespmem:$0x1C800] =	vst v63  }
0x5f5: {  	s25 =	simm.s32 $0xB800  }
0x5f6: {  	[tilespmem:s25], [sflag:$0x1] =	stream.indirect_vreg.gather [hbm4b:s15+s3], $0x80, v4, vm0, $0xb8;
	[tilespmem:$0x1C800] =	vst v63  }
0x5f7: {  	s9 =	simm.s32 $0xC000  }
0x5f8: {  	[tilespmem:s9], [sflag:$0x1] =	stream.indirect_vreg.gather [hbm4b:s2+s3], $0x80, v3, vm0, $0xb8;
	[tilespmem:$0x1C800] =	vst v63  }
0x5f9: {  	s12 =	simm.s32 $0xC800  }
0x5fa: {  	[tilespmem:s12], [sflag:$0x1] =	stream.indirect_vreg.gather [hbm4b:s14+s3], $0x80, v3, vm0, $0xb8;
	[tilespmem:$0x1C800] =	vst v63  }
0x5fb: {  	s13 =	simm.s32 $0xD000  }
0x5fc: {  	[tilespmem:s13], [sflag:$0x1] =	stream.indirect_vreg.gather [hbm4b:s15+s3], $0x80, v3, vm0, $0xb8;
	[tilespmem:$0x1C800] =	vst v63  }
0x5fd: {  	_ =	swait.ge [sflag:s26], $0x9000  }
0x5fe: {  	[sflag:s26] =	ssyncset.done $0x0  }
0x5ff: {  	s16 =	sadd.s32 $0x11100, s20;
	s17 =	rddreg [dreg:$0x16];
	[sflag:s26] =	ssyncadd.s32 $0xFFFF7000  }
0x600: {  	[hbm4b:s16+s3] =	stream.linear.scatter [tilespmem:s29], [sflag:$0x4], $0x9000, $0x38;
	[tilespmem:$0x1C800] =	vst v63  }
0x601: {  	s19 =	simm.s32 $0x1B100;
	s5 =	sadd.s32 s7, s17  }
0x602: {  	[hbm4b:s5+s3] =	stream.linear.scatter [tilespmem:s19], [sflag:$0x8], $0x80, $0x38;
	[tilespmem:$0x1C800] =	vst v63  }
0x603: {  	s25 =	simm.s32 $0x1B500;
	s21 =	sadd.s32 $0x80, s5  }
0x604: {  	[hbm4b:s21+s3] =	stream.linear.scatter [tilespmem:s25], [sflag:$0x8], $0x80, $0x38;
	[tilespmem:$0x1C800] =	vst v63  }
0x605: {  	s13 =	simm.s32 $0x1B900;
	s12 =	sadd.s32 $0x100, s5  }
0x606: {  	[hbm4b:s12+s3] =	stream.linear.scatter [tilespmem:s13], [sflag:$0x8], $0x80, $0x38;
	[tilespmem:$0x1C800] =	vst v63  }
0x607: {  	s17 =	sadd.s32 $0x180, s5;
	s19 =	simm.s32 $0x1BD00  }
0x608: {  	[hbm4b:s17+s3] =	stream.linear.scatter [tilespmem:s19], [sflag:$0x8], $0x80, $0x38;
	[tilespmem:$0x1C800] =	vst v63  }
0x609: {  	s21 =	sadd.s32 $0x200, s5;
	s25 =	simm.s32 $0x1C100  }
0x60a: {  	[hbm4b:s21+s3] =	stream.linear.scatter [tilespmem:s25], [sflag:$0x8], $0x80, $0x38;
	[tilespmem:$0x1C800] =	vst v63  }
0x60b: {  	s5 =	sadd.s32 $0x280, s5;
	s12 =	simm.s32 $0x1C500;
	s13 =	rddreg [dreg:$0x17]  }
0x60c: {  	[hbm4b:s5+s3] =	stream.linear.scatter [tilespmem:s12], [sflag:$0x8], $0x80, $0x38;
	[tilespmem:$0x1C800] =	vst v63  }
0x60d: {  	s16 =	simm.s32 $0x1B180;
	s5 =	sadd.s32 s7, s13  }
0x60e: {  	[hbm4b:s5+s3] =	stream.linear.scatter [tilespmem:s16], [sflag:$0x8], $0x80, $0x38;
	[tilespmem:$0x1C800] =	vst v63  }
0x60f: {  	s19 =	simm.s32 $0x1B580;
	s17 =	sadd.s32 $0x80, s5  }
0x610: {  	[hbm4b:s17+s3] =	stream.linear.scatter [tilespmem:s19], [sflag:$0x8], $0x80, $0x38;
	[tilespmem:$0x1C800] =	vst v63  }
0x611: {  	s25 =	simm.s32 $0x1B980;
	s21 =	sadd.s32 $0x100, s5  }
0x612: {  	[hbm4b:s21+s3] =	stream.linear.scatter [tilespmem:s25], [sflag:$0x8], $0x80, $0x38;
	[tilespmem:$0x1C800] =	vst v63  }
0x613: {  	s13 =	simm.s32 $0x1BD80;
	s12 =	sadd.s32 $0x180, s5  }
0x614: {  	[hbm4b:s12+s3] =	stream.linear.scatter [tilespmem:s13], [sflag:$0x8], $0x80, $0x38;
	[tilespmem:$0x1C800] =	vst v63  }
0x615: {  	s17 =	sadd.s32 $0x200, s5;
	s19 =	simm.s32 $0x1C180  }
0x616: {  	[hbm4b:s17+s3] =	stream.linear.scatter [tilespmem:s19], [sflag:$0x8], $0x80, $0x38;
	[tilespmem:$0x1C800] =	vst v63  }
0x617: {  	s5 =	sadd.s32 $0x280, s5;
	s21 =	simm.s32 $0x1C580  }
0x618: {  	[hbm4b:s5+s3] =	stream.linear.scatter [tilespmem:s21], [sflag:$0x8], $0x80, $0x38;
	[tilespmem:$0x1C800] =	vst v63  }
0x619: {  	_ =	swait.ge [sflag:s22], $0x9000  }
0x61a: {  	[sflag:s22] =	ssyncset.done $0x0  }
0x61b: {  	[sflag:s22] =	ssyncadd.s32 $0xFFFF7000  }
0x61c: {  	v3 =	vld [tilespmem:s1+$0x370];
	_ =	sdelay $0x4  }
0x61d: {  	v61 =	vshrl.u32 v3, $0x3  }
0x61e: {  	v4 =	vmul.u32 $0x30, v61  }
0x61f: {  	v3 =	vand.u32 $0x7, v3  }
0x620: {  	v3 =	vor.u32 v3, v4  }
0x621: {  	v4 =	vperm.xlane v3, v0;
	_ =	sdelay $0x1  }
0x622: {  	v4 =	vadd.s32 v1, v4;
	_ =	sdelay $0x3  }
0x623: {  	v3 =	vperm.xlane v3, v2  }
0x624: {  	[tilespmem:s29], [sflag:$0x2] =	stream.indirect_vreg.gather [hbm4b:s2+s3], $0x80, v4, vm0, $0xb8;
	[tilespmem:$0x1C800] =	vst v63  }
0x625: {  	v3 =	vadd.s32 v1, v3  }
0x626: {  	[tilespmem:s10], [sflag:$0x2] =	stream.indirect_vreg.gather [hbm4b:s14+s3], $0x80, v4, vm0, $0xb8;
	[tilespmem:$0x1C800] =	vst v63  }
0x627: {  	_ = 	snop  }
0x628: {  	[tilespmem:s4], [sflag:$0x2] =	stream.indirect_vreg.gather [hbm4b:s15+s3], $0x80, v4, vm0, $0xb8;
	[tilespmem:$0x1C800] =	vst v63  }
0x629: {  	_ = 	snop  }
0x62a: {  	[tilespmem:s0], [sflag:$0x2] =	stream.indirect_vreg.gather [hbm4b:s2+s3], $0x80, v3, vm0, $0xb8;
	[tilespmem:$0x1C800] =	vst v63  }
0x62b: {  	s22 =	simm.s32 $0xF800  }
0x62c: {  	[tilespmem:s22], [sflag:$0x2] =	stream.indirect_vreg.gather [hbm4b:s14+s3], $0x80, v3, vm0, $0xb8;
	[tilespmem:$0x1C800] =	vst v63  }
0x62d: {  	s25 =	simm.s32 $0x10000  }
0x62e: {  	[tilespmem:s25], [sflag:$0x2] =	stream.indirect_vreg.gather [hbm4b:s15+s3], $0x80, v3, vm0, $0xb8;
	[tilespmem:$0x1C800] =	vst v63  }
0x62f: {  	v3 =	vld [tilespmem:s1+$0x380];
	_ =	sdelay $0x4  }
0x630: {  	v62 =	vshrl.u32 v3, $0x3  }
0x631: {  	v4 =	vmul.u32 $0x30, v62  }
0x632: {  	v3 =	vand.u32 $0x7, v3  }
0x633: {  	v3 =	vor.u32 v3, v4  }
0x634: {  	v4 =	vperm.xlane v3, v0;
	_ =	sdelay $0x1  }
0x635: {  	v4 =	vadd.s32 v1, v4;
	_ =	sdelay $0x3  }
0x636: {  	s4 =	simm.s32 $0x10800;
	v3 =	vperm.xlane v3, v2  }
0x637: {  	[tilespmem:s4], [sflag:$0x2] =	stream.indirect_vreg.gather [hbm4b:s2+s3], $0x80, v4, vm0, $0xb8;
	[tilespmem:$0x1C800] =	vst v63  }
0x638: {  	s5 =	simm.s32 $0x11000;
	v3 =	vadd.s32 v1, v3  }
0x639: {  	[tilespmem:s5], [sflag:$0x2] =	stream.indirect_vreg.gather [hbm4b:s14+s3], $0x80, v4, vm0, $0xb8;
	[tilespmem:$0x1C800] =	vst v63  }
0x63a: {  	s9 =	simm.s32 $0x11800  }
0x63b: {  	[tilespmem:s9], [sflag:$0x2] =	stream.indirect_vreg.gather [hbm4b:s15+s3], $0x80, v4, vm0, $0xb8;
	[tilespmem:$0x1C800] =	vst v63  }
0x63c: {  	s10 =	simm.s32 $0x12000  }
0x63d: {  	[tilespmem:s10], [sflag:$0x2] =	stream.indirect_vreg.gather [hbm4b:s2+s3], $0x80, v3, vm0, $0xb8;
	[tilespmem:$0x1C800] =	vst v63  }
0x63e: {  	s11 =	simm.s32 $0x12800  }
0x63f: {  	[tilespmem:s11], [sflag:$0x2] =	stream.indirect_vreg.gather [hbm4b:s14+s3], $0x80, v3, vm0, $0xb8;
	[tilespmem:$0x1C800] =	vst v63  }
0x640: {  	s11 =	simm.s32 $0x13000  }
0x641: {  	[tilespmem:s11], [sflag:$0x2] =	stream.indirect_vreg.gather [hbm4b:s15+s3], $0x80, v3, vm0, $0xb8;
	[tilespmem:$0x1C800] =	vst v63  }
0x642: {  	v3 =	vld [tilespmem:s1+$0x390];
	_ =	sdelay $0x4  }
0x643: {  	v63 =	vshrl.u32 v3, $0x3  }
0x644: {  	v4 =	vmul.u32 $0x30, v63  }
0x645: {  	v3 =	vand.u32 $0x7, v3  }
0x646: {  	v3 =	vor.u32 v3, v4  }
0x647: {  	v4 =	vperm.xlane v3, v0;
	_ =	sdelay $0x1  }
0x648: {  	v4 =	vadd.s32 v1, v4;
	_ =	sdelay $0x3  }
0x649: {  	s8 =	simm.s32 $0x13800;
	v3 =	vperm.xlane v3, v2  }
0x64a: {  	[tilespmem:s8], [sflag:$0x2] =	stream.indirect_vreg.gather [hbm4b:s2+s3], $0x80, v4, vm0, $0xb8;
	[tilespmem:$0x1C800] =	vst v63  }
0x64b: {  	s12 =	simm.s32 $0x14000;
	v3 =	vadd.s32 v1, v3  }
0x64c: {  	[tilespmem:s12], [sflag:$0x2] =	stream.indirect_vreg.gather [hbm4b:s14+s3], $0x80, v4, vm0, $0xb8;
	[tilespmem:$0x1C800] =	vst v63  }
0x64d: {  	s13 =	simm.s32 $0x14800  }
0x64e: {  	[tilespmem:s13], [sflag:$0x2] =	stream.indirect_vreg.gather [hbm4b:s15+s3], $0x80, v4, vm0, $0xb8;
	[tilespmem:$0x1C800] =	vst v63  }
0x64f: {  	s16 =	simm.s32 $0x15000  }
0x650: {  	[tilespmem:s16], [sflag:$0x2] =	stream.indirect_vreg.gather [hbm4b:s2+s3], $0x80, v3, vm0, $0xb8;
	[tilespmem:$0x1C800] =	vst v63  }
0x651: {  	s6 =	simm.s32 $0x15800  }
0x652: {  	[tilespmem:s6], [sflag:$0x2] =	stream.indirect_vreg.gather [hbm4b:s14+s3], $0x80, v3, vm0, $0xb8;
	[tilespmem:$0x1C800] =	vst v63  }
0x653: {  	s23 =	simm.s32 $0x16000  }
0x654: {  	[tilespmem:s23], [sflag:$0x2] =	stream.indirect_vreg.gather [hbm4b:s15+s3], $0x80, v3, vm0, $0xb8;
	[tilespmem:$0x1C800] =	vst v63  }
0x655: {  	_ =	swait.ge [sflag:s18], $0x9000  }
0x656: {  	[sflag:s18] =	ssyncset.done $0x0  }
0x657: {  	s17 =	sadd.s32 $0x12600, s20;
	[sflag:s18] =	ssyncadd.s32 $0xFFFF7000;
	s18 =	rddreg [dreg:$0x1a]  }
0x658: {  	[hbm4b:s17+s3] =	stream.linear.scatter [tilespmem:s24], [sflag:$0x3], $0x9000, $0x38;
	[tilespmem:$0x1C800] =	vst v63  }
0x659: {  	s19 =	simm.s32 $0x1B200;
	s5 =	sadd.s32 s7, s18  }
0x65a: {  	[hbm4b:s5+s3] =	stream.linear.scatter [tilespmem:s19], [sflag:$0x8], $0x80, $0x38;
	[tilespmem:$0x1C800] =	vst v63  }
0x65b: {  	s29 =	simm.s32 $0x16000;
	s22 =	simm.s32 $0x1B600;
	s21 =	sadd.s32 $0x80, s5  }
0x65c: {  	[hbm4b:s21+s3] =	stream.linear.scatter [tilespmem:s22], [sflag:$0x8], $0x80, $0x38;
	[tilespmem:$0x1C800] =	vst v63  }
0x65d: {  	s25 =	simm.s32 $0x1BA00;
	s4 =	simm.s32 $0x1BE00;
	s24 =	sadd.s32 $0x100, s5  }
0x65e: {  	[hbm4b:s24+s3] =	stream.linear.scatter [tilespmem:s25], [sflag:$0x8], $0x80, $0x38;
	[tilespmem:$0x1C800] =	vst v63  }
0x65f: {  	s9 =	simm.s32 $0xF800;
	s10 =	simm.s32 $0x1C600;
	s0 =	sadd.s32 $0x180, s5  }
0x660: {  	[hbm4b:s0+s3] =	stream.linear.scatter [tilespmem:s4], [sflag:$0x8], $0x80, $0x38;
	[tilespmem:$0x1C800] =	vst v63  }
0x661: {  	s8 =	simm.s32 $0x1C200;
	s12 =	simm.s32 $0x1B280;
	s6 =	sadd.s32 $0x200, s5  }
0x662: {  	[hbm4b:s6+s3] =	stream.linear.scatter [tilespmem:s8], [sflag:$0x8], $0x80, $0x38;
	[tilespmem:$0x1C800] =	vst v63  }
0x663: {  	s16 =	simm.s32 $0x1B680;
	s11 =	rddreg [dreg:$0x1b];
	s5 =	sadd.s32 $0x280, s5  }
0x664: {  	[hbm4b:s5+s3] =	stream.linear.scatter [tilespmem:s10], [sflag:$0x8], $0x80, $0x38;
	[tilespmem:$0x1C800] =	vst v63  }
0x665: {  	s23 =	simm.s32 $0x4800;
	s18 =	simm.s32 $0x1BA80;
	s5 =	sadd.s32 s7, s11  }
0x666: {  	[hbm4b:s5+s3] =	stream.linear.scatter [tilespmem:s12], [sflag:$0x8], $0x80, $0x38;
	[tilespmem:$0x1C800] =	vst v63  }
0x667: {  	s21 =	simm.s32 $0x1BE80;
	s24 =	simm.s32 $0x1C280;
	s13 =	sadd.s32 $0x80, s5  }
0x668: {  	[hbm4b:s13+s3] =	stream.linear.scatter [tilespmem:s16], [sflag:$0x8], $0x80, $0x38;
	[tilespmem:$0x1C800] =	vst v63  }
0x669: {  	s25 =	simm.s32 $0x1C680;
	s10 =	simm.s32 $0x10000;
	s17 =	sadd.s32 $0x100, s5  }
0x66a: {  	[hbm4b:s17+s3] =	stream.linear.scatter [tilespmem:s18], [sflag:$0x8], $0x80, $0x38;
	[tilespmem:$0x1C800] =	vst v63  }
0x66b: {  	s11 =	simm.s32 $0x10800;
	s19 =	sadd.s32 $0x180, s5;
	s22 =	sadd.s32 $0x200, s5  }
0x66c: {  	[hbm4b:s19+s3] =	stream.linear.scatter [tilespmem:s21], [sflag:$0x8], $0x80, $0x38;
	[tilespmem:$0x1C800] =	vst v63  }
0x66d: {  	s5 =	sadd.s32 $0x280, s5;
	s12 =	simm.s32 $0x11000;
	s13 =	simm.s32 $0x11800  }
0x66e: {  	[hbm4b:s22+s3] =	stream.linear.scatter [tilespmem:s24], [sflag:$0x8], $0x80, $0x38;
	[tilespmem:$0x1C800] =	vst v63  }
.Ltmp4:
0x66f: {  	s16 =	simm.s32 $0x15000;
	s17 =	simm.s32 $0x12000;
	(pc) =	sbr.rel @p0 .LBB2_7-.Ltmp4, $4  }
0x670: {  	[hbm4b:s5+s3] =	stream.linear.scatter [tilespmem:s25], [sflag:$0x8], $0x80, $0x38;
	[tilespmem:$0x1C800] =	vst v63  }
0x671: {  	s18 =	simm.s32 $0x12800;
	s19 =	simm.s32 $0x13000;
	_ =	swait.ge [sflag:s28], $0x9000  }
0x672: {  	s21 =	simm.s32 $0x14800;
	s22 =	simm.s32 $0x14000;
	[sflag:s28] =	ssyncset.done $0x0  }
0x673: {  	s24 =	simm.s32 $0x15800;
	s25 =	simm.s32 $0x13800;
	[sflag:s28] =	ssyncadd.s32 $0xFFFF7000  }
0x674: {  	v3 =	vld [tilespmem:s1+$0x3F0];
	_ =	sdelay $0x4  }
0x675: {  	v4 =	vshrl.u32 v3, $0x3  }
0x676: {  	v4 =	vmul.u32 $0x30, v4  }
0x677: {  	v3 =	vand.u32 $0x7, v3  }
0x678: {  	v3 =	vor.u32 v3, v4  }
0x679: {  	v4 =	vperm.xlane v3, v0;
	_ =	sdelay $0x1  }
0x67a: {  	v4 =	vadd.s32 v1, v4;
	_ =	sdelay $0x3  }
0x67b: {  	v3 =	vperm.xlane v3, v2  }
0x67c: {  	[tilespmem:s23], [sflag:$0x1] =	stream.indirect_vreg.gather [hbm4b:s2+s3], $0x80, v4, vm0, $0xb8;
	[tilespmem:$0x1C800] =	vst v63  }
0x67d: {  	s5 =	simm.s32 $0x5000;
	v3 =	vadd.s32 v1, v3  }
0x67e: {  	[tilespmem:s5], [sflag:$0x1] =	stream.indirect_vreg.gather [hbm4b:s14+s3], $0x80, v4, vm0, $0xb8;
	[tilespmem:$0x1C800] =	vst v63  }
0x67f: {  	s0 =	simm.s32 $0x5800  }
0x680: {  	[tilespmem:s0], [sflag:$0x1] =	stream.indirect_vreg.gather [hbm4b:s15+s3], $0x80, v4, vm0, $0xb8;
	[tilespmem:$0x1C800] =	vst v63  }
0x681: {  	s5 =	simm.s32 $0x6000  }
0x682: {  	[tilespmem:s5], [sflag:$0x1] =	stream.indirect_vreg.gather [hbm4b:s2+s3], $0x80, v3, vm0, $0xb8;
	[tilespmem:$0x1C800] =	vst v63  }
0x683: {  	s6 =	simm.s32 $0x6800  }
0x684: {  	[tilespmem:s6], [sflag:$0x1] =	stream.indirect_vreg.gather [hbm4b:s14+s3], $0x80, v3, vm0, $0xb8;
	[tilespmem:$0x1C800] =	vst v63  }
0x685: {  	s8 =	simm.s32 $0x7000  }
0x686: {  	[tilespmem:s8], [sflag:$0x1] =	stream.indirect_vreg.gather [hbm4b:s15+s3], $0x80, v3, vm0, $0xb8;
	[tilespmem:$0x1C800] =	vst v63  }
0x687: {  	v3 =	vld [tilespmem:s1+$0x400];
	_ =	sdelay $0x4  }
0x688: {  	v62 =	vshrl.u32 v3, $0x3  }
0x689: {  	v4 =	vmul.u32 $0x30, v62  }
0x68a: {  	v3 =	vand.u32 $0x7, v3  }
0x68b: {  	v3 =	vor.u32 v3, v4  }
0x68c: {  	v4 =	vperm.xlane v3, v0;
	_ =	sdelay $0x1  }
0x68d: {  	v4 =	vadd.s32 v1, v4;
	_ =	sdelay $0x3  }
0x68e: {  	s4 =	simm.s32 $0x7800;
	v3 =	vperm.xlane v3, v2  }
0x68f: {  	[tilespmem:s4], [sflag:$0x1] =	stream.indirect_vreg.gather [hbm4b:s2+s3], $0x80, v4, vm0, $0xb8;
	[tilespmem:$0x1C800] =	vst v63  }
0x690: {  	s5 =	simm.s32 $0x8000;
	v3 =	vadd.s32 v1, v3  }
0x691: {  	[tilespmem:s5], [sflag:$0x1] =	stream.indirect_vreg.gather [hbm4b:s14+s3], $0x80, v4, vm0, $0xb8;
	[tilespmem:$0x1C800] =	vst v63  }
0x692: {  	s6 =	simm.s32 $0x8800  }
0x693: {  	[tilespmem:s6], [sflag:$0x1] =	stream.indirect_vreg.gather [hbm4b:s15+s3], $0x80, v4, vm0, $0xb8;
	[tilespmem:$0x1C800] =	vst v63  }
0x694: {  	s8 =	simm.s32 $0x9000  }
0x695: {  	[tilespmem:s8], [sflag:$0x1] =	stream.indirect_vreg.gather [hbm4b:s2+s3], $0x80, v3, vm0, $0xb8;
	[tilespmem:$0x1C800] =	vst v63  }
0x696: {  	s4 =	simm.s32 $0x9800  }
0x697: {  	[tilespmem:s4], [sflag:$0x1] =	stream.indirect_vreg.gather [hbm4b:s14+s3], $0x80, v3, vm0, $0xb8;
	[tilespmem:$0x1C800] =	vst v63  }
0x698: {  	s5 =	simm.s32 $0xA000  }
0x699: {  	[tilespmem:s5], [sflag:$0x1] =	stream.indirect_vreg.gather [hbm4b:s15+s3], $0x80, v3, vm0, $0xb8;
	[tilespmem:$0x1C800] =	vst v63  }
0x69a: {  	v3 =	vld [tilespmem:s1+$0x410];
	_ =	sdelay $0x4  }
0x69b: {  	v63 =	vshrl.u32 v3, $0x3  }
0x69c: {  	v4 =	vmul.u32 $0x30, v63  }
0x69d: {  	v3 =	vand.u32 $0x7, v3  }
0x69e: {  	v3 =	vor.u32 v3, v4  }
0x69f: {  	v4 =	vperm.xlane v3, v0;
	_ =	sdelay $0x1  }
0x6a0: {  	v4 =	vadd.s32 v1, v4;
	_ =	sdelay $0x3  }
0x6a1: {  	s6 =	simm.s32 $0xA800;
	v3 =	vperm.xlane v3, v2  }
0x6a2: {  	[tilespmem:s6], [sflag:$0x1] =	stream.indirect_vreg.gather [hbm4b:s2+s3], $0x80, v4, vm0, $0xb8;
	[tilespmem:$0x1C800] =	vst v63  }
0x6a3: {  	s8 =	simm.s32 $0xB000;
	v3 =	vadd.s32 v1, v3  }
0x6a4: {  	[tilespmem:s8], [sflag:$0x1] =	stream.indirect_vreg.gather [hbm4b:s14+s3], $0x80, v4, vm0, $0xb8;
	[tilespmem:$0x1C800] =	vst v63  }
0x6a5: {  	s4 =	simm.s32 $0xB800  }
0x6a6: {  	[tilespmem:s4], [sflag:$0x1] =	stream.indirect_vreg.gather [hbm4b:s15+s3], $0x80, v4, vm0, $0xb8;
	[tilespmem:$0x1C800] =	vst v63  }
0x6a7: {  	s5 =	simm.s32 $0xC000  }
0x6a8: {  	[tilespmem:s5], [sflag:$0x1] =	stream.indirect_vreg.gather [hbm4b:s2+s3], $0x80, v3, vm0, $0xb8;
	[tilespmem:$0x1C800] =	vst v63  }
0x6a9: {  	s6 =	simm.s32 $0xC800  }
0x6aa: {  	[tilespmem:s6], [sflag:$0x1] =	stream.indirect_vreg.gather [hbm4b:s14+s3], $0x80, v3, vm0, $0xb8;
	[tilespmem:$0x1C800] =	vst v63  }
0x6ab: {  	s8 =	simm.s32 $0xD000  }
0x6ac: {  	[tilespmem:s8], [sflag:$0x1] =	stream.indirect_vreg.gather [hbm4b:s15+s3], $0x80, v3, vm0, $0xb8;
	[tilespmem:$0x1C800] =	vst v63  }
.LBB2_7:
0x6ad: {  	_ =	swait.ge [sflag:s26], $0x9000  }
0x6ae: {  	s5 =	sadd.s32 $0x13B00, s20;
	[sflag:s26] =	ssyncset.done $0x0  }
0x6af: {  	s6 =	simm.s32 $0xD800;
	s8 =	rddreg [dreg:$0x1e];
	[sflag:s26] =	ssyncadd.s32 $0xFFFF7000  }
0x6b0: {  	[hbm4b:s5+s3] =	stream.linear.scatter [tilespmem:s6], [sflag:$0x4], $0x9000, $0x38;
	[tilespmem:$0x1C800] =	vst v63  }
0x6b1: {  	s0 =	simm.s32 $0x1B300;
	s5 =	sadd.s32 s7, s8  }
0x6b2: {  	[hbm4b:s5+s3] =	stream.linear.scatter [tilespmem:s0], [sflag:$0x8], $0x80, $0x38;
	[tilespmem:$0x1C800] =	vst v63  }
0x6b3: {  	s20 =	simm.s32 $0x1B700;
	s8 =	sadd.s32 $0x80, s5  }
0x6b4: {  	[hbm4b:s8+s3] =	stream.linear.scatter [tilespmem:s20], [sflag:$0x8], $0x80, $0x38;
	[tilespmem:$0x1C800] =	vst v63  }
0x6b5: {  	s4 =	sadd.s32 $0x100, s5;
	s20 =	simm.s32 $0x1BB00  }
0x6b6: {  	[hbm4b:s4+s3] =	stream.linear.scatter [tilespmem:s20], [sflag:$0x8], $0x80, $0x38;
	[tilespmem:$0x1C800] =	vst v63  }
0x6b7: {  	s4 =	sadd.s32 $0x180, s5;
	s20 =	simm.s32 $0x1BF00  }
0x6b8: {  	[hbm4b:s4+s3] =	stream.linear.scatter [tilespmem:s20], [sflag:$0x8], $0x80, $0x38;
	[tilespmem:$0x1C800] =	vst v63  }
0x6b9: {  	s4 =	sadd.s32 $0x200, s5;
	s20 =	simm.s32 $0x1C300  }
0x6ba: {  	[hbm4b:s4+s3] =	stream.linear.scatter [tilespmem:s20], [sflag:$0x8], $0x80, $0x38;
	[tilespmem:$0x1C800] =	vst v63  }
0x6bb: {  	s8 =	rddreg [dreg:$0x1f];
	s5 =	sadd.s32 $0x280, s5;
	s4 =	simm.s32 $0x1C700  }
0x6bc: {  	[hbm4b:s5+s3] =	stream.linear.scatter [tilespmem:s4], [sflag:$0x8], $0x80, $0x38;
	[tilespmem:$0x1C800] =	vst v63  }
0x6bd: {  	s20 =	simm.s32 $0x1B380;
	s5 =	sadd.s32 s7, s8  }
0x6be: {  	[hbm4b:s5+s3] =	stream.linear.scatter [tilespmem:s20], [sflag:$0x8], $0x80, $0x38;
	[tilespmem:$0x1C800] =	vst v63  }
0x6bf: {  	s4 =	sadd.s32 $0x80, s5;
	s20 =	simm.s32 $0x1B780  }
0x6c0: {  	[hbm4b:s4+s3] =	stream.linear.scatter [tilespmem:s20], [sflag:$0x8], $0x80, $0x38;
	[tilespmem:$0x1C800] =	vst v63  }
0x6c1: {  	s4 =	sadd.s32 $0x100, s5;
	s20 =	simm.s32 $0x1BB80  }
0x6c2: {  	[hbm4b:s4+s3] =	stream.linear.scatter [tilespmem:s20], [sflag:$0x8], $0x80, $0x38;
	[tilespmem:$0x1C800] =	vst v63  }
0x6c3: {  	s4 =	sadd.s32 $0x180, s5;
	s20 =	simm.s32 $0x1BF80  }
0x6c4: {  	[hbm4b:s4+s3] =	stream.linear.scatter [tilespmem:s20], [sflag:$0x8], $0x80, $0x38;
	[tilespmem:$0x1C800] =	vst v63  }
0x6c5: {  	s0 =	sadd.s32 $0x200, s5;
	s4 =	simm.s32 $0x1C380  }
0x6c6: {  	[hbm4b:s0+s3] =	stream.linear.scatter [tilespmem:s4], [sflag:$0x8], $0x80, $0x38;
	[tilespmem:$0x1C800] =	vst v63  }
0x6c7: {  	s5 =	sadd.s32 $0x280, s5;
	s20 =	simm.s32 $0x1C780  }
0x6c8: {  	[hbm4b:s5+s3] =	stream.linear.scatter [tilespmem:s20], [sflag:$0x8], $0x80, $0x38;
	[tilespmem:$0x1C800] =	vst v63  }
0x6c9: {  	_ =	swait.ge [sflag:s31], $0x300  }
0x6ca: {  	[sflag:s31] =	ssyncset.done $0x0  }
0x6cb: {  	[sflag:s31] =	ssyncadd.s32 $0xFFFFFD00  }
0x6cc: {  	_ =	swait.ge [sflag:s31], $0x300  }
0x6cd: {  	[sflag:s31] =	ssyncset.done $0x0  }
0x6ce: {  	[sflag:s31] =	ssyncadd.s32 $0xFFFFFD00  }
0x6cf: {  	_ =	swait.ge [sflag:s31], $0x300  }
0x6d0: {  	[sflag:s31] =	ssyncset.done $0x0  }
0x6d1: {  	[sflag:s31] =	ssyncadd.s32 $0xFFFFFD00  }
0x6d2: {  	_ =	swait.ge [sflag:s31], $0x300  }
0x6d3: {  	[sflag:s31] =	ssyncset.done $0x0  }
0x6d4: {  	[sflag:s31] =	ssyncadd.s32 $0xFFFFFD00  }
0x6d5: {  	_ =	swait.ge [sflag:s31], $0x300  }
0x6d6: {  	[sflag:s31] =	ssyncset.done $0x0  }
0x6d7: {  	[sflag:s31] =	ssyncadd.s32 $0xFFFFFD00  }
0x6d8: {  	_ =	swait.ge [sflag:s31], $0x300  }
0x6d9: {  	[sflag:s31] =	ssyncset.done $0x0  }
0x6da: {  	[sflag:s31] =	ssyncadd.s32 $0xFFFFFD00  }
0x6db: {  	_ =	swait.ge [sflag:s31], $0x300  }
0x6dc: {  	[sflag:s31] =	ssyncset.done $0x0  }
0x6dd: {  	[sflag:s31] =	ssyncadd.s32 $0xFFFFFD00  }
0x6de: {  	_ =	swait.ge [sflag:s31], $0x300  }
0x6df: {  	[sflag:s31] =	ssyncset.done $0x0  }
0x6e0: {  	[sflag:s31] =	ssyncadd.s32 $0xFFFFFD00  }
0x6e1: {  	_ =	swait.ge [sflag:s31], $0x300  }
0x6e2: {  	[sflag:s31] =	ssyncset.done $0x0  }
0x6e3: {  	[sflag:s31] =	ssyncadd.s32 $0xFFFFFD00  }
0x6e4: {  	_ =	swait.ge [sflag:s31], $0x300  }
0x6e5: {  	[sflag:s31] =	ssyncset.done $0x0  }
0x6e6: {  	[sflag:s31] =	ssyncadd.s32 $0xFFFFFD00  }
0x6e7: {  	_ =	swait.ge [sflag:s31], $0x300  }
0x6e8: {  	[sflag:s31] =	ssyncset.done $0x0  }
0x6e9: {  	[sflag:s31] =	ssyncadd.s32 $0xFFFFFD00  }
0x6ea: {  	_ =	swait.ge [sflag:s31], $0x300  }
0x6eb: {  	[sflag:s31] =	ssyncset.done $0x0  }
0x6ec: {  	[sflag:s31] =	ssyncadd.s32 $0xFFFFFD00  }
0x6ed: {  	_ =	swait.ge [sflag:s31], $0x300  }
0x6ee: {  	[sflag:s31] =	ssyncset.done $0x0  }
0x6ef: {  	[sflag:s31] =	ssyncadd.s32 $0xFFFFFD00  }
0x6f0: {  	_ =	swait.ge [sflag:s31], $0x300  }
0x6f1: {  	[sflag:s31] =	ssyncset.done $0x0  }
0x6f2: {  	[sflag:s31] =	ssyncadd.s32 $0xFFFFFD00  }
0x6f3: {  	_ =	swait.ge [sflag:s31], $0x300  }
.Ltmp5:
0x6f4: {  	[sflag:s31] =	ssyncset.done $0x0;
	(pc) =	sbr.rel @p0 .LBB2_9-.Ltmp5, $4  }
0x6f5: {  	[sflag:s31] =	ssyncadd.s32 $0xFFFFFD00  }
0x6f6: {  	_ =	swait.ge [sflag:s31], $0x300  }
0x6f7: {  	[sflag:s31] =	ssyncset.done $0x0  }
0x6f8: {  	[sflag:s31] =	ssyncadd.s32 $0xFFFFFD00  }
0x6f9: {  	s4 =	sld [smem:$0x7F3];
	_ =	sdelay $0x2  }
0x6fa: {  	v3 =	vld [tilespmem:s4+$0x0];
	_ =	sdelay $0x4  }
0x6fb: {  	v4 =	vshrl.u32 v3, $0x3  }
0x6fc: {  	v4 =	vmul.u32 $0x30, v4  }
0x6fd: {  	v3 =	vand.u32 $0x7, v3  }
0x6fe: {  	v3 =	vor.u32 v3, v4  }
0x6ff: {  	v4 =	vperm.xlane v3, v0;
	_ =	sdelay $0x1  }
0x700: {  	v4 =	vadd.s32 v1, v4;
	_ =	sdelay $0x3  }
0x701: {  	s0 =	simm.s32 $0x19800;
	v3 =	vperm.xlane v3, v2  }
0x702: {  	[tilespmem:s0], [sflag:$0x6] =	stream.indirect_vreg.gather [hbm4b:s2+s3], $0x80, v4, vm0, $0xb8;
	[tilespmem:$0x1C800] =	vst v63  }
0x703: {  	s5 =	simm.s32 $0x1A000;
	v3 =	vadd.s32 v1, v3  }
0x704: {  	[tilespmem:s5], [sflag:$0x6] =	stream.indirect_vreg.gather [hbm4b:s14+s3], $0x80, v4, vm0, $0xb8;
	[tilespmem:$0x1C800] =	vst v63  }
0x705: {  	s8 =	simm.s32 $0x1A800  }
0x706: {  	[tilespmem:s8], [sflag:$0x6] =	stream.indirect_vreg.gather [hbm4b:s15+s3], $0x80, v4, vm0, $0xb8;
	[tilespmem:$0x1C800] =	vst v63  }
0x707: {  	s20 =	simm.s32 $0x1B000;
	s22 =	simm.s32 $0x1B800;
	s23 =	simm.s32 $0x1C000  }
0x708: {  	[tilespmem:s20], [sflag:$0x6] =	stream.indirect_vreg.gather [hbm4b:s2+s3], $0x80, v3, vm0, $0xb8;
	[tilespmem:$0x1C800] =	vst v63  }
.Ltmp6:
0x709: {  	s4 =	sadd.s32 $0x100, s4;
	s5 =	sld [smem:$0x7F1];
	(pc) =	sbr.rel .LBB2_2-.Ltmp6, $4  }
0x70a: {  	s7 =	sadd.s32 $0x15000, s7;
	s1 =	sadd.s32 $0x800, s1;
	[smem:$0x7F3] =	sst s4  }
0x70b: {  	[tilespmem:s22], [sflag:$0x6] =	stream.indirect_vreg.gather [hbm4b:s14+s3], $0x80, v3, vm0, $0xb8;
	[tilespmem:$0x1C800] =	vst v63  }
0x70c: {  	s4 =	simm.s32 $0xE800;
	s8 =	simm.s32 $0xF000;
	s5 =	sadd.s32 $0x10, s5  }
0x70d: {  	[tilespmem:s23], [sflag:$0x6] =	stream.indirect_vreg.gather [hbm4b:s15+s3], $0x80, v3, vm0, $0xb8;
	[tilespmem:$0x1C800] =	vst v63  }
.LBB2_10:
0x70e: {  	_ =	sfence.sel $0x180000  }
0x70f: {  	[bflag:$0x0] =	sbarrier.arrive $0xFFFF  }
0x710: {  	_ =	strace $0x90000047  }
0x711: {  	s0 =	stileid.u32;
	[bflag:$0x2] =	sbarrier.arrive $0xFFFF  }
0x712: {  	p0 =	sne.s32 s0, $0x0;
	s0 =	rddreg [dreg:$0x3]  }
0x713: {  	s0 =	sadd.s32 @!p0 $0x100000, s0  }
0x714: {  	[sflag:s0] =	ssyncadd.tile.s32 @!p0 $0x1;
	_ =	shalt  }
.Lfunc_end2:
_tile_overlayer_lowered:
.L_overlay_start_2:
0x715: {  	(tag) =	ssettag $0x2  }
0x716: {  	s0 =	rddreg [dreg:$0x0];
	s2 =	stileid.u32  }
0x717: {  	s1 =	rddreg [dreg:$0x1];
	p0 =	sne.s32 s2, $0x0  }
0x718: {  	s3 =	rddreg [dreg:$0x2];
	[bflag:$0x3] =	sbarrier.arrive $0xFFFF;
	s2 =	simm.s32 @!p0 $0x1C09  }
0x719: {  	[timem:s3], [sflag:s2] =	dma.local @!p0 [hbm:s0], s1  }
0x71a: {  	s0 =	simm.s32 @!p0 $0x9  }
0x71b: {  	_ =	swait.ge @!p0 [sflag:s0], s1  }
0x71c: {  	s1 =	ssub.s32 @!p0 $0x0, s1;
	[sflag:s0] =	ssyncset.done @!p0 $0x0  }
0x71d: {  	[sflag:s0] =	ssyncadd.s32 @!p0 s1  }
0x71e: {  	[bflag:$0x3] =	sbarrier.arrive $0xFFFF  }
0x71f: {  	_ =	shalt  }

</sc_bundles>
